<compile_context>
chip_gen: v7x
topology: tpu7x:2x2x1
jax: 0.10.2.dev20260603
libtpu: 0.0.44.dev20260713+nightly
codegen_flags: <defaults>
</compile_context>

<pallas_src>
import functools

import jax
import jax.numpy as jnp
from jax import lax
from jax.experimental import pallas as pl
from jax.experimental.pallas import tpu as pltpu
from jax.experimental.pallas import tpu_sc as plsc

_INF_BITS = 0x7F800000

_NW = 32
_UNROLL = 8


def _pick_lane_block(nrows: int) -> int:
    best = 1
    for k in range(1, 65):
        if nrows % k == 0:
            best = k
    return best


def _split_workers(n: int):
    q = 16 * _UNROLL
    wb = ((n + _NW - 1) // _NW + q - 1) // q * q
    tail = n - (_NW - 1) * wb
    assert tail > 0 and tail % q == 0, (n, wb, tail)
    return wb, tail


def _loc_sc_body(plf, glf, gtf, out, pv, gv, tv, av, sem, *, WB, WT, N):
    c = lax.axis_index("c")
    s = lax.axis_index("s")
    wid = s * 2 + c
    bbase = wid * WB

    def compute(nb):
        cps = []
        for cd in range(4):
            cps.append(pltpu.async_copy(
                plf.at[cd, pl.ds(bbase, nb)], pv.at[pl.ds(cd * nb, nb)], sem))
            cps.append(pltpu.async_copy(
                glf.at[cd, pl.ds(bbase, nb)], gv.at[pl.ds(cd * nb, nb)], sem))
        cps.append(pltpu.async_copy(
            gtf.at[pl.ds(bbase, nb)], tv.at[pl.ds(0, nb)], sem))
        for cp in cps:
            cp.wait()

        def outer(o, acc):
            for jj in range(_UNROLL):
                j = o * _UNROLL + jj
                m = tv[pl.ds(j * 16, 16)] > 0
                for cd in range(4):
                    a = pv[pl.ds(cd * nb + j * 16, 16)]
                    b = gv[pl.ds(cd * nb + j * 16, 16)]
                    d = a - b
                    ad = jnp.abs(d)
                    sl1 = jnp.where(ad < 1.0, 0.5 * d * d, ad - 0.5)
                    acc = acc + jnp.where(m, sl1, 0.0)
            return acc

        acc = lax.fori_loop(0, nb // (16 * _UNROLL), outer,
                            jnp.zeros((16,), jnp.float32))
        av[...] = acc

    @pl.when(wid < _NW - 1)
    def _main():
        compute(WB)

    @pl.when(wid == _NW - 1)
    def _tail():
        compute(WT)

    pltpu.sync_copy(av, out.at[wid])


def _loc_sc(locT, glocT, gt1):
    N = gt1.shape[0]
    WB, WT = _split_workers(N)
    body = functools.partial(_loc_sc_body, WB=WB, WT=WT, N=N)
    f = pl.kernel(
        body,
        out_type=jax.ShapeDtypeStruct((_NW, 16), jnp.float32),
        mesh=plsc.VectorSubcoreMesh(core_axis_name="c", subcore_axis_name="s"),
        scratch_types=[
            pltpu.VMEM((WB * 4,), jnp.float32),
            pltpu.VMEM((WB * 4,), jnp.float32),
            pltpu.VMEM((WB,), jnp.int32),
            pltpu.VMEM((16,), jnp.float32),
            pltpu.SemaphoreType.DMA,
        ],
    )
    return f(locT, glocT, gt1)


def _body(label_ref, gt_ref, cls_out, den_out, conf_s, accf, acci,
          *, G, B, C, N, Rg):
    i = pl.program_id(0)

    @pl.when(i == 0)
    def _init():
        accf[0] = 0.0
        acci[0] = 0
        if Rg > G:
            conf_s[G:Rg, :] = jnp.full((Rg - G, B), -1.0, jnp.float32)

    x = label_ref[...]
    e = jnp.exp(x)
    gt = gt_ref[pl.ds(i * B, B)]
    eq = lax.broadcasted_iota(jnp.int32, (C, B), 0) == gt[None, :]
    w = jnp.where(eq, x, 0.0)
    ones8 = jnp.full((8, C), 1.0, jnp.float32)
    dn = (((1,), (0,)), ((), ()))
    s8 = lax.dot_general(ones8, e, dn, preferred_element_type=jnp.float32)
    w8 = lax.dot_general(ones8, w, dn, preferred_element_type=jnp.float32)
    conf = jnp.log(s8[0:1, :]) - w8[0:1, :]
    pos = (gt > 0)[None, :]
    negconf = jnp.where(pos, -1.0, conf)
    conf_s[pl.ds(i, 1), :] = negconf
    accf[0] += jnp.sum(conf)
    acci[0] += jnp.sum(pos.astype(jnp.int32))

    @pl.when(i == G - 1)
    def _finish():
        npos = acci[0]
        k = 3 * npos
        neg_avail = N - npos
        s_all = jnp.sum(conf_s[...])
        neg_sum = s_all + npos.astype(jnp.float32) + float((Rg - G) * B)
        pos_sum = accf[0] - neg_sum

        def bisect(_, carry):
            lo, hi = carry
            mid = lo + lax.div(hi - lo, 2)
            ci = lax.bitcast_convert_type(conf_s[...], jnp.int32)
            cnt = jnp.sum((ci >= mid).astype(jnp.int32))
            take = cnt >= k
            return jnp.where(take, mid, lo), jnp.where(take, hi, mid)

        def topk_sum():
            lo, _ = lax.fori_loop(0, 31, bisect,
                                  (jnp.int32(0), jnp.int32(_INF_BITS)))
            tau = lax.bitcast_convert_type(lo, jnp.float32)
            cs = conf_s[...]
            gtm = cs > tau
            cnt_gt = jnp.sum(gtm.astype(jnp.int32))
            sum_gt = jnp.sum(jnp.where(gtm, cs, 0.0))
            return sum_gt + (k - cnt_gt).astype(jnp.float32) * tau

        take_all = k >= neg_avail
        topk = lax.cond(jnp.logical_or(take_all, k == 0),
                        lambda: jnp.where(take_all, neg_sum, 0.0),
                        topk_sum)
        denom = jnp.maximum(npos.astype(jnp.float32), 1.0)
        cls_out[...] = jnp.full((1, 1), (pos_sum + topk) / denom, jnp.float32)
        den_out[...] = jnp.full((1, 1), denom, jnp.float32)


def kernel(pred_loc, pred_label, gt_loc, gt_label):
    N, C = pred_label.shape
    nrows = N // 128
    ksub = _pick_lane_block(nrows)
    B = 128 * ksub
    G = nrows // ksub
    Rg = ((G + 7) // 8) * 8

    gt1 = gt_label.astype(jnp.int32)
    labelT = pred_label.T
    body = functools.partial(_body, G=G, B=B, C=C, N=N, Rg=Rg)
    cls, den = pl.pallas_call(
        body,
        grid=(G,),
        in_specs=[
            pl.BlockSpec((C, B), lambda i: (0, i)),
            pl.BlockSpec((N,), lambda i: (0,)),
        ],
        out_specs=[pl.BlockSpec((1, 1), lambda i: (0, 0)),
                   pl.BlockSpec((1, 1), lambda i: (0, 0))],
        out_shape=[jax.ShapeDtypeStruct((1, 1), jnp.float32),
                   jax.ShapeDtypeStruct((1, 1), jnp.float32)],
        scratch_shapes=[
            pltpu.VMEM((Rg, B), jnp.float32),
            pltpu.SMEM((4,), jnp.float32),
            pltpu.SMEM((2,), jnp.int32),
        ],
    )(labelT, gt1)
    loc_parts = _loc_sc(pred_loc.T, gt_loc.T, gt1)
    return (jnp.sum(loc_parts) / den[0, 0], cls[0, 0])

# --- scband reference (transcript-rebuilt; emitter-appended) ---
"""Pipeline reference for scband-ssd-loss-7945689497993 (READ-ONLY COPY).

The authoritative reference and input builder live on the scoring server;
editing this copy changes nothing except your own understanding.
"""

import jax, jax.numpy as jnp
import numpy as np

N = 279424
NUM_CLASSES = 21
NEG_RATIO = 3


def setup_inputs(seed: int = 0) -> dict:
    key = jax.random.key(seed)
    k1, k2, k3, k4 = jax.random.split(key, 4)
    pred_loc = jax.random.normal(k1, (N, 4), dtype=jnp.float32)
    pred_label = jax.random.normal(k2, (N, NUM_CLASSES), dtype=jnp.float32)
    gt_loc = jax.random.normal(k3, (N, 4), dtype=jnp.float32)
    gt_label = jax.random.randint(k4, (N,), 0, NUM_CLASSES)
    return {"pred_loc": pred_loc, "pred_label": pred_label, "gt_loc": gt_loc, "gt_label": gt_label}


def _smooth_l1(x):
    # torch SmoothL1Loss with default beta=1.0, elementwise
    ax = jnp.abs(x)
    return jnp.where(ax < 1.0, 0.5 * x * x, ax - 0.5)


def _hard_negative_mining(confidence_loss, pos_mask, neg_ratio):
    # confidence_loss: [N], pos_mask: bool [N]
    num_pos = jnp.sum(pos_mask)
    num_neg = neg_ratio * num_pos
    masked = jnp.where(pos_mask, -jnp.inf, confidence_loss)
    idx = jnp.argsort(-masked)          # descending sort indices
    rank = jnp.argsort(idx)             # rank of each element
    neg_mask = rank < num_neg
    return neg_mask


def reference(pred_loc, pred_label, gt_loc, gt_label):
    pos_mask = gt_label > 0
    # localization loss: SmoothL1 summed over positive boxes
    loc_loss = jnp.sum(jnp.where(pos_mask[:, None], _smooth_l1(pred_loc - gt_loc), 0.0))
    # per-box cross entropy (reduction='none')
    logp = jax.nn.log_softmax(pred_label, axis=-1)
    conf_loss = -jnp.take_along_axis(logp, gt_label[:, None], axis=1)[:, 0]
    neg_mask = _hard_negative_mining(conf_loss, pos_mask, NEG_RATIO)
    pos_or_neg = pos_mask | neg_mask
    # classification loss: CE summed over selected boxes
    cls_loss = jnp.sum(jnp.where(pos_or_neg, conf_loss, 0.0))
    num_pos = jnp.maximum(jnp.sum(pos_mask).astype(jnp.float32), 1.0)
    loc_loss = loc_loss / num_pos
    cls_loss = cls_loss / num_pos
    return (loc_loss, cls_loss)

if __name__ == "__main__":
    import jax
    _d = setup_inputs()
    print(jax.jit(kernel)(*tuple(_d.values())))

</pallas_src>

<mosaic_0001>
#map = affine_map<(d0, d1) -> (0, 0)>
#map1 = affine_map<(d0, d1) -> (0)>
module attributes {stable_mosaic.version = 14 : i64} {
  func.func @_loc_sc_body(%arg0: i32, %arg1: i32, %arg2: memref<4x279424xf32, #tpu.memory_space<hbm>>, %arg3: memref<4x279424xf32, #tpu.memory_space<hbm>>, %arg4: memref<279424xi32, #tpu.memory_space<hbm>>, %arg5: memref<32x16xf32, #tpu.memory_space<hbm>>, %arg6: memref<35328xf32, #tpu.memory_space<vmem>>, %arg7: memref<35328xf32, #tpu.memory_space<vmem>>, %arg8: memref<8832xi32, #tpu.memory_space<vmem>>, %arg9: memref<16xf32, #tpu.memory_space<vmem>>, %arg10: memref<!tpu.dma_semaphore, #tpu.memory_space<semaphore_mem>>) attributes {dimension_semantics = [#tpu.dimension_semantics<core_parallel>, #tpu.dimension_semantics<subcore_parallel>], iteration_bounds = array<i64: 2, 16>, scalar_prefetch = 0 : i64, scratch_operands = 5 : i64, tpu.core_type = #tpu.core_type<sc_vector_subcore>, window_params = [{transform_indices = #map}, {transform_indices = #map}, {transform_indices = #map1}, {transform_indices = #map}]} {
    %mul3A = arith.constant 2 : i32
    %mul3A_0 = arith.muli %arg1, %mul3A : i32
    %add3A = arith.addi %mul3A_0, %arg0 : i32
    %mul3A_1 = arith.constant 8832 : i32
    %mul3A_2 = arith.muli %add3A, %mul3A_1 : i32
    %lt3A = arith.constant 31 : i32
    %lt3A_3 = arith.cmpi slt, %add3A, %lt3A : i32
    %convert_element_type3A = arith.extui %lt3A_3 : i1 to i32
    %cond3A = arith.constant 0 : i32
    %cond3A_4 = arith.cmpi ne, %convert_element_type3A, %cond3A : i32
    scf.if %cond3A_4 {
      %dma_start3A = arith.constant 0 : i32
      %dma_start3A_9 = arith.constant 0 : i32
      %dma_start3A_10 = tpu.memref_slice %arg6[%dma_start3A_9] : memref<35328xf32, #tpu.memory_space<vmem>> -> memref<8832xf32, #tpu.memory_space<vmem>>
      %dma_start3A_11 = tpu.memref_slice %arg2[%dma_start3A, %mul3A_2] : memref<4x279424xf32, #tpu.memory_space<hbm>> -> memref<1x8832xf32, #tpu.memory_space<hbm>>
      %dma_start3A_12 = tpu.memref_squeeze %dma_start3A_11 : memref<1x8832xf32, #tpu.memory_space<hbm>> -> memref<8832xf32, #tpu.memory_space<hbm>>
      %dma_start3A_13 = arith.constant 0 : i32
      %dma_start3A_14 = tpu.memref_slice %arg6[%dma_start3A_13] : memref<35328xf32, #tpu.memory_space<vmem>> -> memref<8832xf32, #tpu.memory_space<vmem>>
      %dma_start3A_15 = tpu.memref_slice %arg2[%dma_start3A, %mul3A_2] : memref<4x279424xf32, #tpu.memory_space<hbm>> -> memref<1x8832xf32, #tpu.memory_space<hbm>>
      %dma_start3A_16 = tpu.memref_squeeze %dma_start3A_15 : memref<1x8832xf32, #tpu.memory_space<hbm>> -> memref<8832xf32, #tpu.memory_space<hbm>>
      tpu.enqueue_dma source(%dma_start3A_16 : memref<8832xf32, #tpu.memory_space<hbm>>) target(%dma_start3A_14 : memref<8832xf32, #tpu.memory_space<vmem>>) target_semaphore(%arg10 : memref<!tpu.dma_semaphore, #tpu.memory_space<semaphore_mem>>)
      %dma_start3A_17 = arith.constant 0 : i32
      %dma_start3A_18 = arith.constant 0 : i32
      %dma_start3A_19 = tpu.memref_slice %arg7[%dma_start3A_18] : memref<35328xf32, #tpu.memory_space<vmem>> -> memref<8832xf32, #tpu.memory_space<vmem>>
      %dma_start3A_20 = tpu.memref_slice %arg3[%dma_start3A_17, %mul3A_2] : memref<4x279424xf32, #tpu.memory_space<hbm>> -> memref<1x8832xf32, #tpu.memory_space<hbm>>
      %dma_start3A_21 = tpu.memref_squeeze %dma_start3A_20 : memref<1x8832xf32, #tpu.memory_space<hbm>> -> memref<8832xf32, #tpu.memory_space<hbm>>
      %dma_start3A_22 = arith.constant 0 : i32
      %dma_start3A_23 = tpu.memref_slice %arg7[%dma_start3A_22] : memref<35328xf32, #tpu.memory_space<vmem>> -> memref<8832xf32, #tpu.memory_space<vmem>>
      %dma_start3A_24 = tpu.memref_slice %arg3[%dma_start3A_17, %mul3A_2] : memref<4x279424xf32, #tpu.memory_space<hbm>> -> memref<1x8832xf32, #tpu.memory_space<hbm>>
      %dma_start3A_25 = tpu.memref_squeeze %dma_start3A_24 : memref<1x8832xf32, #tpu.memory_space<hbm>> -> memref<8832xf32, #tpu.memory_space<hbm>>
      tpu.enqueue_dma source(%dma_start3A_25 : memref<8832xf32, #tpu.memory_space<hbm>>) target(%dma_start3A_23 : memref<8832xf32, #tpu.memory_space<vmem>>) target_semaphore(%arg10 : memref<!tpu.dma_semaphore, #tpu.memory_space<semaphore_mem>>)
      %dma_start3A_26 = arith.constant 1 : i32
      %dma_start3A_27 = arith.constant 8832 : i32
      %dma_start3A_28 = tpu.memref_slice %arg6[%dma_start3A_27] : memref<35328xf32, #tpu.memory_space<vmem>> -> memref<8832xf32, #tpu.memory_space<vmem>>
      %dma_start3A_29 = tpu.memref_slice %arg2[%dma_start3A_26, %mul3A_2] : memref<4x279424xf32, #tpu.memory_space<hbm>> -> memref<1x8832xf32, #tpu.memory_space<hbm>>
      %dma_start3A_30 = tpu.memref_squeeze %dma_start3A_29 : memref<1x8832xf32, #tpu.memory_space<hbm>> -> memref<8832xf32, #tpu.memory_space<hbm>>
      %dma_start3A_31 = arith.constant 8832 : i32
      %dma_start3A_32 = tpu.memref_slice %arg6[%dma_start3A_31] : memref<35328xf32, #tpu.memory_space<vmem>> -> memref<8832xf32, #tpu.memory_space<vmem>>
      %dma_start3A_33 = tpu.memref_slice %arg2[%dma_start3A_26, %mul3A_2] : memref<4x279424xf32, #tpu.memory_space<hbm>> -> memref<1x8832xf32, #tpu.memory_space<hbm>>
      %dma_start3A_34 = tpu.memref_squeeze %dma_start3A_33 : memref<1x8832xf32, #tpu.memory_space<hbm>> -> memref<8832xf32, #tpu.memory_space<hbm>>
      tpu.enqueue_dma source(%dma_start3A_34 : memref<8832xf32, #tpu.memory_space<hbm>>) target(%dma_start3A_32 : memref<8832xf32, #tpu.memory_space<vmem>>) target_semaphore(%arg10 : memref<!tpu.dma_semaphore, #tpu.memory_space<semaphore_mem>>)
      %dma_start3A_35 = arith.constant 1 : i32
      %dma_start3A_36 = arith.constant 8832 : i32
      %dma_start3A_37 = tpu.memref_slice %arg7[%dma_start3A_36] : memref<35328xf32, #tpu.memory_space<vmem>> -> memref<8832xf32, #tpu.memory_space<vmem>>
      %dma_start3A_38 = tpu.memref_slice %arg3[%dma_start3A_35, %mul3A_2] : memref<4x279424xf32, #tpu.memory_space<hbm>> -> memref<1x8832xf32, #tpu.memory_space<hbm>>
      %dma_start3A_39 = tpu.memref_squeeze %dma_start3A_38 : memref<1x8832xf32, #tpu.memory_space<hbm>> -> memref<8832xf32, #tpu.memory_space<hbm>>
      %dma_start3A_40 = arith.constant 8832 : i32
      %dma_start3A_41 = tpu.memref_slice %arg7[%dma_start3A_40] : memref<35328xf32, #tpu.memory_space<vmem>> -> memref<8832xf32, #tpu.memory_space<vmem>>
      %dma_start3A_42 = tpu.memref_slice %arg3[%dma_start3A_35, %mul3A_2] : memref<4x279424xf32, #tpu.memory_space<hbm>> -> memref<1x8832xf32, #tpu.memory_space<hbm>>
      %dma_start3A_43 = tpu.memref_squeeze %dma_start3A_42 : memref<1x8832xf32, #tpu.memory_space<hbm>> -> memref<8832xf32, #tpu.memory_space<hbm>>
      tpu.enqueue_dma source(%dma_start3A_43 : memref<8832xf32, #tpu.memory_space<hbm>>) target(%dma_start3A_41 : memref<8832xf32, #tpu.memory_space<vmem>>) target_semaphore(%arg10 : memref<!tpu.dma_semaphore, #tpu.memory_space<semaphore_mem>>)
      %dma_start3A_44 = arith.constant 2 : i32
      %dma_start3A_45 = arith.constant 17664 : i32
      %dma_start3A_46 = tpu.memref_slice %arg6[%dma_start3A_45] : memref<35328xf32, #tpu.memory_space<vmem>> -> memref<8832xf32, #tpu.memory_space<vmem>>
      %dma_start3A_47 = tpu.memref_slice %arg2[%dma_start3A_44, %mul3A_2] : memref<4x279424xf32, #tpu.memory_space<hbm>> -> memref<1x8832xf32, #tpu.memory_space<hbm>>
      %dma_start3A_48 = tpu.memref_squeeze %dma_start3A_47 : memref<1x8832xf32, #tpu.memory_space<hbm>> -> memref<8832xf32, #tpu.memory_space<hbm>>
      %dma_start3A_49 = arith.constant 17664 : i32
      %dma_start3A_50 = tpu.memref_slice %arg6[%dma_start3A_49] : memref<35328xf32, #tpu.memory_space<vmem>> -> memref<8832xf32, #tpu.memory_space<vmem>>
      %dma_start3A_51 = tpu.memref_slice %arg2[%dma_start3A_44, %mul3A_2] : memref<4x279424xf32, #tpu.memory_space<hbm>> -> memref<1x8832xf32, #tpu.memory_space<hbm>>
      %dma_start3A_52 = tpu.memref_squeeze %dma_start3A_51 : memref<1x8832xf32, #tpu.memory_space<hbm>> -> memref<8832xf32, #tpu.memory_space<hbm>>
      tpu.enqueue_dma source(%dma_start3A_52 : memref<8832xf32, #tpu.memory_space<hbm>>) target(%dma_start3A_50 : memref<8832xf32, #tpu.memory_space<vmem>>) target_semaphore(%arg10 : memref<!tpu.dma_semaphore, #tpu.memory_space<semaphore_mem>>)
      %dma_start3A_53 = arith.constant 2 : i32
      %dma_start3A_54 = arith.constant 17664 : i32
      %dma_start3A_55 = tpu.memref_slice %arg7[%dma_start3A_54] : memref<35328xf32, #tpu.memory_space<vmem>> -> memref<8832xf32, #tpu.memory_space<vmem>>
      %dma_start3A_56 = tpu.memref_slice %arg3[%dma_start3A_53, %mul3A_2] : memref<4x279424xf32, #tpu.memory_space<hbm>> -> memref<1x8832xf32, #tpu.memory_space<hbm>>
      %dma_start3A_57 = tpu.memref_squeeze %dma_start3A_56 : memref<1x8832xf32, #tpu.memory_space<hbm>> -> memref<8832xf32, #tpu.memory_space<hbm>>
      %dma_start3A_58 = arith.constant 17664 : i32
      %dma_start3A_59 = tpu.memref_slice %arg7[%dma_start3A_58] : memref<35328xf32, #tpu.memory_space<vmem>> -> memref<8832xf32, #tpu.memory_space<vmem>>
      %dma_start3A_60 = tpu.memref_slice %arg3[%dma_start3A_53, %mul3A_2] : memref<4x279424xf32, #tpu.memory_space<hbm>> -> memref<1x8832xf32, #tpu.memory_space<hbm>>
      %dma_start3A_61 = tpu.memref_squeeze %dma_start3A_60 : memref<1x8832xf32, #tpu.memory_space<hbm>> -> memref<8832xf32, #tpu.memory_space<hbm>>
      tpu.enqueue_dma source(%dma_start3A_61 : memref<8832xf32, #tpu.memory_space<hbm>>) target(%dma_start3A_59 : memref<8832xf32, #tpu.memory_space<vmem>>) target_semaphore(%arg10 : memref<!tpu.dma_semaphore, #tpu.memory_space<semaphore_mem>>)
      %dma_start3A_62 = arith.constant 3 : i32
      %dma_start3A_63 = arith.constant 26496 : i32
      %dma_start3A_64 = tpu.memref_slice %arg6[%dma_start3A_63] : memref<35328xf32, #tpu.memory_space<vmem>> -> memref<8832xf32, #tpu.memory_space<vmem>>
      %dma_start3A_65 = tpu.memref_slice %arg2[%dma_start3A_62, %mul3A_2] : memref<4x279424xf32, #tpu.memory_space<hbm>> -> memref<1x8832xf32, #tpu.memory_space<hbm>>
      %dma_start3A_66 = tpu.memref_squeeze %dma_start3A_65 : memref<1x8832xf32, #tpu.memory_space<hbm>> -> memref<8832xf32, #tpu.memory_space<hbm>>
      %dma_start3A_67 = arith.constant 26496 : i32
      %dma_start3A_68 = tpu.memref_slice %arg6[%dma_start3A_67] : memref<35328xf32, #tpu.memory_space<vmem>> -> memref<8832xf32, #tpu.memory_space<vmem>>
      %dma_start3A_69 = tpu.memref_slice %arg2[%dma_start3A_62, %mul3A_2] : memref<4x279424xf32, #tpu.memory_space<hbm>> -> memref<1x8832xf32, #tpu.memory_space<hbm>>
      %dma_start3A_70 = tpu.memref_squeeze %dma_start3A_69 : memref<1x8832xf32, #tpu.memory_space<hbm>> -> memref<8832xf32, #tpu.memory_space<hbm>>
      tpu.enqueue_dma source(%dma_start3A_70 : memref<8832xf32, #tpu.memory_space<hbm>>) target(%dma_start3A_68 : memref<8832xf32, #tpu.memory_space<vmem>>) target_semaphore(%arg10 : memref<!tpu.dma_semaphore, #tpu.memory_space<semaphore_mem>>)
      %dma_start3A_71 = arith.constant 3 : i32
      %dma_start3A_72 = arith.constant 26496 : i32
      %dma_start3A_73 = tpu.memref_slice %arg7[%dma_start3A_72] : memref<35328xf32, #tpu.memory_space<vmem>> -> memref<8832xf32, #tpu.memory_space<vmem>>
      %dma_start3A_74 = tpu.memref_slice %arg3[%dma_start3A_71, %mul3A_2] : memref<4x279424xf32, #tpu.memory_space<hbm>> -> memref<1x8832xf32, #tpu.memory_space<hbm>>
      %dma_start3A_75 = tpu.memref_squeeze %dma_start3A_74 : memref<1x8832xf32, #tpu.memory_space<hbm>> -> memref<8832xf32, #tpu.memory_space<hbm>>
      %dma_start3A_76 = arith.constant 26496 : i32
      %dma_start3A_77 = tpu.memref_slice %arg7[%dma_start3A_76] : memref<35328xf32, #tpu.memory_space<vmem>> -> memref<8832xf32, #tpu.memory_space<vmem>>
      %dma_start3A_78 = tpu.memref_slice %arg3[%dma_start3A_71, %mul3A_2] : memref<4x279424xf32, #tpu.memory_space<hbm>> -> memref<1x8832xf32, #tpu.memory_space<hbm>>
      %dma_start3A_79 = tpu.memref_squeeze %dma_start3A_78 : memref<1x8832xf32, #tpu.memory_space<hbm>> -> memref<8832xf32, #tpu.memory_space<hbm>>
      tpu.enqueue_dma source(%dma_start3A_79 : memref<8832xf32, #tpu.memory_space<hbm>>) target(%dma_start3A_77 : memref<8832xf32, #tpu.memory_space<vmem>>) target_semaphore(%arg10 : memref<!tpu.dma_semaphore, #tpu.memory_space<semaphore_mem>>)
      %dma_start3A_80 = arith.constant 0 : i32
      %dma_start3A_81 = tpu.memref_slice %arg8[%dma_start3A_80] : memref<8832xi32, #tpu.memory_space<vmem>> -> memref<8832xi32, #tpu.memory_space<vmem>>
      %dma_start3A_82 = tpu.memref_slice %arg4[%mul3A_2] : memref<279424xi32, #tpu.memory_space<hbm>> -> memref<8832xi32, #tpu.memory_space<hbm>>
      %dma_start3A_83 = arith.constant 0 : i32
      %dma_start3A_84 = tpu.memref_slice %arg8[%dma_start3A_83] : memref<8832xi32, #tpu.memory_space<vmem>> -> memref<8832xi32, #tpu.memory_space<vmem>>
      %dma_start3A_85 = tpu.memref_slice %arg4[%mul3A_2] : memref<279424xi32, #tpu.memory_space<hbm>> -> memref<8832xi32, #tpu.memory_space<hbm>>
      tpu.enqueue_dma source(%dma_start3A_85 : memref<8832xi32, #tpu.memory_space<hbm>>) target(%dma_start3A_84 : memref<8832xi32, #tpu.memory_space<vmem>>) target_semaphore(%arg10 : memref<!tpu.dma_semaphore, #tpu.memory_space<semaphore_mem>>)
      %dma_wait3A = arith.constant 0 : i32
      %dma_wait3A_86 = arith.constant 0 : i32
      %dma_wait3A_87 = tpu.memref_slice %arg6[%dma_wait3A_86] : memref<35328xf32, #tpu.memory_space<vmem>> -> memref<8832xf32, #tpu.memory_space<vmem>>
      %dma_wait3A_88 = tpu.memref_slice %arg2[%dma_wait3A, %mul3A_2] : memref<4x279424xf32, #tpu.memory_space<hbm>> -> memref<1x8832xf32, #tpu.memory_space<hbm>>
      %dma_wait3A_89 = tpu.memref_squeeze %dma_wait3A_88 : memref<1x8832xf32, #tpu.memory_space<hbm>> -> memref<8832xf32, #tpu.memory_space<hbm>>
      %dma_wait3A_90 = arith.constant 0 : i32
      %dma_wait3A_91 = tpu.memref_slice %arg6[%dma_wait3A_90] : memref<35328xf32, #tpu.memory_space<vmem>> -> memref<8832xf32, #tpu.memory_space<vmem>>
      %dma_wait3A_92 = tpu.memref_slice %arg2[%dma_wait3A, %mul3A_2] : memref<4x279424xf32, #tpu.memory_space<hbm>> -> memref<1x8832xf32, #tpu.memory_space<hbm>>
      %dma_wait3A_93 = tpu.memref_squeeze %dma_wait3A_92 : memref<1x8832xf32, #tpu.memory_space<hbm>> -> memref<8832xf32, #tpu.memory_space<hbm>>
      tpu.wait_dma2 semaphore(%arg10 : memref<!tpu.dma_semaphore, #tpu.memory_space<semaphore_mem>>) src(%dma_wait3A_93 : memref<8832xf32, #tpu.memory_space<hbm>>) dst(%dma_wait3A_91 : memref<8832xf32, #tpu.memory_space<vmem>>)
      %dma_wait3A_94 = arith.constant 0 : i32
      %dma_wait3A_95 = arith.constant 0 : i32
      %dma_wait3A_96 = tpu.memref_slice %arg7[%dma_wait3A_95] : memref<35328xf32, #tpu.memory_space<vmem>> -> memref<8832xf32, #tpu.memory_space<vmem>>
      %dma_wait3A_97 = tpu.memref_slice %arg3[%dma_wait3A_94, %mul3A_2] : memref<4x279424xf32, #tpu.memory_space<hbm>> -> memref<1x8832xf32, #tpu.memory_space<hbm>>
      %dma_wait3A_98 = tpu.memref_squeeze %dma_wait3A_97 : memref<1x8832xf32, #tpu.memory_space<hbm>> -> memref<8832xf32, #tpu.memory_space<hbm>>
      %dma_wait3A_99 = arith.constant 0 : i32
      %dma_wait3A_100 = tpu.memref_slice %arg7[%dma_wait3A_99] : memref<35328xf32, #tpu.memory_space<vmem>> -> memref<8832xf32, #tpu.memory_space<vmem>>
      %dma_wait3A_101 = tpu.memref_slice %arg3[%dma_wait3A_94, %mul3A_2] : memref<4x279424xf32, #tpu.memory_space<hbm>> -> memref<1x8832xf32, #tpu.memory_space<hbm>>
      %dma_wait3A_102 = tpu.memref_squeeze %dma_wait3A_101 : memref<1x8832xf32, #tpu.memory_space<hbm>> -> memref<8832xf32, #tpu.memory_space<hbm>>
      tpu.wait_dma2 semaphore(%arg10 : memref<!tpu.dma_semaphore, #tpu.memory_space<semaphore_mem>>) src(%dma_wait3A_102 : memref<8832xf32, #tpu.memory_space<hbm>>) dst(%dma_wait3A_100 : memref<8832xf32, #tpu.memory_space<vmem>>)
      %dma_wait3A_103 = arith.constant 1 : i32
      %dma_wait3A_104 = arith.constant 8832 : i32
      %dma_wait3A_105 = tpu.memref_slice %arg6[%dma_wait3A_104] : memref<35328xf32, #tpu.memory_space<vmem>> -> memref<8832xf32, #tpu.memory_space<vmem>>
      %dma_wait3A_106 = tpu.memref_slice %arg2[%dma_wait3A_103, %mul3A_2] : memref<4x279424xf32, #tpu.memory_space<hbm>> -> memref<1x8832xf32, #tpu.memory_space<hbm>>
      %dma_wait3A_107 = tpu.memref_squeeze %dma_wait3A_106 : memref<1x8832xf32, #tpu.memory_space<hbm>> -> memref<8832xf32, #tpu.memory_space<hbm>>
      %dma_wait3A_108 = arith.constant 8832 : i32
      %dma_wait3A_109 = tpu.memref_slice %arg6[%dma_wait3A_108] : memref<35328xf32, #tpu.memory_space<vmem>> -> memref<8832xf32, #tpu.memory_space<vmem>>
      %dma_wait3A_110 = tpu.memref_slice %arg2[%dma_wait3A_103, %mul3A_2] : memref<4x279424xf32, #tpu.memory_space<hbm>> -> memref<1x8832xf32, #tpu.memory_space<hbm>>
      %dma_wait3A_111 = tpu.memref_squeeze %dma_wait3A_110 : memref<1x8832xf32, #tpu.memory_space<hbm>> -> memref<8832xf32, #tpu.memory_space<hbm>>
      tpu.wait_dma2 semaphore(%arg10 : memref<!tpu.dma_semaphore, #tpu.memory_space<semaphore_mem>>) src(%dma_wait3A_111 : memref<8832xf32, #tpu.memory_space<hbm>>) dst(%dma_wait3A_109 : memref<8832xf32, #tpu.memory_space<vmem>>)
      %dma_wait3A_112 = arith.constant 1 : i32
      %dma_wait3A_113 = arith.constant 8832 : i32
      %dma_wait3A_114 = tpu.memref_slice %arg7[%dma_wait3A_113] : memref<35328xf32, #tpu.memory_space<vmem>> -> memref<8832xf32, #tpu.memory_space<vmem>>
      %dma_wait3A_115 = tpu.memref_slice %arg3[%dma_wait3A_112, %mul3A_2] : memref<4x279424xf32, #tpu.memory_space<hbm>> -> memref<1x8832xf32, #tpu.memory_space<hbm>>
      %dma_wait3A_116 = tpu.memref_squeeze %dma_wait3A_115 : memref<1x8832xf32, #tpu.memory_space<hbm>> -> memref<8832xf32, #tpu.memory_space<hbm>>
      %dma_wait3A_117 = arith.constant 8832 : i32
      %dma_wait3A_118 = tpu.memref_slice %arg7[%dma_wait3A_117] : memref<35328xf32, #tpu.memory_space<vmem>> -> memref<8832xf32, #tpu.memory_space<vmem>>
      %dma_wait3A_119 = tpu.memref_slice %arg3[%dma_wait3A_112, %mul3A_2] : memref<4x279424xf32, #tpu.memory_space<hbm>> -> memref<1x8832xf32, #tpu.memory_space<hbm>>
      %dma_wait3A_120 = tpu.memref_squeeze %dma_wait3A_119 : memref<1x8832xf32, #tpu.memory_space<hbm>> -> memref<8832xf32, #tpu.memory_space<hbm>>
      tpu.wait_dma2 semaphore(%arg10 : memref<!tpu.dma_semaphore, #tpu.memory_space<semaphore_mem>>) src(%dma_wait3A_120 : memref<8832xf32, #tpu.memory_space<hbm>>) dst(%dma_wait3A_118 : memref<8832xf32, #tpu.memory_space<vmem>>)
      %dma_wait3A_121 = arith.constant 2 : i32
      %dma_wait3A_122 = arith.constant 17664 : i32
      %dma_wait3A_123 = tpu.memref_slice %arg6[%dma_wait3A_122] : memref<35328xf32, #tpu.memory_space<vmem>> -> memref<8832xf32, #tpu.memory_space<vmem>>
      %dma_wait3A_124 = tpu.memref_slice %arg2[%dma_wait3A_121, %mul3A_2] : memref<4x279424xf32, #tpu.memory_space<hbm>> -> memref<1x8832xf32, #tpu.memory_space<hbm>>
      %dma_wait3A_125 = tpu.memref_squeeze %dma_wait3A_124 : memref<1x8832xf32, #tpu.memory_space<hbm>> -> memref<8832xf32, #tpu.memory_space<hbm>>
      %dma_wait3A_126 = arith.constant 17664 : i32
      %dma_wait3A_127 = tpu.memref_slice %arg6[%dma_wait3A_126] : memref<35328xf32, #tpu.memory_space<vmem>> -> memref<8832xf32, #tpu.memory_space<vmem>>
      %dma_wait3A_128 = tpu.memref_slice %arg2[%dma_wait3A_121, %mul3A_2] : memref<4x279424xf32, #tpu.memory_space<hbm>> -> memref<1x8832xf32, #tpu.memory_space<hbm>>
      %dma_wait3A_129 = tpu.memref_squeeze %dma_wait3A_128 : memref<1x8832xf32, #tpu.memory_space<hbm>> -> memref<8832xf32, #tpu.memory_space<hbm>>
      tpu.wait_dma2 semaphore(%arg10 : memref<!tpu.dma_semaphore, #tpu.memory_space<semaphore_mem>>) src(%dma_wait3A_129 : memref<8832xf32, #tpu.memory_space<hbm>>) dst(%dma_wait3A_127 : memref<8832xf32, #tpu.memory_space<vmem>>)
      %dma_wait3A_130 = arith.constant 2 : i32
      %dma_wait3A_131 = arith.constant 17664 : i32
      %dma_wait3A_132 = tpu.memref_slice %arg7[%dma_wait3A_131] : memref<35328xf32, #tpu.memory_space<vmem>> -> memref<8832xf32, #tpu.memory_space<vmem>>
      %dma_wait3A_133 = tpu.memref_slice %arg3[%dma_wait3A_130, %mul3A_2] : memref<4x279424xf32, #tpu.memory_space<hbm>> -> memref<1x8832xf32, #tpu.memory_space<hbm>>
      %dma_wait3A_134 = tpu.memref_squeeze %dma_wait3A_133 : memref<1x8832xf32, #tpu.memory_space<hbm>> -> memref<8832xf32, #tpu.memory_space<hbm>>
      %dma_wait3A_135 = arith.constant 17664 : i32
      %dma_wait3A_136 = tpu.memref_slice %arg7[%dma_wait3A_135] : memref<35328xf32, #tpu.memory_space<vmem>> -> memref<8832xf32, #tpu.memory_space<vmem>>
      %dma_wait3A_137 = tpu.memref_slice %arg3[%dma_wait3A_130, %mul3A_2] : memref<4x279424xf32, #tpu.memory_space<hbm>> -> memref<1x8832xf32, #tpu.memory_space<hbm>>
      %dma_wait3A_138 = tpu.memref_squeeze %dma_wait3A_137 : memref<1x8832xf32, #tpu.memory_space<hbm>> -> memref<8832xf32, #tpu.memory_space<hbm>>
      tpu.wait_dma2 semaphore(%arg10 : memref<!tpu.dma_semaphore, #tpu.memory_space<semaphore_mem>>) src(%dma_wait3A_138 : memref<8832xf32, #tpu.memory_space<hbm>>) dst(%dma_wait3A_136 : memref<8832xf32, #tpu.memory_space<vmem>>)
      %dma_wait3A_139 = arith.constant 3 : i32
      %dma_wait3A_140 = arith.constant 26496 : i32
      %dma_wait3A_141 = tpu.memref_slice %arg6[%dma_wait3A_140] : memref<35328xf32, #tpu.memory_space<vmem>> -> memref<8832xf32, #tpu.memory_space<vmem>>
      %dma_wait3A_142 = tpu.memref_slice %arg2[%dma_wait3A_139, %mul3A_2] : memref<4x279424xf32, #tpu.memory_space<hbm>> -> memref<1x8832xf32, #tpu.memory_space<hbm>>
      %dma_wait3A_143 = tpu.memref_squeeze %dma_wait3A_142 : memref<1x8832xf32, #tpu.memory_space<hbm>> -> memref<8832xf32, #tpu.memory_space<hbm>>
      %dma_wait3A_144 = arith.constant 26496 : i32
      %dma_wait3A_145 = tpu.memref_slice %arg6[%dma_wait3A_144] : memref<35328xf32, #tpu.memory_space<vmem>> -> memref<8832xf32, #tpu.memory_space<vmem>>
      %dma_wait3A_146 = tpu.memref_slice %arg2[%dma_wait3A_139, %mul3A_2] : memref<4x279424xf32, #tpu.memory_space<hbm>> -> memref<1x8832xf32, #tpu.memory_space<hbm>>
      %dma_wait3A_147 = tpu.memref_squeeze %dma_wait3A_146 : memref<1x8832xf32, #tpu.memory_space<hbm>> -> memref<8832xf32, #tpu.memory_space<hbm>>
      tpu.wait_dma2 semaphore(%arg10 : memref<!tpu.dma_semaphore, #tpu.memory_space<semaphore_mem>>) src(%dma_wait3A_147 : memref<8832xf32, #tpu.memory_space<hbm>>) dst(%dma_wait3A_145 : memref<8832xf32, #tpu.memory_space<vmem>>)
      %dma_wait3A_148 = arith.constant 3 : i32
      %dma_wait3A_149 = arith.constant 26496 : i32
      %dma_wait3A_150 = tpu.memref_slice %arg7[%dma_wait3A_149] : memref<35328xf32, #tpu.memory_space<vmem>> -> memref<8832xf32, #tpu.memory_space<vmem>>
      %dma_wait3A_151 = tpu.memref_slice %arg3[%dma_wait3A_148, %mul3A_2] : memref<4x279424xf32, #tpu.memory_space<hbm>> -> memref<1x8832xf32, #tpu.memory_space<hbm>>
      %dma_wait3A_152 = tpu.memref_squeeze %dma_wait3A_151 : memref<1x8832xf32, #tpu.memory_space<hbm>> -> memref<8832xf32, #tpu.memory_space<hbm>>
      %dma_wait3A_153 = arith.constant 26496 : i32
      %dma_wait3A_154 = tpu.memref_slice %arg7[%dma_wait3A_153] : memref<35328xf32, #tpu.memory_space<vmem>> -> memref<8832xf32, #tpu.memory_space<vmem>>
      %dma_wait3A_155 = tpu.memref_slice %arg3[%dma_wait3A_148, %mul3A_2] : memref<4x279424xf32, #tpu.memory_space<hbm>> -> memref<1x8832xf32, #tpu.memory_space<hbm>>
      %dma_wait3A_156 = tpu.memref_squeeze %dma_wait3A_155 : memref<1x8832xf32, #tpu.memory_space<hbm>> -> memref<8832xf32, #tpu.memory_space<hbm>>
      tpu.wait_dma2 semaphore(%arg10 : memref<!tpu.dma_semaphore, #tpu.memory_space<semaphore_mem>>) src(%dma_wait3A_156 : memref<8832xf32, #tpu.memory_space<hbm>>) dst(%dma_wait3A_154 : memref<8832xf32, #tpu.memory_space<vmem>>)
      %dma_wait3A_157 = arith.constant 0 : i32
      %dma_wait3A_158 = tpu.memref_slice %arg8[%dma_wait3A_157] : memref<8832xi32, #tpu.memory_space<vmem>> -> memref<8832xi32, #tpu.memory_space<vmem>>
      %dma_wait3A_159 = tpu.memref_slice %arg4[%mul3A_2] : memref<279424xi32, #tpu.memory_space<hbm>> -> memref<8832xi32, #tpu.memory_space<hbm>>
      %dma_wait3A_160 = arith.constant 0 : i32
      %dma_wait3A_161 = tpu.memref_slice %arg8[%dma_wait3A_160] : memref<8832xi32, #tpu.memory_space<vmem>> -> memref<8832xi32, #tpu.memory_space<vmem>>
      %dma_wait3A_162 = tpu.memref_slice %arg4[%mul3A_2] : memref<279424xi32, #tpu.memory_space<hbm>> -> memref<8832xi32, #tpu.memory_space<hbm>>
      tpu.wait_dma2 semaphore(%arg10 : memref<!tpu.dma_semaphore, #tpu.memory_space<semaphore_mem>>) src(%dma_wait3A_162 : memref<8832xi32, #tpu.memory_space<hbm>>) dst(%dma_wait3A_161 : memref<8832xi32, #tpu.memory_space<vmem>>)
      %broadcast_in_dim3A = arith.constant 0.000000e+00 : f32
      %broadcast_in_dim3A_163 = vector.broadcast %broadcast_in_dim3A : f32 to vector<16xf32>
      %scan3A = arith.constant 0 : i32
      %scan3A_164 = arith.constant 69 : i32
      %scan3A_165 = arith.addi %scan3A, %scan3A_164 : i32
      %scan3A_166 = arith.constant 1 : i32
      %scan3A_167 = scf.for %scan3A_172 = %scan3A to %scan3A_165 step %scan3A_166 iter_args(%scan3A_173 = %broadcast_in_dim3A_163) -> (vector<16xf32>)  : i32 {
        %mul3A_174 = arith.constant 8 : i32
        %mul3A_175 = arith.muli %scan3A_172, %mul3A_174 : i32
        %add3A_176 = arith.constant 0 : i32
        %add3A_177 = arith.addi %mul3A_175, %add3A_176 : i32
        %mul3A_178 = arith.constant 16 : i32
        %mul3A_179 = arith.muli %add3A_177, %mul3A_178 : i32
        %get3A = arith.index_cast %mul3A_179 : i32 to index
        %get3A_180 = tpu.vector_load %arg8[%get3A] {strides = array<i32>} : memref<8832xi32, #tpu.memory_space<vmem>>, vector<16xi32>,
        %get3A_181 = vector.shape_cast %get3A_180 : vector<16xi32> to vector<16xi32>
        %gt3A = arith.constant 0 : i32
        %gt3A_182 = vector.broadcast %gt3A : i32 to vector<16xi32>
        %gt3A_183 = arith.cmpi sgt, %get3A_181, %gt3A_182 : vector<16xi32>
        %mul3A_184 = arith.constant 16 : i32
        %mul3A_185 = arith.muli %add3A_177, %mul3A_184 : i32
        %add3A_186 = arith.constant 0 : i32
        %add3A_187 = arith.addi %add3A_186, %mul3A_185 : i32
        %get3A_188 = arith.index_cast %add3A_187 : i32 to index
        %get3A_189 = tpu.vector_load %arg6[%get3A_188] {strides = array<i32>} : memref<35328xf32, #tpu.memory_space<vmem>>, vector<16xf32>,
        %get3A_190 = vector.shape_cast %get3A_189 : vector<16xf32> to vector<16xf32>
        %mul3A_191 = arith.constant 16 : i32
        %mul3A_192 = arith.muli %add3A_177, %mul3A_191 : i32
        %add3A_193 = arith.constant 0 : i32
        %add3A_194 = arith.addi %add3A_193, %mul3A_192 : i32
        %get3A_195 = arith.index_cast %add3A_194 : i32 to index
        %get3A_196 = tpu.vector_load %arg7[%get3A_195] {strides = array<i32>} : memref<35328xf32, #tpu.memory_space<vmem>>, vector<16xf32>,
        %get3A_197 = vector.shape_cast %get3A_196 : vector<16xf32> to vector<16xf32>
        %sub3A = arith.subf %get3A_190, %get3A_197 : vector<16xf32>
        %abs3A = math.absf %sub3A : vector<16xf32>
        %lt3A_198 = arith.constant 1.000000e+00 : f32
        %lt3A_199 = vector.broadcast %lt3A_198 : f32 to vector<16xf32>
        %lt3A_200 = arith.cmpf olt, %abs3A, %lt3A_199 : vector<16xf32>
        %mul3A_201 = arith.constant 5.000000e-01 : f32
        %mul3A_202 = vector.broadcast %mul3A_201 : f32 to vector<16xf32>
        %mul3A_203 = arith.mulf %mul3A_202, %sub3A : vector<16xf32>
        %mul3A_204 = arith.mulf %mul3A_203, %sub3A : vector<16xf32>
        %sub3A_205 = arith.constant 5.000000e-01 : f32
        %sub3A_206 = vector.broadcast %sub3A_205 : f32 to vector<16xf32>
        %sub3A_207 = arith.subf %abs3A, %sub3A_206 : vector<16xf32>
        %select_n3A = arith.select %lt3A_200, %mul3A_204, %sub3A_207 : vector<16xi1>, vector<16xf32>
        %jit3A = arith.constant 0.000000e+00 : f32
        %broadcast_in_dim3A_208 = vector.broadcast %jit3A : f32 to vector<16xf32>
        %select_n3A_209 = arith.select %gt3A_183, %select_n3A, %broadcast_in_dim3A_208 : vector<16xi1>, vector<16xf32>
        %add3A_210 = arith.addf %scan3A_173, %select_n3A_209 : vector<16xf32>
        %mul3A_211 = arith.constant 16 : i32
        %mul3A_212 = arith.muli %add3A_177, %mul3A_211 : i32
        %add3A_213 = arith.constant 8832 : i32
        %add3A_214 = arith.addi %add3A_213, %mul3A_212 : i32
        %get3A_215 = arith.index_cast %add3A_214 : i32 to index
        %get3A_216 = tpu.vector_load %arg6[%get3A_215] {strides = array<i32>} : memref<35328xf32, #tpu.memory_space<vmem>>, vector<16xf32>,
        %get3A_217 = vector.shape_cast %get3A_216 : vector<16xf32> to vector<16xf32>
        %mul3A_218 = arith.constant 16 : i32
        %mul3A_219 = arith.muli %add3A_177, %mul3A_218 : i32
        %add3A_220 = arith.constant 8832 : i32
        %add3A_221 = arith.addi %add3A_220, %mul3A_219 : i32
        %get3A_222 = arith.index_cast %add3A_221 : i32 to index
        %get3A_223 = tpu.vector_load %arg7[%get3A_222] {strides = array<i32>} : memref<35328xf32, #tpu.memory_space<vmem>>, vector<16xf32>,
        %get3A_224 = vector.shape_cast %get3A_223 : vector<16xf32> to vector<16xf32>
        %sub3A_225 = arith.subf %get3A_217, %get3A_224 : vector<16xf32>
        %abs3A_226 = math.absf %sub3A_225 : vector<16xf32>
        %lt3A_227 = arith.constant 1.000000e+00 : f32
        %lt3A_228 = vector.broadcast %lt3A_227 : f32 to vector<16xf32>
        %lt3A_229 = arith.cmpf olt, %abs3A_226, %lt3A_228 : vector<16xf32>
        %mul3A_230 = arith.constant 5.000000e-01 : f32
        %mul3A_231 = vector.broadcast %mul3A_230 : f32 to vector<16xf32>
        %mul3A_232 = arith.mulf %mul3A_231, %sub3A_225 : vector<16xf32>
        %mul3A_233 = arith.mulf %mul3A_232, %sub3A_225 : vector<16xf32>
        %sub3A_234 = arith.constant 5.000000e-01 : f32
        %sub3A_235 = vector.broadcast %sub3A_234 : f32 to vector<16xf32>
        %sub3A_236 = arith.subf %abs3A_226, %sub3A_235 : vector<16xf32>
        %select_n3A_237 = arith.select %lt3A_229, %mul3A_233, %sub3A_236 : vector<16xi1>, vector<16xf32>
        %jit3A_238 = arith.constant 0.000000e+00 : f32
        %broadcast_in_dim3A_239 = vector.broadcast %jit3A_238 : f32 to vector<16xf32>
        %select_n3A_240 = arith.select %gt3A_183, %select_n3A_237, %broadcast_in_dim3A_239 : vector<16xi1>, vector<16xf32>
        %add3A_241 = arith.addf %add3A_210, %select_n3A_240 : vector<16xf32>
        %mul3A_242 = arith.constant 16 : i32
        %mul3A_243 = arith.muli %add3A_177, %mul3A_242 : i32
        %add3A_244 = arith.constant 17664 : i32
        %add3A_245 = arith.addi %add3A_244, %mul3A_243 : i32
        %get3A_246 = arith.index_cast %add3A_245 : i32 to index
        %get3A_247 = tpu.vector_load %arg6[%get3A_246] {strides = array<i32>} : memref<35328xf32, #tpu.memory_space<vmem>>, vector<16xf32>,
        %get3A_248 = vector.shape_cast %get3A_247 : vector<16xf32> to vector<16xf32>
        %mul3A_249 = arith.constant 16 : i32
        %mul3A_250 = arith.muli %add3A_177, %mul3A_249 : i32
        %add3A_251 = arith.constant 17664 : i32
        %add3A_252 = arith.addi %add3A_251, %mul3A_250 : i32
        %get3A_253 = arith.index_cast %add3A_252 : i32 to index
        %get3A_254 = tpu.vector_load %arg7[%get3A_253] {strides = array<i32>} : memref<35328xf32, #tpu.memory_space<vmem>>, vector<16xf32>,
        %get3A_255 = vector.shape_cast %get3A_254 : vector<16xf32> to vector<16xf32>
        %sub3A_256 = arith.subf %get3A_248, %get3A_255 : vector<16xf32>
        %abs3A_257 = math.absf %sub3A_256 : vector<16xf32>
        %lt3A_258 = arith.constant 1.000000e+00 : f32
        %lt3A_259 = vector.broadcast %lt3A_258 : f32 to vector<16xf32>
        %lt3A_260 = arith.cmpf olt, %abs3A_257, %lt3A_259 : vector<16xf32>
        %mul3A_261 = arith.constant 5.000000e-01 : f32
        %mul3A_262 = vector.broadcast %mul3A_261 : f32 to vector<16xf32>
        %mul3A_263 = arith.mulf %mul3A_262, %sub3A_256 : vector<16xf32>
        %mul3A_264 = arith.mulf %mul3A_263, %sub3A_256 : vector<16xf32>
        %sub3A_265 = arith.constant 5.000000e-01 : f32
        %sub3A_266 = vector.broadcast %sub3A_265 : f32 to vector<16xf32>
        %sub3A_267 = arith.subf %abs3A_257, %sub3A_266 : vector<16xf32>
        %select_n3A_268 = arith.select %lt3A_260, %mul3A_264, %sub3A_267 : vector<16xi1>, vector<16xf32>
        %jit3A_269 = arith.constant 0.000000e+00 : f32
        %broadcast_in_dim3A_270 = vector.broadcast %jit3A_269 : f32 to vector<16xf32>
        %select_n3A_271 = arith.select %gt3A_183, %select_n3A_268, %broadcast_in_dim3A_270 : vector<16xi1>, vector<16xf32>
        %add3A_272 = arith.addf %add3A_241, %select_n3A_271 : vector<16xf32>
        %mul3A_273 = arith.constant 16 : i32
        %mul3A_274 = arith.muli %add3A_177, %mul3A_273 : i32
        %add3A_275 = arith.constant 26496 : i32
        %add3A_276 = arith.addi %add3A_275, %mul3A_274 : i32
        %get3A_277 = arith.index_cast %add3A_276 : i32 to index
        %get3A_278 = tpu.vector_load %arg6[%get3A_277] {strides = array<i32>} : memref<35328xf32, #tpu.memory_space<vmem>>, vector<16xf32>,
        %get3A_279 = vector.shape_cast %get3A_278 : vector<16xf32> to vector<16xf32>
        %mul3A_280 = arith.constant 16 : i32
        %mul3A_281 = arith.muli %add3A_177, %mul3A_280 : i32
        %add3A_282 = arith.constant 26496 : i32
        %add3A_283 = arith.addi %add3A_282, %mul3A_281 : i32
        %get3A_284 = arith.index_cast %add3A_283 : i32 to index
        %get3A_285 = tpu.vector_load %arg7[%get3A_284] {strides = array<i32>} : memref<35328xf32, #tpu.memory_space<vmem>>, vector<16xf32>,
        %get3A_286 = vector.shape_cast %get3A_285 : vector<16xf32> to vector<16xf32>
        %sub3A_287 = arith.subf %get3A_279, %get3A_286 : vector<16xf32>
        %abs3A_288 = math.absf %sub3A_287 : vector<16xf32>
        %lt3A_289 = arith.constant 1.000000e+00 : f32
        %lt3A_290 = vector.broadcast %lt3A_289 : f32 to vector<16xf32>
        %lt3A_291 = arith.cmpf olt, %abs3A_288, %lt3A_290 : vector<16xf32>
        %mul3A_292 = arith.constant 5.000000e-01 : f32
        %mul3A_293 = vector.broadcast %mul3A_292 : f32 to vector<16xf32>
        %mul3A_294 = arith.mulf %mul3A_293, %sub3A_287 : vector<16xf32>
        %mul3A_295 = arith.mulf %mul3A_294, %sub3A_287 : vector<16xf32>
        %sub3A_296 = arith.constant 5.000000e-01 : f32
        %sub3A_297 = vector.broadcast %sub3A_296 : f32 to vector<16xf32>
        %sub3A_298 = arith.subf %abs3A_288, %sub3A_297 : vector<16xf32>
        %select_n3A_299 = arith.select %lt3A_291, %mul3A_295, %sub3A_298 : vector<16xi1>, vector<16xf32>
        %jit3A_300 = arith.constant 0.000000e+00 : f32
        %broadcast_in_dim3A_301 = vector.broadcast %jit3A_300 : f32 to vector<16xf32>
        %select_n3A_302 = arith.select %gt3A_183, %select_n3A_299, %broadcast_in_dim3A_301 : vector<16xi1>, vector<16xf32>
        %add3A_303 = arith.addf %add3A_272, %select_n3A_302 : vector<16xf32>
        %mul3A_304 = arith.constant 8 : i32
        %mul3A_305 = arith.muli %scan3A_172, %mul3A_304 : i32
        %add3A_306 = arith.constant 1 : i32
        %add3A_307 = arith.addi %mul3A_305, %add3A_306 : i32
        %mul3A_308 = arith.constant 16 : i32
        %mul3A_309 = arith.muli %add3A_307, %mul3A_308 : i32
        %get3A_310 = arith.index_cast %mul3A_309 : i32 to index
        %get3A_311 = tpu.vector_load %arg8[%get3A_310] {strides = array<i32>} : memref<8832xi32, #tpu.memory_space<vmem>>, vector<16xi32>,
        %get3A_312 = vector.shape_cast %get3A_311 : vector<16xi32> to vector<16xi32>
        %gt3A_313 = arith.constant 0 : i32
        %gt3A_314 = vector.broadcast %gt3A_313 : i32 to vector<16xi32>
        %gt3A_315 = arith.cmpi sgt, %get3A_312, %gt3A_314 : vector<16xi32>
        %mul3A_316 = arith.constant 16 : i32
        %mul3A_317 = arith.muli %add3A_307, %mul3A_316 : i32
        %add3A_318 = arith.constant 0 : i32
        %add3A_319 = arith.addi %add3A_318, %mul3A_317 : i32
        %get3A_320 = arith.index_cast %add3A_319 : i32 to index
        %get3A_321 = tpu.vector_load %arg6[%get3A_320] {strides = array<i32>} : memref<35328xf32, #tpu.memory_space<vmem>>, vector<16xf32>,
        %get3A_322 = vector.shape_cast %get3A_321 : vector<16xf32> to vector<16xf32>
        %mul3A_323 = arith.constant 16 : i32
        %mul3A_324 = arith.muli %add3A_307, %mul3A_323 : i32
        %add3A_325 = arith.constant 0 : i32
        %add3A_326 = arith.addi %add3A_325, %mul3A_324 : i32
        %get3A_327 = arith.index_cast %add3A_326 : i32 to index
        %get3A_328 = tpu.vector_load %arg7[%get3A_327] {strides = array<i32>} : memref<35328xf32, #tpu.memory_space<vmem>>, vector<16xf32>,
        %get3A_329 = vector.shape_cast %get3A_328 : vector<16xf32> to vector<16xf32>
        %sub3A_330 = arith.subf %get3A_322, %get3A_329 : vector<16xf32>
        %abs3A_331 = math.absf %sub3A_330 : vector<16xf32>
        %lt3A_332 = arith.constant 1.000000e+00 : f32
        %lt3A_333 = vector.broadcast %lt3A_332 : f32 to vector<16xf32>
        %lt3A_334 = arith.cmpf olt, %abs3A_331, %lt3A_333 : vector<16xf32>
        %mul3A_335 = arith.constant 5.000000e-01 : f32
        %mul3A_336 = vector.broadcast %mul3A_335 : f32 to vector<16xf32>
        %mul3A_337 = arith.mulf %mul3A_336, %sub3A_330 : vector<16xf32>
        %mul3A_338 = arith.mulf %mul3A_337, %sub3A_330 : vector<16xf32>
        %sub3A_339 = arith.constant 5.000000e-01 : f32
        %sub3A_340 = vector.broadcast %sub3A_339 : f32 to vector<16xf32>
        %sub3A_341 = arith.subf %abs3A_331, %sub3A_340 : vector<16xf32>
        %select_n3A_342 = arith.select %lt3A_334, %mul3A_338, %sub3A_341 : vector<16xi1>, vector<16xf32>
        %jit3A_343 = arith.constant 0.000000e+00 : f32
        %broadcast_in_dim3A_344 = vector.broadcast %jit3A_343 : f32 to vector<16xf32>
        %select_n3A_345 = arith.select %gt3A_315, %select_n3A_342, %broadcast_in_dim3A_344 : vector<16xi1>, vector<16xf32>
        %add3A_346 = arith.addf %add3A_303, %select_n3A_345 : vector<16xf32>
        %mul3A_347 = arith.constant 16 : i32
        %mul3A_348 = arith.muli %add3A_307, %mul3A_347 : i32
        %add3A_349 = arith.constant 8832 : i32
        %add3A_350 = arith.addi %add3A_349, %mul3A_348 : i32
        %get3A_351 = arith.index_cast %add3A_350 : i32 to index
        %get3A_352 = tpu.vector_load %arg6[%get3A_351] {strides = array<i32>} : memref<35328xf32, #tpu.memory_space<vmem>>, vector<16xf32>,
        %get3A_353 = vector.shape_cast %get3A_352 : vector<16xf32> to vector<16xf32>
        %mul3A_354 = arith.constant 16 : i32
        %mul3A_355 = arith.muli %add3A_307, %mul3A_354 : i32
        %add3A_356 = arith.constant 8832 : i32
        %add3A_357 = arith.addi %add3A_356, %mul3A_355 : i32
        %get3A_358 = arith.index_cast %add3A_357 : i32 to index
        %get3A_359 = tpu.vector_load %arg7[%get3A_358] {strides = array<i32>} : memref<35328xf32, #tpu.memory_space<vmem>>, vector<16xf32>,
        %get3A_360 = vector.shape_cast %get3A_359 : vector<16xf32> to vector<16xf32>
        %sub3A_361 = arith.subf %get3A_353, %get3A_360 : vector<16xf32>
        %abs3A_362 = math.absf %sub3A_361 : vector<16xf32>
        %lt3A_363 = arith.constant 1.000000e+00 : f32
        %lt3A_364 = vector.broadcast %lt3A_363 : f32 to vector<16xf32>
        %lt3A_365 = arith.cmpf olt, %abs3A_362, %lt3A_364 : vector<16xf32>
        %mul3A_366 = arith.constant 5.000000e-01 : f32
        %mul3A_367 = vector.broadcast %mul3A_366 : f32 to vector<16xf32>
        %mul3A_368 = arith.mulf %mul3A_367, %sub3A_361 : vector<16xf32>
        %mul3A_369 = arith.mulf %mul3A_368, %sub3A_361 : vector<16xf32>
        %sub3A_370 = arith.constant 5.000000e-01 : f32
        %sub3A_371 = vector.broadcast %sub3A_370 : f32 to vector<16xf32>
        %sub3A_372 = arith.subf %abs3A_362, %sub3A_371 : vector<16xf32>
        %select_n3A_373 = arith.select %lt3A_365, %mul3A_369, %sub3A_372 : vector<16xi1>, vector<16xf32>
        %jit3A_374 = arith.constant 0.000000e+00 : f32
        %broadcast_in_dim3A_375 = vector.broadcast %jit3A_374 : f32 to vector<16xf32>
        %select_n3A_376 = arith.select %gt3A_315, %select_n3A_373, %broadcast_in_dim3A_375 : vector<16xi1>, vector<16xf32>
        %add3A_377 = arith.addf %add3A_346, %select_n3A_376 : vector<16xf32>
        %mul3A_378 = arith.constant 16 : i32
        %mul3A_379 = arith.muli %add3A_307, %mul3A_378 : i32
        %add3A_380 = arith.constant 17664 : i32
        %add3A_381 = arith.addi %add3A_380, %mul3A_379 : i32
        %get3A_382 = arith.index_cast %add3A_381 : i32 to index
        %get3A_383 = tpu.vector_load %arg6[%get3A_382] {strides = array<i32>} : memref<35328xf32, #tpu.memory_space<vmem>>, vector<16xf32>,
        %get3A_384 = vector.shape_cast %get3A_383 : vector<16xf32> to vector<16xf32>
        %mul3A_385 = arith.constant 16 : i32
        %mul3A_386 = arith.muli %add3A_307, %mul3A_385 : i32
        %add3A_387 = arith.constant 17664 : i32
        %add3A_388 = arith.addi %add3A_387, %mul3A_386 : i32
        %get3A_389 = arith.index_cast %add3A_388 : i32 to index
        %get3A_390 = tpu.vector_load %arg7[%get3A_389] {strides = array<i32>} : memref<35328xf32, #tpu.memory_space<vmem>>, vector<16xf32>,
        %get3A_391 = vector.shape_cast %get3A_390 : vector<16xf32> to vector<16xf32>
        %sub3A_392 = arith.subf %get3A_384, %get3A_391 : vector<16xf32>
        %abs3A_393 = math.absf %sub3A_392 : vector<16xf32>
        %lt3A_394 = arith.constant 1.000000e+00 : f32
        %lt3A_395 = vector.broadcast %lt3A_394 : f32 to vector<16xf32>
        %lt3A_396 = arith.cmpf olt, %abs3A_393, %lt3A_395 : vector<16xf32>
        %mul3A_397 = arith.constant 5.000000e-01 : f32
        %mul3A_398 = vector.broadcast %mul3A_397 : f32 to vector<16xf32>
        %mul3A_399 = arith.mulf %mul3A_398, %sub3A_392 : vector<16xf32>
        %mul3A_400 = arith.mulf %mul3A_399, %sub3A_392 : vector<16xf32>
        %sub3A_401 = arith.constant 5.000000e-01 : f32
        %sub3A_402 = vector.broadcast %sub3A_401 : f32 to vector<16xf32>
        %sub3A_403 = arith.subf %abs3A_393, %sub3A_402 : vector<16xf32>
        %select_n3A_404 = arith.select %lt3A_396, %mul3A_400, %sub3A_403 : vector<16xi1>, vector<16xf32>
        %jit3A_405 = arith.constant 0.000000e+00 : f32
        %broadcast_in_dim3A_406 = vector.broadcast %jit3A_405 : f32 to vector<16xf32>
        %select_n3A_407 = arith.select %gt3A_315, %select_n3A_404, %broadcast_in_dim3A_406 : vector<16xi1>, vector<16xf32>
        %add3A_408 = arith.addf %add3A_377, %select_n3A_407 : vector<16xf32>
        %mul3A_409 = arith.constant 16 : i32
        %mul3A_410 = arith.muli %add3A_307, %mul3A_409 : i32
        %add3A_411 = arith.constant 26496 : i32
        %add3A_412 = arith.addi %add3A_411, %mul3A_410 : i32
        %get3A_413 = arith.index_cast %add3A_412 : i32 to index
        %get3A_414 = tpu.vector_load %arg6[%get3A_413] {strides = array<i32>} : memref<35328xf32, #tpu.memory_space<vmem>>, vector<16xf32>,
        %get3A_415 = vector.shape_cast %get3A_414 : vector<16xf32> to vector<16xf32>
        %mul3A_416 = arith.constant 16 : i32
        %mul3A_417 = arith.muli %add3A_307, %mul3A_416 : i32
        %add3A_418 = arith.constant 26496 : i32
        %add3A_419 = arith.addi %add3A_418, %mul3A_417 : i32
        %get3A_420 = arith.index_cast %add3A_419 : i32 to index
        %get3A_421 = tpu.vector_load %arg7[%get3A_420] {strides = array<i32>} : memref<35328xf32, #tpu.memory_space<vmem>>, vector<16xf32>,
        %get3A_422 = vector.shape_cast %get3A_421 : vector<16xf32> to vector<16xf32>
        %sub3A_423 = arith.subf %get3A_415, %get3A_422 : vector<16xf32>
        %abs3A_424 = math.absf %sub3A_423 : vector<16xf32>
        %lt3A_425 = arith.constant 1.000000e+00 : f32
        %lt3A_426 = vector.broadcast %lt3A_425 : f32 to vector<16xf32>
        %lt3A_427 = arith.cmpf olt, %abs3A_424, %lt3A_426 : vector<16xf32>
        %mul3A_428 = arith.constant 5.000000e-01 : f32
        %mul3A_429 = vector.broadcast %mul3A_428 : f32 to vector<16xf32>
        %mul3A_430 = arith.mulf %mul3A_429, %sub3A_423 : vector<16xf32>
        %mul3A_431 = arith.mulf %mul3A_430, %sub3A_423 : vector<16xf32>
        %sub3A_432 = arith.constant 5.000000e-01 : f32
        %sub3A_433 = vector.broadcast %sub3A_432 : f32 to vector<16xf32>
        %sub3A_434 = arith.subf %abs3A_424, %sub3A_433 : vector<16xf32>
        %select_n3A_435 = arith.select %lt3A_427, %mul3A_431, %sub3A_434 : vector<16xi1>, vector<16xf32>
        %jit3A_436 = arith.constant 0.000000e+00 : f32
        %broadcast_in_dim3A_437 = vector.broadcast %jit3A_436 : f32 to vector<16xf32>
        %select_n3A_438 = arith.select %gt3A_315, %select_n3A_435, %broadcast_in_dim3A_437 : vector<16xi1>, vector<16xf32>
        %add3A_439 = arith.addf %add3A_408, %select_n3A_438 : vector<16xf32>
        %mul3A_440 = arith.constant 8 : i32
        %mul3A_441 = arith.muli %scan3A_172, %mul3A_440 : i32
        %add3A_442 = arith.constant 2 : i32
        %add3A_443 = arith.addi %mul3A_441, %add3A_442 : i32
        %mul3A_444 = arith.constant 16 : i32
        %mul3A_445 = arith.muli %add3A_443, %mul3A_444 : i32
        %get3A_446 = arith.index_cast %mul3A_445 : i32 to index
        %get3A_447 = tpu.vector_load %arg8[%get3A_446] {strides = array<i32>} : memref<8832xi32, #tpu.memory_space<vmem>>, vector<16xi32>,
        %get3A_448 = vector.shape_cast %get3A_447 : vector<16xi32> to vector<16xi32>
        %gt3A_449 = arith.constant 0 : i32
        %gt3A_450 = vector.broadcast %gt3A_449 : i32 to vector<16xi32>
        %gt3A_451 = arith.cmpi sgt, %get3A_448, %gt3A_450 : vector<16xi32>
        %mul3A_452 = arith.constant 16 : i32
        %mul3A_453 = arith.muli %add3A_443, %mul3A_452 : i32
        %add3A_454 = arith.constant 0 : i32
        %add3A_455 = arith.addi %add3A_454, %mul3A_453 : i32
        %get3A_456 = arith.index_cast %add3A_455 : i32 to index
        %get3A_457 = tpu.vector_load %arg6[%get3A_456] {strides = array<i32>} : memref<35328xf32, #tpu.memory_space<vmem>>, vector<16xf32>,
        %get3A_458 = vector.shape_cast %get3A_457 : vector<16xf32> to vector<16xf32>
        %mul3A_459 = arith.constant 16 : i32
        %mul3A_460 = arith.muli %add3A_443, %mul3A_459 : i32
        %add3A_461 = arith.constant 0 : i32
        %add3A_462 = arith.addi %add3A_461, %mul3A_460 : i32
        %get3A_463 = arith.index_cast %add3A_462 : i32 to index
        %get3A_464 = tpu.vector_load %arg7[%get3A_463] {strides = array<i32>} : memref<35328xf32, #tpu.memory_space<vmem>>, vector<16xf32>,
        %get3A_465 = vector.shape_cast %get3A_464 : vector<16xf32> to vector<16xf32>
        %sub3A_466 = arith.subf %get3A_458, %get3A_465 : vector<16xf32>
        %abs3A_467 = math.absf %sub3A_466 : vector<16xf32>
        %lt3A_468 = arith.constant 1.000000e+00 : f32
        %lt3A_469 = vector.broadcast %lt3A_468 : f32 to vector<16xf32>
        %lt3A_470 = arith.cmpf olt, %abs3A_467, %lt3A_469 : vector<16xf32>
        %mul3A_471 = arith.constant 5.000000e-01 : f32
        %mul3A_472 = vector.broadcast %mul3A_471 : f32 to vector<16xf32>
        %mul3A_473 = arith.mulf %mul3A_472, %sub3A_466 : vector<16xf32>
        %mul3A_474 = arith.mulf %mul3A_473, %sub3A_466 : vector<16xf32>
        %sub3A_475 = arith.constant 5.000000e-01 : f32
        %sub3A_476 = vector.broadcast %sub3A_475 : f32 to vector<16xf32>
        %sub3A_477 = arith.subf %abs3A_467, %sub3A_476 : vector<16xf32>
        %select_n3A_478 = arith.select %lt3A_470, %mul3A_474, %sub3A_477 : vector<16xi1>, vector<16xf32>
        %jit3A_479 = arith.constant 0.000000e+00 : f32
        %broadcast_in_dim3A_480 = vector.broadcast %jit3A_479 : f32 to vector<16xf32>
        %select_n3A_481 = arith.select %gt3A_451, %select_n3A_478, %broadcast_in_dim3A_480 : vector<16xi1>, vector<16xf32>
        %add3A_482 = arith.addf %add3A_439, %select_n3A_481 : vector<16xf32>
        %mul3A_483 = arith.constant 16 : i32
        %mul3A_484 = arith.muli %add3A_443, %mul3A_483 : i32
        %add3A_485 = arith.constant 8832 : i32
        %add3A_486 = arith.addi %add3A_485, %mul3A_484 : i32
        %get3A_487 = arith.index_cast %add3A_486 : i32 to index
        %get3A_488 = tpu.vector_load %arg6[%get3A_487] {strides = array<i32>} : memref<35328xf32, #tpu.memory_space<vmem>>, vector<16xf32>,
        %get3A_489 = vector.shape_cast %get3A_488 : vector<16xf32> to vector<16xf32>
        %mul3A_490 = arith.constant 16 : i32
        %mul3A_491 = arith.muli %add3A_443, %mul3A_490 : i32
        %add3A_492 = arith.constant 8832 : i32
        %add3A_493 = arith.addi %add3A_492, %mul3A_491 : i32
        %get3A_494 = arith.index_cast %add3A_493 : i32 to index
        %get3A_495 = tpu.vector_load %arg7[%get3A_494] {strides = array<i32>} : memref<35328xf32, #tpu.memory_space<vmem>>, vector<16xf32>,
        %get3A_496 = vector.shape_cast %get3A_495 : vector<16xf32> to vector<16xf32>
        %sub3A_497 = arith.subf %get3A_489, %get3A_496 : vector<16xf32>
        %abs3A_498 = math.absf %sub3A_497 : vector<16xf32>
        %lt3A_499 = arith.constant 1.000000e+00 : f32
        %lt3A_500 = vector.broadcast %lt3A_499 : f32 to vector<16xf32>
        %lt3A_501 = arith.cmpf olt, %abs3A_498, %lt3A_500 : vector<16xf32>
        %mul3A_502 = arith.constant 5.000000e-01 : f32
        %mul3A_503 = vector.broadcast %mul3A_502 : f32 to vector<16xf32>
        %mul3A_504 = arith.mulf %mul3A_503, %sub3A_497 : vector<16xf32>
        %mul3A_505 = arith.mulf %mul3A_504, %sub3A_497 : vector<16xf32>
        %sub3A_506 = arith.constant 5.000000e-01 : f32
        %sub3A_507 = vector.broadcast %sub3A_506 : f32 to vector<16xf32>
        %sub3A_508 = arith.subf %abs3A_498, %sub3A_507 : vector<16xf32>
        %select_n3A_509 = arith.select %lt3A_501, %mul3A_505, %sub3A_508 : vector<16xi1>, vector<16xf32>
        %jit3A_510 = arith.constant 0.000000e+00 : f32
        %broadcast_in_dim3A_511 = vector.broadcast %jit3A_510 : f32 to vector<16xf32>
        %select_n3A_512 = arith.select %gt3A_451, %select_n3A_509, %broadcast_in_dim3A_511 : vector<16xi1>, vector<16xf32>
        %add3A_513 = arith.addf %add3A_482, %select_n3A_512 : vector<16xf32>
        %mul3A_514 = arith.constant 16 : i32
        %mul3A_515 = arith.muli %add3A_443, %mul3A_514 : i32
        %add3A_516 = arith.constant 17664 : i32
        %add3A_517 = arith.addi %add3A_516, %mul3A_515 : i32
        %get3A_518 = arith.index_cast %add3A_517 : i32 to index
        %get3A_519 = tpu.vector_load %arg6[%get3A_518] {strides = array<i32>} : memref<35328xf32, #tpu.memory_space<vmem>>, vector<16xf32>,
        %get3A_520 = vector.shape_cast %get3A_519 : vector<16xf32> to vector<16xf32>
        %mul3A_521 = arith.constant 16 : i32
        %mul3A_522 = arith.muli %add3A_443, %mul3A_521 : i32
        %add3A_523 = arith.constant 17664 : i32
        %add3A_524 = arith.addi %add3A_523, %mul3A_522 : i32
        %get3A_525 = arith.index_cast %add3A_524 : i32 to index
        %get3A_526 = tpu.vector_load %arg7[%get3A_525] {strides = array<i32>} : memref<35328xf32, #tpu.memory_space<vmem>>, vector<16xf32>,
        %get3A_527 = vector.shape_cast %get3A_526 : vector<16xf32> to vector<16xf32>
        %sub3A_528 = arith.subf %get3A_520, %get3A_527 : vector<16xf32>
        %abs3A_529 = math.absf %sub3A_528 : vector<16xf32>
        %lt3A_530 = arith.constant 1.000000e+00 : f32
        %lt3A_531 = vector.broadcast %lt3A_530 : f32 to vector<16xf32>
        %lt3A_532 = arith.cmpf olt, %abs3A_529, %lt3A_531 : vector<16xf32>
        %mul3A_533 = arith.constant 5.000000e-01 : f32
        %mul3A_534 = vector.broadcast %mul3A_533 : f32 to vector<16xf32>
        %mul3A_535 = arith.mulf %mul3A_534, %sub3A_528 : vector<16xf32>
        %mul3A_536 = arith.mulf %mul3A_535, %sub3A_528 : vector<16xf32>
        %sub3A_537 = arith.constant 5.000000e-01 : f32
        %sub3A_538 = vector.broadcast %sub3A_537 : f32 to vector<16xf32>
        %sub3A_539 = arith.subf %abs3A_529, %sub3A_538 : vector<16xf32>
        %select_n3A_540 = arith.select %lt3A_532, %mul3A_536, %sub3A_539 : vector<16xi1>, vector<16xf32>
        %jit3A_541 = arith.constant 0.000000e+00 : f32
        %broadcast_in_dim3A_542 = vector.broadcast %jit3A_541 : f32 to vector<16xf32>
        %select_n3A_543 = arith.select %gt3A_451, %select_n3A_540, %broadcast_in_dim3A_542 : vector<16xi1>, vector<16xf32>
        %add3A_544 = arith.addf %add3A_513, %select_n3A_543 : vector<16xf32>
        %mul3A_545 = arith.constant 16 : i32
        %mul3A_546 = arith.muli %add3A_443, %mul3A_545 : i32
        %add3A_547 = arith.constant 26496 : i32
        %add3A_548 = arith.addi %add3A_547, %mul3A_546 : i32
        %get3A_549 = arith.index_cast %add3A_548 : i32 to index
        %get3A_550 = tpu.vector_load %arg6[%get3A_549] {strides = array<i32>} : memref<35328xf32, #tpu.memory_space<vmem>>, vector<16xf32>,
        %get3A_551 = vector.shape_cast %get3A_550 : vector<16xf32> to vector<16xf32>
        %mul3A_552 = arith.constant 16 : i32
        %mul3A_553 = arith.muli %add3A_443, %mul3A_552 : i32
        %add3A_554 = arith.constant 26496 : i32
        %add3A_555 = arith.addi %add3A_554, %mul3A_553 : i32
        %get3A_556 = arith.index_cast %add3A_555 : i32 to index
        %get3A_557 = tpu.vector_load %arg7[%get3A_556] {strides = array<i32>} : memref<35328xf32, #tpu.memory_space<vmem>>, vector<16xf32>,
        %get3A_558 = vector.shape_cast %get3A_557 : vector<16xf32> to vector<16xf32>
        %sub3A_559 = arith.subf %get3A_551, %get3A_558 : vector<16xf32>
        %abs3A_560 = math.absf %sub3A_559 : vector<16xf32>
        %lt3A_561 = arith.constant 1.000000e+00 : f32
        %lt3A_562 = vector.broadcast %lt3A_561 : f32 to vector<16xf32>
        %lt3A_563 = arith.cmpf olt, %abs3A_560, %lt3A_562 : vector<16xf32>
        %mul3A_564 = arith.constant 5.000000e-01 : f32
        %mul3A_565 = vector.broadcast %mul3A_564 : f32 to vector<16xf32>
        %mul3A_566 = arith.mulf %mul3A_565, %sub3A_559 : vector<16xf32>
        %mul3A_567 = arith.mulf %mul3A_566, %sub3A_559 : vector<16xf32>
        %sub3A_568 = arith.constant 5.000000e-01 : f32
        %sub3A_569 = vector.broadcast %sub3A_568 : f32 to vector<16xf32>
        %sub3A_570 = arith.subf %abs3A_560, %sub3A_569 : vector<16xf32>
        %select_n3A_571 = arith.select %lt3A_563, %mul3A_567, %sub3A_570 : vector<16xi1>, vector<16xf32>
        %jit3A_572 = arith.constant 0.000000e+00 : f32
        %broadcast_in_dim3A_573 = vector.broadcast %jit3A_572 : f32 to vector<16xf32>
        %select_n3A_574 = arith.select %gt3A_451, %select_n3A_571, %broadcast_in_dim3A_573 : vector<16xi1>, vector<16xf32>
        %add3A_575 = arith.addf %add3A_544, %select_n3A_574 : vector<16xf32>
        %mul3A_576 = arith.constant 8 : i32
        %mul3A_577 = arith.muli %scan3A_172, %mul3A_576 : i32
        %add3A_578 = arith.constant 3 : i32
        %add3A_579 = arith.addi %mul3A_577, %add3A_578 : i32
        %mul3A_580 = arith.constant 16 : i32
        %mul3A_581 = arith.muli %add3A_579, %mul3A_580 : i32
        %get3A_582 = arith.index_cast %mul3A_581 : i32 to index
        %get3A_583 = tpu.vector_load %arg8[%get3A_582] {strides = array<i32>} : memref<8832xi32, #tpu.memory_space<vmem>>, vector<16xi32>,
        %get3A_584 = vector.shape_cast %get3A_583 : vector<16xi32> to vector<16xi32>
        %gt3A_585 = arith.constant 0 : i32
        %gt3A_586 = vector.broadcast %gt3A_585 : i32 to vector<16xi32>
        %gt3A_587 = arith.cmpi sgt, %get3A_584, %gt3A_586 : vector<16xi32>
        %mul3A_588 = arith.constant 16 : i32
        %mul3A_589 = arith.muli %add3A_579, %mul3A_588 : i32
        %add3A_590 = arith.constant 0 : i32
        %add3A_591 = arith.addi %add3A_590, %mul3A_589 : i32
        %get3A_592 = arith.index_cast %add3A_591 : i32 to index
        %get3A_593 = tpu.vector_load %arg6[%get3A_592] {strides = array<i32>} : memref<35328xf32, #tpu.memory_space<vmem>>, vector<16xf32>,
        %get3A_594 = vector.shape_cast %get3A_593 : vector<16xf32> to vector<16xf32>
        %mul3A_595 = arith.constant 16 : i32
        %mul3A_596 = arith.muli %add3A_579, %mul3A_595 : i32
        %add3A_597 = arith.constant 0 : i32
        %add3A_598 = arith.addi %add3A_597, %mul3A_596 : i32
        %get3A_599 = arith.index_cast %add3A_598 : i32 to index
        %get3A_600 = tpu.vector_load %arg7[%get3A_599] {strides = array<i32>} : memref<35328xf32, #tpu.memory_space<vmem>>, vector<16xf32>,
        %get3A_601 = vector.shape_cast %get3A_600 : vector<16xf32> to vector<16xf32>
        %sub3A_602 = arith.subf %get3A_594, %get3A_601 : vector<16xf32>
        %abs3A_603 = math.absf %sub3A_602 : vector<16xf32>
        %lt3A_604 = arith.constant 1.000000e+00 : f32
        %lt3A_605 = vector.broadcast %lt3A_604 : f32 to vector<16xf32>
        %lt3A_606 = arith.cmpf olt, %abs3A_603, %lt3A_605 : vector<16xf32>
        %mul3A_607 = arith.constant 5.000000e-01 : f32
        %mul3A_608 = vector.broadcast %mul3A_607 : f32 to vector<16xf32>
        %mul3A_609 = arith.mulf %mul3A_608, %sub3A_602 : vector<16xf32>
        %mul3A_610 = arith.mulf %mul3A_609, %sub3A_602 : vector<16xf32>
        %sub3A_611 = arith.constant 5.000000e-01 : f32
        %sub3A_612 = vector.broadcast %sub3A_611 : f32 to vector<16xf32>
        %sub3A_613 = arith.subf %abs3A_603, %sub3A_612 : vector<16xf32>
        %select_n3A_614 = arith.select %lt3A_606, %mul3A_610, %sub3A_613 : vector<16xi1>, vector<16xf32>
        %jit3A_615 = arith.constant 0.000000e+00 : f32
        %broadcast_in_dim3A_616 = vector.broadcast %jit3A_615 : f32 to vector<16xf32>
        %select_n3A_617 = arith.select %gt3A_587, %select_n3A_614, %broadcast_in_dim3A_616 : vector<16xi1>, vector<16xf32>
        %add3A_618 = arith.addf %add3A_575, %select_n3A_617 : vector<16xf32>
        %mul3A_619 = arith.constant 16 : i32
        %mul3A_620 = arith.muli %add3A_579, %mul3A_619 : i32
        %add3A_621 = arith.constant 8832 : i32
        %add3A_622 = arith.addi %add3A_621, %mul3A_620 : i32
        %get3A_623 = arith.index_cast %add3A_622 : i32 to index
        %get3A_624 = tpu.vector_load %arg6[%get3A_623] {strides = array<i32>} : memref<35328xf32, #tpu.memory_space<vmem>>, vector<16xf32>,
        %get3A_625 = vector.shape_cast %get3A_624 : vector<16xf32> to vector<16xf32>
        %mul3A_626 = arith.constant 16 : i32
        %mul3A_627 = arith.muli %add3A_579, %mul3A_626 : i32
        %add3A_628 = arith.constant 8832 : i32
        %add3A_629 = arith.addi %add3A_628, %mul3A_627 : i32
        %get3A_630 = arith.index_cast %add3A_629 : i32 to index
        %get3A_631 = tpu.vector_load %arg7[%get3A_630] {strides = array<i32>} : memref<35328xf32, #tpu.memory_space<vmem>>, vector<16xf32>,
        %get3A_632 = vector.shape_cast %get3A_631 : vector<16xf32> to vector<16xf32>
        %sub3A_633 = arith.subf %get3A_625, %get3A_632 : vector<16xf32>
        %abs3A_634 = math.absf %sub3A_633 : vector<16xf32>
        %lt3A_635 = arith.constant 1.000000e+00 : f32
        %lt3A_636 = vector.broadcast %lt3A_635 : f32 to vector<16xf32>
        %lt3A_637 = arith.cmpf olt, %abs3A_634, %lt3A_636 : vector<16xf32>
        %mul3A_638 = arith.constant 5.000000e-01 : f32
        %mul3A_639 = vector.broadcast %mul3A_638 : f32 to vector<16xf32>
        %mul3A_640 = arith.mulf %mul3A_639, %sub3A_633 : vector<16xf32>
        %mul3A_641 = arith.mulf %mul3A_640, %sub3A_633 : vector<16xf32>
        %sub3A_642 = arith.constant 5.000000e-01 : f32
        %sub3A_643 = vector.broadcast %sub3A_642 : f32 to vector<16xf32>
        %sub3A_644 = arith.subf %abs3A_634, %sub3A_643 : vector<16xf32>
        %select_n3A_645 = arith.select %lt3A_637, %mul3A_641, %sub3A_644 : vector<16xi1>, vector<16xf32>
        %jit3A_646 = arith.constant 0.000000e+00 : f32
        %broadcast_in_dim3A_647 = vector.broadcast %jit3A_646 : f32 to vector<16xf32>
        %select_n3A_648 = arith.select %gt3A_587, %select_n3A_645, %broadcast_in_dim3A_647 : vector<16xi1>, vector<16xf32>
        %add3A_649 = arith.addf %add3A_618, %select_n3A_648 : vector<16xf32>
        %mul3A_650 = arith.constant 16 : i32
        %mul3A_651 = arith.muli %add3A_579, %mul3A_650 : i32
        %add3A_652 = arith.constant 17664 : i32
        %add3A_653 = arith.addi %add3A_652, %mul3A_651 : i32
        %get3A_654 = arith.index_cast %add3A_653 : i32 to index
        %get3A_655 = tpu.vector_load %arg6[%get3A_654] {strides = array<i32>} : memref<35328xf32, #tpu.memory_space<vmem>>, vector<16xf32>,
        %get3A_656 = vector.shape_cast %get3A_655 : vector<16xf32> to vector<16xf32>
        %mul3A_657 = arith.constant 16 : i32
        %mul3A_658 = arith.muli %add3A_579, %mul3A_657 : i32
        %add3A_659 = arith.constant 17664 : i32
        %add3A_660 = arith.addi %add3A_659, %mul3A_658 : i32
        %get3A_661 = arith.index_cast %add3A_660 : i32 to index
        %get3A_662 = tpu.vector_load %arg7[%get3A_661] {strides = array<i32>} : memref<35328xf32, #tpu.memory_space<vmem>>, vector<16xf32>,
        %get3A_663 = vector.shape_cast %get3A_662 : vector<16xf32> to vector<16xf32>
        %sub3A_664 = arith.subf %get3A_656, %get3A_663 : vector<16xf32>
        %abs3A_665 = math.absf %sub3A_664 : vector<16xf32>
        %lt3A_666 = arith.constant 1.000000e+00 : f32
        %lt3A_667 = vector.broadcast %lt3A_666 : f32 to vector<16xf32>
        %lt3A_668 = arith.cmpf olt, %abs3A_665, %lt3A_667 : vector<16xf32>
        %mul3A_669 = arith.constant 5.000000e-01 : f32
        %mul3A_670 = vector.broadcast %mul3A_669 : f32 to vector<16xf32>
        %mul3A_671 = arith.mulf %mul3A_670, %sub3A_664 : vector<16xf32>
        %mul3A_672 = arith.mulf %mul3A_671, %sub3A_664 : vector<16xf32>
        %sub3A_673 = arith.constant 5.000000e-01 : f32
        %sub3A_674 = vector.broadcast %sub3A_673 : f32 to vector<16xf32>
        %sub3A_675 = arith.subf %abs3A_665, %sub3A_674 : vector<16xf32>
        %select_n3A_676 = arith.select %lt3A_668, %mul3A_672, %sub3A_675 : vector<16xi1>, vector<16xf32>
        %jit3A_677 = arith.constant 0.000000e+00 : f32
        %broadcast_in_dim3A_678 = vector.broadcast %jit3A_677 : f32 to vector<16xf32>
        %select_n3A_679 = arith.select %gt3A_587, %select_n3A_676, %broadcast_in_dim3A_678 : vector<16xi1>, vector<16xf32>
        %add3A_680 = arith.addf %add3A_649, %select_n3A_679 : vector<16xf32>
        %mul3A_681 = arith.constant 16 : i32
        %mul3A_682 = arith.muli %add3A_579, %mul3A_681 : i32
        %add3A_683 = arith.constant 26496 : i32
        %add3A_684 = arith.addi %add3A_683, %mul3A_682 : i32
        %get3A_685 = arith.index_cast %add3A_684 : i32 to index
        %get3A_686 = tpu.vector_load %arg6[%get3A_685] {strides = array<i32>} : memref<35328xf32, #tpu.memory_space<vmem>>, vector<16xf32>,
        %get3A_687 = vector.shape_cast %get3A_686 : vector<16xf32> to vector<16xf32>
        %mul3A_688 = arith.constant 16 : i32
        %mul3A_689 = arith.muli %add3A_579, %mul3A_688 : i32
        %add3A_690 = arith.constant 26496 : i32
        %add3A_691 = arith.addi %add3A_690, %mul3A_689 : i32
        %get3A_692 = arith.index_cast %add3A_691 : i32 to index
        %get3A_693 = tpu.vector_load %arg7[%get3A_692] {strides = array<i32>} : memref<35328xf32, #tpu.memory_space<vmem>>, vector<16xf32>,
        %get3A_694 = vector.shape_cast %get3A_693 : vector<16xf32> to vector<16xf32>
        %sub3A_695 = arith.subf %get3A_687, %get3A_694 : vector<16xf32>
        %abs3A_696 = math.absf %sub3A_695 : vector<16xf32>
        %lt3A_697 = arith.constant 1.000000e+00 : f32
        %lt3A_698 = vector.broadcast %lt3A_697 : f32 to vector<16xf32>
        %lt3A_699 = arith.cmpf olt, %abs3A_696, %lt3A_698 : vector<16xf32>
        %mul3A_700 = arith.constant 5.000000e-01 : f32
        %mul3A_701 = vector.broadcast %mul3A_700 : f32 to vector<16xf32>
        %mul3A_702 = arith.mulf %mul3A_701, %sub3A_695 : vector<16xf32>
        %mul3A_703 = arith.mulf %mul3A_702, %sub3A_695 : vector<16xf32>
        %sub3A_704 = arith.constant 5.000000e-01 : f32
        %sub3A_705 = vector.broadcast %sub3A_704 : f32 to vector<16xf32>
        %sub3A_706 = arith.subf %abs3A_696, %sub3A_705 : vector<16xf32>
        %select_n3A_707 = arith.select %lt3A_699, %mul3A_703, %sub3A_706 : vector<16xi1>, vector<16xf32>
        %jit3A_708 = arith.constant 0.000000e+00 : f32
        %broadcast_in_dim3A_709 = vector.broadcast %jit3A_708 : f32 to vector<16xf32>
        %select_n3A_710 = arith.select %gt3A_587, %select_n3A_707, %broadcast_in_dim3A_709 : vector<16xi1>, vector<16xf32>
        %add3A_711 = arith.addf %add3A_680, %select_n3A_710 : vector<16xf32>
        %mul3A_712 = arith.constant 8 : i32
        %mul3A_713 = arith.muli %scan3A_172, %mul3A_712 : i32
        %add3A_714 = arith.constant 4 : i32
        %add3A_715 = arith.addi %mul3A_713, %add3A_714 : i32
        %mul3A_716 = arith.constant 16 : i32
        %mul3A_717 = arith.muli %add3A_715, %mul3A_716 : i32
        %get3A_718 = arith.index_cast %mul3A_717 : i32 to index
        %get3A_719 = tpu.vector_load %arg8[%get3A_718] {strides = array<i32>} : memref<8832xi32, #tpu.memory_space<vmem>>, vector<16xi32>,
        %get3A_720 = vector.shape_cast %get3A_719 : vector<16xi32> to vector<16xi32>
        %gt3A_721 = arith.constant 0 : i32
        %gt3A_722 = vector.broadcast %gt3A_721 : i32 to vector<16xi32>
        %gt3A_723 = arith.cmpi sgt, %get3A_720, %gt3A_722 : vector<16xi32>
        %mul3A_724 = arith.constant 16 : i32
        %mul3A_725 = arith.muli %add3A_715, %mul3A_724 : i32
        %add3A_726 = arith.constant 0 : i32
        %add3A_727 = arith.addi %add3A_726, %mul3A_725 : i32
        %get3A_728 = arith.index_cast %add3A_727 : i32 to index
        %get3A_729 = tpu.vector_load %arg6[%get3A_728] {strides = array<i32>} : memref<35328xf32, #tpu.memory_space<vmem>>, vector<16xf32>,
        %get3A_730 = vector.shape_cast %get3A_729 : vector<16xf32> to vector<16xf32>
        %mul3A_731 = arith.constant 16 : i32
        %mul3A_732 = arith.muli %add3A_715, %mul3A_731 : i32
        %add3A_733 = arith.constant 0 : i32
        %add3A_734 = arith.addi %add3A_733, %mul3A_732 : i32
        %get3A_735 = arith.index_cast %add3A_734 : i32 to index
        %get3A_736 = tpu.vector_load %arg7[%get3A_735] {strides = array<i32>} : memref<35328xf32, #tpu.memory_space<vmem>>, vector<16xf32>,
        %get3A_737 = vector.shape_cast %get3A_736 : vector<16xf32> to vector<16xf32>
        %sub3A_738 = arith.subf %get3A_730, %get3A_737 : vector<16xf32>
        %abs3A_739 = math.absf %sub3A_738 : vector<16xf32>
        %lt3A_740 = arith.constant 1.000000e+00 : f32
        %lt3A_741 = vector.broadcast %lt3A_740 : f32 to vector<16xf32>
        %lt3A_742 = arith.cmpf olt, %abs3A_739, %lt3A_741 : vector<16xf32>
        %mul3A_743 = arith.constant 5.000000e-01 : f32
        %mul3A_744 = vector.broadcast %mul3A_743 : f32 to vector<16xf32>
        %mul3A_745 = arith.mulf %mul3A_744, %sub3A_738 : vector<16xf32>
        %mul3A_746 = arith.mulf %mul3A_745, %sub3A_738 : vector<16xf32>
        %sub3A_747 = arith.constant 5.000000e-01 : f32
        %sub3A_748 = vector.broadcast %sub3A_747 : f32 to vector<16xf32>
        %sub3A_749 = arith.subf %abs3A_739, %sub3A_748 : vector<16xf32>
        %select_n3A_750 = arith.select %lt3A_742, %mul3A_746, %sub3A_749 : vector<16xi1>, vector<16xf32>
        %jit3A_751 = arith.constant 0.000000e+00 : f32
        %broadcast_in_dim3A_752 = vector.broadcast %jit3A_751 : f32 to vector<16xf32>
        %select_n3A_753 = arith.select %gt3A_723, %select_n3A_750, %broadcast_in_dim3A_752 : vector<16xi1>, vector<16xf32>
        %add3A_754 = arith.addf %add3A_711, %select_n3A_753 : vector<16xf32>
        %mul3A_755 = arith.constant 16 : i32
        %mul3A_756 = arith.muli %add3A_715, %mul3A_755 : i32
        %add3A_757 = arith.constant 8832 : i32
        %add3A_758 = arith.addi %add3A_757, %mul3A_756 : i32
        %get3A_759 = arith.index_cast %add3A_758 : i32 to index
        %get3A_760 = tpu.vector_load %arg6[%get3A_759] {strides = array<i32>} : memref<35328xf32, #tpu.memory_space<vmem>>, vector<16xf32>,
        %get3A_761 = vector.shape_cast %get3A_760 : vector<16xf32> to vector<16xf32>
        %mul3A_762 = arith.constant 16 : i32
        %mul3A_763 = arith.muli %add3A_715, %mul3A_762 : i32
        %add3A_764 = arith.constant 8832 : i32
        %add3A_765 = arith.addi %add3A_764, %mul3A_763 : i32
        %get3A_766 = arith.index_cast %add3A_765 : i32 to index
        %get3A_767 = tpu.vector_load %arg7[%get3A_766] {strides = array<i32>} : memref<35328xf32, #tpu.memory_space<vmem>>, vector<16xf32>,
        %get3A_768 = vector.shape_cast %get3A_767 : vector<16xf32> to vector<16xf32>
        %sub3A_769 = arith.subf %get3A_761, %get3A_768 : vector<16xf32>
        %abs3A_770 = math.absf %sub3A_769 : vector<16xf32>
        %lt3A_771 = arith.constant 1.000000e+00 : f32
        %lt3A_772 = vector.broadcast %lt3A_771 : f32 to vector<16xf32>
        %lt3A_773 = arith.cmpf olt, %abs3A_770, %lt3A_772 : vector<16xf32>
        %mul3A_774 = arith.constant 5.000000e-01 : f32
        %mul3A_775 = vector.broadcast %mul3A_774 : f32 to vector<16xf32>
        %mul3A_776 = arith.mulf %mul3A_775, %sub3A_769 : vector<16xf32>
        %mul3A_777 = arith.mulf %mul3A_776, %sub3A_769 : vector<16xf32>
        %sub3A_778 = arith.constant 5.000000e-01 : f32
        %sub3A_779 = vector.broadcast %sub3A_778 : f32 to vector<16xf32>
        %sub3A_780 = arith.subf %abs3A_770, %sub3A_779 : vector<16xf32>
        %select_n3A_781 = arith.select %lt3A_773, %mul3A_777, %sub3A_780 : vector<16xi1>, vector<16xf32>
        %jit3A_782 = arith.constant 0.000000e+00 : f32
        %broadcast_in_dim3A_783 = vector.broadcast %jit3A_782 : f32 to vector<16xf32>
        %select_n3A_784 = arith.select %gt3A_723, %select_n3A_781, %broadcast_in_dim3A_783 : vector<16xi1>, vector<16xf32>
        %add3A_785 = arith.addf %add3A_754, %select_n3A_784 : vector<16xf32>
        %mul3A_786 = arith.constant 16 : i32
        %mul3A_787 = arith.muli %add3A_715, %mul3A_786 : i32
        %add3A_788 = arith.constant 17664 : i32
        %add3A_789 = arith.addi %add3A_788, %mul3A_787 : i32
        %get3A_790 = arith.index_cast %add3A_789 : i32 to index
        %get3A_791 = tpu.vector_load %arg6[%get3A_790] {strides = array<i32>} : memref<35328xf32, #tpu.memory_space<vmem>>, vector<16xf32>,
        %get3A_792 = vector.shape_cast %get3A_791 : vector<16xf32> to vector<16xf32>
        %mul3A_793 = arith.constant 16 : i32
        %mul3A_794 = arith.muli %add3A_715, %mul3A_793 : i32
        %add3A_795 = arith.constant 17664 : i32
        %add3A_796 = arith.addi %add3A_795, %mul3A_794 : i32
        %get3A_797 = arith.index_cast %add3A_796 : i32 to index
        %get3A_798 = tpu.vector_load %arg7[%get3A_797] {strides = array<i32>} : memref<35328xf32, #tpu.memory_space<vmem>>, vector<16xf32>,
        %get3A_799 = vector.shape_cast %get3A_798 : vector<16xf32> to vector<16xf32>
        %sub3A_800 = arith.subf %get3A_792, %get3A_799 : vector<16xf32>
        %abs3A_801 = math.absf %sub3A_800 : vector<16xf32>
        %lt3A_802 = arith.constant 1.000000e+00 : f32
        %lt3A_803 = vector.broadcast %lt3A_802 : f32 to vector<16xf32>
        %lt3A_804 = arith.cmpf olt, %abs3A_801, %lt3A_803 : vector<16xf32>
        %mul3A_805 = arith.constant 5.000000e-01 : f32
        %mul3A_806 = vector.broadcast %mul3A_805 : f32 to vector<16xf32>
        %mul3A_807 = arith.mulf %mul3A_806, %sub3A_800 : vector<16xf32>
        %mul3A_808 = arith.mulf %mul3A_807, %sub3A_800 : vector<16xf32>
        %sub3A_809 = arith.constant 5.000000e-01 : f32
        %sub3A_810 = vector.broadcast %sub3A_809 : f32 to vector<16xf32>
        %sub3A_811 = arith.subf %abs3A_801, %sub3A_810 : vector<16xf32>
        %select_n3A_812 = arith.select %lt3A_804, %mul3A_808, %sub3A_811 : vector<16xi1>, vector<16xf32>
        %jit3A_813 = arith.constant 0.000000e+00 : f32
        %broadcast_in_dim3A_814 = vector.broadcast %jit3A_813 : f32 to vector<16xf32>
        %select_n3A_815 = arith.select %gt3A_723, %select_n3A_812, %broadcast_in_dim3A_814 : vector<16xi1>, vector<16xf32>
        %add3A_816 = arith.addf %add3A_785, %select_n3A_815 : vector<16xf32>
        %mul3A_817 = arith.constant 16 : i32
        %mul3A_818 = arith.muli %add3A_715, %mul3A_817 : i32
        %add3A_819 = arith.constant 26496 : i32
        %add3A_820 = arith.addi %add3A_819, %mul3A_818 : i32
        %get3A_821 = arith.index_cast %add3A_820 : i32 to index
        %get3A_822 = tpu.vector_load %arg6[%get3A_821] {strides = array<i32>} : memref<35328xf32, #tpu.memory_space<vmem>>, vector<16xf32>,
        %get3A_823 = vector.shape_cast %get3A_822 : vector<16xf32> to vector<16xf32>
        %mul3A_824 = arith.constant 16 : i32
        %mul3A_825 = arith.muli %add3A_715, %mul3A_824 : i32
        %add3A_826 = arith.constant 26496 : i32
        %add3A_827 = arith.addi %add3A_826, %mul3A_825 : i32
        %get3A_828 = arith.index_cast %add3A_827 : i32 to index
        %get3A_829 = tpu.vector_load %arg7[%get3A_828] {strides = array<i32>} : memref<35328xf32, #tpu.memory_space<vmem>>, vector<16xf32>,
        %get3A_830 = vector.shape_cast %get3A_829 : vector<16xf32> to vector<16xf32>
        %sub3A_831 = arith.subf %get3A_823, %get3A_830 : vector<16xf32>
        %abs3A_832 = math.absf %sub3A_831 : vector<16xf32>
        %lt3A_833 = arith.constant 1.000000e+00 : f32
        %lt3A_834 = vector.broadcast %lt3A_833 : f32 to vector<16xf32>
        %lt3A_835 = arith.cmpf olt, %abs3A_832, %lt3A_834 : vector<16xf32>
        %mul3A_836 = arith.constant 5.000000e-01 : f32
        %mul3A_837 = vector.broadcast %mul3A_836 : f32 to vector<16xf32>
        %mul3A_838 = arith.mulf %mul3A_837, %sub3A_831 : vector<16xf32>
        %mul3A_839 = arith.mulf %mul3A_838, %sub3A_831 : vector<16xf32>
        %sub3A_840 = arith.constant 5.000000e-01 : f32
        %sub3A_841 = vector.broadcast %sub3A_840 : f32 to vector<16xf32>
        %sub3A_842 = arith.subf %abs3A_832, %sub3A_841 : vector<16xf32>
        %select_n3A_843 = arith.select %lt3A_835, %mul3A_839, %sub3A_842 : vector<16xi1>, vector<16xf32>
        %jit3A_844 = arith.constant 0.000000e+00 : f32
        %broadcast_in_dim3A_845 = vector.broadcast %jit3A_844 : f32 to vector<16xf32>
        %select_n3A_846 = arith.select %gt3A_723, %select_n3A_843, %broadcast_in_dim3A_845 : vector<16xi1>, vector<16xf32>
        %add3A_847 = arith.addf %add3A_816, %select_n3A_846 : vector<16xf32>
        %mul3A_848 = arith.constant 8 : i32
        %mul3A_849 = arith.muli %scan3A_172, %mul3A_848 : i32
        %add3A_850 = arith.constant 5 : i32
        %add3A_851 = arith.addi %mul3A_849, %add3A_850 : i32
        %mul3A_852 = arith.constant 16 : i32
        %mul3A_853 = arith.muli %add3A_851, %mul3A_852 : i32
        %get3A_854 = arith.index_cast %mul3A_853 : i32 to index
        %get3A_855 = tpu.vector_load %arg8[%get3A_854] {strides = array<i32>} : memref<8832xi32, #tpu.memory_space<vmem>>, vector<16xi32>,
        %get3A_856 = vector.shape_cast %get3A_855 : vector<16xi32> to vector<16xi32>
        %gt3A_857 = arith.constant 0 : i32
        %gt3A_858 = vector.broadcast %gt3A_857 : i32 to vector<16xi32>
        %gt3A_859 = arith.cmpi sgt, %get3A_856, %gt3A_858 : vector<16xi32>
        %mul3A_860 = arith.constant 16 : i32
        %mul3A_861 = arith.muli %add3A_851, %mul3A_860 : i32
        %add3A_862 = arith.constant 0 : i32
        %add3A_863 = arith.addi %add3A_862, %mul3A_861 : i32
        %get3A_864 = arith.index_cast %add3A_863 : i32 to index
        %get3A_865 = tpu.vector_load %arg6[%get3A_864] {strides = array<i32>} : memref<35328xf32, #tpu.memory_space<vmem>>, vector<16xf32>,
        %get3A_866 = vector.shape_cast %get3A_865 : vector<16xf32> to vector<16xf32>
        %mul3A_867 = arith.constant 16 : i32
        %mul3A_868 = arith.muli %add3A_851, %mul3A_867 : i32
        %add3A_869 = arith.constant 0 : i32
        %add3A_870 = arith.addi %add3A_869, %mul3A_868 : i32
        %get3A_871 = arith.index_cast %add3A_870 : i32 to index
        %get3A_872 = tpu.vector_load %arg7[%get3A_871] {strides = array<i32>} : memref<35328xf32, #tpu.memory_space<vmem>>, vector<16xf32>,
        %get3A_873 = vector.shape_cast %get3A_872 : vector<16xf32> to vector<16xf32>
        %sub3A_874 = arith.subf %get3A_866, %get3A_873 : vector<16xf32>
        %abs3A_875 = math.absf %sub3A_874 : vector<16xf32>
        %lt3A_876 = arith.constant 1.000000e+00 : f32
        %lt3A_877 = vector.broadcast %lt3A_876 : f32 to vector<16xf32>
        %lt3A_878 = arith.cmpf olt, %abs3A_875, %lt3A_877 : vector<16xf32>
        %mul3A_879 = arith.constant 5.000000e-01 : f32
        %mul3A_880 = vector.broadcast %mul3A_879 : f32 to vector<16xf32>
        %mul3A_881 = arith.mulf %mul3A_880, %sub3A_874 : vector<16xf32>
        %mul3A_882 = arith.mulf %mul3A_881, %sub3A_874 : vector<16xf32>
        %sub3A_883 = arith.constant 5.000000e-01 : f32
        %sub3A_884 = vector.broadcast %sub3A_883 : f32 to vector<16xf32>
        %sub3A_885 = arith.subf %abs3A_875, %sub3A_884 : vector<16xf32>
        %select_n3A_886 = arith.select %lt3A_878, %mul3A_882, %sub3A_885 : vector<16xi1>, vector<16xf32>
        %jit3A_887 = arith.constant 0.000000e+00 : f32
        %broadcast_in_dim3A_888 = vector.broadcast %jit3A_887 : f32 to vector<16xf32>
        %select_n3A_889 = arith.select %gt3A_859, %select_n3A_886, %broadcast_in_dim3A_888 : vector<16xi1>, vector<16xf32>
        %add3A_890 = arith.addf %add3A_847, %select_n3A_889 : vector<16xf32>
        %mul3A_891 = arith.constant 16 : i32
        %mul3A_892 = arith.muli %add3A_851, %mul3A_891 : i32
        %add3A_893 = arith.constant 8832 : i32
        %add3A_894 = arith.addi %add3A_893, %mul3A_892 : i32
        %get3A_895 = arith.index_cast %add3A_894 : i32 to index
        %get3A_896 = tpu.vector_load %arg6[%get3A_895] {strides = array<i32>} : memref<35328xf32, #tpu.memory_space<vmem>>, vector<16xf32>,
        %get3A_897 = vector.shape_cast %get3A_896 : vector<16xf32> to vector<16xf32>
        %mul3A_898 = arith.constant 16 : i32
        %mul3A_899 = arith.muli %add3A_851, %mul3A_898 : i32
        %add3A_900 = arith.constant 8832 : i32
        %add3A_901 = arith.addi %add3A_900, %mul3A_899 : i32
        %get3A_902 = arith.index_cast %add3A_901 : i32 to index
        %get3A_903 = tpu.vector_load %arg7[%get3A_902] {strides = array<i32>} : memref<35328xf32, #tpu.memory_space<vmem>>, vector<16xf32>,
        %get3A_904 = vector.shape_cast %get3A_903 : vector<16xf32> to vector<16xf32>
        %sub3A_905 = arith.subf %get3A_897, %get3A_904 : vector<16xf32>
        %abs3A_906 = math.absf %sub3A_905 : vector<16xf32>
        %lt3A_907 = arith.constant 1.000000e+00 : f32
        %lt3A_908 = vector.broadcast %lt3A_907 : f32 to vector<16xf32>
        %lt3A_909 = arith.cmpf olt, %abs3A_906, %lt3A_908 : vector<16xf32>
        %mul3A_910 = arith.constant 5.000000e-01 : f32
        %mul3A_911 = vector.broadcast %mul3A_910 : f32 to vector<16xf32>
        %mul3A_912 = arith.mulf %mul3A_911, %sub3A_905 : vector<16xf32>
        %mul3A_913 = arith.mulf %mul3A_912, %sub3A_905 : vector<16xf32>
        %sub3A_914 = arith.constant 5.000000e-01 : f32
        %sub3A_915 = vector.broadcast %sub3A_914 : f32 to vector<16xf32>
        %sub3A_916 = arith.subf %abs3A_906, %sub3A_915 : vector<16xf32>
        %select_n3A_917 = arith.select %lt3A_909, %mul3A_913, %sub3A_916 : vector<16xi1>, vector<16xf32>
        %jit3A_918 = arith.constant 0.000000e+00 : f32
        %broadcast_in_dim3A_919 = vector.broadcast %jit3A_918 : f32 to vector<16xf32>
        %select_n3A_920 = arith.select %gt3A_859, %select_n3A_917, %broadcast_in_dim3A_919 : vector<16xi1>, vector<16xf32>
        %add3A_921 = arith.addf %add3A_890, %select_n3A_920 : vector<16xf32>
        %mul3A_922 = arith.constant 16 : i32
        %mul3A_923 = arith.muli %add3A_851, %mul3A_922 : i32
        %add3A_924 = arith.constant 17664 : i32
        %add3A_925 = arith.addi %add3A_924, %mul3A_923 : i32
        %get3A_926 = arith.index_cast %add3A_925 : i32 to index
        %get3A_927 = tpu.vector_load %arg6[%get3A_926] {strides = array<i32>} : memref<35328xf32, #tpu.memory_space<vmem>>, vector<16xf32>,
        %get3A_928 = vector.shape_cast %get3A_927 : vector<16xf32> to vector<16xf32>
        %mul3A_929 = arith.constant 16 : i32
        %mul3A_930 = arith.muli %add3A_851, %mul3A_929 : i32
        %add3A_931 = arith.constant 17664 : i32
        %add3A_932 = arith.addi %add3A_931, %mul3A_930 : i32
        %get3A_933 = arith.index_cast %add3A_932 : i32 to index
        %get3A_934 = tpu.vector_load %arg7[%get3A_933] {strides = array<i32>} : memref<35328xf32, #tpu.memory_space<vmem>>, vector<16xf32>,
        %get3A_935 = vector.shape_cast %get3A_934 : vector<16xf32> to vector<16xf32>
        %sub3A_936 = arith.subf %get3A_928, %get3A_935 : vector<16xf32>
        %abs3A_937 = math.absf %sub3A_936 : vector<16xf32>
        %lt3A_938 = arith.constant 1.000000e+00 : f32
        %lt3A_939 = vector.broadcast %lt3A_938 : f32 to vector<16xf32>
        %lt3A_940 = arith.cmpf olt, %abs3A_937, %lt3A_939 : vector<16xf32>
        %mul3A_941 = arith.constant 5.000000e-01 : f32
        %mul3A_942 = vector.broadcast %mul3A_941 : f32 to vector<16xf32>
        %mul3A_943 = arith.mulf %mul3A_942, %sub3A_936 : vector<16xf32>
        %mul3A_944 = arith.mulf %mul3A_943, %sub3A_936 : vector<16xf32>
        %sub3A_945 = arith.constant 5.000000e-01 : f32
        %sub3A_946 = vector.broadcast %sub3A_945 : f32 to vector<16xf32>
        %sub3A_947 = arith.subf %abs3A_937, %sub3A_946 : vector<16xf32>
        %select_n3A_948 = arith.select %lt3A_940, %mul3A_944, %sub3A_947 : vector<16xi1>, vector<16xf32>
        %jit3A_949 = arith.constant 0.000000e+00 : f32
        %broadcast_in_dim3A_950 = vector.broadcast %jit3A_949 : f32 to vector<16xf32>
        %select_n3A_951 = arith.select %gt3A_859, %select_n3A_948, %broadcast_in_dim3A_950 : vector<16xi1>, vector<16xf32>
        %add3A_952 = arith.addf %add3A_921, %select_n3A_951 : vector<16xf32>
        %mul3A_953 = arith.constant 16 : i32
        %mul3A_954 = arith.muli %add3A_851, %mul3A_953 : i32
        %add3A_955 = arith.constant 26496 : i32
        %add3A_956 = arith.addi %add3A_955, %mul3A_954 : i32
        %get3A_957 = arith.index_cast %add3A_956 : i32 to index
        %get3A_958 = tpu.vector_load %arg6[%get3A_957] {strides = array<i32>} : memref<35328xf32, #tpu.memory_space<vmem>>, vector<16xf32>,
        %get3A_959 = vector.shape_cast %get3A_958 : vector<16xf32> to vector<16xf32>
        %mul3A_960 = arith.constant 16 : i32
        %mul3A_961 = arith.muli %add3A_851, %mul3A_960 : i32
        %add3A_962 = arith.constant 26496 : i32
        %add3A_963 = arith.addi %add3A_962, %mul3A_961 : i32
        %get3A_964 = arith.index_cast %add3A_963 : i32 to index
        %get3A_965 = tpu.vector_load %arg7[%get3A_964] {strides = array<i32>} : memref<35328xf32, #tpu.memory_space<vmem>>, vector<16xf32>,
        %get3A_966 = vector.shape_cast %get3A_965 : vector<16xf32> to vector<16xf32>
        %sub3A_967 = arith.subf %get3A_959, %get3A_966 : vector<16xf32>
        %abs3A_968 = math.absf %sub3A_967 : vector<16xf32>
        %lt3A_969 = arith.constant 1.000000e+00 : f32
        %lt3A_970 = vector.broadcast %lt3A_969 : f32 to vector<16xf32>
        %lt3A_971 = arith.cmpf olt, %abs3A_968, %lt3A_970 : vector<16xf32>
        %mul3A_972 = arith.constant 5.000000e-01 : f32
        %mul3A_973 = vector.broadcast %mul3A_972 : f32 to vector<16xf32>
        %mul3A_974 = arith.mulf %mul3A_973, %sub3A_967 : vector<16xf32>
        %mul3A_975 = arith.mulf %mul3A_974, %sub3A_967 : vector<16xf32>
        %sub3A_976 = arith.constant 5.000000e-01 : f32
        %sub3A_977 = vector.broadcast %sub3A_976 : f32 to vector<16xf32>
        %sub3A_978 = arith.subf %abs3A_968, %sub3A_977 : vector<16xf32>
        %select_n3A_979 = arith.select %lt3A_971, %mul3A_975, %sub3A_978 : vector<16xi1>, vector<16xf32>
        %jit3A_980 = arith.constant 0.000000e+00 : f32
        %broadcast_in_dim3A_981 = vector.broadcast %jit3A_980 : f32 to vector<16xf32>
        %select_n3A_982 = arith.select %gt3A_859, %select_n3A_979, %broadcast_in_dim3A_981 : vector<16xi1>, vector<16xf32>
        %add3A_983 = arith.addf %add3A_952, %select_n3A_982 : vector<16xf32>
        %mul3A_984 = arith.constant 8 : i32
        %mul3A_985 = arith.muli %scan3A_172, %mul3A_984 : i32
        %add3A_986 = arith.constant 6 : i32
        %add3A_987 = arith.addi %mul3A_985, %add3A_986 : i32
        %mul3A_988 = arith.constant 16 : i32
        %mul3A_989 = arith.muli %add3A_987, %mul3A_988 : i32
        %get3A_990 = arith.index_cast %mul3A_989 : i32 to index
        %get3A_991 = tpu.vector_load %arg8[%get3A_990] {strides = array<i32>} : memref<8832xi32, #tpu.memory_space<vmem>>, vector<16xi32>,
        %get3A_992 = vector.shape_cast %get3A_991 : vector<16xi32> to vector<16xi32>
        %gt3A_993 = arith.constant 0 : i32
        %gt3A_994 = vector.broadcast %gt3A_993 : i32 to vector<16xi32>
        %gt3A_995 = arith.cmpi sgt, %get3A_992, %gt3A_994 : vector<16xi32>
        %mul3A_996 = arith.constant 16 : i32
        %mul3A_997 = arith.muli %add3A_987, %mul3A_996 : i32
        %add3A_998 = arith.constant 0 : i32
        %add3A_999 = arith.addi %add3A_998, %mul3A_997 : i32
        %get3A_1000 = arith.index_cast %add3A_999 : i32 to index
        %get3A_1001 = tpu.vector_load %arg6[%get3A_1000] {strides = array<i32>} : memref<35328xf32, #tpu.memory_space<vmem>>, vector<16xf32>,
        %get3A_1002 = vector.shape_cast %get3A_1001 : vector<16xf32> to vector<16xf32>
        %mul3A_1003 = arith.constant 16 : i32
        %mul3A_1004 = arith.muli %add3A_987, %mul3A_1003 : i32
        %add3A_1005 = arith.constant 0 : i32
        %add3A_1006 = arith.addi %add3A_1005, %mul3A_1004 : i32
        %get3A_1007 = arith.index_cast %add3A_1006 : i32 to index
        %get3A_1008 = tpu.vector_load %arg7[%get3A_1007] {strides = array<i32>} : memref<35328xf32, #tpu.memory_space<vmem>>, vector<16xf32>,
        %get3A_1009 = vector.shape_cast %get3A_1008 : vector<16xf32> to vector<16xf32>
        %sub3A_1010 = arith.subf %get3A_1002, %get3A_1009 : vector<16xf32>
        %abs3A_1011 = math.absf %sub3A_1010 : vector<16xf32>
        %lt3A_1012 = arith.constant 1.000000e+00 : f32
        %lt3A_1013 = vector.broadcast %lt3A_1012 : f32 to vector<16xf32>
        %lt3A_1014 = arith.cmpf olt, %abs3A_1011, %lt3A_1013 : vector<16xf32>
        %mul3A_1015 = arith.constant 5.000000e-01 : f32
        %mul3A_1016 = vector.broadcast %mul3A_1015 : f32 to vector<16xf32>
        %mul3A_1017 = arith.mulf %mul3A_1016, %sub3A_1010 : vector<16xf32>
        %mul3A_1018 = arith.mulf %mul3A_1017, %sub3A_1010 : vector<16xf32>
        %sub3A_1019 = arith.constant 5.000000e-01 : f32
        %sub3A_1020 = vector.broadcast %sub3A_1019 : f32 to vector<16xf32>
        %sub3A_1021 = arith.subf %abs3A_1011, %sub3A_1020 : vector<16xf32>
        %select_n3A_1022 = arith.select %lt3A_1014, %mul3A_1018, %sub3A_1021 : vector<16xi1>, vector<16xf32>
        %jit3A_1023 = arith.constant 0.000000e+00 : f32
        %broadcast_in_dim3A_1024 = vector.broadcast %jit3A_1023 : f32 to vector<16xf32>
        %select_n3A_1025 = arith.select %gt3A_995, %select_n3A_1022, %broadcast_in_dim3A_1024 : vector<16xi1>, vector<16xf32>
        %add3A_1026 = arith.addf %add3A_983, %select_n3A_1025 : vector<16xf32>
        %mul3A_1027 = arith.constant 16 : i32
        %mul3A_1028 = arith.muli %add3A_987, %mul3A_1027 : i32
        %add3A_1029 = arith.constant 8832 : i32
        %add3A_1030 = arith.addi %add3A_1029, %mul3A_1028 : i32
        %get3A_1031 = arith.index_cast %add3A_1030 : i32 to index
        %get3A_1032 = tpu.vector_load %arg6[%get3A_1031] {strides = array<i32>} : memref<35328xf32, #tpu.memory_space<vmem>>, vector<16xf32>,
        %get3A_1033 = vector.shape_cast %get3A_1032 : vector<16xf32> to vector<16xf32>
        %mul3A_1034 = arith.constant 16 : i32
        %mul3A_1035 = arith.muli %add3A_987, %mul3A_1034 : i32
        %add3A_1036 = arith.constant 8832 : i32
        %add3A_1037 = arith.addi %add3A_1036, %mul3A_1035 : i32
        %get3A_1038 = arith.index_cast %add3A_1037 : i32 to index
        %get3A_1039 = tpu.vector_load %arg7[%get3A_1038] {strides = array<i32>} : memref<35328xf32, #tpu.memory_space<vmem>>, vector<16xf32>,
        %get3A_1040 = vector.shape_cast %get3A_1039 : vector<16xf32> to vector<16xf32>
        %sub3A_1041 = arith.subf %get3A_1033, %get3A_1040 : vector<16xf32>
        %abs3A_1042 = math.absf %sub3A_1041 : vector<16xf32>
        %lt3A_1043 = arith.constant 1.000000e+00 : f32
        %lt3A_1044 = vector.broadcast %lt3A_1043 : f32 to vector<16xf32>
        %lt3A_1045 = arith.cmpf olt, %abs3A_1042, %lt3A_1044 : vector<16xf32>
        %mul3A_1046 = arith.constant 5.000000e-01 : f32
        %mul3A_1047 = vector.broadcast %mul3A_1046 : f32 to vector<16xf32>
        %mul3A_1048 = arith.mulf %mul3A_1047, %sub3A_1041 : vector<16xf32>
        %mul3A_1049 = arith.mulf %mul3A_1048, %sub3A_1041 : vector<16xf32>
        %sub3A_1050 = arith.constant 5.000000e-01 : f32
        %sub3A_1051 = vector.broadcast %sub3A_1050 : f32 to vector<16xf32>
        %sub3A_1052 = arith.subf %abs3A_1042, %sub3A_1051 : vector<16xf32>
        %select_n3A_1053 = arith.select %lt3A_1045, %mul3A_1049, %sub3A_1052 : vector<16xi1>, vector<16xf32>
        %jit3A_1054 = arith.constant 0.000000e+00 : f32
        %broadcast_in_dim3A_1055 = vector.broadcast %jit3A_1054 : f32 to vector<16xf32>
        %select_n3A_1056 = arith.select %gt3A_995, %select_n3A_1053, %broadcast_in_dim3A_1055 : vector<16xi1>, vector<16xf32>
        %add3A_1057 = arith.addf %add3A_1026, %select_n3A_1056 : vector<16xf32>
        %mul3A_1058 = arith.constant 16 : i32
        %mul3A_1059 = arith.muli %add3A_987, %mul3A_1058 : i32
        %add3A_1060 = arith.constant 17664 : i32
        %add3A_1061 = arith.addi %add3A_1060, %mul3A_1059 : i32
        %get3A_1062 = arith.index_cast %add3A_1061 : i32 to index
        %get3A_1063 = tpu.vector_load %arg6[%get3A_1062] {strides = array<i32>} : memref<35328xf32, #tpu.memory_space<vmem>>, vector<16xf32>,
        %get3A_1064 = vector.shape_cast %get3A_1063 : vector<16xf32> to vector<16xf32>
        %mul3A_1065 = arith.constant 16 : i32
        %mul3A_1066 = arith.muli %add3A_987, %mul3A_1065 : i32
        %add3A_1067 = arith.constant 17664 : i32
        %add3A_1068 = arith.addi %add3A_1067, %mul3A_1066 : i32
        %get3A_1069 = arith.index_cast %add3A_1068 : i32 to index
        %get3A_1070 = tpu.vector_load %arg7[%get3A_1069] {strides = array<i32>} : memref<35328xf32, #tpu.memory_space<vmem>>, vector<16xf32>,
        %get3A_1071 = vector.shape_cast %get3A_1070 : vector<16xf32> to vector<16xf32>
        %sub3A_1072 = arith.subf %get3A_1064, %get3A_1071 : vector<16xf32>
        %abs3A_1073 = math.absf %sub3A_1072 : vector<16xf32>
        %lt3A_1074 = arith.constant 1.000000e+00 : f32
        %lt3A_1075 = vector.broadcast %lt3A_1074 : f32 to vector<16xf32>
        %lt3A_1076 = arith.cmpf olt, %abs3A_1073, %lt3A_1075 : vector<16xf32>
        %mul3A_1077 = arith.constant 5.000000e-01 : f32
        %mul3A_1078 = vector.broadcast %mul3A_1077 : f32 to vector<16xf32>
        %mul3A_1079 = arith.mulf %mul3A_1078, %sub3A_1072 : vector<16xf32>
        %mul3A_1080 = arith.mulf %mul3A_1079, %sub3A_1072 : vector<16xf32>
        %sub3A_1081 = arith.constant 5.000000e-01 : f32
        %sub3A_1082 = vector.broadcast %sub3A_1081 : f32 to vector<16xf32>
        %sub3A_1083 = arith.subf %abs3A_1073, %sub3A_1082 : vector<16xf32>
        %select_n3A_1084 = arith.select %lt3A_1076, %mul3A_1080, %sub3A_1083 : vector<16xi1>, vector<16xf32>
        %jit3A_1085 = arith.constant 0.000000e+00 : f32
        %broadcast_in_dim3A_1086 = vector.broadcast %jit3A_1085 : f32 to vector<16xf32>
        %select_n3A_1087 = arith.select %gt3A_995, %select_n3A_1084, %broadcast_in_dim3A_1086 : vector<16xi1>, vector<16xf32>
        %add3A_1088 = arith.addf %add3A_1057, %select_n3A_1087 : vector<16xf32>
        %mul3A_1089 = arith.constant 16 : i32
        %mul3A_1090 = arith.muli %add3A_987, %mul3A_1089 : i32
        %add3A_1091 = arith.constant 26496 : i32
        %add3A_1092 = arith.addi %add3A_1091, %mul3A_1090 : i32
        %get3A_1093 = arith.index_cast %add3A_1092 : i32 to index
        %get3A_1094 = tpu.vector_load %arg6[%get3A_1093] {strides = array<i32>} : memref<35328xf32, #tpu.memory_space<vmem>>, vector<16xf32>,
        %get3A_1095 = vector.shape_cast %get3A_1094 : vector<16xf32> to vector<16xf32>
        %mul3A_1096 = arith.constant 16 : i32
        %mul3A_1097 = arith.muli %add3A_987, %mul3A_1096 : i32
        %add3A_1098 = arith.constant 26496 : i32
        %add3A_1099 = arith.addi %add3A_1098, %mul3A_1097 : i32
        %get3A_1100 = arith.index_cast %add3A_1099 : i32 to index
        %get3A_1101 = tpu.vector_load %arg7[%get3A_1100] {strides = array<i32>} : memref<35328xf32, #tpu.memory_space<vmem>>, vector<16xf32>,
        %get3A_1102 = vector.shape_cast %get3A_1101 : vector<16xf32> to vector<16xf32>
        %sub3A_1103 = arith.subf %get3A_1095, %get3A_1102 : vector<16xf32>
        %abs3A_1104 = math.absf %sub3A_1103 : vector<16xf32>
        %lt3A_1105 = arith.constant 1.000000e+00 : f32
        %lt3A_1106 = vector.broadcast %lt3A_1105 : f32 to vector<16xf32>
        %lt3A_1107 = arith.cmpf olt, %abs3A_1104, %lt3A_1106 : vector<16xf32>
        %mul3A_1108 = arith.constant 5.000000e-01 : f32
        %mul3A_1109 = vector.broadcast %mul3A_1108 : f32 to vector<16xf32>
        %mul3A_1110 = arith.mulf %mul3A_1109, %sub3A_1103 : vector<16xf32>
        %mul3A_1111 = arith.mulf %mul3A_1110, %sub3A_1103 : vector<16xf32>
        %sub3A_1112 = arith.constant 5.000000e-01 : f32
        %sub3A_1113 = vector.broadcast %sub3A_1112 : f32 to vector<16xf32>
        %sub3A_1114 = arith.subf %abs3A_1104, %sub3A_1113 : vector<16xf32>
        %select_n3A_1115 = arith.select %lt3A_1107, %mul3A_1111, %sub3A_1114 : vector<16xi1>, vector<16xf32>
        %jit3A_1116 = arith.constant 0.000000e+00 : f32
        %broadcast_in_dim3A_1117 = vector.broadcast %jit3A_1116 : f32 to vector<16xf32>
        %select_n3A_1118 = arith.select %gt3A_995, %select_n3A_1115, %broadcast_in_dim3A_1117 : vector<16xi1>, vector<16xf32>
        %add3A_1119 = arith.addf %add3A_1088, %select_n3A_1118 : vector<16xf32>
        %mul3A_1120 = arith.constant 8 : i32
        %mul3A_1121 = arith.muli %scan3A_172, %mul3A_1120 : i32
        %add3A_1122 = arith.constant 7 : i32
        %add3A_1123 = arith.addi %mul3A_1121, %add3A_1122 : i32
        %mul3A_1124 = arith.constant 16 : i32
        %mul3A_1125 = arith.muli %add3A_1123, %mul3A_1124 : i32
        %get3A_1126 = arith.index_cast %mul3A_1125 : i32 to index
        %get3A_1127 = tpu.vector_load %arg8[%get3A_1126] {strides = array<i32>} : memref<8832xi32, #tpu.memory_space<vmem>>, vector<16xi32>,
        %get3A_1128 = vector.shape_cast %get3A_1127 : vector<16xi32> to vector<16xi32>
        %gt3A_1129 = arith.constant 0 : i32
        %gt3A_1130 = vector.broadcast %gt3A_1129 : i32 to vector<16xi32>
        %gt3A_1131 = arith.cmpi sgt, %get3A_1128, %gt3A_1130 : vector<16xi32>
        %mul3A_1132 = arith.constant 16 : i32
        %mul3A_1133 = arith.muli %add3A_1123, %mul3A_1132 : i32
        %add3A_1134 = arith.constant 0 : i32
        %add3A_1135 = arith.addi %add3A_1134, %mul3A_1133 : i32
        %get3A_1136 = arith.index_cast %add3A_1135 : i32 to index
        %get3A_1137 = tpu.vector_load %arg6[%get3A_1136] {strides = array<i32>} : memref<35328xf32, #tpu.memory_space<vmem>>, vector<16xf32>,
        %get3A_1138 = vector.shape_cast %get3A_1137 : vector<16xf32> to vector<16xf32>
        %mul3A_1139 = arith.constant 16 : i32
        %mul3A_1140 = arith.muli %add3A_1123, %mul3A_1139 : i32
        %add3A_1141 = arith.constant 0 : i32
        %add3A_1142 = arith.addi %add3A_1141, %mul3A_1140 : i32
        %get3A_1143 = arith.index_cast %add3A_1142 : i32 to index
        %get3A_1144 = tpu.vector_load %arg7[%get3A_1143] {strides = array<i32>} : memref<35328xf32, #tpu.memory_space<vmem>>, vector<16xf32>,
        %get3A_1145 = vector.shape_cast %get3A_1144 : vector<16xf32> to vector<16xf32>
        %sub3A_1146 = arith.subf %get3A_1138, %get3A_1145 : vector<16xf32>
        %abs3A_1147 = math.absf %sub3A_1146 : vector<16xf32>
        %lt3A_1148 = arith.constant 1.000000e+00 : f32
        %lt3A_1149 = vector.broadcast %lt3A_1148 : f32 to vector<16xf32>
        %lt3A_1150 = arith.cmpf olt, %abs3A_1147, %lt3A_1149 : vector<16xf32>
        %mul3A_1151 = arith.constant 5.000000e-01 : f32
        %mul3A_1152 = vector.broadcast %mul3A_1151 : f32 to vector<16xf32>
        %mul3A_1153 = arith.mulf %mul3A_1152, %sub3A_1146 : vector<16xf32>
        %mul3A_1154 = arith.mulf %mul3A_1153, %sub3A_1146 : vector<16xf32>
        %sub3A_1155 = arith.constant 5.000000e-01 : f32
        %sub3A_1156 = vector.broadcast %sub3A_1155 : f32 to vector<16xf32>
        %sub3A_1157 = arith.subf %abs3A_1147, %sub3A_1156 : vector<16xf32>
        %select_n3A_1158 = arith.select %lt3A_1150, %mul3A_1154, %sub3A_1157 : vector<16xi1>, vector<16xf32>
        %jit3A_1159 = arith.constant 0.000000e+00 : f32
        %broadcast_in_dim3A_1160 = vector.broadcast %jit3A_1159 : f32 to vector<16xf32>
        %select_n3A_1161 = arith.select %gt3A_1131, %select_n3A_1158, %broadcast_in_dim3A_1160 : vector<16xi1>, vector<16xf32>
        %add3A_1162 = arith.addf %add3A_1119, %select_n3A_1161 : vector<16xf32>
        %mul3A_1163 = arith.constant 16 : i32
        %mul3A_1164 = arith.muli %add3A_1123, %mul3A_1163 : i32
        %add3A_1165 = arith.constant 8832 : i32
        %add3A_1166 = arith.addi %add3A_1165, %mul3A_1164 : i32
        %get3A_1167 = arith.index_cast %add3A_1166 : i32 to index
        %get3A_1168 = tpu.vector_load %arg6[%get3A_1167] {strides = array<i32>} : memref<35328xf32, #tpu.memory_space<vmem>>, vector<16xf32>,
        %get3A_1169 = vector.shape_cast %get3A_1168 : vector<16xf32> to vector<16xf32>
        %mul3A_1170 = arith.constant 16 : i32
        %mul3A_1171 = arith.muli %add3A_1123, %mul3A_1170 : i32
        %add3A_1172 = arith.constant 8832 : i32
        %add3A_1173 = arith.addi %add3A_1172, %mul3A_1171 : i32
        %get3A_1174 = arith.index_cast %add3A_1173 : i32 to index
        %get3A_1175 = tpu.vector_load %arg7[%get3A_1174] {strides = array<i32>} : memref<35328xf32, #tpu.memory_space<vmem>>, vector<16xf32>,
        %get3A_1176 = vector.shape_cast %get3A_1175 : vector<16xf32> to vector<16xf32>
        %sub3A_1177 = arith.subf %get3A_1169, %get3A_1176 : vector<16xf32>
        %abs3A_1178 = math.absf %sub3A_1177 : vector<16xf32>
        %lt3A_1179 = arith.constant 1.000000e+00 : f32
        %lt3A_1180 = vector.broadcast %lt3A_1179 : f32 to vector<16xf32>
        %lt3A_1181 = arith.cmpf olt, %abs3A_1178, %lt3A_1180 : vector<16xf32>
        %mul3A_1182 = arith.constant 5.000000e-01 : f32
        %mul3A_1183 = vector.broadcast %mul3A_1182 : f32 to vector<16xf32>
        %mul3A_1184 = arith.mulf %mul3A_1183, %sub3A_1177 : vector<16xf32>
        %mul3A_1185 = arith.mulf %mul3A_1184, %sub3A_1177 : vector<16xf32>
        %sub3A_1186 = arith.constant 5.000000e-01 : f32
        %sub3A_1187 = vector.broadcast %sub3A_1186 : f32 to vector<16xf32>
        %sub3A_1188 = arith.subf %abs3A_1178, %sub3A_1187 : vector<16xf32>
        %select_n3A_1189 = arith.select %lt3A_1181, %mul3A_1185, %sub3A_1188 : vector<16xi1>, vector<16xf32>
        %jit3A_1190 = arith.constant 0.000000e+00 : f32
        %broadcast_in_dim3A_1191 = vector.broadcast %jit3A_1190 : f32 to vector<16xf32>
        %select_n3A_1192 = arith.select %gt3A_1131, %select_n3A_1189, %broadcast_in_dim3A_1191 : vector<16xi1>, vector<16xf32>
        %add3A_1193 = arith.addf %add3A_1162, %select_n3A_1192 : vector<16xf32>
        %mul3A_1194 = arith.constant 16 : i32
        %mul3A_1195 = arith.muli %add3A_1123, %mul3A_1194 : i32
        %add3A_1196 = arith.constant 17664 : i32
        %add3A_1197 = arith.addi %add3A_1196, %mul3A_1195 : i32
        %get3A_1198 = arith.index_cast %add3A_1197 : i32 to index
        %get3A_1199 = tpu.vector_load %arg6[%get3A_1198] {strides = array<i32>} : memref<35328xf32, #tpu.memory_space<vmem>>, vector<16xf32>,
        %get3A_1200 = vector.shape_cast %get3A_1199 : vector<16xf32> to vector<16xf32>
        %mul3A_1201 = arith.constant 16 : i32
        %mul3A_1202 = arith.muli %add3A_1123, %mul3A_1201 : i32
        %add3A_1203 = arith.constant 17664 : i32
        %add3A_1204 = arith.addi %add3A_1203, %mul3A_1202 : i32
        %get3A_1205 = arith.index_cast %add3A_1204 : i32 to index
        %get3A_1206 = tpu.vector_load %arg7[%get3A_1205] {strides = array<i32>} : memref<35328xf32, #tpu.memory_space<vmem>>, vector<16xf32>,
        %get3A_1207 = vector.shape_cast %get3A_1206 : vector<16xf32> to vector<16xf32>
        %sub3A_1208 = arith.subf %get3A_1200, %get3A_1207 : vector<16xf32>
        %abs3A_1209 = math.absf %sub3A_1208 : vector<16xf32>
        %lt3A_1210 = arith.constant 1.000000e+00 : f32
        %lt3A_1211 = vector.broadcast %lt3A_1210 : f32 to vector<16xf32>
        %lt3A_1212 = arith.cmpf olt, %abs3A_1209, %lt3A_1211 : vector<16xf32>
        %mul3A_1213 = arith.constant 5.000000e-01 : f32
        %mul3A_1214 = vector.broadcast %mul3A_1213 : f32 to vector<16xf32>
        %mul3A_1215 = arith.mulf %mul3A_1214, %sub3A_1208 : vector<16xf32>
        %mul3A_1216 = arith.mulf %mul3A_1215, %sub3A_1208 : vector<16xf32>
        %sub3A_1217 = arith.constant 5.000000e-01 : f32
        %sub3A_1218 = vector.broadcast %sub3A_1217 : f32 to vector<16xf32>
        %sub3A_1219 = arith.subf %abs3A_1209, %sub3A_1218 : vector<16xf32>
        %select_n3A_1220 = arith.select %lt3A_1212, %mul3A_1216, %sub3A_1219 : vector<16xi1>, vector<16xf32>
        %jit3A_1221 = arith.constant 0.000000e+00 : f32
        %broadcast_in_dim3A_1222 = vector.broadcast %jit3A_1221 : f32 to vector<16xf32>
        %select_n3A_1223 = arith.select %gt3A_1131, %select_n3A_1220, %broadcast_in_dim3A_1222 : vector<16xi1>, vector<16xf32>
        %add3A_1224 = arith.addf %add3A_1193, %select_n3A_1223 : vector<16xf32>
        %mul3A_1225 = arith.constant 16 : i32
        %mul3A_1226 = arith.muli %add3A_1123, %mul3A_1225 : i32
        %add3A_1227 = arith.constant 26496 : i32
        %add3A_1228 = arith.addi %add3A_1227, %mul3A_1226 : i32
        %get3A_1229 = arith.index_cast %add3A_1228 : i32 to index
        %get3A_1230 = tpu.vector_load %arg6[%get3A_1229] {strides = array<i32>} : memref<35328xf32, #tpu.memory_space<vmem>>, vector<16xf32>,
        %get3A_1231 = vector.shape_cast %get3A_1230 : vector<16xf32> to vector<16xf32>
        %mul3A_1232 = arith.constant 16 : i32
        %mul3A_1233 = arith.muli %add3A_1123, %mul3A_1232 : i32
        %add3A_1234 = arith.constant 26496 : i32
        %add3A_1235 = arith.addi %add3A_1234, %mul3A_1233 : i32
        %get3A_1236 = arith.index_cast %add3A_1235 : i32 to index
        %get3A_1237 = tpu.vector_load %arg7[%get3A_1236] {strides = array<i32>} : memref<35328xf32, #tpu.memory_space<vmem>>, vector<16xf32>,
        %get3A_1238 = vector.shape_cast %get3A_1237 : vector<16xf32> to vector<16xf32>
        %sub3A_1239 = arith.subf %get3A_1231, %get3A_1238 : vector<16xf32>
        %abs3A_1240 = math.absf %sub3A_1239 : vector<16xf32>
        %lt3A_1241 = arith.constant 1.000000e+00 : f32
        %lt3A_1242 = vector.broadcast %lt3A_1241 : f32 to vector<16xf32>
        %lt3A_1243 = arith.cmpf olt, %abs3A_1240, %lt3A_1242 : vector<16xf32>
        %mul3A_1244 = arith.constant 5.000000e-01 : f32
        %mul3A_1245 = vector.broadcast %mul3A_1244 : f32 to vector<16xf32>
        %mul3A_1246 = arith.mulf %mul3A_1245, %sub3A_1239 : vector<16xf32>
        %mul3A_1247 = arith.mulf %mul3A_1246, %sub3A_1239 : vector<16xf32>
        %sub3A_1248 = arith.constant 5.000000e-01 : f32
        %sub3A_1249 = vector.broadcast %sub3A_1248 : f32 to vector<16xf32>
        %sub3A_1250 = arith.subf %abs3A_1240, %sub3A_1249 : vector<16xf32>
        %select_n3A_1251 = arith.select %lt3A_1243, %mul3A_1247, %sub3A_1250 : vector<16xi1>, vector<16xf32>
        %jit3A_1252 = arith.constant 0.000000e+00 : f32
        %broadcast_in_dim3A_1253 = vector.broadcast %jit3A_1252 : f32 to vector<16xf32>
        %select_n3A_1254 = arith.select %gt3A_1131, %select_n3A_1251, %broadcast_in_dim3A_1253 : vector<16xi1>, vector<16xf32>
        %add3A_1255 = arith.addf %add3A_1224, %select_n3A_1254 : vector<16xf32>
        scf.yield %add3A_1255 : vector<16xf32>
      }
      %scan3A_168 = arith.constant 69 : i32
      %swap3A = arith.constant 0 : index
      %swap3A_169 = tpu.vector_load %arg9[%swap3A] {strides = array<i32>} : memref<16xf32, #tpu.memory_space<vmem>>, vector<16xf32>,
      %swap3A_170 = vector.shape_cast %swap3A_169 : vector<16xf32> to vector<16xf32>
      %swap3A_171 = vector.shape_cast %scan3A_167 : vector<16xf32> to vector<16xf32>
      tpu.vector_store %arg9[%swap3A], %swap3A_171 {strides = array<i32>} : memref<16xf32, #tpu.memory_space<vmem>>, vector<16xf32>,
    } else {
    }
    %eq3A = arith.constant 31 : i32
    %eq3A_5 = arith.cmpi eq, %add3A, %eq3A : i32
    %convert_element_type3A_6 = arith.extui %eq3A_5 : i1 to i32
    %cond3A_7 = arith.constant 0 : i32
    %cond3A_8 = arith.cmpi ne, %convert_element_type3A_6, %cond3A_7 : i32
    scf.if %cond3A_8 {
      %dma_start3A = arith.constant 0 : i32
      %dma_start3A_9 = arith.constant 0 : i32
      %dma_start3A_10 = tpu.memref_slice %arg6[%dma_start3A_9] : memref<35328xf32, #tpu.memory_space<vmem>> -> memref<5632xf32, #tpu.memory_space<vmem>>
      %dma_start3A_11 = tpu.memref_slice %arg2[%dma_start3A, %mul3A_2] : memref<4x279424xf32, #tpu.memory_space<hbm>> -> memref<1x5632xf32, #tpu.memory_space<hbm>>
      %dma_start3A_12 = tpu.memref_squeeze %dma_start3A_11 : memref<1x5632xf32, #tpu.memory_space<hbm>> -> memref<5632xf32, #tpu.memory_space<hbm>>
      %dma_start3A_13 = arith.constant 0 : i32
      %dma_start3A_14 = tpu.memref_slice %arg6[%dma_start3A_13] : memref<35328xf32, #tpu.memory_space<vmem>> -> memref<5632xf32, #tpu.memory_space<vmem>>
      %dma_start3A_15 = tpu.memref_slice %arg2[%dma_start3A, %mul3A_2] : memref<4x279424xf32, #tpu.memory_space<hbm>> -> memref<1x5632xf32, #tpu.memory_space<hbm>>
      %dma_start3A_16 = tpu.memref_squeeze %dma_start3A_15 : memref<1x5632xf32, #tpu.memory_space<hbm>> -> memref<5632xf32, #tpu.memory_space<hbm>>
      tpu.enqueue_dma source(%dma_start3A_16 : memref<5632xf32, #tpu.memory_space<hbm>>) target(%dma_start3A_14 : memref<5632xf32, #tpu.memory_space<vmem>>) target_semaphore(%arg10 : memref<!tpu.dma_semaphore, #tpu.memory_space<semaphore_mem>>)
      %dma_start3A_17 = arith.constant 0 : i32
      %dma_start3A_18 = arith.constant 0 : i32
      %dma_start3A_19 = tpu.memref_slice %arg7[%dma_start3A_18] : memref<35328xf32, #tpu.memory_space<vmem>> -> memref<5632xf32, #tpu.memory_space<vmem>>
      %dma_start3A_20 = tpu.memref_slice %arg3[%dma_start3A_17, %mul3A_2] : memref<4x279424xf32, #tpu.memory_space<hbm>> -> memref<1x5632xf32, #tpu.memory_space<hbm>>
      %dma_start3A_21 = tpu.memref_squeeze %dma_start3A_20 : memref<1x5632xf32, #tpu.memory_space<hbm>> -> memref<5632xf32, #tpu.memory_space<hbm>>
      %dma_start3A_22 = arith.constant 0 : i32
      %dma_start3A_23 = tpu.memref_slice %arg7[%dma_start3A_22] : memref<35328xf32, #tpu.memory_space<vmem>> -> memref<5632xf32, #tpu.memory_space<vmem>>
      %dma_start3A_24 = tpu.memref_slice %arg3[%dma_start3A_17, %mul3A_2] : memref<4x279424xf32, #tpu.memory_space<hbm>> -> memref<1x5632xf32, #tpu.memory_space<hbm>>
      %dma_start3A_25 = tpu.memref_squeeze %dma_start3A_24 : memref<1x5632xf32, #tpu.memory_space<hbm>> -> memref<5632xf32, #tpu.memory_space<hbm>>
      tpu.enqueue_dma source(%dma_start3A_25 : memref<5632xf32, #tpu.memory_space<hbm>>) target(%dma_start3A_23 : memref<5632xf32, #tpu.memory_space<vmem>>) target_semaphore(%arg10 : memref<!tpu.dma_semaphore, #tpu.memory_space<semaphore_mem>>)
      %dma_start3A_26 = arith.constant 1 : i32
      %dma_start3A_27 = arith.constant 5632 : i32
      %dma_start3A_28 = tpu.memref_slice %arg6[%dma_start3A_27] : memref<35328xf32, #tpu.memory_space<vmem>> -> memref<5632xf32, #tpu.memory_space<vmem>>
      %dma_start3A_29 = tpu.memref_slice %arg2[%dma_start3A_26, %mul3A_2] : memref<4x279424xf32, #tpu.memory_space<hbm>> -> memref<1x5632xf32, #tpu.memory_space<hbm>>
      %dma_start3A_30 = tpu.memref_squeeze %dma_start3A_29 : memref<1x5632xf32, #tpu.memory_space<hbm>> -> memref<5632xf32, #tpu.memory_space<hbm>>
      %dma_start3A_31 = arith.constant 5632 : i32
      %dma_start3A_32 = tpu.memref_slice %arg6[%dma_start3A_31] : memref<35328xf32, #tpu.memory_space<vmem>> -> memref<5632xf32, #tpu.memory_space<vmem>>
      %dma_start3A_33 = tpu.memref_slice %arg2[%dma_start3A_26, %mul3A_2] : memref<4x279424xf32, #tpu.memory_space<hbm>> -> memref<1x5632xf32, #tpu.memory_space<hbm>>
      %dma_start3A_34 = tpu.memref_squeeze %dma_start3A_33 : memref<1x5632xf32, #tpu.memory_space<hbm>> -> memref<5632xf32, #tpu.memory_space<hbm>>
      tpu.enqueue_dma source(%dma_start3A_34 : memref<5632xf32, #tpu.memory_space<hbm>>) target(%dma_start3A_32 : memref<5632xf32, #tpu.memory_space<vmem>>) target_semaphore(%arg10 : memref<!tpu.dma_semaphore, #tpu.memory_space<semaphore_mem>>)
      %dma_start3A_35 = arith.constant 1 : i32
      %dma_start3A_36 = arith.constant 5632 : i32
      %dma_start3A_37 = tpu.memref_slice %arg7[%dma_start3A_36] : memref<35328xf32, #tpu.memory_space<vmem>> -> memref<5632xf32, #tpu.memory_space<vmem>>
      %dma_start3A_38 = tpu.memref_slice %arg3[%dma_start3A_35, %mul3A_2] : memref<4x279424xf32, #tpu.memory_space<hbm>> -> memref<1x5632xf32, #tpu.memory_space<hbm>>
      %dma_start3A_39 = tpu.memref_squeeze %dma_start3A_38 : memref<1x5632xf32, #tpu.memory_space<hbm>> -> memref<5632xf32, #tpu.memory_space<hbm>>
      %dma_start3A_40 = arith.constant 5632 : i32
      %dma_start3A_41 = tpu.memref_slice %arg7[%dma_start3A_40] : memref<35328xf32, #tpu.memory_space<vmem>> -> memref<5632xf32, #tpu.memory_space<vmem>>
      %dma_start3A_42 = tpu.memref_slice %arg3[%dma_start3A_35, %mul3A_2] : memref<4x279424xf32, #tpu.memory_space<hbm>> -> memref<1x5632xf32, #tpu.memory_space<hbm>>
      %dma_start3A_43 = tpu.memref_squeeze %dma_start3A_42 : memref<1x5632xf32, #tpu.memory_space<hbm>> -> memref<5632xf32, #tpu.memory_space<hbm>>
      tpu.enqueue_dma source(%dma_start3A_43 : memref<5632xf32, #tpu.memory_space<hbm>>) target(%dma_start3A_41 : memref<5632xf32, #tpu.memory_space<vmem>>) target_semaphore(%arg10 : memref<!tpu.dma_semaphore, #tpu.memory_space<semaphore_mem>>)
      %dma_start3A_44 = arith.constant 2 : i32
      %dma_start3A_45 = arith.constant 11264 : i32
      %dma_start3A_46 = tpu.memref_slice %arg6[%dma_start3A_45] : memref<35328xf32, #tpu.memory_space<vmem>> -> memref<5632xf32, #tpu.memory_space<vmem>>
      %dma_start3A_47 = tpu.memref_slice %arg2[%dma_start3A_44, %mul3A_2] : memref<4x279424xf32, #tpu.memory_space<hbm>> -> memref<1x5632xf32, #tpu.memory_space<hbm>>
      %dma_start3A_48 = tpu.memref_squeeze %dma_start3A_47 : memref<1x5632xf32, #tpu.memory_space<hbm>> -> memref<5632xf32, #tpu.memory_space<hbm>>
      %dma_start3A_49 = arith.constant 11264 : i32
      %dma_start3A_50 = tpu.memref_slice %arg6[%dma_start3A_49] : memref<35328xf32, #tpu.memory_space<vmem>> -> memref<5632xf32, #tpu.memory_space<vmem>>
      %dma_start3A_51 = tpu.memref_slice %arg2[%dma_start3A_44, %mul3A_2] : memref<4x279424xf32, #tpu.memory_space<hbm>> -> memref<1x5632xf32, #tpu.memory_space<hbm>>
      %dma_start3A_52 = tpu.memref_squeeze %dma_start3A_51 : memref<1x5632xf32, #tpu.memory_space<hbm>> -> memref<5632xf32, #tpu.memory_space<hbm>>
      tpu.enqueue_dma source(%dma_start3A_52 : memref<5632xf32, #tpu.memory_space<hbm>>) target(%dma_start3A_50 : memref<5632xf32, #tpu.memory_space<vmem>>) target_semaphore(%arg10 : memref<!tpu.dma_semaphore, #tpu.memory_space<semaphore_mem>>)
      %dma_start3A_53 = arith.constant 2 : i32
      %dma_start3A_54 = arith.constant 11264 : i32
      %dma_start3A_55 = tpu.memref_slice %arg7[%dma_start3A_54] : memref<35328xf32, #tpu.memory_space<vmem>> -> memref<5632xf32, #tpu.memory_space<vmem>>
      %dma_start3A_56 = tpu.memref_slice %arg3[%dma_start3A_53, %mul3A_2] : memref<4x279424xf32, #tpu.memory_space<hbm>> -> memref<1x5632xf32, #tpu.memory_space<hbm>>
      %dma_start3A_57 = tpu.memref_squeeze %dma_start3A_56 : memref<1x5632xf32, #tpu.memory_space<hbm>> -> memref<5632xf32, #tpu.memory_space<hbm>>
      %dma_start3A_58 = arith.constant 11264 : i32
      %dma_start3A_59 = tpu.memref_slice %arg7[%dma_start3A_58] : memref<35328xf32, #tpu.memory_space<vmem>> -> memref<5632xf32, #tpu.memory_space<vmem>>
      %dma_start3A_60 = tpu.memref_slice %arg3[%dma_start3A_53, %mul3A_2] : memref<4x279424xf32, #tpu.memory_space<hbm>> -> memref<1x5632xf32, #tpu.memory_space<hbm>>
      %dma_start3A_61 = tpu.memref_squeeze %dma_start3A_60 : memref<1x5632xf32, #tpu.memory_space<hbm>> -> memref<5632xf32, #tpu.memory_space<hbm>>
      tpu.enqueue_dma source(%dma_start3A_61 : memref<5632xf32, #tpu.memory_space<hbm>>) target(%dma_start3A_59 : memref<5632xf32, #tpu.memory_space<vmem>>) target_semaphore(%arg10 : memref<!tpu.dma_semaphore, #tpu.memory_space<semaphore_mem>>)
      %dma_start3A_62 = arith.constant 3 : i32
      %dma_start3A_63 = arith.constant 16896 : i32
      %dma_start3A_64 = tpu.memref_slice %arg6[%dma_start3A_63] : memref<35328xf32, #tpu.memory_space<vmem>> -> memref<5632xf32, #tpu.memory_space<vmem>>
      %dma_start3A_65 = tpu.memref_slice %arg2[%dma_start3A_62, %mul3A_2] : memref<4x279424xf32, #tpu.memory_space<hbm>> -> memref<1x5632xf32, #tpu.memory_space<hbm>>
      %dma_start3A_66 = tpu.memref_squeeze %dma_start3A_65 : memref<1x5632xf32, #tpu.memory_space<hbm>> -> memref<5632xf32, #tpu.memory_space<hbm>>
      %dma_start3A_67 = arith.constant 16896 : i32
      %dma_start3A_68 = tpu.memref_slice %arg6[%dma_start3A_67] : memref<35328xf32, #tpu.memory_space<vmem>> -> memref<5632xf32, #tpu.memory_space<vmem>>
      %dma_start3A_69 = tpu.memref_slice %arg2[%dma_start3A_62, %mul3A_2] : memref<4x279424xf32, #tpu.memory_space<hbm>> -> memref<1x5632xf32, #tpu.memory_space<hbm>>
      %dma_start3A_70 = tpu.memref_squeeze %dma_start3A_69 : memref<1x5632xf32, #tpu.memory_space<hbm>> -> memref<5632xf32, #tpu.memory_space<hbm>>
      tpu.enqueue_dma source(%dma_start3A_70 : memref<5632xf32, #tpu.memory_space<hbm>>) target(%dma_start3A_68 : memref<5632xf32, #tpu.memory_space<vmem>>) target_semaphore(%arg10 : memref<!tpu.dma_semaphore, #tpu.memory_space<semaphore_mem>>)
      %dma_start3A_71 = arith.constant 3 : i32
      %dma_start3A_72 = arith.constant 16896 : i32
      %dma_start3A_73 = tpu.memref_slice %arg7[%dma_start3A_72] : memref<35328xf32, #tpu.memory_space<vmem>> -> memref<5632xf32, #tpu.memory_space<vmem>>
      %dma_start3A_74 = tpu.memref_slice %arg3[%dma_start3A_71, %mul3A_2] : memref<4x279424xf32, #tpu.memory_space<hbm>> -> memref<1x5632xf32, #tpu.memory_space<hbm>>
      %dma_start3A_75 = tpu.memref_squeeze %dma_start3A_74 : memref<1x5632xf32, #tpu.memory_space<hbm>> -> memref<5632xf32, #tpu.memory_space<hbm>>
      %dma_start3A_76 = arith.constant 16896 : i32
      %dma_start3A_77 = tpu.memref_slice %arg7[%dma_start3A_76] : memref<35328xf32, #tpu.memory_space<vmem>> -> memref<5632xf32, #tpu.memory_space<vmem>>
      %dma_start3A_78 = tpu.memref_slice %arg3[%dma_start3A_71, %mul3A_2] : memref<4x279424xf32, #tpu.memory_space<hbm>> -> memref<1x5632xf32, #tpu.memory_space<hbm>>
      %dma_start3A_79 = tpu.memref_squeeze %dma_start3A_78 : memref<1x5632xf32, #tpu.memory_space<hbm>> -> memref<5632xf32, #tpu.memory_space<hbm>>
      tpu.enqueue_dma source(%dma_start3A_79 : memref<5632xf32, #tpu.memory_space<hbm>>) target(%dma_start3A_77 : memref<5632xf32, #tpu.memory_space<vmem>>) target_semaphore(%arg10 : memref<!tpu.dma_semaphore, #tpu.memory_space<semaphore_mem>>)
      %dma_start3A_80 = arith.constant 0 : i32
      %dma_start3A_81 = tpu.memref_slice %arg8[%dma_start3A_80] : memref<8832xi32, #tpu.memory_space<vmem>> -> memref<5632xi32, #tpu.memory_space<vmem>>
      %dma_start3A_82 = tpu.memref_slice %arg4[%mul3A_2] : memref<279424xi32, #tpu.memory_space<hbm>> -> memref<5632xi32, #tpu.memory_space<hbm>>
      %dma_start3A_83 = arith.constant 0 : i32
      %dma_start3A_84 = tpu.memref_slice %arg8[%dma_start3A_83] : memref<8832xi32, #tpu.memory_space<vmem>> -> memref<5632xi32, #tpu.memory_space<vmem>>
      %dma_start3A_85 = tpu.memref_slice %arg4[%mul3A_2] : memref<279424xi32, #tpu.memory_space<hbm>> -> memref<5632xi32, #tpu.memory_space<hbm>>
      tpu.enqueue_dma source(%dma_start3A_85 : memref<5632xi32, #tpu.memory_space<hbm>>) target(%dma_start3A_84 : memref<5632xi32, #tpu.memory_space<vmem>>) target_semaphore(%arg10 : memref<!tpu.dma_semaphore, #tpu.memory_space<semaphore_mem>>)
      %dma_wait3A = arith.constant 0 : i32
      %dma_wait3A_86 = arith.constant 0 : i32
      %dma_wait3A_87 = tpu.memref_slice %arg6[%dma_wait3A_86] : memref<35328xf32, #tpu.memory_space<vmem>> -> memref<5632xf32, #tpu.memory_space<vmem>>
      %dma_wait3A_88 = tpu.memref_slice %arg2[%dma_wait3A, %mul3A_2] : memref<4x279424xf32, #tpu.memory_space<hbm>> -> memref<1x5632xf32, #tpu.memory_space<hbm>>
      %dma_wait3A_89 = tpu.memref_squeeze %dma_wait3A_88 : memref<1x5632xf32, #tpu.memory_space<hbm>> -> memref<5632xf32, #tpu.memory_space<hbm>>
      %dma_wait3A_90 = arith.constant 0 : i32
      %dma_wait3A_91 = tpu.memref_slice %arg6[%dma_wait3A_90] : memref<35328xf32, #tpu.memory_space<vmem>> -> memref<5632xf32, #tpu.memory_space<vmem>>
      %dma_wait3A_92 = tpu.memref_slice %arg2[%dma_wait3A, %mul3A_2] : memref<4x279424xf32, #tpu.memory_space<hbm>> -> memref<1x5632xf32, #tpu.memory_space<hbm>>
      %dma_wait3A_93 = tpu.memref_squeeze %dma_wait3A_92 : memref<1x5632xf32, #tpu.memory_space<hbm>> -> memref<5632xf32, #tpu.memory_space<hbm>>
      tpu.wait_dma2 semaphore(%arg10 : memref<!tpu.dma_semaphore, #tpu.memory_space<semaphore_mem>>) src(%dma_wait3A_93 : memref<5632xf32, #tpu.memory_space<hbm>>) dst(%dma_wait3A_91 : memref<5632xf32, #tpu.memory_space<vmem>>)
      %dma_wait3A_94 = arith.constant 0 : i32
      %dma_wait3A_95 = arith.constant 0 : i32
      %dma_wait3A_96 = tpu.memref_slice %arg7[%dma_wait3A_95] : memref<35328xf32, #tpu.memory_space<vmem>> -> memref<5632xf32, #tpu.memory_space<vmem>>
      %dma_wait3A_97 = tpu.memref_slice %arg3[%dma_wait3A_94, %mul3A_2] : memref<4x279424xf32, #tpu.memory_space<hbm>> -> memref<1x5632xf32, #tpu.memory_space<hbm>>
      %dma_wait3A_98 = tpu.memref_squeeze %dma_wait3A_97 : memref<1x5632xf32, #tpu.memory_space<hbm>> -> memref<5632xf32, #tpu.memory_space<hbm>>
      %dma_wait3A_99 = arith.constant 0 : i32
      %dma_wait3A_100 = tpu.memref_slice %arg7[%dma_wait3A_99] : memref<35328xf32, #tpu.memory_space<vmem>> -> memref<5632xf32, #tpu.memory_space<vmem>>
      %dma_wait3A_101 = tpu.memref_slice %arg3[%dma_wait3A_94, %mul3A_2] : memref<4x279424xf32, #tpu.memory_space<hbm>> -> memref<1x5632xf32, #tpu.memory_space<hbm>>
      %dma_wait3A_102 = tpu.memref_squeeze %dma_wait3A_101 : memref<1x5632xf32, #tpu.memory_space<hbm>> -> memref<5632xf32, #tpu.memory_space<hbm>>
      tpu.wait_dma2 semaphore(%arg10 : memref<!tpu.dma_semaphore, #tpu.memory_space<semaphore_mem>>) src(%dma_wait3A_102 : memref<5632xf32, #tpu.memory_space<hbm>>) dst(%dma_wait3A_100 : memref<5632xf32, #tpu.memory_space<vmem>>)
      %dma_wait3A_103 = arith.constant 1 : i32
      %dma_wait3A_104 = arith.constant 5632 : i32
      %dma_wait3A_105 = tpu.memref_slice %arg6[%dma_wait3A_104] : memref<35328xf32, #tpu.memory_space<vmem>> -> memref<5632xf32, #tpu.memory_space<vmem>>
      %dma_wait3A_106 = tpu.memref_slice %arg2[%dma_wait3A_103, %mul3A_2] : memref<4x279424xf32, #tpu.memory_space<hbm>> -> memref<1x5632xf32, #tpu.memory_space<hbm>>
      %dma_wait3A_107 = tpu.memref_squeeze %dma_wait3A_106 : memref<1x5632xf32, #tpu.memory_space<hbm>> -> memref<5632xf32, #tpu.memory_space<hbm>>
      %dma_wait3A_108 = arith.constant 5632 : i32
      %dma_wait3A_109 = tpu.memref_slice %arg6[%dma_wait3A_108] : memref<35328xf32, #tpu.memory_space<vmem>> -> memref<5632xf32, #tpu.memory_space<vmem>>
      %dma_wait3A_110 = tpu.memref_slice %arg2[%dma_wait3A_103, %mul3A_2] : memref<4x279424xf32, #tpu.memory_space<hbm>> -> memref<1x5632xf32, #tpu.memory_space<hbm>>
      %dma_wait3A_111 = tpu.memref_squeeze %dma_wait3A_110 : memref<1x5632xf32, #tpu.memory_space<hbm>> -> memref<5632xf32, #tpu.memory_space<hbm>>
      tpu.wait_dma2 semaphore(%arg10 : memref<!tpu.dma_semaphore, #tpu.memory_space<semaphore_mem>>) src(%dma_wait3A_111 : memref<5632xf32, #tpu.memory_space<hbm>>) dst(%dma_wait3A_109 : memref<5632xf32, #tpu.memory_space<vmem>>)
      %dma_wait3A_112 = arith.constant 1 : i32
      %dma_wait3A_113 = arith.constant 5632 : i32
      %dma_wait3A_114 = tpu.memref_slice %arg7[%dma_wait3A_113] : memref<35328xf32, #tpu.memory_space<vmem>> -> memref<5632xf32, #tpu.memory_space<vmem>>
      %dma_wait3A_115 = tpu.memref_slice %arg3[%dma_wait3A_112, %mul3A_2] : memref<4x279424xf32, #tpu.memory_space<hbm>> -> memref<1x5632xf32, #tpu.memory_space<hbm>>
      %dma_wait3A_116 = tpu.memref_squeeze %dma_wait3A_115 : memref<1x5632xf32, #tpu.memory_space<hbm>> -> memref<5632xf32, #tpu.memory_space<hbm>>
      %dma_wait3A_117 = arith.constant 5632 : i32
      %dma_wait3A_118 = tpu.memref_slice %arg7[%dma_wait3A_117] : memref<35328xf32, #tpu.memory_space<vmem>> -> memref<5632xf32, #tpu.memory_space<vmem>>
      %dma_wait3A_119 = tpu.memref_slice %arg3[%dma_wait3A_112, %mul3A_2] : memref<4x279424xf32, #tpu.memory_space<hbm>> -> memref<1x5632xf32, #tpu.memory_space<hbm>>
      %dma_wait3A_120 = tpu.memref_squeeze %dma_wait3A_119 : memref<1x5632xf32, #tpu.memory_space<hbm>> -> memref<5632xf32, #tpu.memory_space<hbm>>
      tpu.wait_dma2 semaphore(%arg10 : memref<!tpu.dma_semaphore, #tpu.memory_space<semaphore_mem>>) src(%dma_wait3A_120 : memref<5632xf32, #tpu.memory_space<hbm>>) dst(%dma_wait3A_118 : memref<5632xf32, #tpu.memory_space<vmem>>)
      %dma_wait3A_121 = arith.constant 2 : i32
      %dma_wait3A_122 = arith.constant 11264 : i32
      %dma_wait3A_123 = tpu.memref_slice %arg6[%dma_wait3A_122] : memref<35328xf32, #tpu.memory_space<vmem>> -> memref<5632xf32, #tpu.memory_space<vmem>>
      %dma_wait3A_124 = tpu.memref_slice %arg2[%dma_wait3A_121, %mul3A_2] : memref<4x279424xf32, #tpu.memory_space<hbm>> -> memref<1x5632xf32, #tpu.memory_space<hbm>>
      %dma_wait3A_125 = tpu.memref_squeeze %dma_wait3A_124 : memref<1x5632xf32, #tpu.memory_space<hbm>> -> memref<5632xf32, #tpu.memory_space<hbm>>
      %dma_wait3A_126 = arith.constant 11264 : i32
      %dma_wait3A_127 = tpu.memref_slice %arg6[%dma_wait3A_126] : memref<35328xf32, #tpu.memory_space<vmem>> -> memref<5632xf32, #tpu.memory_space<vmem>>
      %dma_wait3A_128 = tpu.memref_slice %arg2[%dma_wait3A_121, %mul3A_2] : memref<4x279424xf32, #tpu.memory_space<hbm>> -> memref<1x5632xf32, #tpu.memory_space<hbm>>
      %dma_wait3A_129 = tpu.memref_squeeze %dma_wait3A_128 : memref<1x5632xf32, #tpu.memory_space<hbm>> -> memref<5632xf32, #tpu.memory_space<hbm>>
      tpu.wait_dma2 semaphore(%arg10 : memref<!tpu.dma_semaphore, #tpu.memory_space<semaphore_mem>>) src(%dma_wait3A_129 : memref<5632xf32, #tpu.memory_space<hbm>>) dst(%dma_wait3A_127 : memref<5632xf32, #tpu.memory_space<vmem>>)
      %dma_wait3A_130 = arith.constant 2 : i32
      %dma_wait3A_131 = arith.constant 11264 : i32
      %dma_wait3A_132 = tpu.memref_slice %arg7[%dma_wait3A_131] : memref<35328xf32, #tpu.memory_space<vmem>> -> memref<5632xf32, #tpu.memory_space<vmem>>
      %dma_wait3A_133 = tpu.memref_slice %arg3[%dma_wait3A_130, %mul3A_2] : memref<4x279424xf32, #tpu.memory_space<hbm>> -> memref<1x5632xf32, #tpu.memory_space<hbm>>
      %dma_wait3A_134 = tpu.memref_squeeze %dma_wait3A_133 : memref<1x5632xf32, #tpu.memory_space<hbm>> -> memref<5632xf32, #tpu.memory_space<hbm>>
      %dma_wait3A_135 = arith.constant 11264 : i32
      %dma_wait3A_136 = tpu.memref_slice %arg7[%dma_wait3A_135] : memref<35328xf32, #tpu.memory_space<vmem>> -> memref<5632xf32, #tpu.memory_space<vmem>>
      %dma_wait3A_137 = tpu.memref_slice %arg3[%dma_wait3A_130, %mul3A_2] : memref<4x279424xf32, #tpu.memory_space<hbm>> -> memref<1x5632xf32, #tpu.memory_space<hbm>>
      %dma_wait3A_138 = tpu.memref_squeeze %dma_wait3A_137 : memref<1x5632xf32, #tpu.memory_space<hbm>> -> memref<5632xf32, #tpu.memory_space<hbm>>
      tpu.wait_dma2 semaphore(%arg10 : memref<!tpu.dma_semaphore, #tpu.memory_space<semaphore_mem>>) src(%dma_wait3A_138 : memref<5632xf32, #tpu.memory_space<hbm>>) dst(%dma_wait3A_136 : memref<5632xf32, #tpu.memory_space<vmem>>)
      %dma_wait3A_139 = arith.constant 3 : i32
      %dma_wait3A_140 = arith.constant 16896 : i32
      %dma_wait3A_141 = tpu.memref_slice %arg6[%dma_wait3A_140] : memref<35328xf32, #tpu.memory_space<vmem>> -> memref<5632xf32, #tpu.memory_space<vmem>>
      %dma_wait3A_142 = tpu.memref_slice %arg2[%dma_wait3A_139, %mul3A_2] : memref<4x279424xf32, #tpu.memory_space<hbm>> -> memref<1x5632xf32, #tpu.memory_space<hbm>>
      %dma_wait3A_143 = tpu.memref_squeeze %dma_wait3A_142 : memref<1x5632xf32, #tpu.memory_space<hbm>> -> memref<5632xf32, #tpu.memory_space<hbm>>
      %dma_wait3A_144 = arith.constant 16896 : i32
      %dma_wait3A_145 = tpu.memref_slice %arg6[%dma_wait3A_144] : memref<35328xf32, #tpu.memory_space<vmem>> -> memref<5632xf32, #tpu.memory_space<vmem>>
      %dma_wait3A_146 = tpu.memref_slice %arg2[%dma_wait3A_139, %mul3A_2] : memref<4x279424xf32, #tpu.memory_space<hbm>> -> memref<1x5632xf32, #tpu.memory_space<hbm>>
      %dma_wait3A_147 = tpu.memref_squeeze %dma_wait3A_146 : memref<1x5632xf32, #tpu.memory_space<hbm>> -> memref<5632xf32, #tpu.memory_space<hbm>>
      tpu.wait_dma2 semaphore(%arg10 : memref<!tpu.dma_semaphore, #tpu.memory_space<semaphore_mem>>) src(%dma_wait3A_147 : memref<5632xf32, #tpu.memory_space<hbm>>) dst(%dma_wait3A_145 : memref<5632xf32, #tpu.memory_space<vmem>>)
      %dma_wait3A_148 = arith.constant 3 : i32
      %dma_wait3A_149 = arith.constant 16896 : i32
      %dma_wait3A_150 = tpu.memref_slice %arg7[%dma_wait3A_149] : memref<35328xf32, #tpu.memory_space<vmem>> -> memref<5632xf32, #tpu.memory_space<vmem>>
      %dma_wait3A_151 = tpu.memref_slice %arg3[%dma_wait3A_148, %mul3A_2] : memref<4x279424xf32, #tpu.memory_space<hbm>> -> memref<1x5632xf32, #tpu.memory_space<hbm>>
      %dma_wait3A_152 = tpu.memref_squeeze %dma_wait3A_151 : memref<1x5632xf32, #tpu.memory_space<hbm>> -> memref<5632xf32, #tpu.memory_space<hbm>>
      %dma_wait3A_153 = arith.constant 16896 : i32
      %dma_wait3A_154 = tpu.memref_slice %arg7[%dma_wait3A_153] : memref<35328xf32, #tpu.memory_space<vmem>> -> memref<5632xf32, #tpu.memory_space<vmem>>
      %dma_wait3A_155 = tpu.memref_slice %arg3[%dma_wait3A_148, %mul3A_2] : memref<4x279424xf32, #tpu.memory_space<hbm>> -> memref<1x5632xf32, #tpu.memory_space<hbm>>
      %dma_wait3A_156 = tpu.memref_squeeze %dma_wait3A_155 : memref<1x5632xf32, #tpu.memory_space<hbm>> -> memref<5632xf32, #tpu.memory_space<hbm>>
      tpu.wait_dma2 semaphore(%arg10 : memref<!tpu.dma_semaphore, #tpu.memory_space<semaphore_mem>>) src(%dma_wait3A_156 : memref<5632xf32, #tpu.memory_space<hbm>>) dst(%dma_wait3A_154 : memref<5632xf32, #tpu.memory_space<vmem>>)
      %dma_wait3A_157 = arith.constant 0 : i32
      %dma_wait3A_158 = tpu.memref_slice %arg8[%dma_wait3A_157] : memref<8832xi32, #tpu.memory_space<vmem>> -> memref<5632xi32, #tpu.memory_space<vmem>>
      %dma_wait3A_159 = tpu.memref_slice %arg4[%mul3A_2] : memref<279424xi32, #tpu.memory_space<hbm>> -> memref<5632xi32, #tpu.memory_space<hbm>>
      %dma_wait3A_160 = arith.constant 0 : i32
      %dma_wait3A_161 = tpu.memref_slice %arg8[%dma_wait3A_160] : memref<8832xi32, #tpu.memory_space<vmem>> -> memref<5632xi32, #tpu.memory_space<vmem>>
      %dma_wait3A_162 = tpu.memref_slice %arg4[%mul3A_2] : memref<279424xi32, #tpu.memory_space<hbm>> -> memref<5632xi32, #tpu.memory_space<hbm>>
      tpu.wait_dma2 semaphore(%arg10 : memref<!tpu.dma_semaphore, #tpu.memory_space<semaphore_mem>>) src(%dma_wait3A_162 : memref<5632xi32, #tpu.memory_space<hbm>>) dst(%dma_wait3A_161 : memref<5632xi32, #tpu.memory_space<vmem>>)
      %broadcast_in_dim3A = arith.constant 0.000000e+00 : f32
      %broadcast_in_dim3A_163 = vector.broadcast %broadcast_in_dim3A : f32 to vector<16xf32>
      %scan3A = arith.constant 0 : i32
      %scan3A_164 = arith.constant 44 : i32
      %scan3A_165 = arith.addi %scan3A, %scan3A_164 : i32
      %scan3A_166 = arith.constant 1 : i32
      %scan3A_167 = scf.for %scan3A_172 = %scan3A to %scan3A_165 step %scan3A_166 iter_args(%scan3A_173 = %broadcast_in_dim3A_163) -> (vector<16xf32>)  : i32 {
        %mul3A_174 = arith.constant 8 : i32
        %mul3A_175 = arith.muli %scan3A_172, %mul3A_174 : i32
        %add3A_176 = arith.constant 0 : i32
        %add3A_177 = arith.addi %mul3A_175, %add3A_176 : i32
        %mul3A_178 = arith.constant 16 : i32
        %mul3A_179 = arith.muli %add3A_177, %mul3A_178 : i32
        %get3A = arith.index_cast %mul3A_179 : i32 to index
        %get3A_180 = tpu.vector_load %arg8[%get3A] {strides = array<i32>} : memref<8832xi32, #tpu.memory_space<vmem>>, vector<16xi32>,
        %get3A_181 = vector.shape_cast %get3A_180 : vector<16xi32> to vector<16xi32>
        %gt3A = arith.constant 0 : i32
        %gt3A_182 = vector.broadcast %gt3A : i32 to vector<16xi32>
        %gt3A_183 = arith.cmpi sgt, %get3A_181, %gt3A_182 : vector<16xi32>
        %mul3A_184 = arith.constant 16 : i32
        %mul3A_185 = arith.muli %add3A_177, %mul3A_184 : i32
        %add3A_186 = arith.constant 0 : i32
        %add3A_187 = arith.addi %add3A_186, %mul3A_185 : i32
        %get3A_188 = arith.index_cast %add3A_187 : i32 to index
        %get3A_189 = tpu.vector_load %arg6[%get3A_188] {strides = array<i32>} : memref<35328xf32, #tpu.memory_space<vmem>>, vector<16xf32>,
        %get3A_190 = vector.shape_cast %get3A_189 : vector<16xf32> to vector<16xf32>
        %mul3A_191 = arith.constant 16 : i32
        %mul3A_192 = arith.muli %add3A_177, %mul3A_191 : i32
        %add3A_193 = arith.constant 0 : i32
        %add3A_194 = arith.addi %add3A_193, %mul3A_192 : i32
        %get3A_195 = arith.index_cast %add3A_194 : i32 to index
        %get3A_196 = tpu.vector_load %arg7[%get3A_195] {strides = array<i32>} : memref<35328xf32, #tpu.memory_space<vmem>>, vector<16xf32>,
        %get3A_197 = vector.shape_cast %get3A_196 : vector<16xf32> to vector<16xf32>
        %sub3A = arith.subf %get3A_190, %get3A_197 : vector<16xf32>
        %abs3A = math.absf %sub3A : vector<16xf32>
        %lt3A_198 = arith.constant 1.000000e+00 : f32
        %lt3A_199 = vector.broadcast %lt3A_198 : f32 to vector<16xf32>
        %lt3A_200 = arith.cmpf olt, %abs3A, %lt3A_199 : vector<16xf32>
        %mul3A_201 = arith.constant 5.000000e-01 : f32
        %mul3A_202 = vector.broadcast %mul3A_201 : f32 to vector<16xf32>
        %mul3A_203 = arith.mulf %mul3A_202, %sub3A : vector<16xf32>
        %mul3A_204 = arith.mulf %mul3A_203, %sub3A : vector<16xf32>
        %sub3A_205 = arith.constant 5.000000e-01 : f32
        %sub3A_206 = vector.broadcast %sub3A_205 : f32 to vector<16xf32>
        %sub3A_207 = arith.subf %abs3A, %sub3A_206 : vector<16xf32>
        %select_n3A = arith.select %lt3A_200, %mul3A_204, %sub3A_207 : vector<16xi1>, vector<16xf32>
        %jit3A = arith.constant 0.000000e+00 : f32
        %broadcast_in_dim3A_208 = vector.broadcast %jit3A : f32 to vector<16xf32>
        %select_n3A_209 = arith.select %gt3A_183, %select_n3A, %broadcast_in_dim3A_208 : vector<16xi1>, vector<16xf32>
        %add3A_210 = arith.addf %scan3A_173, %select_n3A_209 : vector<16xf32>
        %mul3A_211 = arith.constant 16 : i32
        %mul3A_212 = arith.muli %add3A_177, %mul3A_211 : i32
        %add3A_213 = arith.constant 5632 : i32
        %add3A_214 = arith.addi %add3A_213, %mul3A_212 : i32
        %get3A_215 = arith.index_cast %add3A_214 : i32 to index
        %get3A_216 = tpu.vector_load %arg6[%get3A_215] {strides = array<i32>} : memref<35328xf32, #tpu.memory_space<vmem>>, vector<16xf32>,
        %get3A_217 = vector.shape_cast %get3A_216 : vector<16xf32> to vector<16xf32>
        %mul3A_218 = arith.constant 16 : i32
        %mul3A_219 = arith.muli %add3A_177, %mul3A_218 : i32
        %add3A_220 = arith.constant 5632 : i32
        %add3A_221 = arith.addi %add3A_220, %mul3A_219 : i32
        %get3A_222 = arith.index_cast %add3A_221 : i32 to index
        %get3A_223 = tpu.vector_load %arg7[%get3A_222] {strides = array<i32>} : memref<35328xf32, #tpu.memory_space<vmem>>, vector<16xf32>,
        %get3A_224 = vector.shape_cast %get3A_223 : vector<16xf32> to vector<16xf32>
        %sub3A_225 = arith.subf %get3A_217, %get3A_224 : vector<16xf32>
        %abs3A_226 = math.absf %sub3A_225 : vector<16xf32>
        %lt3A_227 = arith.constant 1.000000e+00 : f32
        %lt3A_228 = vector.broadcast %lt3A_227 : f32 to vector<16xf32>
        %lt3A_229 = arith.cmpf olt, %abs3A_226, %lt3A_228 : vector<16xf32>
        %mul3A_230 = arith.constant 5.000000e-01 : f32
        %mul3A_231 = vector.broadcast %mul3A_230 : f32 to vector<16xf32>
        %mul3A_232 = arith.mulf %mul3A_231, %sub3A_225 : vector<16xf32>
        %mul3A_233 = arith.mulf %mul3A_232, %sub3A_225 : vector<16xf32>
        %sub3A_234 = arith.constant 5.000000e-01 : f32
        %sub3A_235 = vector.broadcast %sub3A_234 : f32 to vector<16xf32>
        %sub3A_236 = arith.subf %abs3A_226, %sub3A_235 : vector<16xf32>
        %select_n3A_237 = arith.select %lt3A_229, %mul3A_233, %sub3A_236 : vector<16xi1>, vector<16xf32>
        %jit3A_238 = arith.constant 0.000000e+00 : f32
        %broadcast_in_dim3A_239 = vector.broadcast %jit3A_238 : f32 to vector<16xf32>
        %select_n3A_240 = arith.select %gt3A_183, %select_n3A_237, %broadcast_in_dim3A_239 : vector<16xi1>, vector<16xf32>
        %add3A_241 = arith.addf %add3A_210, %select_n3A_240 : vector<16xf32>
        %mul3A_242 = arith.constant 16 : i32
        %mul3A_243 = arith.muli %add3A_177, %mul3A_242 : i32
        %add3A_244 = arith.constant 11264 : i32
        %add3A_245 = arith.addi %add3A_244, %mul3A_243 : i32
        %get3A_246 = arith.index_cast %add3A_245 : i32 to index
        %get3A_247 = tpu.vector_load %arg6[%get3A_246] {strides = array<i32>} : memref<35328xf32, #tpu.memory_space<vmem>>, vector<16xf32>,
        %get3A_248 = vector.shape_cast %get3A_247 : vector<16xf32> to vector<16xf32>
        %mul3A_249 = arith.constant 16 : i32
        %mul3A_250 = arith.muli %add3A_177, %mul3A_249 : i32
        %add3A_251 = arith.constant 11264 : i32
        %add3A_252 = arith.addi %add3A_251, %mul3A_250 : i32
        %get3A_253 = arith.index_cast %add3A_252 : i32 to index
        %get3A_254 = tpu.vector_load %arg7[%get3A_253] {strides = array<i32>} : memref<35328xf32, #tpu.memory_space<vmem>>, vector<16xf32>,
        %get3A_255 = vector.shape_cast %get3A_254 : vector<16xf32> to vector<16xf32>
        %sub3A_256 = arith.subf %get3A_248, %get3A_255 : vector<16xf32>
        %abs3A_257 = math.absf %sub3A_256 : vector<16xf32>
        %lt3A_258 = arith.constant 1.000000e+00 : f32
        %lt3A_259 = vector.broadcast %lt3A_258 : f32 to vector<16xf32>
        %lt3A_260 = arith.cmpf olt, %abs3A_257, %lt3A_259 : vector<16xf32>
        %mul3A_261 = arith.constant 5.000000e-01 : f32
        %mul3A_262 = vector.broadcast %mul3A_261 : f32 to vector<16xf32>
        %mul3A_263 = arith.mulf %mul3A_262, %sub3A_256 : vector<16xf32>
        %mul3A_264 = arith.mulf %mul3A_263, %sub3A_256 : vector<16xf32>
        %sub3A_265 = arith.constant 5.000000e-01 : f32
        %sub3A_266 = vector.broadcast %sub3A_265 : f32 to vector<16xf32>
        %sub3A_267 = arith.subf %abs3A_257, %sub3A_266 : vector<16xf32>
        %select_n3A_268 = arith.select %lt3A_260, %mul3A_264, %sub3A_267 : vector<16xi1>, vector<16xf32>
        %jit3A_269 = arith.constant 0.000000e+00 : f32
        %broadcast_in_dim3A_270 = vector.broadcast %jit3A_269 : f32 to vector<16xf32>
        %select_n3A_271 = arith.select %gt3A_183, %select_n3A_268, %broadcast_in_dim3A_270 : vector<16xi1>, vector<16xf32>
        %add3A_272 = arith.addf %add3A_241, %select_n3A_271 : vector<16xf32>
        %mul3A_273 = arith.constant 16 : i32
        %mul3A_274 = arith.muli %add3A_177, %mul3A_273 : i32
        %add3A_275 = arith.constant 16896 : i32
        %add3A_276 = arith.addi %add3A_275, %mul3A_274 : i32
        %get3A_277 = arith.index_cast %add3A_276 : i32 to index
        %get3A_278 = tpu.vector_load %arg6[%get3A_277] {strides = array<i32>} : memref<35328xf32, #tpu.memory_space<vmem>>, vector<16xf32>,
        %get3A_279 = vector.shape_cast %get3A_278 : vector<16xf32> to vector<16xf32>
        %mul3A_280 = arith.constant 16 : i32
        %mul3A_281 = arith.muli %add3A_177, %mul3A_280 : i32
        %add3A_282 = arith.constant 16896 : i32
        %add3A_283 = arith.addi %add3A_282, %mul3A_281 : i32
        %get3A_284 = arith.index_cast %add3A_283 : i32 to index
        %get3A_285 = tpu.vector_load %arg7[%get3A_284] {strides = array<i32>} : memref<35328xf32, #tpu.memory_space<vmem>>, vector<16xf32>,
        %get3A_286 = vector.shape_cast %get3A_285 : vector<16xf32> to vector<16xf32>
        %sub3A_287 = arith.subf %get3A_279, %get3A_286 : vector<16xf32>
        %abs3A_288 = math.absf %sub3A_287 : vector<16xf32>
        %lt3A_289 = arith.constant 1.000000e+00 : f32
        %lt3A_290 = vector.broadcast %lt3A_289 : f32 to vector<16xf32>
        %lt3A_291 = arith.cmpf olt, %abs3A_288, %lt3A_290 : vector<16xf32>
        %mul3A_292 = arith.constant 5.000000e-01 : f32
        %mul3A_293 = vector.broadcast %mul3A_292 : f32 to vector<16xf32>
        %mul3A_294 = arith.mulf %mul3A_293, %sub3A_287 : vector<16xf32>
        %mul3A_295 = arith.mulf %mul3A_294, %sub3A_287 : vector<16xf32>
        %sub3A_296 = arith.constant 5.000000e-01 : f32
        %sub3A_297 = vector.broadcast %sub3A_296 : f32 to vector<16xf32>
        %sub3A_298 = arith.subf %abs3A_288, %sub3A_297 : vector<16xf32>
        %select_n3A_299 = arith.select %lt3A_291, %mul3A_295, %sub3A_298 : vector<16xi1>, vector<16xf32>
        %jit3A_300 = arith.constant 0.000000e+00 : f32
        %broadcast_in_dim3A_301 = vector.broadcast %jit3A_300 : f32 to vector<16xf32>
        %select_n3A_302 = arith.select %gt3A_183, %select_n3A_299, %broadcast_in_dim3A_301 : vector<16xi1>, vector<16xf32>
        %add3A_303 = arith.addf %add3A_272, %select_n3A_302 : vector<16xf32>
        %mul3A_304 = arith.constant 8 : i32
        %mul3A_305 = arith.muli %scan3A_172, %mul3A_304 : i32
        %add3A_306 = arith.constant 1 : i32
        %add3A_307 = arith.addi %mul3A_305, %add3A_306 : i32
        %mul3A_308 = arith.constant 16 : i32
        %mul3A_309 = arith.muli %add3A_307, %mul3A_308 : i32
        %get3A_310 = arith.index_cast %mul3A_309 : i32 to index
        %get3A_311 = tpu.vector_load %arg8[%get3A_310] {strides = array<i32>} : memref<8832xi32, #tpu.memory_space<vmem>>, vector<16xi32>,
        %get3A_312 = vector.shape_cast %get3A_311 : vector<16xi32> to vector<16xi32>
        %gt3A_313 = arith.constant 0 : i32
        %gt3A_314 = vector.broadcast %gt3A_313 : i32 to vector<16xi32>
        %gt3A_315 = arith.cmpi sgt, %get3A_312, %gt3A_314 : vector<16xi32>
        %mul3A_316 = arith.constant 16 : i32
        %mul3A_317 = arith.muli %add3A_307, %mul3A_316 : i32
        %add3A_318 = arith.constant 0 : i32
        %add3A_319 = arith.addi %add3A_318, %mul3A_317 : i32
        %get3A_320 = arith.index_cast %add3A_319 : i32 to index
        %get3A_321 = tpu.vector_load %arg6[%get3A_320] {strides = array<i32>} : memref<35328xf32, #tpu.memory_space<vmem>>, vector<16xf32>,
        %get3A_322 = vector.shape_cast %get3A_321 : vector<16xf32> to vector<16xf32>
        %mul3A_323 = arith.constant 16 : i32
        %mul3A_324 = arith.muli %add3A_307, %mul3A_323 : i32
        %add3A_325 = arith.constant 0 : i32
        %add3A_326 = arith.addi %add3A_325, %mul3A_324 : i32
        %get3A_327 = arith.index_cast %add3A_326 : i32 to index
        %get3A_328 = tpu.vector_load %arg7[%get3A_327] {strides = array<i32>} : memref<35328xf32, #tpu.memory_space<vmem>>, vector<16xf32>,
        %get3A_329 = vector.shape_cast %get3A_328 : vector<16xf32> to vector<16xf32>
        %sub3A_330 = arith.subf %get3A_322, %get3A_329 : vector<16xf32>
        %abs3A_331 = math.absf %sub3A_330 : vector<16xf32>
        %lt3A_332 = arith.constant 1.000000e+00 : f32
        %lt3A_333 = vector.broadcast %lt3A_332 : f32 to vector<16xf32>
        %lt3A_334 = arith.cmpf olt, %abs3A_331, %lt3A_333 : vector<16xf32>
        %mul3A_335 = arith.constant 5.000000e-01 : f32
        %mul3A_336 = vector.broadcast %mul3A_335 : f32 to vector<16xf32>
        %mul3A_337 = arith.mulf %mul3A_336, %sub3A_330 : vector<16xf32>
        %mul3A_338 = arith.mulf %mul3A_337, %sub3A_330 : vector<16xf32>
        %sub3A_339 = arith.constant 5.000000e-01 : f32
        %sub3A_340 = vector.broadcast %sub3A_339 : f32 to vector<16xf32>
        %sub3A_341 = arith.subf %abs3A_331, %sub3A_340 : vector<16xf32>
        %select_n3A_342 = arith.select %lt3A_334, %mul3A_338, %sub3A_341 : vector<16xi1>, vector<16xf32>
        %jit3A_343 = arith.constant 0.000000e+00 : f32
        %broadcast_in_dim3A_344 = vector.broadcast %jit3A_343 : f32 to vector<16xf32>
        %select_n3A_345 = arith.select %gt3A_315, %select_n3A_342, %broadcast_in_dim3A_344 : vector<16xi1>, vector<16xf32>
        %add3A_346 = arith.addf %add3A_303, %select_n3A_345 : vector<16xf32>
        %mul3A_347 = arith.constant 16 : i32
        %mul3A_348 = arith.muli %add3A_307, %mul3A_347 : i32
        %add3A_349 = arith.constant 5632 : i32
        %add3A_350 = arith.addi %add3A_349, %mul3A_348 : i32
        %get3A_351 = arith.index_cast %add3A_350 : i32 to index
        %get3A_352 = tpu.vector_load %arg6[%get3A_351] {strides = array<i32>} : memref<35328xf32, #tpu.memory_space<vmem>>, vector<16xf32>,
        %get3A_353 = vector.shape_cast %get3A_352 : vector<16xf32> to vector<16xf32>
        %mul3A_354 = arith.constant 16 : i32
        %mul3A_355 = arith.muli %add3A_307, %mul3A_354 : i32
        %add3A_356 = arith.constant 5632 : i32
        %add3A_357 = arith.addi %add3A_356, %mul3A_355 : i32
        %get3A_358 = arith.index_cast %add3A_357 : i32 to index
        %get3A_359 = tpu.vector_load %arg7[%get3A_358] {strides = array<i32>} : memref<35328xf32, #tpu.memory_space<vmem>>, vector<16xf32>,
        %get3A_360 = vector.shape_cast %get3A_359 : vector<16xf32> to vector<16xf32>
        %sub3A_361 = arith.subf %get3A_353, %get3A_360 : vector<16xf32>
        %abs3A_362 = math.absf %sub3A_361 : vector<16xf32>
        %lt3A_363 = arith.constant 1.000000e+00 : f32
        %lt3A_364 = vector.broadcast %lt3A_363 : f32 to vector<16xf32>
        %lt3A_365 = arith.cmpf olt, %abs3A_362, %lt3A_364 : vector<16xf32>
        %mul3A_366 = arith.constant 5.000000e-01 : f32
        %mul3A_367 = vector.broadcast %mul3A_366 : f32 to vector<16xf32>
        %mul3A_368 = arith.mulf %mul3A_367, %sub3A_361 : vector<16xf32>
        %mul3A_369 = arith.mulf %mul3A_368, %sub3A_361 : vector<16xf32>
        %sub3A_370 = arith.constant 5.000000e-01 : f32
        %sub3A_371 = vector.broadcast %sub3A_370 : f32 to vector<16xf32>
        %sub3A_372 = arith.subf %abs3A_362, %sub3A_371 : vector<16xf32>
        %select_n3A_373 = arith.select %lt3A_365, %mul3A_369, %sub3A_372 : vector<16xi1>, vector<16xf32>
        %jit3A_374 = arith.constant 0.000000e+00 : f32
        %broadcast_in_dim3A_375 = vector.broadcast %jit3A_374 : f32 to vector<16xf32>
        %select_n3A_376 = arith.select %gt3A_315, %select_n3A_373, %broadcast_in_dim3A_375 : vector<16xi1>, vector<16xf32>
        %add3A_377 = arith.addf %add3A_346, %select_n3A_376 : vector<16xf32>
        %mul3A_378 = arith.constant 16 : i32
        %mul3A_379 = arith.muli %add3A_307, %mul3A_378 : i32
        %add3A_380 = arith.constant 11264 : i32
        %add3A_381 = arith.addi %add3A_380, %mul3A_379 : i32
        %get3A_382 = arith.index_cast %add3A_381 : i32 to index
        %get3A_383 = tpu.vector_load %arg6[%get3A_382] {strides = array<i32>} : memref<35328xf32, #tpu.memory_space<vmem>>, vector<16xf32>,
        %get3A_384 = vector.shape_cast %get3A_383 : vector<16xf32> to vector<16xf32>
        %mul3A_385 = arith.constant 16 : i32
        %mul3A_386 = arith.muli %add3A_307, %mul3A_385 : i32
        %add3A_387 = arith.constant 11264 : i32
        %add3A_388 = arith.addi %add3A_387, %mul3A_386 : i32
        %get3A_389 = arith.index_cast %add3A_388 : i32 to index
        %get3A_390 = tpu.vector_load %arg7[%get3A_389] {strides = array<i32>} : memref<35328xf32, #tpu.memory_space<vmem>>, vector<16xf32>,
        %get3A_391 = vector.shape_cast %get3A_390 : vector<16xf32> to vector<16xf32>
        %sub3A_392 = arith.subf %get3A_384, %get3A_391 : vector<16xf32>
        %abs3A_393 = math.absf %sub3A_392 : vector<16xf32>
        %lt3A_394 = arith.constant 1.000000e+00 : f32
        %lt3A_395 = vector.broadcast %lt3A_394 : f32 to vector<16xf32>
        %lt3A_396 = arith.cmpf olt, %abs3A_393, %lt3A_395 : vector<16xf32>
        %mul3A_397 = arith.constant 5.000000e-01 : f32
        %mul3A_398 = vector.broadcast %mul3A_397 : f32 to vector<16xf32>
        %mul3A_399 = arith.mulf %mul3A_398, %sub3A_392 : vector<16xf32>
        %mul3A_400 = arith.mulf %mul3A_399, %sub3A_392 : vector<16xf32>
        %sub3A_401 = arith.constant 5.000000e-01 : f32
        %sub3A_402 = vector.broadcast %sub3A_401 : f32 to vector<16xf32>
        %sub3A_403 = arith.subf %abs3A_393, %sub3A_402 : vector<16xf32>
        %select_n3A_404 = arith.select %lt3A_396, %mul3A_400, %sub3A_403 : vector<16xi1>, vector<16xf32>
        %jit3A_405 = arith.constant 0.000000e+00 : f32
        %broadcast_in_dim3A_406 = vector.broadcast %jit3A_405 : f32 to vector<16xf32>
        %select_n3A_407 = arith.select %gt3A_315, %select_n3A_404, %broadcast_in_dim3A_406 : vector<16xi1>, vector<16xf32>
        %add3A_408 = arith.addf %add3A_377, %select_n3A_407 : vector<16xf32>
        %mul3A_409 = arith.constant 16 : i32
        %mul3A_410 = arith.muli %add3A_307, %mul3A_409 : i32
        %add3A_411 = arith.constant 16896 : i32
        %add3A_412 = arith.addi %add3A_411, %mul3A_410 : i32
        %get3A_413 = arith.index_cast %add3A_412 : i32 to index
        %get3A_414 = tpu.vector_load %arg6[%get3A_413] {strides = array<i32>} : memref<35328xf32, #tpu.memory_space<vmem>>, vector<16xf32>,
        %get3A_415 = vector.shape_cast %get3A_414 : vector<16xf32> to vector<16xf32>
        %mul3A_416 = arith.constant 16 : i32
        %mul3A_417 = arith.muli %add3A_307, %mul3A_416 : i32
        %add3A_418 = arith.constant 16896 : i32
        %add3A_419 = arith.addi %add3A_418, %mul3A_417 : i32
        %get3A_420 = arith.index_cast %add3A_419 : i32 to index
        %get3A_421 = tpu.vector_load %arg7[%get3A_420] {strides = array<i32>} : memref<35328xf32, #tpu.memory_space<vmem>>, vector<16xf32>,
        %get3A_422 = vector.shape_cast %get3A_421 : vector<16xf32> to vector<16xf32>
        %sub3A_423 = arith.subf %get3A_415, %get3A_422 : vector<16xf32>
        %abs3A_424 = math.absf %sub3A_423 : vector<16xf32>
        %lt3A_425 = arith.constant 1.000000e+00 : f32
        %lt3A_426 = vector.broadcast %lt3A_425 : f32 to vector<16xf32>
        %lt3A_427 = arith.cmpf olt, %abs3A_424, %lt3A_426 : vector<16xf32>
        %mul3A_428 = arith.constant 5.000000e-01 : f32
        %mul3A_429 = vector.broadcast %mul3A_428 : f32 to vector<16xf32>
        %mul3A_430 = arith.mulf %mul3A_429, %sub3A_423 : vector<16xf32>
        %mul3A_431 = arith.mulf %mul3A_430, %sub3A_423 : vector<16xf32>
        %sub3A_432 = arith.constant 5.000000e-01 : f32
        %sub3A_433 = vector.broadcast %sub3A_432 : f32 to vector<16xf32>
        %sub3A_434 = arith.subf %abs3A_424, %sub3A_433 : vector<16xf32>
        %select_n3A_435 = arith.select %lt3A_427, %mul3A_431, %sub3A_434 : vector<16xi1>, vector<16xf32>
        %jit3A_436 = arith.constant 0.000000e+00 : f32
        %broadcast_in_dim3A_437 = vector.broadcast %jit3A_436 : f32 to vector<16xf32>
        %select_n3A_438 = arith.select %gt3A_315, %select_n3A_435, %broadcast_in_dim3A_437 : vector<16xi1>, vector<16xf32>
        %add3A_439 = arith.addf %add3A_408, %select_n3A_438 : vector<16xf32>
        %mul3A_440 = arith.constant 8 : i32
        %mul3A_441 = arith.muli %scan3A_172, %mul3A_440 : i32
        %add3A_442 = arith.constant 2 : i32
        %add3A_443 = arith.addi %mul3A_441, %add3A_442 : i32
        %mul3A_444 = arith.constant 16 : i32
        %mul3A_445 = arith.muli %add3A_443, %mul3A_444 : i32
        %get3A_446 = arith.index_cast %mul3A_445 : i32 to index
        %get3A_447 = tpu.vector_load %arg8[%get3A_446] {strides = array<i32>} : memref<8832xi32, #tpu.memory_space<vmem>>, vector<16xi32>,
        %get3A_448 = vector.shape_cast %get3A_447 : vector<16xi32> to vector<16xi32>
        %gt3A_449 = arith.constant 0 : i32
        %gt3A_450 = vector.broadcast %gt3A_449 : i32 to vector<16xi32>
        %gt3A_451 = arith.cmpi sgt, %get3A_448, %gt3A_450 : vector<16xi32>
        %mul3A_452 = arith.constant 16 : i32
        %mul3A_453 = arith.muli %add3A_443, %mul3A_452 : i32
        %add3A_454 = arith.constant 0 : i32
        %add3A_455 = arith.addi %add3A_454, %mul3A_453 : i32
        %get3A_456 = arith.index_cast %add3A_455 : i32 to index
        %get3A_457 = tpu.vector_load %arg6[%get3A_456] {strides = array<i32>} : memref<35328xf32, #tpu.memory_space<vmem>>, vector<16xf32>,
        %get3A_458 = vector.shape_cast %get3A_457 : vector<16xf32> to vector<16xf32>
        %mul3A_459 = arith.constant 16 : i32
        %mul3A_460 = arith.muli %add3A_443, %mul3A_459 : i32
        %add3A_461 = arith.constant 0 : i32
        %add3A_462 = arith.addi %add3A_461, %mul3A_460 : i32
        %get3A_463 = arith.index_cast %add3A_462 : i32 to index
        %get3A_464 = tpu.vector_load %arg7[%get3A_463] {strides = array<i32>} : memref<35328xf32, #tpu.memory_space<vmem>>, vector<16xf32>,
        %get3A_465 = vector.shape_cast %get3A_464 : vector<16xf32> to vector<16xf32>
        %sub3A_466 = arith.subf %get3A_458, %get3A_465 : vector<16xf32>
        %abs3A_467 = math.absf %sub3A_466 : vector<16xf32>
        %lt3A_468 = arith.constant 1.000000e+00 : f32
        %lt3A_469 = vector.broadcast %lt3A_468 : f32 to vector<16xf32>
        %lt3A_470 = arith.cmpf olt, %abs3A_467, %lt3A_469 : vector<16xf32>
        %mul3A_471 = arith.constant 5.000000e-01 : f32
        %mul3A_472 = vector.broadcast %mul3A_471 : f32 to vector<16xf32>
        %mul3A_473 = arith.mulf %mul3A_472, %sub3A_466 : vector<16xf32>
        %mul3A_474 = arith.mulf %mul3A_473, %sub3A_466 : vector<16xf32>
        %sub3A_475 = arith.constant 5.000000e-01 : f32
        %sub3A_476 = vector.broadcast %sub3A_475 : f32 to vector<16xf32>
        %sub3A_477 = arith.subf %abs3A_467, %sub3A_476 : vector<16xf32>
        %select_n3A_478 = arith.select %lt3A_470, %mul3A_474, %sub3A_477 : vector<16xi1>, vector<16xf32>
        %jit3A_479 = arith.constant 0.000000e+00 : f32
        %broadcast_in_dim3A_480 = vector.broadcast %jit3A_479 : f32 to vector<16xf32>
        %select_n3A_481 = arith.select %gt3A_451, %select_n3A_478, %broadcast_in_dim3A_480 : vector<16xi1>, vector<16xf32>
        %add3A_482 = arith.addf %add3A_439, %select_n3A_481 : vector<16xf32>
        %mul3A_483 = arith.constant 16 : i32
        %mul3A_484 = arith.muli %add3A_443, %mul3A_483 : i32
        %add3A_485 = arith.constant 5632 : i32
        %add3A_486 = arith.addi %add3A_485, %mul3A_484 : i32
        %get3A_487 = arith.index_cast %add3A_486 : i32 to index
        %get3A_488 = tpu.vector_load %arg6[%get3A_487] {strides = array<i32>} : memref<35328xf32, #tpu.memory_space<vmem>>, vector<16xf32>,
        %get3A_489 = vector.shape_cast %get3A_488 : vector<16xf32> to vector<16xf32>
        %mul3A_490 = arith.constant 16 : i32
        %mul3A_491 = arith.muli %add3A_443, %mul3A_490 : i32
        %add3A_492 = arith.constant 5632 : i32
        %add3A_493 = arith.addi %add3A_492, %mul3A_491 : i32
        %get3A_494 = arith.index_cast %add3A_493 : i32 to index
        %get3A_495 = tpu.vector_load %arg7[%get3A_494] {strides = array<i32>} : memref<35328xf32, #tpu.memory_space<vmem>>, vector<16xf32>,
        %get3A_496 = vector.shape_cast %get3A_495 : vector<16xf32> to vector<16xf32>
        %sub3A_497 = arith.subf %get3A_489, %get3A_496 : vector<16xf32>
        %abs3A_498 = math.absf %sub3A_497 : vector<16xf32>
        %lt3A_499 = arith.constant 1.000000e+00 : f32
        %lt3A_500 = vector.broadcast %lt3A_499 : f32 to vector<16xf32>
        %lt3A_501 = arith.cmpf olt, %abs3A_498, %lt3A_500 : vector<16xf32>
        %mul3A_502 = arith.constant 5.000000e-01 : f32
        %mul3A_503 = vector.broadcast %mul3A_502 : f32 to vector<16xf32>
        %mul3A_504 = arith.mulf %mul3A_503, %sub3A_497 : vector<16xf32>
        %mul3A_505 = arith.mulf %mul3A_504, %sub3A_497 : vector<16xf32>
        %sub3A_506 = arith.constant 5.000000e-01 : f32
        %sub3A_507 = vector.broadcast %sub3A_506 : f32 to vector<16xf32>
        %sub3A_508 = arith.subf %abs3A_498, %sub3A_507 : vector<16xf32>
        %select_n3A_509 = arith.select %lt3A_501, %mul3A_505, %sub3A_508 : vector<16xi1>, vector<16xf32>
        %jit3A_510 = arith.constant 0.000000e+00 : f32
        %broadcast_in_dim3A_511 = vector.broadcast %jit3A_510 : f32 to vector<16xf32>
        %select_n3A_512 = arith.select %gt3A_451, %select_n3A_509, %broadcast_in_dim3A_511 : vector<16xi1>, vector<16xf32>
        %add3A_513 = arith.addf %add3A_482, %select_n3A_512 : vector<16xf32>
        %mul3A_514 = arith.constant 16 : i32
        %mul3A_515 = arith.muli %add3A_443, %mul3A_514 : i32
        %add3A_516 = arith.constant 11264 : i32
        %add3A_517 = arith.addi %add3A_516, %mul3A_515 : i32
        %get3A_518 = arith.index_cast %add3A_517 : i32 to index
        %get3A_519 = tpu.vector_load %arg6[%get3A_518] {strides = array<i32>} : memref<35328xf32, #tpu.memory_space<vmem>>, vector<16xf32>,
        %get3A_520 = vector.shape_cast %get3A_519 : vector<16xf32> to vector<16xf32>
        %mul3A_521 = arith.constant 16 : i32
        %mul3A_522 = arith.muli %add3A_443, %mul3A_521 : i32
        %add3A_523 = arith.constant 11264 : i32
        %add3A_524 = arith.addi %add3A_523, %mul3A_522 : i32
        %get3A_525 = arith.index_cast %add3A_524 : i32 to index
        %get3A_526 = tpu.vector_load %arg7[%get3A_525] {strides = array<i32>} : memref<35328xf32, #tpu.memory_space<vmem>>, vector<16xf32>,
        %get3A_527 = vector.shape_cast %get3A_526 : vector<16xf32> to vector<16xf32>
        %sub3A_528 = arith.subf %get3A_520, %get3A_527 : vector<16xf32>
        %abs3A_529 = math.absf %sub3A_528 : vector<16xf32>
        %lt3A_530 = arith.constant 1.000000e+00 : f32
        %lt3A_531 = vector.broadcast %lt3A_530 : f32 to vector<16xf32>
        %lt3A_532 = arith.cmpf olt, %abs3A_529, %lt3A_531 : vector<16xf32>
        %mul3A_533 = arith.constant 5.000000e-01 : f32
        %mul3A_534 = vector.broadcast %mul3A_533 : f32 to vector<16xf32>
        %mul3A_535 = arith.mulf %mul3A_534, %sub3A_528 : vector<16xf32>
        %mul3A_536 = arith.mulf %mul3A_535, %sub3A_528 : vector<16xf32>
        %sub3A_537 = arith.constant 5.000000e-01 : f32
        %sub3A_538 = vector.broadcast %sub3A_537 : f32 to vector<16xf32>
        %sub3A_539 = arith.subf %abs3A_529, %sub3A_538 : vector<16xf32>
        %select_n3A_540 = arith.select %lt3A_532, %mul3A_536, %sub3A_539 : vector<16xi1>, vector<16xf32>
        %jit3A_541 = arith.constant 0.000000e+00 : f32
        %broadcast_in_dim3A_542 = vector.broadcast %jit3A_541 : f32 to vector<16xf32>
        %select_n3A_543 = arith.select %gt3A_451, %select_n3A_540, %broadcast_in_dim3A_542 : vector<16xi1>, vector<16xf32>
        %add3A_544 = arith.addf %add3A_513, %select_n3A_543 : vector<16xf32>
        %mul3A_545 = arith.constant 16 : i32
        %mul3A_546 = arith.muli %add3A_443, %mul3A_545 : i32
        %add3A_547 = arith.constant 16896 : i32
        %add3A_548 = arith.addi %add3A_547, %mul3A_546 : i32
        %get3A_549 = arith.index_cast %add3A_548 : i32 to index
        %get3A_550 = tpu.vector_load %arg6[%get3A_549] {strides = array<i32>} : memref<35328xf32, #tpu.memory_space<vmem>>, vector<16xf32>,
        %get3A_551 = vector.shape_cast %get3A_550 : vector<16xf32> to vector<16xf32>
        %mul3A_552 = arith.constant 16 : i32
        %mul3A_553 = arith.muli %add3A_443, %mul3A_552 : i32
        %add3A_554 = arith.constant 16896 : i32
        %add3A_555 = arith.addi %add3A_554, %mul3A_553 : i32
        %get3A_556 = arith.index_cast %add3A_555 : i32 to index
        %get3A_557 = tpu.vector_load %arg7[%get3A_556] {strides = array<i32>} : memref<35328xf32, #tpu.memory_space<vmem>>, vector<16xf32>,
        %get3A_558 = vector.shape_cast %get3A_557 : vector<16xf32> to vector<16xf32>
        %sub3A_559 = arith.subf %get3A_551, %get3A_558 : vector<16xf32>
        %abs3A_560 = math.absf %sub3A_559 : vector<16xf32>
        %lt3A_561 = arith.constant 1.000000e+00 : f32
        %lt3A_562 = vector.broadcast %lt3A_561 : f32 to vector<16xf32>
        %lt3A_563 = arith.cmpf olt, %abs3A_560, %lt3A_562 : vector<16xf32>
        %mul3A_564 = arith.constant 5.000000e-01 : f32
        %mul3A_565 = vector.broadcast %mul3A_564 : f32 to vector<16xf32>
        %mul3A_566 = arith.mulf %mul3A_565, %sub3A_559 : vector<16xf32>
        %mul3A_567 = arith.mulf %mul3A_566, %sub3A_559 : vector<16xf32>
        %sub3A_568 = arith.constant 5.000000e-01 : f32
        %sub3A_569 = vector.broadcast %sub3A_568 : f32 to vector<16xf32>
        %sub3A_570 = arith.subf %abs3A_560, %sub3A_569 : vector<16xf32>
        %select_n3A_571 = arith.select %lt3A_563, %mul3A_567, %sub3A_570 : vector<16xi1>, vector<16xf32>
        %jit3A_572 = arith.constant 0.000000e+00 : f32
        %broadcast_in_dim3A_573 = vector.broadcast %jit3A_572 : f32 to vector<16xf32>
        %select_n3A_574 = arith.select %gt3A_451, %select_n3A_571, %broadcast_in_dim3A_573 : vector<16xi1>, vector<16xf32>
        %add3A_575 = arith.addf %add3A_544, %select_n3A_574 : vector<16xf32>
        %mul3A_576 = arith.constant 8 : i32
        %mul3A_577 = arith.muli %scan3A_172, %mul3A_576 : i32
        %add3A_578 = arith.constant 3 : i32
        %add3A_579 = arith.addi %mul3A_577, %add3A_578 : i32
        %mul3A_580 = arith.constant 16 : i32
        %mul3A_581 = arith.muli %add3A_579, %mul3A_580 : i32
        %get3A_582 = arith.index_cast %mul3A_581 : i32 to index
        %get3A_583 = tpu.vector_load %arg8[%get3A_582] {strides = array<i32>} : memref<8832xi32, #tpu.memory_space<vmem>>, vector<16xi32>,
        %get3A_584 = vector.shape_cast %get3A_583 : vector<16xi32> to vector<16xi32>
        %gt3A_585 = arith.constant 0 : i32
        %gt3A_586 = vector.broadcast %gt3A_585 : i32 to vector<16xi32>
        %gt3A_587 = arith.cmpi sgt, %get3A_584, %gt3A_586 : vector<16xi32>
        %mul3A_588 = arith.constant 16 : i32
        %mul3A_589 = arith.muli %add3A_579, %mul3A_588 : i32
        %add3A_590 = arith.constant 0 : i32
        %add3A_591 = arith.addi %add3A_590, %mul3A_589 : i32
        %get3A_592 = arith.index_cast %add3A_591 : i32 to index
        %get3A_593 = tpu.vector_load %arg6[%get3A_592] {strides = array<i32>} : memref<35328xf32, #tpu.memory_space<vmem>>, vector<16xf32>,
        %get3A_594 = vector.shape_cast %get3A_593 : vector<16xf32> to vector<16xf32>
        %mul3A_595 = arith.constant 16 : i32
        %mul3A_596 = arith.muli %add3A_579, %mul3A_595 : i32
        %add3A_597 = arith.constant 0 : i32
        %add3A_598 = arith.addi %add3A_597, %mul3A_596 : i32
        %get3A_599 = arith.index_cast %add3A_598 : i32 to index
        %get3A_600 = tpu.vector_load %arg7[%get3A_599] {strides = array<i32>} : memref<35328xf32, #tpu.memory_space<vmem>>, vector<16xf32>,
        %get3A_601 = vector.shape_cast %get3A_600 : vector<16xf32> to vector<16xf32>
        %sub3A_602 = arith.subf %get3A_594, %get3A_601 : vector<16xf32>
        %abs3A_603 = math.absf %sub3A_602 : vector<16xf32>
        %lt3A_604 = arith.constant 1.000000e+00 : f32
        %lt3A_605 = vector.broadcast %lt3A_604 : f32 to vector<16xf32>
        %lt3A_606 = arith.cmpf olt, %abs3A_603, %lt3A_605 : vector<16xf32>
        %mul3A_607 = arith.constant 5.000000e-01 : f32
        %mul3A_608 = vector.broadcast %mul3A_607 : f32 to vector<16xf32>
        %mul3A_609 = arith.mulf %mul3A_608, %sub3A_602 : vector<16xf32>
        %mul3A_610 = arith.mulf %mul3A_609, %sub3A_602 : vector<16xf32>
        %sub3A_611 = arith.constant 5.000000e-01 : f32
        %sub3A_612 = vector.broadcast %sub3A_611 : f32 to vector<16xf32>
        %sub3A_613 = arith.subf %abs3A_603, %sub3A_612 : vector<16xf32>
        %select_n3A_614 = arith.select %lt3A_606, %mul3A_610, %sub3A_613 : vector<16xi1>, vector<16xf32>
        %jit3A_615 = arith.constant 0.000000e+00 : f32
        %broadcast_in_dim3A_616 = vector.broadcast %jit3A_615 : f32 to vector<16xf32>
        %select_n3A_617 = arith.select %gt3A_587, %select_n3A_614, %broadcast_in_dim3A_616 : vector<16xi1>, vector<16xf32>
        %add3A_618 = arith.addf %add3A_575, %select_n3A_617 : vector<16xf32>
        %mul3A_619 = arith.constant 16 : i32
        %mul3A_620 = arith.muli %add3A_579, %mul3A_619 : i32
        %add3A_621 = arith.constant 5632 : i32
        %add3A_622 = arith.addi %add3A_621, %mul3A_620 : i32
        %get3A_623 = arith.index_cast %add3A_622 : i32 to index
        %get3A_624 = tpu.vector_load %arg6[%get3A_623] {strides = array<i32>} : memref<35328xf32, #tpu.memory_space<vmem>>, vector<16xf32>,
        %get3A_625 = vector.shape_cast %get3A_624 : vector<16xf32> to vector<16xf32>
        %mul3A_626 = arith.constant 16 : i32
        %mul3A_627 = arith.muli %add3A_579, %mul3A_626 : i32
        %add3A_628 = arith.constant 5632 : i32
        %add3A_629 = arith.addi %add3A_628, %mul3A_627 : i32
        %get3A_630 = arith.index_cast %add3A_629 : i32 to index
        %get3A_631 = tpu.vector_load %arg7[%get3A_630] {strides = array<i32>} : memref<35328xf32, #tpu.memory_space<vmem>>, vector<16xf32>,
        %get3A_632 = vector.shape_cast %get3A_631 : vector<16xf32> to vector<16xf32>
        %sub3A_633 = arith.subf %get3A_625, %get3A_632 : vector<16xf32>
        %abs3A_634 = math.absf %sub3A_633 : vector<16xf32>
        %lt3A_635 = arith.constant 1.000000e+00 : f32
        %lt3A_636 = vector.broadcast %lt3A_635 : f32 to vector<16xf32>
        %lt3A_637 = arith.cmpf olt, %abs3A_634, %lt3A_636 : vector<16xf32>
        %mul3A_638 = arith.constant 5.000000e-01 : f32
        %mul3A_639 = vector.broadcast %mul3A_638 : f32 to vector<16xf32>
        %mul3A_640 = arith.mulf %mul3A_639, %sub3A_633 : vector<16xf32>
        %mul3A_641 = arith.mulf %mul3A_640, %sub3A_633 : vector<16xf32>
        %sub3A_642 = arith.constant 5.000000e-01 : f32
        %sub3A_643 = vector.broadcast %sub3A_642 : f32 to vector<16xf32>
        %sub3A_644 = arith.subf %abs3A_634, %sub3A_643 : vector<16xf32>
        %select_n3A_645 = arith.select %lt3A_637, %mul3A_641, %sub3A_644 : vector<16xi1>, vector<16xf32>
        %jit3A_646 = arith.constant 0.000000e+00 : f32
        %broadcast_in_dim3A_647 = vector.broadcast %jit3A_646 : f32 to vector<16xf32>
        %select_n3A_648 = arith.select %gt3A_587, %select_n3A_645, %broadcast_in_dim3A_647 : vector<16xi1>, vector<16xf32>
        %add3A_649 = arith.addf %add3A_618, %select_n3A_648 : vector<16xf32>
        %mul3A_650 = arith.constant 16 : i32
        %mul3A_651 = arith.muli %add3A_579, %mul3A_650 : i32
        %add3A_652 = arith.constant 11264 : i32
        %add3A_653 = arith.addi %add3A_652, %mul3A_651 : i32
        %get3A_654 = arith.index_cast %add3A_653 : i32 to index
        %get3A_655 = tpu.vector_load %arg6[%get3A_654] {strides = array<i32>} : memref<35328xf32, #tpu.memory_space<vmem>>, vector<16xf32>,
        %get3A_656 = vector.shape_cast %get3A_655 : vector<16xf32> to vector<16xf32>
        %mul3A_657 = arith.constant 16 : i32
        %mul3A_658 = arith.muli %add3A_579, %mul3A_657 : i32
        %add3A_659 = arith.constant 11264 : i32
        %add3A_660 = arith.addi %add3A_659, %mul3A_658 : i32
        %get3A_661 = arith.index_cast %add3A_660 : i32 to index
        %get3A_662 = tpu.vector_load %arg7[%get3A_661] {strides = array<i32>} : memref<35328xf32, #tpu.memory_space<vmem>>, vector<16xf32>,
        %get3A_663 = vector.shape_cast %get3A_662 : vector<16xf32> to vector<16xf32>
        %sub3A_664 = arith.subf %get3A_656, %get3A_663 : vector<16xf32>
        %abs3A_665 = math.absf %sub3A_664 : vector<16xf32>
        %lt3A_666 = arith.constant 1.000000e+00 : f32
        %lt3A_667 = vector.broadcast %lt3A_666 : f32 to vector<16xf32>
        %lt3A_668 = arith.cmpf olt, %abs3A_665, %lt3A_667 : vector<16xf32>
        %mul3A_669 = arith.constant 5.000000e-01 : f32
        %mul3A_670 = vector.broadcast %mul3A_669 : f32 to vector<16xf32>
        %mul3A_671 = arith.mulf %mul3A_670, %sub3A_664 : vector<16xf32>
        %mul3A_672 = arith.mulf %mul3A_671, %sub3A_664 : vector<16xf32>
        %sub3A_673 = arith.constant 5.000000e-01 : f32
        %sub3A_674 = vector.broadcast %sub3A_673 : f32 to vector<16xf32>
        %sub3A_675 = arith.subf %abs3A_665, %sub3A_674 : vector<16xf32>
        %select_n3A_676 = arith.select %lt3A_668, %mul3A_672, %sub3A_675 : vector<16xi1>, vector<16xf32>
        %jit3A_677 = arith.constant 0.000000e+00 : f32
        %broadcast_in_dim3A_678 = vector.broadcast %jit3A_677 : f32 to vector<16xf32>
        %select_n3A_679 = arith.select %gt3A_587, %select_n3A_676, %broadcast_in_dim3A_678 : vector<16xi1>, vector<16xf32>
        %add3A_680 = arith.addf %add3A_649, %select_n3A_679 : vector<16xf32>
        %mul3A_681 = arith.constant 16 : i32
        %mul3A_682 = arith.muli %add3A_579, %mul3A_681 : i32
        %add3A_683 = arith.constant 16896 : i32
        %add3A_684 = arith.addi %add3A_683, %mul3A_682 : i32
        %get3A_685 = arith.index_cast %add3A_684 : i32 to index
        %get3A_686 = tpu.vector_load %arg6[%get3A_685] {strides = array<i32>} : memref<35328xf32, #tpu.memory_space<vmem>>, vector<16xf32>,
        %get3A_687 = vector.shape_cast %get3A_686 : vector<16xf32> to vector<16xf32>
        %mul3A_688 = arith.constant 16 : i32
        %mul3A_689 = arith.muli %add3A_579, %mul3A_688 : i32
        %add3A_690 = arith.constant 16896 : i32
        %add3A_691 = arith.addi %add3A_690, %mul3A_689 : i32
        %get3A_692 = arith.index_cast %add3A_691 : i32 to index
        %get3A_693 = tpu.vector_load %arg7[%get3A_692] {strides = array<i32>} : memref<35328xf32, #tpu.memory_space<vmem>>, vector<16xf32>,
        %get3A_694 = vector.shape_cast %get3A_693 : vector<16xf32> to vector<16xf32>
        %sub3A_695 = arith.subf %get3A_687, %get3A_694 : vector<16xf32>
        %abs3A_696 = math.absf %sub3A_695 : vector<16xf32>
        %lt3A_697 = arith.constant 1.000000e+00 : f32
        %lt3A_698 = vector.broadcast %lt3A_697 : f32 to vector<16xf32>
        %lt3A_699 = arith.cmpf olt, %abs3A_696, %lt3A_698 : vector<16xf32>
        %mul3A_700 = arith.constant 5.000000e-01 : f32
        %mul3A_701 = vector.broadcast %mul3A_700 : f32 to vector<16xf32>
        %mul3A_702 = arith.mulf %mul3A_701, %sub3A_695 : vector<16xf32>
        %mul3A_703 = arith.mulf %mul3A_702, %sub3A_695 : vector<16xf32>
        %sub3A_704 = arith.constant 5.000000e-01 : f32
        %sub3A_705 = vector.broadcast %sub3A_704 : f32 to vector<16xf32>
        %sub3A_706 = arith.subf %abs3A_696, %sub3A_705 : vector<16xf32>
        %select_n3A_707 = arith.select %lt3A_699, %mul3A_703, %sub3A_706 : vector<16xi1>, vector<16xf32>
        %jit3A_708 = arith.constant 0.000000e+00 : f32
        %broadcast_in_dim3A_709 = vector.broadcast %jit3A_708 : f32 to vector<16xf32>
        %select_n3A_710 = arith.select %gt3A_587, %select_n3A_707, %broadcast_in_dim3A_709 : vector<16xi1>, vector<16xf32>
        %add3A_711 = arith.addf %add3A_680, %select_n3A_710 : vector<16xf32>
        %mul3A_712 = arith.constant 8 : i32
        %mul3A_713 = arith.muli %scan3A_172, %mul3A_712 : i32
        %add3A_714 = arith.constant 4 : i32
        %add3A_715 = arith.addi %mul3A_713, %add3A_714 : i32
        %mul3A_716 = arith.constant 16 : i32
        %mul3A_717 = arith.muli %add3A_715, %mul3A_716 : i32
        %get3A_718 = arith.index_cast %mul3A_717 : i32 to index
        %get3A_719 = tpu.vector_load %arg8[%get3A_718] {strides = array<i32>} : memref<8832xi32, #tpu.memory_space<vmem>>, vector<16xi32>,
        %get3A_720 = vector.shape_cast %get3A_719 : vector<16xi32> to vector<16xi32>
        %gt3A_721 = arith.constant 0 : i32
        %gt3A_722 = vector.broadcast %gt3A_721 : i32 to vector<16xi32>
        %gt3A_723 = arith.cmpi sgt, %get3A_720, %gt3A_722 : vector<16xi32>
        %mul3A_724 = arith.constant 16 : i32
        %mul3A_725 = arith.muli %add3A_715, %mul3A_724 : i32
        %add3A_726 = arith.constant 0 : i32
        %add3A_727 = arith.addi %add3A_726, %mul3A_725 : i32
        %get3A_728 = arith.index_cast %add3A_727 : i32 to index
        %get3A_729 = tpu.vector_load %arg6[%get3A_728] {strides = array<i32>} : memref<35328xf32, #tpu.memory_space<vmem>>, vector<16xf32>,
        %get3A_730 = vector.shape_cast %get3A_729 : vector<16xf32> to vector<16xf32>
        %mul3A_731 = arith.constant 16 : i32
        %mul3A_732 = arith.muli %add3A_715, %mul3A_731 : i32
        %add3A_733 = arith.constant 0 : i32
        %add3A_734 = arith.addi %add3A_733, %mul3A_732 : i32
        %get3A_735 = arith.index_cast %add3A_734 : i32 to index
        %get3A_736 = tpu.vector_load %arg7[%get3A_735] {strides = array<i32>} : memref<35328xf32, #tpu.memory_space<vmem>>, vector<16xf32>,
        %get3A_737 = vector.shape_cast %get3A_736 : vector<16xf32> to vector<16xf32>
        %sub3A_738 = arith.subf %get3A_730, %get3A_737 : vector<16xf32>
        %abs3A_739 = math.absf %sub3A_738 : vector<16xf32>
        %lt3A_740 = arith.constant 1.000000e+00 : f32
        %lt3A_741 = vector.broadcast %lt3A_740 : f32 to vector<16xf32>
        %lt3A_742 = arith.cmpf olt, %abs3A_739, %lt3A_741 : vector<16xf32>
        %mul3A_743 = arith.constant 5.000000e-01 : f32
        %mul3A_744 = vector.broadcast %mul3A_743 : f32 to vector<16xf32>
        %mul3A_745 = arith.mulf %mul3A_744, %sub3A_738 : vector<16xf32>
        %mul3A_746 = arith.mulf %mul3A_745, %sub3A_738 : vector<16xf32>
        %sub3A_747 = arith.constant 5.000000e-01 : f32
        %sub3A_748 = vector.broadcast %sub3A_747 : f32 to vector<16xf32>
        %sub3A_749 = arith.subf %abs3A_739, %sub3A_748 : vector<16xf32>
        %select_n3A_750 = arith.select %lt3A_742, %mul3A_746, %sub3A_749 : vector<16xi1>, vector<16xf32>
        %jit3A_751 = arith.constant 0.000000e+00 : f32
        %broadcast_in_dim3A_752 = vector.broadcast %jit3A_751 : f32 to vector<16xf32>
        %select_n3A_753 = arith.select %gt3A_723, %select_n3A_750, %broadcast_in_dim3A_752 : vector<16xi1>, vector<16xf32>
        %add3A_754 = arith.addf %add3A_711, %select_n3A_753 : vector<16xf32>
        %mul3A_755 = arith.constant 16 : i32
        %mul3A_756 = arith.muli %add3A_715, %mul3A_755 : i32
        %add3A_757 = arith.constant 5632 : i32
        %add3A_758 = arith.addi %add3A_757, %mul3A_756 : i32
        %get3A_759 = arith.index_cast %add3A_758 : i32 to index
        %get3A_760 = tpu.vector_load %arg6[%get3A_759] {strides = array<i32>} : memref<35328xf32, #tpu.memory_space<vmem>>, vector<16xf32>,
        %get3A_761 = vector.shape_cast %get3A_760 : vector<16xf32> to vector<16xf32>
        %mul3A_762 = arith.constant 16 : i32
        %mul3A_763 = arith.muli %add3A_715, %mul3A_762 : i32
        %add3A_764 = arith.constant 5632 : i32
        %add3A_765 = arith.addi %add3A_764, %mul3A_763 : i32
        %get3A_766 = arith.index_cast %add3A_765 : i32 to index
        %get3A_767 = tpu.vector_load %arg7[%get3A_766] {strides = array<i32>} : memref<35328xf32, #tpu.memory_space<vmem>>, vector<16xf32>,
        %get3A_768 = vector.shape_cast %get3A_767 : vector<16xf32> to vector<16xf32>
        %sub3A_769 = arith.subf %get3A_761, %get3A_768 : vector<16xf32>
        %abs3A_770 = math.absf %sub3A_769 : vector<16xf32>
        %lt3A_771 = arith.constant 1.000000e+00 : f32
        %lt3A_772 = vector.broadcast %lt3A_771 : f32 to vector<16xf32>
        %lt3A_773 = arith.cmpf olt, %abs3A_770, %lt3A_772 : vector<16xf32>
        %mul3A_774 = arith.constant 5.000000e-01 : f32
        %mul3A_775 = vector.broadcast %mul3A_774 : f32 to vector<16xf32>
        %mul3A_776 = arith.mulf %mul3A_775, %sub3A_769 : vector<16xf32>
        %mul3A_777 = arith.mulf %mul3A_776, %sub3A_769 : vector<16xf32>
        %sub3A_778 = arith.constant 5.000000e-01 : f32
        %sub3A_779 = vector.broadcast %sub3A_778 : f32 to vector<16xf32>
        %sub3A_780 = arith.subf %abs3A_770, %sub3A_779 : vector<16xf32>
        %select_n3A_781 = arith.select %lt3A_773, %mul3A_777, %sub3A_780 : vector<16xi1>, vector<16xf32>
        %jit3A_782 = arith.constant 0.000000e+00 : f32
        %broadcast_in_dim3A_783 = vector.broadcast %jit3A_782 : f32 to vector<16xf32>
        %select_n3A_784 = arith.select %gt3A_723, %select_n3A_781, %broadcast_in_dim3A_783 : vector<16xi1>, vector<16xf32>
        %add3A_785 = arith.addf %add3A_754, %select_n3A_784 : vector<16xf32>
        %mul3A_786 = arith.constant 16 : i32
        %mul3A_787 = arith.muli %add3A_715, %mul3A_786 : i32
        %add3A_788 = arith.constant 11264 : i32
        %add3A_789 = arith.addi %add3A_788, %mul3A_787 : i32
        %get3A_790 = arith.index_cast %add3A_789 : i32 to index
        %get3A_791 = tpu.vector_load %arg6[%get3A_790] {strides = array<i32>} : memref<35328xf32, #tpu.memory_space<vmem>>, vector<16xf32>,
        %get3A_792 = vector.shape_cast %get3A_791 : vector<16xf32> to vector<16xf32>
        %mul3A_793 = arith.constant 16 : i32
        %mul3A_794 = arith.muli %add3A_715, %mul3A_793 : i32
        %add3A_795 = arith.constant 11264 : i32
        %add3A_796 = arith.addi %add3A_795, %mul3A_794 : i32
        %get3A_797 = arith.index_cast %add3A_796 : i32 to index
        %get3A_798 = tpu.vector_load %arg7[%get3A_797] {strides = array<i32>} : memref<35328xf32, #tpu.memory_space<vmem>>, vector<16xf32>,
        %get3A_799 = vector.shape_cast %get3A_798 : vector<16xf32> to vector<16xf32>
        %sub3A_800 = arith.subf %get3A_792, %get3A_799 : vector<16xf32>
        %abs3A_801 = math.absf %sub3A_800 : vector<16xf32>
        %lt3A_802 = arith.constant 1.000000e+00 : f32
        %lt3A_803 = vector.broadcast %lt3A_802 : f32 to vector<16xf32>
        %lt3A_804 = arith.cmpf olt, %abs3A_801, %lt3A_803 : vector<16xf32>
        %mul3A_805 = arith.constant 5.000000e-01 : f32
        %mul3A_806 = vector.broadcast %mul3A_805 : f32 to vector<16xf32>
        %mul3A_807 = arith.mulf %mul3A_806, %sub3A_800 : vector<16xf32>
        %mul3A_808 = arith.mulf %mul3A_807, %sub3A_800 : vector<16xf32>
        %sub3A_809 = arith.constant 5.000000e-01 : f32
        %sub3A_810 = vector.broadcast %sub3A_809 : f32 to vector<16xf32>
        %sub3A_811 = arith.subf %abs3A_801, %sub3A_810 : vector<16xf32>
        %select_n3A_812 = arith.select %lt3A_804, %mul3A_808, %sub3A_811 : vector<16xi1>, vector<16xf32>
        %jit3A_813 = arith.constant 0.000000e+00 : f32
        %broadcast_in_dim3A_814 = vector.broadcast %jit3A_813 : f32 to vector<16xf32>
        %select_n3A_815 = arith.select %gt3A_723, %select_n3A_812, %broadcast_in_dim3A_814 : vector<16xi1>, vector<16xf32>
        %add3A_816 = arith.addf %add3A_785, %select_n3A_815 : vector<16xf32>
        %mul3A_817 = arith.constant 16 : i32
        %mul3A_818 = arith.muli %add3A_715, %mul3A_817 : i32
        %add3A_819 = arith.constant 16896 : i32
        %add3A_820 = arith.addi %add3A_819, %mul3A_818 : i32
        %get3A_821 = arith.index_cast %add3A_820 : i32 to index
        %get3A_822 = tpu.vector_load %arg6[%get3A_821] {strides = array<i32>} : memref<35328xf32, #tpu.memory_space<vmem>>, vector<16xf32>,
        %get3A_823 = vector.shape_cast %get3A_822 : vector<16xf32> to vector<16xf32>
        %mul3A_824 = arith.constant 16 : i32
        %mul3A_825 = arith.muli %add3A_715, %mul3A_824 : i32
        %add3A_826 = arith.constant 16896 : i32
        %add3A_827 = arith.addi %add3A_826, %mul3A_825 : i32
        %get3A_828 = arith.index_cast %add3A_827 : i32 to index
        %get3A_829 = tpu.vector_load %arg7[%get3A_828] {strides = array<i32>} : memref<35328xf32, #tpu.memory_space<vmem>>, vector<16xf32>,
        %get3A_830 = vector.shape_cast %get3A_829 : vector<16xf32> to vector<16xf32>
        %sub3A_831 = arith.subf %get3A_823, %get3A_830 : vector<16xf32>
        %abs3A_832 = math.absf %sub3A_831 : vector<16xf32>
        %lt3A_833 = arith.constant 1.000000e+00 : f32
        %lt3A_834 = vector.broadcast %lt3A_833 : f32 to vector<16xf32>
        %lt3A_835 = arith.cmpf olt, %abs3A_832, %lt3A_834 : vector<16xf32>
        %mul3A_836 = arith.constant 5.000000e-01 : f32
        %mul3A_837 = vector.broadcast %mul3A_836 : f32 to vector<16xf32>
        %mul3A_838 = arith.mulf %mul3A_837, %sub3A_831 : vector<16xf32>
        %mul3A_839 = arith.mulf %mul3A_838, %sub3A_831 : vector<16xf32>
        %sub3A_840 = arith.constant 5.000000e-01 : f32
        %sub3A_841 = vector.broadcast %sub3A_840 : f32 to vector<16xf32>
        %sub3A_842 = arith.subf %abs3A_832, %sub3A_841 : vector<16xf32>
        %select_n3A_843 = arith.select %lt3A_835, %mul3A_839, %sub3A_842 : vector<16xi1>, vector<16xf32>
        %jit3A_844 = arith.constant 0.000000e+00 : f32
        %broadcast_in_dim3A_845 = vector.broadcast %jit3A_844 : f32 to vector<16xf32>
        %select_n3A_846 = arith.select %gt3A_723, %select_n3A_843, %broadcast_in_dim3A_845 : vector<16xi1>, vector<16xf32>
        %add3A_847 = arith.addf %add3A_816, %select_n3A_846 : vector<16xf32>
        %mul3A_848 = arith.constant 8 : i32
        %mul3A_849 = arith.muli %scan3A_172, %mul3A_848 : i32
        %add3A_850 = arith.constant 5 : i32
        %add3A_851 = arith.addi %mul3A_849, %add3A_850 : i32
        %mul3A_852 = arith.constant 16 : i32
        %mul3A_853 = arith.muli %add3A_851, %mul3A_852 : i32
        %get3A_854 = arith.index_cast %mul3A_853 : i32 to index
        %get3A_855 = tpu.vector_load %arg8[%get3A_854] {strides = array<i32>} : memref<8832xi32, #tpu.memory_space<vmem>>, vector<16xi32>,
        %get3A_856 = vector.shape_cast %get3A_855 : vector<16xi32> to vector<16xi32>
        %gt3A_857 = arith.constant 0 : i32
        %gt3A_858 = vector.broadcast %gt3A_857 : i32 to vector<16xi32>
        %gt3A_859 = arith.cmpi sgt, %get3A_856, %gt3A_858 : vector<16xi32>
        %mul3A_860 = arith.constant 16 : i32
        %mul3A_861 = arith.muli %add3A_851, %mul3A_860 : i32
        %add3A_862 = arith.constant 0 : i32
        %add3A_863 = arith.addi %add3A_862, %mul3A_861 : i32
        %get3A_864 = arith.index_cast %add3A_863 : i32 to index
        %get3A_865 = tpu.vector_load %arg6[%get3A_864] {strides = array<i32>} : memref<35328xf32, #tpu.memory_space<vmem>>, vector<16xf32>,
        %get3A_866 = vector.shape_cast %get3A_865 : vector<16xf32> to vector<16xf32>
        %mul3A_867 = arith.constant 16 : i32
        %mul3A_868 = arith.muli %add3A_851, %mul3A_867 : i32
        %add3A_869 = arith.constant 0 : i32
        %add3A_870 = arith.addi %add3A_869, %mul3A_868 : i32
        %get3A_871 = arith.index_cast %add3A_870 : i32 to index
        %get3A_872 = tpu.vector_load %arg7[%get3A_871] {strides = array<i32>} : memref<35328xf32, #tpu.memory_space<vmem>>, vector<16xf32>,
        %get3A_873 = vector.shape_cast %get3A_872 : vector<16xf32> to vector<16xf32>
        %sub3A_874 = arith.subf %get3A_866, %get3A_873 : vector<16xf32>
        %abs3A_875 = math.absf %sub3A_874 : vector<16xf32>
        %lt3A_876 = arith.constant 1.000000e+00 : f32
        %lt3A_877 = vector.broadcast %lt3A_876 : f32 to vector<16xf32>
        %lt3A_878 = arith.cmpf olt, %abs3A_875, %lt3A_877 : vector<16xf32>
        %mul3A_879 = arith.constant 5.000000e-01 : f32
        %mul3A_880 = vector.broadcast %mul3A_879 : f32 to vector<16xf32>
        %mul3A_881 = arith.mulf %mul3A_880, %sub3A_874 : vector<16xf32>
        %mul3A_882 = arith.mulf %mul3A_881, %sub3A_874 : vector<16xf32>
        %sub3A_883 = arith.constant 5.000000e-01 : f32
        %sub3A_884 = vector.broadcast %sub3A_883 : f32 to vector<16xf32>
        %sub3A_885 = arith.subf %abs3A_875, %sub3A_884 : vector<16xf32>
        %select_n3A_886 = arith.select %lt3A_878, %mul3A_882, %sub3A_885 : vector<16xi1>, vector<16xf32>
        %jit3A_887 = arith.constant 0.000000e+00 : f32
        %broadcast_in_dim3A_888 = vector.broadcast %jit3A_887 : f32 to vector<16xf32>
        %select_n3A_889 = arith.select %gt3A_859, %select_n3A_886, %broadcast_in_dim3A_888 : vector<16xi1>, vector<16xf32>
        %add3A_890 = arith.addf %add3A_847, %select_n3A_889 : vector<16xf32>
        %mul3A_891 = arith.constant 16 : i32
        %mul3A_892 = arith.muli %add3A_851, %mul3A_891 : i32
        %add3A_893 = arith.constant 5632 : i32
        %add3A_894 = arith.addi %add3A_893, %mul3A_892 : i32
        %get3A_895 = arith.index_cast %add3A_894 : i32 to index
        %get3A_896 = tpu.vector_load %arg6[%get3A_895] {strides = array<i32>} : memref<35328xf32, #tpu.memory_space<vmem>>, vector<16xf32>,
        %get3A_897 = vector.shape_cast %get3A_896 : vector<16xf32> to vector<16xf32>
        %mul3A_898 = arith.constant 16 : i32
        %mul3A_899 = arith.muli %add3A_851, %mul3A_898 : i32
        %add3A_900 = arith.constant 5632 : i32
        %add3A_901 = arith.addi %add3A_900, %mul3A_899 : i32
        %get3A_902 = arith.index_cast %add3A_901 : i32 to index
        %get3A_903 = tpu.vector_load %arg7[%get3A_902] {strides = array<i32>} : memref<35328xf32, #tpu.memory_space<vmem>>, vector<16xf32>,
        %get3A_904 = vector.shape_cast %get3A_903 : vector<16xf32> to vector<16xf32>
        %sub3A_905 = arith.subf %get3A_897, %get3A_904 : vector<16xf32>
        %abs3A_906 = math.absf %sub3A_905 : vector<16xf32>
        %lt3A_907 = arith.constant 1.000000e+00 : f32
        %lt3A_908 = vector.broadcast %lt3A_907 : f32 to vector<16xf32>
        %lt3A_909 = arith.cmpf olt, %abs3A_906, %lt3A_908 : vector<16xf32>
        %mul3A_910 = arith.constant 5.000000e-01 : f32
        %mul3A_911 = vector.broadcast %mul3A_910 : f32 to vector<16xf32>
        %mul3A_912 = arith.mulf %mul3A_911, %sub3A_905 : vector<16xf32>
        %mul3A_913 = arith.mulf %mul3A_912, %sub3A_905 : vector<16xf32>
        %sub3A_914 = arith.constant 5.000000e-01 : f32
        %sub3A_915 = vector.broadcast %sub3A_914 : f32 to vector<16xf32>
        %sub3A_916 = arith.subf %abs3A_906, %sub3A_915 : vector<16xf32>
        %select_n3A_917 = arith.select %lt3A_909, %mul3A_913, %sub3A_916 : vector<16xi1>, vector<16xf32>
        %jit3A_918 = arith.constant 0.000000e+00 : f32
        %broadcast_in_dim3A_919 = vector.broadcast %jit3A_918 : f32 to vector<16xf32>
        %select_n3A_920 = arith.select %gt3A_859, %select_n3A_917, %broadcast_in_dim3A_919 : vector<16xi1>, vector<16xf32>
        %add3A_921 = arith.addf %add3A_890, %select_n3A_920 : vector<16xf32>
        %mul3A_922 = arith.constant 16 : i32
        %mul3A_923 = arith.muli %add3A_851, %mul3A_922 : i32
        %add3A_924 = arith.constant 11264 : i32
        %add3A_925 = arith.addi %add3A_924, %mul3A_923 : i32
        %get3A_926 = arith.index_cast %add3A_925 : i32 to index
        %get3A_927 = tpu.vector_load %arg6[%get3A_926] {strides = array<i32>} : memref<35328xf32, #tpu.memory_space<vmem>>, vector<16xf32>,
        %get3A_928 = vector.shape_cast %get3A_927 : vector<16xf32> to vector<16xf32>
        %mul3A_929 = arith.constant 16 : i32
        %mul3A_930 = arith.muli %add3A_851, %mul3A_929 : i32
        %add3A_931 = arith.constant 11264 : i32
        %add3A_932 = arith.addi %add3A_931, %mul3A_930 : i32
        %get3A_933 = arith.index_cast %add3A_932 : i32 to index
        %get3A_934 = tpu.vector_load %arg7[%get3A_933] {strides = array<i32>} : memref<35328xf32, #tpu.memory_space<vmem>>, vector<16xf32>,
        %get3A_935 = vector.shape_cast %get3A_934 : vector<16xf32> to vector<16xf32>
        %sub3A_936 = arith.subf %get3A_928, %get3A_935 : vector<16xf32>
        %abs3A_937 = math.absf %sub3A_936 : vector<16xf32>
        %lt3A_938 = arith.constant 1.000000e+00 : f32
        %lt3A_939 = vector.broadcast %lt3A_938 : f32 to vector<16xf32>
        %lt3A_940 = arith.cmpf olt, %abs3A_937, %lt3A_939 : vector<16xf32>
        %mul3A_941 = arith.constant 5.000000e-01 : f32
        %mul3A_942 = vector.broadcast %mul3A_941 : f32 to vector<16xf32>
        %mul3A_943 = arith.mulf %mul3A_942, %sub3A_936 : vector<16xf32>
        %mul3A_944 = arith.mulf %mul3A_943, %sub3A_936 : vector<16xf32>
        %sub3A_945 = arith.constant 5.000000e-01 : f32
        %sub3A_946 = vector.broadcast %sub3A_945 : f32 to vector<16xf32>
        %sub3A_947 = arith.subf %abs3A_937, %sub3A_946 : vector<16xf32>
        %select_n3A_948 = arith.select %lt3A_940, %mul3A_944, %sub3A_947 : vector<16xi1>, vector<16xf32>
        %jit3A_949 = arith.constant 0.000000e+00 : f32
        %broadcast_in_dim3A_950 = vector.broadcast %jit3A_949 : f32 to vector<16xf32>
        %select_n3A_951 = arith.select %gt3A_859, %select_n3A_948, %broadcast_in_dim3A_950 : vector<16xi1>, vector<16xf32>
        %add3A_952 = arith.addf %add3A_921, %select_n3A_951 : vector<16xf32>
        %mul3A_953 = arith.constant 16 : i32
        %mul3A_954 = arith.muli %add3A_851, %mul3A_953 : i32
        %add3A_955 = arith.constant 16896 : i32
        %add3A_956 = arith.addi %add3A_955, %mul3A_954 : i32
        %get3A_957 = arith.index_cast %add3A_956 : i32 to index
        %get3A_958 = tpu.vector_load %arg6[%get3A_957] {strides = array<i32>} : memref<35328xf32, #tpu.memory_space<vmem>>, vector<16xf32>,
        %get3A_959 = vector.shape_cast %get3A_958 : vector<16xf32> to vector<16xf32>
        %mul3A_960 = arith.constant 16 : i32
        %mul3A_961 = arith.muli %add3A_851, %mul3A_960 : i32
        %add3A_962 = arith.constant 16896 : i32
        %add3A_963 = arith.addi %add3A_962, %mul3A_961 : i32
        %get3A_964 = arith.index_cast %add3A_963 : i32 to index
        %get3A_965 = tpu.vector_load %arg7[%get3A_964] {strides = array<i32>} : memref<35328xf32, #tpu.memory_space<vmem>>, vector<16xf32>,
        %get3A_966 = vector.shape_cast %get3A_965 : vector<16xf32> to vector<16xf32>
        %sub3A_967 = arith.subf %get3A_959, %get3A_966 : vector<16xf32>
        %abs3A_968 = math.absf %sub3A_967 : vector<16xf32>
        %lt3A_969 = arith.constant 1.000000e+00 : f32
        %lt3A_970 = vector.broadcast %lt3A_969 : f32 to vector<16xf32>
        %lt3A_971 = arith.cmpf olt, %abs3A_968, %lt3A_970 : vector<16xf32>
        %mul3A_972 = arith.constant 5.000000e-01 : f32
        %mul3A_973 = vector.broadcast %mul3A_972 : f32 to vector<16xf32>
        %mul3A_974 = arith.mulf %mul3A_973, %sub3A_967 : vector<16xf32>
        %mul3A_975 = arith.mulf %mul3A_974, %sub3A_967 : vector<16xf32>
        %sub3A_976 = arith.constant 5.000000e-01 : f32
        %sub3A_977 = vector.broadcast %sub3A_976 : f32 to vector<16xf32>
        %sub3A_978 = arith.subf %abs3A_968, %sub3A_977 : vector<16xf32>
        %select_n3A_979 = arith.select %lt3A_971, %mul3A_975, %sub3A_978 : vector<16xi1>, vector<16xf32>
        %jit3A_980 = arith.constant 0.000000e+00 : f32
        %broadcast_in_dim3A_981 = vector.broadcast %jit3A_980 : f32 to vector<16xf32>
        %select_n3A_982 = arith.select %gt3A_859, %select_n3A_979, %broadcast_in_dim3A_981 : vector<16xi1>, vector<16xf32>
        %add3A_983 = arith.addf %add3A_952, %select_n3A_982 : vector<16xf32>
        %mul3A_984 = arith.constant 8 : i32
        %mul3A_985 = arith.muli %scan3A_172, %mul3A_984 : i32
        %add3A_986 = arith.constant 6 : i32
        %add3A_987 = arith.addi %mul3A_985, %add3A_986 : i32
        %mul3A_988 = arith.constant 16 : i32
        %mul3A_989 = arith.muli %add3A_987, %mul3A_988 : i32
        %get3A_990 = arith.index_cast %mul3A_989 : i32 to index
        %get3A_991 = tpu.vector_load %arg8[%get3A_990] {strides = array<i32>} : memref<8832xi32, #tpu.memory_space<vmem>>, vector<16xi32>,
        %get3A_992 = vector.shape_cast %get3A_991 : vector<16xi32> to vector<16xi32>
        %gt3A_993 = arith.constant 0 : i32
        %gt3A_994 = vector.broadcast %gt3A_993 : i32 to vector<16xi32>
        %gt3A_995 = arith.cmpi sgt, %get3A_992, %gt3A_994 : vector<16xi32>
        %mul3A_996 = arith.constant 16 : i32
        %mul3A_997 = arith.muli %add3A_987, %mul3A_996 : i32
        %add3A_998 = arith.constant 0 : i32
        %add3A_999 = arith.addi %add3A_998, %mul3A_997 : i32
        %get3A_1000 = arith.index_cast %add3A_999 : i32 to index
        %get3A_1001 = tpu.vector_load %arg6[%get3A_1000] {strides = array<i32>} : memref<35328xf32, #tpu.memory_space<vmem>>, vector<16xf32>,
        %get3A_1002 = vector.shape_cast %get3A_1001 : vector<16xf32> to vector<16xf32>
        %mul3A_1003 = arith.constant 16 : i32
        %mul3A_1004 = arith.muli %add3A_987, %mul3A_1003 : i32
        %add3A_1005 = arith.constant 0 : i32
        %add3A_1006 = arith.addi %add3A_1005, %mul3A_1004 : i32
        %get3A_1007 = arith.index_cast %add3A_1006 : i32 to index
        %get3A_1008 = tpu.vector_load %arg7[%get3A_1007] {strides = array<i32>} : memref<35328xf32, #tpu.memory_space<vmem>>, vector<16xf32>,
        %get3A_1009 = vector.shape_cast %get3A_1008 : vector<16xf32> to vector<16xf32>
        %sub3A_1010 = arith.subf %get3A_1002, %get3A_1009 : vector<16xf32>
        %abs3A_1011 = math.absf %sub3A_1010 : vector<16xf32>
        %lt3A_1012 = arith.constant 1.000000e+00 : f32
        %lt3A_1013 = vector.broadcast %lt3A_1012 : f32 to vector<16xf32>
        %lt3A_1014 = arith.cmpf olt, %abs3A_1011, %lt3A_1013 : vector<16xf32>
        %mul3A_1015 = arith.constant 5.000000e-01 : f32
        %mul3A_1016 = vector.broadcast %mul3A_1015 : f32 to vector<16xf32>
        %mul3A_1017 = arith.mulf %mul3A_1016, %sub3A_1010 : vector<16xf32>
        %mul3A_1018 = arith.mulf %mul3A_1017, %sub3A_1010 : vector<16xf32>
        %sub3A_1019 = arith.constant 5.000000e-01 : f32
        %sub3A_1020 = vector.broadcast %sub3A_1019 : f32 to vector<16xf32>
        %sub3A_1021 = arith.subf %abs3A_1011, %sub3A_1020 : vector<16xf32>
        %select_n3A_1022 = arith.select %lt3A_1014, %mul3A_1018, %sub3A_1021 : vector<16xi1>, vector<16xf32>
        %jit3A_1023 = arith.constant 0.000000e+00 : f32
        %broadcast_in_dim3A_1024 = vector.broadcast %jit3A_1023 : f32 to vector<16xf32>
        %select_n3A_1025 = arith.select %gt3A_995, %select_n3A_1022, %broadcast_in_dim3A_1024 : vector<16xi1>, vector<16xf32>
        %add3A_1026 = arith.addf %add3A_983, %select_n3A_1025 : vector<16xf32>
        %mul3A_1027 = arith.constant 16 : i32
        %mul3A_1028 = arith.muli %add3A_987, %mul3A_1027 : i32
        %add3A_1029 = arith.constant 5632 : i32
        %add3A_1030 = arith.addi %add3A_1029, %mul3A_1028 : i32
        %get3A_1031 = arith.index_cast %add3A_1030 : i32 to index
        %get3A_1032 = tpu.vector_load %arg6[%get3A_1031] {strides = array<i32>} : memref<35328xf32, #tpu.memory_space<vmem>>, vector<16xf32>,
        %get3A_1033 = vector.shape_cast %get3A_1032 : vector<16xf32> to vector<16xf32>
        %mul3A_1034 = arith.constant 16 : i32
        %mul3A_1035 = arith.muli %add3A_987, %mul3A_1034 : i32
        %add3A_1036 = arith.constant 5632 : i32
        %add3A_1037 = arith.addi %add3A_1036, %mul3A_1035 : i32
        %get3A_1038 = arith.index_cast %add3A_1037 : i32 to index
        %get3A_1039 = tpu.vector_load %arg7[%get3A_1038] {strides = array<i32>} : memref<35328xf32, #tpu.memory_space<vmem>>, vector<16xf32>,
        %get3A_1040 = vector.shape_cast %get3A_1039 : vector<16xf32> to vector<16xf32>
        %sub3A_1041 = arith.subf %get3A_1033, %get3A_1040 : vector<16xf32>
        %abs3A_1042 = math.absf %sub3A_1041 : vector<16xf32>
        %lt3A_1043 = arith.constant 1.000000e+00 : f32
        %lt3A_1044 = vector.broadcast %lt3A_1043 : f32 to vector<16xf32>
        %lt3A_1045 = arith.cmpf olt, %abs3A_1042, %lt3A_1044 : vector<16xf32>
        %mul3A_1046 = arith.constant 5.000000e-01 : f32
        %mul3A_1047 = vector.broadcast %mul3A_1046 : f32 to vector<16xf32>
        %mul3A_1048 = arith.mulf %mul3A_1047, %sub3A_1041 : vector<16xf32>
        %mul3A_1049 = arith.mulf %mul3A_1048, %sub3A_1041 : vector<16xf32>
        %sub3A_1050 = arith.constant 5.000000e-01 : f32
        %sub3A_1051 = vector.broadcast %sub3A_1050 : f32 to vector<16xf32>
        %sub3A_1052 = arith.subf %abs3A_1042, %sub3A_1051 : vector<16xf32>
        %select_n3A_1053 = arith.select %lt3A_1045, %mul3A_1049, %sub3A_1052 : vector<16xi1>, vector<16xf32>
        %jit3A_1054 = arith.constant 0.000000e+00 : f32
        %broadcast_in_dim3A_1055 = vector.broadcast %jit3A_1054 : f32 to vector<16xf32>
        %select_n3A_1056 = arith.select %gt3A_995, %select_n3A_1053, %broadcast_in_dim3A_1055 : vector<16xi1>, vector<16xf32>
        %add3A_1057 = arith.addf %add3A_1026, %select_n3A_1056 : vector<16xf32>
        %mul3A_1058 = arith.constant 16 : i32
        %mul3A_1059 = arith.muli %add3A_987, %mul3A_1058 : i32
        %add3A_1060 = arith.constant 11264 : i32
        %add3A_1061 = arith.addi %add3A_1060, %mul3A_1059 : i32
        %get3A_1062 = arith.index_cast %add3A_1061 : i32 to index
        %get3A_1063 = tpu.vector_load %arg6[%get3A_1062] {strides = array<i32>} : memref<35328xf32, #tpu.memory_space<vmem>>, vector<16xf32>,
        %get3A_1064 = vector.shape_cast %get3A_1063 : vector<16xf32> to vector<16xf32>
        %mul3A_1065 = arith.constant 16 : i32
        %mul3A_1066 = arith.muli %add3A_987, %mul3A_1065 : i32
        %add3A_1067 = arith.constant 11264 : i32
        %add3A_1068 = arith.addi %add3A_1067, %mul3A_1066 : i32
        %get3A_1069 = arith.index_cast %add3A_1068 : i32 to index
        %get3A_1070 = tpu.vector_load %arg7[%get3A_1069] {strides = array<i32>} : memref<35328xf32, #tpu.memory_space<vmem>>, vector<16xf32>,
        %get3A_1071 = vector.shape_cast %get3A_1070 : vector<16xf32> to vector<16xf32>
        %sub3A_1072 = arith.subf %get3A_1064, %get3A_1071 : vector<16xf32>
        %abs3A_1073 = math.absf %sub3A_1072 : vector<16xf32>
        %lt3A_1074 = arith.constant 1.000000e+00 : f32
        %lt3A_1075 = vector.broadcast %lt3A_1074 : f32 to vector<16xf32>
        %lt3A_1076 = arith.cmpf olt, %abs3A_1073, %lt3A_1075 : vector<16xf32>
        %mul3A_1077 = arith.constant 5.000000e-01 : f32
        %mul3A_1078 = vector.broadcast %mul3A_1077 : f32 to vector<16xf32>
        %mul3A_1079 = arith.mulf %mul3A_1078, %sub3A_1072 : vector<16xf32>
        %mul3A_1080 = arith.mulf %mul3A_1079, %sub3A_1072 : vector<16xf32>
        %sub3A_1081 = arith.constant 5.000000e-01 : f32
        %sub3A_1082 = vector.broadcast %sub3A_1081 : f32 to vector<16xf32>
        %sub3A_1083 = arith.subf %abs3A_1073, %sub3A_1082 : vector<16xf32>
        %select_n3A_1084 = arith.select %lt3A_1076, %mul3A_1080, %sub3A_1083 : vector<16xi1>, vector<16xf32>
        %jit3A_1085 = arith.constant 0.000000e+00 : f32
        %broadcast_in_dim3A_1086 = vector.broadcast %jit3A_1085 : f32 to vector<16xf32>
        %select_n3A_1087 = arith.select %gt3A_995, %select_n3A_1084, %broadcast_in_dim3A_1086 : vector<16xi1>, vector<16xf32>
        %add3A_1088 = arith.addf %add3A_1057, %select_n3A_1087 : vector<16xf32>
        %mul3A_1089 = arith.constant 16 : i32
        %mul3A_1090 = arith.muli %add3A_987, %mul3A_1089 : i32
        %add3A_1091 = arith.constant 16896 : i32
        %add3A_1092 = arith.addi %add3A_1091, %mul3A_1090 : i32
        %get3A_1093 = arith.index_cast %add3A_1092 : i32 to index
        %get3A_1094 = tpu.vector_load %arg6[%get3A_1093] {strides = array<i32>} : memref<35328xf32, #tpu.memory_space<vmem>>, vector<16xf32>,
        %get3A_1095 = vector.shape_cast %get3A_1094 : vector<16xf32> to vector<16xf32>
        %mul3A_1096 = arith.constant 16 : i32
        %mul3A_1097 = arith.muli %add3A_987, %mul3A_1096 : i32
        %add3A_1098 = arith.constant 16896 : i32
        %add3A_1099 = arith.addi %add3A_1098, %mul3A_1097 : i32
        %get3A_1100 = arith.index_cast %add3A_1099 : i32 to index
        %get3A_1101 = tpu.vector_load %arg7[%get3A_1100] {strides = array<i32>} : memref<35328xf32, #tpu.memory_space<vmem>>, vector<16xf32>,
        %get3A_1102 = vector.shape_cast %get3A_1101 : vector<16xf32> to vector<16xf32>
        %sub3A_1103 = arith.subf %get3A_1095, %get3A_1102 : vector<16xf32>
        %abs3A_1104 = math.absf %sub3A_1103 : vector<16xf32>
        %lt3A_1105 = arith.constant 1.000000e+00 : f32
        %lt3A_1106 = vector.broadcast %lt3A_1105 : f32 to vector<16xf32>
        %lt3A_1107 = arith.cmpf olt, %abs3A_1104, %lt3A_1106 : vector<16xf32>
        %mul3A_1108 = arith.constant 5.000000e-01 : f32
        %mul3A_1109 = vector.broadcast %mul3A_1108 : f32 to vector<16xf32>
        %mul3A_1110 = arith.mulf %mul3A_1109, %sub3A_1103 : vector<16xf32>
        %mul3A_1111 = arith.mulf %mul3A_1110, %sub3A_1103 : vector<16xf32>
        %sub3A_1112 = arith.constant 5.000000e-01 : f32
        %sub3A_1113 = vector.broadcast %sub3A_1112 : f32 to vector<16xf32>
        %sub3A_1114 = arith.subf %abs3A_1104, %sub3A_1113 : vector<16xf32>
        %select_n3A_1115 = arith.select %lt3A_1107, %mul3A_1111, %sub3A_1114 : vector<16xi1>, vector<16xf32>
        %jit3A_1116 = arith.constant 0.000000e+00 : f32
        %broadcast_in_dim3A_1117 = vector.broadcast %jit3A_1116 : f32 to vector<16xf32>
        %select_n3A_1118 = arith.select %gt3A_995, %select_n3A_1115, %broadcast_in_dim3A_1117 : vector<16xi1>, vector<16xf32>
        %add3A_1119 = arith.addf %add3A_1088, %select_n3A_1118 : vector<16xf32>
        %mul3A_1120 = arith.constant 8 : i32
        %mul3A_1121 = arith.muli %scan3A_172, %mul3A_1120 : i32
        %add3A_1122 = arith.constant 7 : i32
        %add3A_1123 = arith.addi %mul3A_1121, %add3A_1122 : i32
        %mul3A_1124 = arith.constant 16 : i32
        %mul3A_1125 = arith.muli %add3A_1123, %mul3A_1124 : i32
        %get3A_1126 = arith.index_cast %mul3A_1125 : i32 to index
        %get3A_1127 = tpu.vector_load %arg8[%get3A_1126] {strides = array<i32>} : memref<8832xi32, #tpu.memory_space<vmem>>, vector<16xi32>,
        %get3A_1128 = vector.shape_cast %get3A_1127 : vector<16xi32> to vector<16xi32>
        %gt3A_1129 = arith.constant 0 : i32
        %gt3A_1130 = vector.broadcast %gt3A_1129 : i32 to vector<16xi32>
        %gt3A_1131 = arith.cmpi sgt, %get3A_1128, %gt3A_1130 : vector<16xi32>
        %mul3A_1132 = arith.constant 16 : i32
        %mul3A_1133 = arith.muli %add3A_1123, %mul3A_1132 : i32
        %add3A_1134 = arith.constant 0 : i32
        %add3A_1135 = arith.addi %add3A_1134, %mul3A_1133 : i32
        %get3A_1136 = arith.index_cast %add3A_1135 : i32 to index
        %get3A_1137 = tpu.vector_load %arg6[%get3A_1136] {strides = array<i32>} : memref<35328xf32, #tpu.memory_space<vmem>>, vector<16xf32>,
        %get3A_1138 = vector.shape_cast %get3A_1137 : vector<16xf32> to vector<16xf32>
        %mul3A_1139 = arith.constant 16 : i32
        %mul3A_1140 = arith.muli %add3A_1123, %mul3A_1139 : i32
        %add3A_1141 = arith.constant 0 : i32
        %add3A_1142 = arith.addi %add3A_1141, %mul3A_1140 : i32
        %get3A_1143 = arith.index_cast %add3A_1142 : i32 to index
        %get3A_1144 = tpu.vector_load %arg7[%get3A_1143] {strides = array<i32>} : memref<35328xf32, #tpu.memory_space<vmem>>, vector<16xf32>,
        %get3A_1145 = vector.shape_cast %get3A_1144 : vector<16xf32> to vector<16xf32>
        %sub3A_1146 = arith.subf %get3A_1138, %get3A_1145 : vector<16xf32>
        %abs3A_1147 = math.absf %sub3A_1146 : vector<16xf32>
        %lt3A_1148 = arith.constant 1.000000e+00 : f32
        %lt3A_1149 = vector.broadcast %lt3A_1148 : f32 to vector<16xf32>
        %lt3A_1150 = arith.cmpf olt, %abs3A_1147, %lt3A_1149 : vector<16xf32>
        %mul3A_1151 = arith.constant 5.000000e-01 : f32
        %mul3A_1152 = vector.broadcast %mul3A_1151 : f32 to vector<16xf32>
        %mul3A_1153 = arith.mulf %mul3A_1152, %sub3A_1146 : vector<16xf32>
        %mul3A_1154 = arith.mulf %mul3A_1153, %sub3A_1146 : vector<16xf32>
        %sub3A_1155 = arith.constant 5.000000e-01 : f32
        %sub3A_1156 = vector.broadcast %sub3A_1155 : f32 to vector<16xf32>
        %sub3A_1157 = arith.subf %abs3A_1147, %sub3A_1156 : vector<16xf32>
        %select_n3A_1158 = arith.select %lt3A_1150, %mul3A_1154, %sub3A_1157 : vector<16xi1>, vector<16xf32>
        %jit3A_1159 = arith.constant 0.000000e+00 : f32
        %broadcast_in_dim3A_1160 = vector.broadcast %jit3A_1159 : f32 to vector<16xf32>
        %select_n3A_1161 = arith.select %gt3A_1131, %select_n3A_1158, %broadcast_in_dim3A_1160 : vector<16xi1>, vector<16xf32>
        %add3A_1162 = arith.addf %add3A_1119, %select_n3A_1161 : vector<16xf32>
        %mul3A_1163 = arith.constant 16 : i32
        %mul3A_1164 = arith.muli %add3A_1123, %mul3A_1163 : i32
        %add3A_1165 = arith.constant 5632 : i32
        %add3A_1166 = arith.addi %add3A_1165, %mul3A_1164 : i32
        %get3A_1167 = arith.index_cast %add3A_1166 : i32 to index
        %get3A_1168 = tpu.vector_load %arg6[%get3A_1167] {strides = array<i32>} : memref<35328xf32, #tpu.memory_space<vmem>>, vector<16xf32>,
        %get3A_1169 = vector.shape_cast %get3A_1168 : vector<16xf32> to vector<16xf32>
        %mul3A_1170 = arith.constant 16 : i32
        %mul3A_1171 = arith.muli %add3A_1123, %mul3A_1170 : i32
        %add3A_1172 = arith.constant 5632 : i32
        %add3A_1173 = arith.addi %add3A_1172, %mul3A_1171 : i32
        %get3A_1174 = arith.index_cast %add3A_1173 : i32 to index
        %get3A_1175 = tpu.vector_load %arg7[%get3A_1174] {strides = array<i32>} : memref<35328xf32, #tpu.memory_space<vmem>>, vector<16xf32>,
        %get3A_1176 = vector.shape_cast %get3A_1175 : vector<16xf32> to vector<16xf32>
        %sub3A_1177 = arith.subf %get3A_1169, %get3A_1176 : vector<16xf32>
        %abs3A_1178 = math.absf %sub3A_1177 : vector<16xf32>
        %lt3A_1179 = arith.constant 1.000000e+00 : f32
        %lt3A_1180 = vector.broadcast %lt3A_1179 : f32 to vector<16xf32>
        %lt3A_1181 = arith.cmpf olt, %abs3A_1178, %lt3A_1180 : vector<16xf32>
        %mul3A_1182 = arith.constant 5.000000e-01 : f32
        %mul3A_1183 = vector.broadcast %mul3A_1182 : f32 to vector<16xf32>
        %mul3A_1184 = arith.mulf %mul3A_1183, %sub3A_1177 : vector<16xf32>
        %mul3A_1185 = arith.mulf %mul3A_1184, %sub3A_1177 : vector<16xf32>
        %sub3A_1186 = arith.constant 5.000000e-01 : f32
        %sub3A_1187 = vector.broadcast %sub3A_1186 : f32 to vector<16xf32>
        %sub3A_1188 = arith.subf %abs3A_1178, %sub3A_1187 : vector<16xf32>
        %select_n3A_1189 = arith.select %lt3A_1181, %mul3A_1185, %sub3A_1188 : vector<16xi1>, vector<16xf32>
        %jit3A_1190 = arith.constant 0.000000e+00 : f32
        %broadcast_in_dim3A_1191 = vector.broadcast %jit3A_1190 : f32 to vector<16xf32>
        %select_n3A_1192 = arith.select %gt3A_1131, %select_n3A_1189, %broadcast_in_dim3A_1191 : vector<16xi1>, vector<16xf32>
        %add3A_1193 = arith.addf %add3A_1162, %select_n3A_1192 : vector<16xf32>
        %mul3A_1194 = arith.constant 16 : i32
        %mul3A_1195 = arith.muli %add3A_1123, %mul3A_1194 : i32
        %add3A_1196 = arith.constant 11264 : i32
        %add3A_1197 = arith.addi %add3A_1196, %mul3A_1195 : i32
        %get3A_1198 = arith.index_cast %add3A_1197 : i32 to index
        %get3A_1199 = tpu.vector_load %arg6[%get3A_1198] {strides = array<i32>} : memref<35328xf32, #tpu.memory_space<vmem>>, vector<16xf32>,
        %get3A_1200 = vector.shape_cast %get3A_1199 : vector<16xf32> to vector<16xf32>
        %mul3A_1201 = arith.constant 16 : i32
        %mul3A_1202 = arith.muli %add3A_1123, %mul3A_1201 : i32
        %add3A_1203 = arith.constant 11264 : i32
        %add3A_1204 = arith.addi %add3A_1203, %mul3A_1202 : i32
        %get3A_1205 = arith.index_cast %add3A_1204 : i32 to index
        %get3A_1206 = tpu.vector_load %arg7[%get3A_1205] {strides = array<i32>} : memref<35328xf32, #tpu.memory_space<vmem>>, vector<16xf32>,
        %get3A_1207 = vector.shape_cast %get3A_1206 : vector<16xf32> to vector<16xf32>
        %sub3A_1208 = arith.subf %get3A_1200, %get3A_1207 : vector<16xf32>
        %abs3A_1209 = math.absf %sub3A_1208 : vector<16xf32>
        %lt3A_1210 = arith.constant 1.000000e+00 : f32
        %lt3A_1211 = vector.broadcast %lt3A_1210 : f32 to vector<16xf32>
        %lt3A_1212 = arith.cmpf olt, %abs3A_1209, %lt3A_1211 : vector<16xf32>
        %mul3A_1213 = arith.constant 5.000000e-01 : f32
        %mul3A_1214 = vector.broadcast %mul3A_1213 : f32 to vector<16xf32>
        %mul3A_1215 = arith.mulf %mul3A_1214, %sub3A_1208 : vector<16xf32>
        %mul3A_1216 = arith.mulf %mul3A_1215, %sub3A_1208 : vector<16xf32>
        %sub3A_1217 = arith.constant 5.000000e-01 : f32
        %sub3A_1218 = vector.broadcast %sub3A_1217 : f32 to vector<16xf32>
        %sub3A_1219 = arith.subf %abs3A_1209, %sub3A_1218 : vector<16xf32>
        %select_n3A_1220 = arith.select %lt3A_1212, %mul3A_1216, %sub3A_1219 : vector<16xi1>, vector<16xf32>
        %jit3A_1221 = arith.constant 0.000000e+00 : f32
        %broadcast_in_dim3A_1222 = vector.broadcast %jit3A_1221 : f32 to vector<16xf32>
        %select_n3A_1223 = arith.select %gt3A_1131, %select_n3A_1220, %broadcast_in_dim3A_1222 : vector<16xi1>, vector<16xf32>
        %add3A_1224 = arith.addf %add3A_1193, %select_n3A_1223 : vector<16xf32>
        %mul3A_1225 = arith.constant 16 : i32
        %mul3A_1226 = arith.muli %add3A_1123, %mul3A_1225 : i32
        %add3A_1227 = arith.constant 16896 : i32
        %add3A_1228 = arith.addi %add3A_1227, %mul3A_1226 : i32
        %get3A_1229 = arith.index_cast %add3A_1228 : i32 to index
        %get3A_1230 = tpu.vector_load %arg6[%get3A_1229] {strides = array<i32>} : memref<35328xf32, #tpu.memory_space<vmem>>, vector<16xf32>,
        %get3A_1231 = vector.shape_cast %get3A_1230 : vector<16xf32> to vector<16xf32>
        %mul3A_1232 = arith.constant 16 : i32
        %mul3A_1233 = arith.muli %add3A_1123, %mul3A_1232 : i32
        %add3A_1234 = arith.constant 16896 : i32
        %add3A_1235 = arith.addi %add3A_1234, %mul3A_1233 : i32
        %get3A_1236 = arith.index_cast %add3A_1235 : i32 to index
        %get3A_1237 = tpu.vector_load %arg7[%get3A_1236] {strides = array<i32>} : memref<35328xf32, #tpu.memory_space<vmem>>, vector<16xf32>,
        %get3A_1238 = vector.shape_cast %get3A_1237 : vector<16xf32> to vector<16xf32>
        %sub3A_1239 = arith.subf %get3A_1231, %get3A_1238 : vector<16xf32>
        %abs3A_1240 = math.absf %sub3A_1239 : vector<16xf32>
        %lt3A_1241 = arith.constant 1.000000e+00 : f32
        %lt3A_1242 = vector.broadcast %lt3A_1241 : f32 to vector<16xf32>
        %lt3A_1243 = arith.cmpf olt, %abs3A_1240, %lt3A_1242 : vector<16xf32>
        %mul3A_1244 = arith.constant 5.000000e-01 : f32
        %mul3A_1245 = vector.broadcast %mul3A_1244 : f32 to vector<16xf32>
        %mul3A_1246 = arith.mulf %mul3A_1245, %sub3A_1239 : vector<16xf32>
        %mul3A_1247 = arith.mulf %mul3A_1246, %sub3A_1239 : vector<16xf32>
        %sub3A_1248 = arith.constant 5.000000e-01 : f32
        %sub3A_1249 = vector.broadcast %sub3A_1248 : f32 to vector<16xf32>
        %sub3A_1250 = arith.subf %abs3A_1240, %sub3A_1249 : vector<16xf32>
        %select_n3A_1251 = arith.select %lt3A_1243, %mul3A_1247, %sub3A_1250 : vector<16xi1>, vector<16xf32>
        %jit3A_1252 = arith.constant 0.000000e+00 : f32
        %broadcast_in_dim3A_1253 = vector.broadcast %jit3A_1252 : f32 to vector<16xf32>
        %select_n3A_1254 = arith.select %gt3A_1131, %select_n3A_1251, %broadcast_in_dim3A_1253 : vector<16xi1>, vector<16xf32>
        %add3A_1255 = arith.addf %add3A_1224, %select_n3A_1254 : vector<16xf32>
        scf.yield %add3A_1255 : vector<16xf32>
      }
      %scan3A_168 = arith.constant 44 : i32
      %swap3A = arith.constant 0 : index
      %swap3A_169 = tpu.vector_load %arg9[%swap3A] {strides = array<i32>} : memref<16xf32, #tpu.memory_space<vmem>>, vector<16xf32>,
      %swap3A_170 = vector.shape_cast %swap3A_169 : vector<16xf32> to vector<16xf32>
      %swap3A_171 = vector.shape_cast %scan3A_167 : vector<16xf32> to vector<16xf32>
      tpu.vector_store %arg9[%swap3A], %swap3A_171 {strides = array<i32>} : memref<16xf32, #tpu.memory_space<vmem>>, vector<16xf32>,
    } else {
    }
    "tpu.region"() ({
      %run_scoped3A = tpu.sem_alloc : memref<!tpu.dma_semaphore, #tpu.memory_space<semaphore_mem>>
      %dma_start3A = arith.constant 0 : i32
      %dma_start3A_9 = tpu.memref_slice %arg5[%add3A, %dma_start3A] : memref<32x16xf32, #tpu.memory_space<hbm>> -> memref<1x16xf32, #tpu.memory_space<hbm>>
      %dma_start3A_10 = tpu.memref_squeeze %dma_start3A_9 : memref<1x16xf32, #tpu.memory_space<hbm>> -> memref<16xf32, #tpu.memory_space<hbm>>
      %dma_start3A_11 = arith.constant 0 : i32
      %dma_start3A_12 = tpu.memref_slice %arg5[%add3A, %dma_start3A_11] : memref<32x16xf32, #tpu.memory_space<hbm>> -> memref<1x16xf32, #tpu.memory_space<hbm>>
      %dma_start3A_13 = tpu.memref_squeeze %dma_start3A_12 : memref<1x16xf32, #tpu.memory_space<hbm>> -> memref<16xf32, #tpu.memory_space<hbm>>
      tpu.enqueue_dma source(%arg9 : memref<16xf32, #tpu.memory_space<vmem>>) target(%dma_start3A_13 : memref<16xf32, #tpu.memory_space<hbm>>) target_semaphore(%run_scoped3A : memref<!tpu.dma_semaphore, #tpu.memory_space<semaphore_mem>>)
      %dma_wait3A = arith.constant 0 : i32
      %dma_wait3A_14 = tpu.memref_slice %arg5[%add3A, %dma_wait3A] : memref<32x16xf32, #tpu.memory_space<hbm>> -> memref<1x16xf32, #tpu.memory_space<hbm>>
      %dma_wait3A_15 = tpu.memref_squeeze %dma_wait3A_14 : memref<1x16xf32, #tpu.memory_space<hbm>> -> memref<16xf32, #tpu.memory_space<hbm>>
      %dma_wait3A_16 = arith.constant 0 : i32
      %dma_wait3A_17 = tpu.memref_slice %arg5[%add3A, %dma_wait3A_16] : memref<32x16xf32, #tpu.memory_space<hbm>> -> memref<1x16xf32, #tpu.memory_space<hbm>>
      %dma_wait3A_18 = tpu.memref_squeeze %dma_wait3A_17 : memref<1x16xf32, #tpu.memory_space<hbm>> -> memref<16xf32, #tpu.memory_space<hbm>>
      tpu.wait_dma2 semaphore(%run_scoped3A : memref<!tpu.dma_semaphore, #tpu.memory_space<semaphore_mem>>) src(%arg9 : memref<16xf32, #tpu.memory_space<vmem>>) dst(%dma_wait3A_18 : memref<16xf32, #tpu.memory_space<hbm>>)
      tpu.yield
    }) : () -> ()
    return
  }
}

module attributes {stable_mosaic.version = 14 : i64} {
  func.func @_body(%arg0: i32, %arg1: memref<21x7552xf32, #tpu.memory_space<vmem>>, %arg2: memref<279424xi32, #tpu.memory_space<vmem>>, %arg3: memref<1x1xf32, #tpu.memory_space<vmem>>, %arg4: memref<1x1xf32, #tpu.memory_space<vmem>>, %arg5: memref<40x7552xf32, #tpu.memory_space<vmem>>, %arg6: memref<4xf32, #tpu.memory_space<smem>>, %arg7: memref<2xi32, #tpu.memory_space<smem>>) attributes {dimension_semantics = [#tpu.dimension_semantics<arbitrary>], iteration_bounds = array<i64: 37>, scalar_prefetch = 0 : i64, scratch_operands = 3 : i64, tpu.core_type = #tpu.core_type<tc>, window_params = [{transform_indices = @transform_0, window_bounds = array<i64: 21, 7552>}, {pipeline_mode = #tpu.pipeline_mode<synchronous>, transform_indices = @transform_1, window_bounds = array<i64: 279424>}, {pipeline_mode = #tpu.pipeline_mode<synchronous>, transform_indices = @transform_2, window_bounds = array<i64: 1, 1>}, {pipeline_mode = #tpu.pipeline_mode<synchronous>, transform_indices = @transform_3, window_bounds = array<i64: 1, 1>}]} {
    %eq3A = arith.constant 0 : i32
    %eq3A_0 = arith.cmpi eq, %arg0, %eq3A : i32
    %convert_element_type3A = arith.extui %eq3A_0 : i1 to i32
    %cond3A = arith.constant 0 : i32
    %cond3A_1 = arith.cmpi ne, %convert_element_type3A, %cond3A : i32
    scf.if %cond3A_1 {
      %swap3A_48 = arith.constant 0.000000e+00 : f32
      %swap3A_49 = arith.constant 0 : index
      %swap3A_50 = memref.load %arg6[%swap3A_49] : memref<4xf32, #tpu.memory_space<smem>>
      memref.store %swap3A_48, %arg6[%swap3A_49] : memref<4xf32, #tpu.memory_space<smem>>
      %swap3A_51 = arith.constant 0 : i32
      %swap3A_52 = arith.constant 0 : index
      %swap3A_53 = memref.load %arg7[%swap3A_52] : memref<2xi32, #tpu.memory_space<smem>>
      memref.store %swap3A_51, %arg7[%swap3A_52] : memref<2xi32, #tpu.memory_space<smem>>
      %broadcast_in_dim3A_54 = arith.constant -1.000000e+00 : f32
      %broadcast_in_dim3A_55 = vector.broadcast %broadcast_in_dim3A_54 : f32 to vector<3x7552xf32>
      %swap3A_56 = arith.constant 37 : index
      %swap3A_57 = arith.constant 0 : index
      %swap3A_58 = vector.load %arg5[%swap3A_56, %swap3A_57] : memref<40x7552xf32, #tpu.memory_space<vmem>>, vector<3x7552xf32>
      tpu.vector_store %arg5[%swap3A_56, %swap3A_57], %broadcast_in_dim3A_55 {strides = array<i32>} : memref<40x7552xf32, #tpu.memory_space<vmem>>, vector<3x7552xf32>,
    } else {
    }
    %get3A = arith.constant 0 : index
    %get3A_2 = arith.constant 0 : index
    %get3A_3 = vector.load %arg1[%get3A, %get3A_2] : memref<21x7552xf32, #tpu.memory_space<vmem>>, vector<21x7552xf32>
    %exp3A = math.exp %get3A_3 : vector<21x7552xf32>
    %mul3A = arith.constant 7552 : i32
    %mul3A_4 = arith.muli %arg0, %mul3A : i32
    %get3A_5 = arith.index_cast %mul3A_4 : i32 to index
    %get3A_6 = vector.load %arg2[%get3A_5] : memref<279424xi32, #tpu.memory_space<vmem>>, vector<7552xi32>
    %iota3A = tpu.iota {dimensions = array<i32: 0>} : vector<21x7552xi32>
    %broadcast_in_dim3A = vector.shape_cast %get3A_6 : vector<7552xi32> to vector<1x7552xi32>
    %eq3A_7 = vector.broadcast %broadcast_in_dim3A : vector<1x7552xi32> to vector<21x7552xi32>
    %eq3A_8 = arith.cmpi eq, %iota3A, %eq3A_7 : vector<21x7552xi32>
    %jit3A = arith.constant 0.000000e+00 : f32
    %broadcast_in_dim3A_9 = vector.broadcast %jit3A : f32 to vector<21x7552xf32>
    %select_n3A = arith.select %eq3A_8, %get3A_3, %broadcast_in_dim3A_9 : vector<21x7552xi1>, vector<21x7552xf32>
    %broadcast_in_dim3A_10 = arith.constant 1.000000e+00 : f32
    %broadcast_in_dim3A_11 = vector.broadcast %broadcast_in_dim3A_10 : f32 to vector<8x21xf32>
    %dot_general3A = arith.constant dense<0.000000e+00> : vector<8x7552xf32>
    %dot_general3A_12 = tpu.matmul %broadcast_in_dim3A_11, %exp3A, %dot_general3A {dimension_numbers = #tpu.dot_dimension_numbers<[1], [0], [0], [1], [0, 0, 1, 1], [], []>, transpose_lhs_hint = false} : vector<8x21xf32>, vector<21x7552xf32>, vector<8x7552xf32> -> vector<8x7552xf32>
    %dot_general3A_13 = arith.constant dense<0.000000e+00> : vector<8x7552xf32>
    %dot_general3A_14 = tpu.matmul %broadcast_in_dim3A_11, %select_n3A, %dot_general3A_13 {dimension_numbers = #tpu.dot_dimension_numbers<[1], [0], [0], [1], [0, 0, 1, 1], [], []>, transpose_lhs_hint = false} : vector<8x21xf32>, vector<21x7552xf32>, vector<8x7552xf32> -> vector<8x7552xf32>
    %slice3A = vector.extract_strided_slice %dot_general3A_12 {offsets = [0, 0], sizes = [1, 7552], strides = [1, 1]} : vector<8x7552xf32> to vector<1x7552xf32>
    %log3A = math.log %slice3A : vector<1x7552xf32>
    %slice3A_15 = vector.extract_strided_slice %dot_general3A_14 {offsets = [0, 0], sizes = [1, 7552], strides = [1, 1]} : vector<8x7552xf32> to vector<1x7552xf32>
    %sub3A = arith.subf %log3A, %slice3A_15 : vector<1x7552xf32>
    %gt3A = arith.constant 0 : i32
    %gt3A_16 = vector.broadcast %gt3A : i32 to vector<7552xi32>
    %gt3A_17 = arith.cmpi sgt, %get3A_6, %gt3A_16 : vector<7552xi32>
    %broadcast_in_dim3A_18 = vector.shape_cast %gt3A_17 : vector<7552xi1> to vector<1x7552xi1>
    %jit3A_19 = arith.constant -1.000000e+00 : f32
    %broadcast_in_dim3A_20 = vector.broadcast %jit3A_19 : f32 to vector<1x7552xf32>
    %select_n3A_21 = arith.select %broadcast_in_dim3A_18, %broadcast_in_dim3A_20, %sub3A : vector<1x7552xi1>, vector<1x7552xf32>
    %swap3A = arith.index_cast %arg0 : i32 to index
    %swap3A_22 = arith.constant 0 : index
    %swap3A_23 = vector.load %arg5[%swap3A, %swap3A_22] : memref<40x7552xf32, #tpu.memory_space<vmem>>, vector<1x7552xf32>
    tpu.vector_store %arg5[%swap3A, %swap3A_22], %select_n3A_21 {strides = array<i32>} : memref<40x7552xf32, #tpu.memory_space<vmem>>, vector<1x7552xf32>,
    %get3A_24 = arith.constant 0 : index
    %get3A_25 = memref.load %arg6[%get3A_24] : memref<4xf32, #tpu.memory_space<smem>>
    %reduce_sum3A = vector.shape_cast %sub3A : vector<1x7552xf32> to vector<1x1x7552xf32>
    %reduce_sum3A_26 = arith.constant dense<0.000000e+00> : vector<1xf32>
    %reduce_sum3A_27 = vector.multi_reduction <add>, %reduce_sum3A, %reduce_sum3A_26 [1, 2] : vector<1x1x7552xf32> to vector<1xf32>
    %reduce_sum3A_28 = vector.shape_cast %reduce_sum3A_27 : vector<1xf32> to vector<1x1x1xf32>
    %reduce_sum3A_29 = vector.extract %reduce_sum3A_28[0, 0, 0] : f32 from vector<1x1x1xf32>
    %add3A = arith.addf %get3A_25, %reduce_sum3A_29 : f32
    %swap3A_30 = arith.constant 0 : index
    %swap3A_31 = memref.load %arg6[%swap3A_30] : memref<4xf32, #tpu.memory_space<smem>>
    memref.store %add3A, %arg6[%swap3A_30] : memref<4xf32, #tpu.memory_space<smem>>
    %get3A_32 = arith.constant 0 : index
    %get3A_33 = memref.load %arg7[%get3A_32] : memref<2xi32, #tpu.memory_space<smem>>
    %convert_element_type3A_34 = arith.extui %broadcast_in_dim3A_18 : vector<1x7552xi1> to vector<1x7552xi32>
    %reduce_sum3A_35 = vector.shape_cast %convert_element_type3A_34 : vector<1x7552xi32> to vector<1x1x7552xi32>
    %reduce_sum3A_36 = arith.constant dense<0> : vector<1xi32>
    %reduce_sum3A_37 = vector.multi_reduction <add>, %reduce_sum3A_35, %reduce_sum3A_36 [1, 2] : vector<1x1x7552xi32> to vector<1xi32>
    %reduce_sum3A_38 = vector.shape_cast %reduce_sum3A_37 : vector<1xi32> to vector<1x1x1xi32>
    %reduce_sum3A_39 = vector.extract %reduce_sum3A_38[0, 0, 0] : i32 from vector<1x1x1xi32>
    %add3A_40 = arith.addi %get3A_33, %reduce_sum3A_39 : i32
    %swap3A_41 = arith.constant 0 : index
    %swap3A_42 = memref.load %arg7[%swap3A_41] : memref<2xi32, #tpu.memory_space<smem>>
    memref.store %add3A_40, %arg7[%swap3A_41] : memref<2xi32, #tpu.memory_space<smem>>
    %eq3A_43 = arith.constant 36 : i32
    %eq3A_44 = arith.cmpi eq, %arg0, %eq3A_43 : i32
    %convert_element_type3A_45 = arith.extui %eq3A_44 : i1 to i32
    %cond3A_46 = arith.constant 0 : i32
    %cond3A_47 = arith.cmpi ne, %convert_element_type3A_45, %cond3A_46 : i32
    scf.if %cond3A_47 {
      %get3A_48 = arith.constant 0 : index
      %get3A_49 = memref.load %arg7[%get3A_48] : memref<2xi32, #tpu.memory_space<smem>>
      %mul3A_50 = arith.constant 3 : i32
      %mul3A_51 = arith.muli %mul3A_50, %get3A_49 : i32
      %sub3A_52 = arith.constant 279424 : i32
      %sub3A_53 = arith.subi %sub3A_52, %get3A_49 : i32
      %get3A_54 = arith.constant 0 : index
      %get3A_55 = arith.constant 0 : index
      %get3A_56 = vector.load %arg5[%get3A_54, %get3A_55] : memref<40x7552xf32, #tpu.memory_space<vmem>>, vector<40x7552xf32>
      %reduce_sum3A_57 = vector.shape_cast %get3A_56 : vector<40x7552xf32> to vector<1x40x7552xf32>
      %reduce_sum3A_58 = arith.constant dense<0.000000e+00> : vector<1xf32>
      %reduce_sum3A_59 = vector.multi_reduction <add>, %reduce_sum3A_57, %reduce_sum3A_58 [1, 2] : vector<1x40x7552xf32> to vector<1xf32>
      %reduce_sum3A_60 = vector.shape_cast %reduce_sum3A_59 : vector<1xf32> to vector<1x1x1xf32>
      %reduce_sum3A_61 = vector.extract %reduce_sum3A_60[0, 0, 0] : f32 from vector<1x1x1xf32>
      %convert_element_type3A_62 = arith.sitofp %get3A_49 : i32 to f32
      %add3A_63 = arith.addf %reduce_sum3A_61, %convert_element_type3A_62 : f32
      %add3A_64 = arith.constant 2.265600e+04 : f32
      %add3A_65 = arith.addf %add3A_63, %add3A_64 : f32
      %get3A_66 = arith.constant 0 : index
      %get3A_67 = memref.load %arg6[%get3A_66] : memref<4xf32, #tpu.memory_space<smem>>
      %sub3A_68 = arith.subf %get3A_67, %add3A_65 : f32
      %ge3A = arith.cmpi sge, %mul3A_51, %sub3A_53 : i32
      %eq3A_69 = arith.constant 0 : i32
      %eq3A_70 = arith.cmpi eq, %mul3A_51, %eq3A_69 : i32
      %or3A = arith.ori %ge3A, %eq3A_70 : i1
      %convert_element_type3A_71 = arith.extui %or3A : i1 to i32
      %cond3A_72 = arith.constant 0 : i32
      %cond3A_73 = arith.cmpi ne, %convert_element_type3A_71, %cond3A_72 : i32
      %cond3A_74 = scf.if %cond3A_73 -> (f32) {
        %jit3A_86 = arith.constant 0.000000e+00 : f32
        %select_n3A_87 = arith.select %ge3A, %add3A_65, %jit3A_86 : f32
        scf.yield %select_n3A_87 : f32
      } else {
        %scan3A = arith.constant 0 : i32
        %scan3A_86 = arith.constant 2139095040 : i32
        %scan3A_87 = arith.constant 0 : i32
        %scan3A_88 = arith.constant 31 : i32
        %scan3A_89 = arith.addi %scan3A_87, %scan3A_88 : i32
        %scan3A_90 = arith.constant 1 : i32
        %scan3A_91:2 = scf.for %scan3A_115 = %scan3A_87 to %scan3A_89 step %scan3A_90 iter_args(%scan3A_116 = %scan3A, %scan3A_117 = %scan3A_86) -> (i32, i32)  : i32 {
          %sub3A_118 = arith.subi %scan3A_117, %scan3A_116 : i32
          %div3A_119 = arith.constant 2 : i32
          %div3A_120 = arith.divsi %sub3A_118, %div3A_119 : i32
          %add3A_121 = arith.addi %scan3A_116, %div3A_120 : i32
          %get3A_122 = arith.constant 0 : index
          %get3A_123 = arith.constant 0 : index
          %get3A_124 = vector.load %arg5[%get3A_122, %get3A_123] : memref<40x7552xf32, #tpu.memory_space<vmem>>, vector<40x7552xf32>
          %bitcast_convert_type3A_125 = tpu.bitcast %get3A_124 : vector<40x7552xf32> -> vector<40x7552xi32>
          %ge3A_126 = vector.broadcast %add3A_121 : i32 to vector<40x7552xi32>
          %ge3A_127 = arith.cmpi sge, %bitcast_convert_type3A_125, %ge3A_126 : vector<40x7552xi32>
          %convert_element_type3A_128 = arith.extui %ge3A_127 : vector<40x7552xi1> to vector<40x7552xi32>
          %reduce_sum3A_129 = vector.shape_cast %convert_element_type3A_128 : vector<40x7552xi32> to vector<1x40x7552xi32>
          %reduce_sum3A_130 = arith.constant dense<0> : vector<1xi32>
          %reduce_sum3A_131 = vector.multi_reduction <add>, %reduce_sum3A_129, %reduce_sum3A_130 [1, 2] : vector<1x40x7552xi32> to vector<1xi32>
          %reduce_sum3A_132 = vector.shape_cast %reduce_sum3A_131 : vector<1xi32> to vector<1x1x1xi32>
          %reduce_sum3A_133 = vector.extract %reduce_sum3A_132[0, 0, 0] : i32 from vector<1x1x1xi32>
          %ge3A_134 = arith.cmpi sge, %reduce_sum3A_133, %mul3A_51 : i32
          %select_n3A_135 = arith.select %ge3A_134, %add3A_121, %scan3A_116 : i32
          %select_n3A_136 = arith.select %ge3A_134, %scan3A_117, %add3A_121 : i32
          scf.yield %select_n3A_135, %select_n3A_136 : i32, i32
        }
        %bitcast_convert_type3A = arith.bitcast %scan3A_91#0 : i32 to f32
        %get3A_92 = arith.constant 0 : index
        %get3A_93 = arith.constant 0 : index
        %get3A_94 = vector.load %arg5[%get3A_92, %get3A_93] : memref<40x7552xf32, #tpu.memory_space<vmem>>, vector<40x7552xf32>
        %gt3A_95 = vector.broadcast %bitcast_convert_type3A : f32 to vector<40x7552xf32>
        %gt3A_96 = arith.cmpf ogt, %get3A_94, %gt3A_95 : vector<40x7552xf32>
        %convert_element_type3A_97 = arith.extui %gt3A_96 : vector<40x7552xi1> to vector<40x7552xi32>
        %reduce_sum3A_98 = vector.shape_cast %convert_element_type3A_97 : vector<40x7552xi32> to vector<1x40x7552xi32>
        %reduce_sum3A_99 = arith.constant dense<0> : vector<1xi32>
        %reduce_sum3A_100 = vector.multi_reduction <add>, %reduce_sum3A_98, %reduce_sum3A_99 [1, 2] : vector<1x40x7552xi32> to vector<1xi32>
        %reduce_sum3A_101 = vector.shape_cast %reduce_sum3A_100 : vector<1xi32> to vector<1x1x1xi32>
        %reduce_sum3A_102 = vector.extract %reduce_sum3A_101[0, 0, 0] : i32 from vector<1x1x1xi32>
        %jit3A_103 = arith.constant 0.000000e+00 : f32
        %broadcast_in_dim3A_104 = vector.broadcast %jit3A_103 : f32 to vector<40x7552xf32>
        %select_n3A_105 = arith.select %gt3A_96, %get3A_94, %broadcast_in_dim3A_104 : vector<40x7552xi1>, vector<40x7552xf32>
        %reduce_sum3A_106 = vector.shape_cast %select_n3A_105 : vector<40x7552xf32> to vector<1x40x7552xf32>
        %reduce_sum3A_107 = arith.constant dense<0.000000e+00> : vector<1xf32>
        %reduce_sum3A_108 = vector.multi_reduction <add>, %reduce_sum3A_106, %reduce_sum3A_107 [1, 2] : vector<1x40x7552xf32> to vector<1xf32>
        %reduce_sum3A_109 = vector.shape_cast %reduce_sum3A_108 : vector<1xf32> to vector<1x1x1xf32>
        %reduce_sum3A_110 = vector.extract %reduce_sum3A_109[0, 0, 0] : f32 from vector<1x1x1xf32>
        %sub3A_111 = arith.subi %mul3A_51, %reduce_sum3A_102 : i32
        %convert_element_type3A_112 = arith.sitofp %sub3A_111 : i32 to f32
        %mul3A_113 = arith.mulf %convert_element_type3A_112, %bitcast_convert_type3A : f32
        %add3A_114 = arith.addf %reduce_sum3A_110, %mul3A_113 : f32
        scf.yield %add3A_114 : f32
      }
      %convert_element_type3A_75 = arith.sitofp %get3A_49 : i32 to f32
      %max3A = arith.constant 1.000000e+00 : f32
      %max3A_76 = arith.maximumf %convert_element_type3A_75, %max3A : f32
      %add3A_77 = arith.addf %sub3A_68, %cond3A_74 : f32
      %div3A = arith.divf %add3A_77, %max3A_76 : f32
      %broadcast_in_dim3A_78 = vector.broadcast %div3A : f32 to vector<1x1xf32>
      %swap3A_79 = arith.constant 0 : index
      %swap3A_80 = arith.constant 0 : index
      %swap3A_81 = vector.load %arg3[%swap3A_79, %swap3A_80] : memref<1x1xf32, #tpu.memory_space<vmem>>, vector<1x1xf32>
      tpu.vector_store %arg3[%swap3A_79, %swap3A_80], %broadcast_in_dim3A_78 {strides = array<i32>} : memref<1x1xf32, #tpu.memory_space<vmem>>, vector<1x1xf32>,
      %broadcast_in_dim3A_82 = vector.broadcast %max3A_76 : f32 to vector<1x1xf32>
      %swap3A_83 = arith.constant 0 : index
      %swap3A_84 = arith.constant 0 : index
      %swap3A_85 = vector.load %arg4[%swap3A_83, %swap3A_84] : memref<1x1xf32, #tpu.memory_space<vmem>>, vector<1x1xf32>
      tpu.vector_store %arg4[%swap3A_83, %swap3A_84], %broadcast_in_dim3A_82 {strides = array<i32>} : memref<1x1xf32, #tpu.memory_space<vmem>>, vector<1x1xf32>,
    } else {
    }
    return
  }
  func.func @transform_0(%arg0: i32) -> (i32, i32) {
    %c0_i32 = arith.constant 0 : i32
    %c0_i32_0 = arith.constant 0 : i32
    return %c0_i32, %arg0 : i32, i32
  }
  func.func @transform_1(%arg0: i32) -> i32 {
    %c0_i32 = arith.constant 0 : i32
    %c0_i32_0 = arith.constant 0 : i32
    return %c0_i32 : i32
  }
  func.func @transform_2(%arg0: i32) -> (i32, i32) {
    %c0_i32 = arith.constant 0 : i32
    %c0_i32_0 = arith.constant 0 : i32
    %c0_i32_1 = arith.constant 0 : i32
    return %c0_i32, %c0_i32_0 : i32, i32
  }
  func.func @transform_3(%arg0: i32) -> (i32, i32) {
    %c0_i32 = arith.constant 0 : i32
    %c0_i32_0 = arith.constant 0 : i32
    %c0_i32_1 = arith.constant 0 : i32
    return %c0_i32, %c0_i32_0 : i32, i32
  }
}

</mosaic_0001>

<sc_bundles>
// kernel: kernel.4.cloned.1.call-start
scs
__scs_entry_jumppad:
0x0: {  	(pc) =	sbr.rel $0x88, $3  }
0x1: {  	(tag) =	ssettag $0x0;
	lr =	simm.s32 $0x1  }
0x2: {  	[smem:$0x3F9D] =	sst lr;
	_ =	strace $0xD0000000  }
0x3: {  	_ = 	snop  }
0x4: {  	_ = 	snop  }
0x5: {  	_ = 	snop  }
0x6: {  	_ = 	snop  }
0x7: {  	_ = 	snop  }
__scs_overlays_trampoline_lowered:
0x8: {  	[smem:$0x3FAC] =	sst s0  }
0x9: {  	[smem:$0x3FAD] =	sst s1  }
0xa: {  	[smem:$0x3FAE] =	sst s2  }
0xb: {  	[smem:$0x3FAF] =	sst s3  }
0xc: {  	[smem:$0x3FB0] =	sst s4  }
0xd: {  	[smem:$0x3FB1] =	sst s5  }
0xe: {  	[smem:$0x3FB2] =	sst s6  }
0xf: {  	[smem:$0x3FB3] =	sst s7  }
0x10: {  	[smem:$0x3FB4] =	sst s8  }
0x11: {  	[smem:$0x3FB5] =	sst s9;
	s0 =	simm.s32 @!p0 $0x0  }
0x12: {  	s1 =	sld [smem:$0x3F9B];
	s0 =	simm.s32 @p0 $0x1  }
0x13: {  	[smem:$0x3FB6] =	sst s0;
	s0 =	simm.s32 @!p1 $0x0  }
0x14: {  	s2 =	sld [smem:$0x3F9A];
	s0 =	simm.s32 @p1 $0x1  }
0x15: {  	[smem:$0x3FB7] =	sst s0;
	s0 =	simm.s32 @!p2 $0x0  }
0x16: {  	s3 =	sld [smem:$0x3FDB];
	s0 =	simm.s32 @p2 $0x1  }
0x17: {  	s4 =	simm.s32 $0x1BF5;
	[smem:$0x3FB9] =	sst s0  }
0x18: {  	s0 =	sld [smem:$0x3F9C];
	_ =	swait.ge [sflag:s4], $0x0  }
0x19: {  	s7 =	sld [smem:$0x3F9D]  }
0x1a: {  	s8 =	sadd.s32 $0xFFFFE003, lr  }
0x1b: {  	s9 =	sadd.s32 $0xFFFFFEF7, lr;
	s5 =	simm.s32 $0xFFFFFFFF;
	p2 =	slt.u32 s8, $0xFFFFF086  }
0x1c: {  	p1 =	slt.u32 s9, $0xF7A;
	s5 =	simm.s32 @!p2 $0x0  }
0x1d: {  	s5 =	simm.s32 @p1 $0x1;
	p0 =	seq.s32 s7, s2  }
0x1e: {  	s7 =	smul.u32 @!p0 $0xF7A, s2;
	p2 =	seq.s32 @!p0 s5, $0x0  }
0x1f: {  	s9 =	smul.u32 $0xF7A, s1;
	s8 =	simm.s32 @!p0 $0x1BF5;
	p2 =	por !p2, p0  }
0x20: {  	[sflag:s8] =	ssyncset.s32 @!p0 $0xFFFFF086;
	s6 =	sadd.s32 @!p0 s3, s7;
	s7 =	simm.s32 @!p0 $0x108  }
0x21: {  	s3 =	sadd.s32 s3, s9;
	s6 =	sadd.s32 @!p0 $0x88, s6;
	s7 =	simm.s32 @p2 $0x1082  }
0x22: {  	[simem:s7], [sflag:s8] =	dma.local @!p0 [hbm:s6], $0xF7A  }
0x23: {  	s9 =	sor.u32 $0xD0000000, s2;
	s6 =	simm.s32 $0x108;
	_ =	swait.ge @!p0 [sflag:s8], $0x0  }
0x24: {  	s3 =	sadd.s32 $0x88, s3;
	s6 =	simm.s32 @!p1 $0x1082;
	[sflag:s4] =	ssyncset.s32 $0xFFFFF086  }
0x25: {  	[simem:s6], [sflag:s4] =	dma.local [hbm:s3], $0xF7A  }
0x26: {  	[smem:$0x3F9D] =	sst s1;
	(tag) =	ssettag s2;
	_ =	strace s9  }
0x27: {  	s1 =	sld [smem:$0x3FAD]  }
0x28: {  	s2 =	sld [smem:$0x3FAE]  }
0x29: {  	s4 =	sld [smem:$0x3FB0]  }
0x2a: {  	p0 =	seq.s32 s5, $0x0;
	s5 =	sld [smem:$0x3FB1]  }
0x2b: {  	s6 =	sld [smem:$0x3FB2]  }
0x2c: {  	s7 =	sld [smem:$0x3FB3]  }
0x2d: {  	s3 =	simm.s32 $0x108;
	s8 =	sld [smem:$0x3FB4]  }
0x2e: {  	s3 =	simm.s32 @!p0 $0x1082;
	s9 =	sld [smem:$0x3FB5]  }
0x2f: {  	lr =	sadd.s32 s0, s3;
	s0 =	sld [smem:$0x3FAC]  }
0x30: {  	s3 =	sld [smem:$0x3FAF]  }
0x31: {  	[smem:$0x3FB8] =	sst s10  }
0x32: {  	s10 =	sld [smem:$0x3FB6];
	_ =	sdelay $0x3  }
0x33: {  	p0 =	seq.s32 s10, $0x1;
	s10 =	sld [smem:$0x3FB8];
	_ =	sdelay $0x3  }
0x34: {  	[smem:$0x3FB8] =	sst s10  }
0x35: {  	s10 =	sld [smem:$0x3FB7];
	_ =	sdelay $0x3  }
0x36: {  	p1 =	seq.s32 s10, $0x1;
	s10 =	sld [smem:$0x3FB8];
	_ =	sdelay $0x3  }
0x37: {  	[smem:$0x3FB8] =	sst s10  }
0x38: {  	s10 =	sld [smem:$0x3FB9]  }
0x39: {  	_ = 	snop;
	(pc) =	sbr.ind lr, $3  }
0x3a: {  	_ = 	snop  }
0x3b: {  	_ = 	snop  }
0x3c: {  	p2 =	seq.s32 s10, $0x1;
	s10 =	sld [smem:$0x3FB8]  }
0x3d: {  	_ =	shalt  }
0x3e: {  	_ =	shalt  }
0x3f: {  	_ =	shalt  }
0x40: {  	_ =	shalt  }
0x41: {  	_ =	shalt  }
0x42: {  	_ =	shalt  }
0x43: {  	_ =	shalt  }
0x44: {  	_ =	shalt  }
0x45: {  	_ =	shalt  }
0x46: {  	_ =	shalt  }
0x47: {  	_ =	shalt  }
0x48: {  	_ =	shalt  }
0x49: {  	_ =	shalt  }
0x4a: {  	_ =	shalt  }
0x4b: {  	_ =	shalt  }
0x4c: {  	_ =	shalt  }
0x4d: {  	_ =	shalt  }
0x4e: {  	_ =	shalt  }
0x4f: {  	_ =	shalt  }
0x50: {  	_ =	shalt  }
0x51: {  	_ =	shalt  }
0x52: {  	_ =	shalt  }
0x53: {  	_ =	shalt  }
0x54: {  	_ =	shalt  }
0x55: {  	_ =	shalt  }
0x56: {  	_ =	shalt  }
0x57: {  	_ =	shalt  }
0x58: {  	_ =	shalt  }
0x59: {  	_ =	shalt  }
0x5a: {  	_ =	shalt  }
0x5b: {  	_ =	shalt  }
0x5c: {  	_ =	shalt  }
0x5d: {  	_ =	shalt  }
0x5e: {  	_ =	shalt  }
0x5f: {  	_ =	shalt  }
0x60: {  	_ =	shalt  }
0x61: {  	_ =	shalt  }
0x62: {  	_ =	shalt  }
0x63: {  	_ =	shalt  }
0x64: {  	_ =	shalt  }
0x65: {  	_ =	shalt  }
0x66: {  	_ =	shalt  }
0x67: {  	_ =	shalt  }
0x68: {  	_ =	shalt  }
0x69: {  	_ =	shalt  }
0x6a: {  	_ =	shalt  }
0x6b: {  	_ =	shalt  }
0x6c: {  	_ =	shalt  }
0x6d: {  	_ =	shalt  }
0x6e: {  	_ =	shalt  }
0x6f: {  	_ =	shalt  }
0x70: {  	_ =	shalt  }
0x71: {  	_ =	shalt  }
0x72: {  	_ =	shalt  }
0x73: {  	_ =	shalt  }
0x74: {  	_ =	shalt  }
0x75: {  	_ =	shalt  }
0x76: {  	_ =	shalt  }
0x77: {  	_ =	shalt  }
0x78: {  	_ =	shalt  }
0x79: {  	_ =	shalt  }
0x7a: {  	_ =	shalt  }
0x7b: {  	_ =	shalt  }
0x7c: {  	_ =	shalt  }
0x7d: {  	_ =	shalt  }
0x7e: {  	_ =	shalt  }
0x7f: {  	_ =	shalt  }
0x80: {  	_ =	shalt  }
0x81: {  	_ =	shalt  }
0x82: {  	_ =	shalt  }
0x83: {  	_ =	shalt  }
0x84: {  	_ =	shalt  }
0x85: {  	_ =	shalt  }
0x86: {  	_ =	shalt  }
0x87: {  	_ =	shalt  }
.Lfunc_end0:
.L_simem_size_0:
called_computation_lowered:
.L_overlay_start_0:
0x88: {  	s2 =	sld [smem:$0x3FD9]  }
0x89: {  	s3 =	sld [smem:$0x3FFE];
	_ =	sdelay $0x1  }
0x8a: {  	s1 =	srdreg.scid  }
0x8b: {  	s0 =	sand.u32 $0x1, s1  }
0x8c: {  	s17 =	sshll.u32 s0, $0xA;
	s2 =	sadd.s32 s3, s2  }
0x8d: {  	s2 =	sadd.s32 s2, s17  }
0x8e: {  	[smem:$0x3FC4] =	sst s2  }
0x8f: {  	_ = 	snop  }
0x90: {  	s2 =	sld [smem:$0x3FC9]  }
0x91: {  	s18 =	sld [smem:$0x3FC7]  }
0x92: {  	s4 =	sld [smem:$0x3FC6];
	(tm) =	ssettm $0x1  }
0x93: {  	s5 =	sld [smem:$0x3FFB];
	_ =	sdelay $0x3  }
0x94: {  	_ =	strace s5  }
0x95: {  	s5 =	sld [smem:$0x3FFC];
	_ =	sdelay $0x3  }
0x96: {  	_ =	strace s5  }
0x97: {  	s5 =	sld [smem:$0x3FFD];
	_ =	sdelay $0x3  }
0x98: {  	_ =	strace s5  }
0x99: {  	_ =	strace $0x8FFFFFFF  }
0x9a: {  	s19 =	sld [smem:$0x3FDB];
	_ =	sdelay $0x1  }
0x9b: {  	s6 =	simm.s32 $_scs_section_size  }
0x9c: {  	s7 =	simm.s32 $_size__tile_overlayer_lowered;
	s8 =	simm.s32 $_tile_overlayer_lowered  }
0x9d: {  	s22 =	simm.s32 $0x1BFF;
	s21 =	sshll.u32 s8, $0x1;
	s5 =	sadd.s32 s6, s19  }
0x9e: {  	s9 =	simm.s32 $0x0;
	s20 =	sshll.u32 s7, $0x1;
	s7 =	sadd.s32 s21, s5  }
0x9f: {  	[timem:s9], [sflag:s22] =	dma.local [hbm:s7], s20  }
0xa0: {  	_ =	swait.ge [sflag:s22], s20  }
0xa1: {  	s6 =	ssub.s32 $0x0, s20;
	[sflag:s22] =	ssyncset.done $0x0  }
0xa2: {  	[sflag:s22] =	ssyncadd.s32 s6;
	_ =	sdelay $0x1  }
0xa3: {  	s23 =	simm.s32 $0x1B8B  }
0xa4: {  	_ =	swait.ge [sflag:s23], $0x1  }
0xa5: {  	[sflag:s23] =	ssyncset.done $0x0  }
0xa6: {  	s25 =	simm.s32 $0x1B8E;
	s24 =	sld [smem:$0x3FFE];
	[sflag:s23] =	ssyncadd.s32 $0xFFFFFFFF  }
0xa7: {  	s26 =	simm.s32 $execute0_lowered;
	[smem:$0x3FD2] =	sst s25  }
0xa8: {  	s7 =	sshll.u32 s26, $0x1;
	_ =	strace $0x80000046;
	[dreg:$0x1] =	wrdreg $0xFFFFFFFF  }
0xa9: {  	s28 =	simm.s32 $_size_execute0_lowered;
	s5 =	sadd.s32 s5, s7;
	[dreg:$0x0] =	wrdreg $0x0  }
0xaa: {  	s7 =	sshll.u32 s28, $0x1;
	[dreg:$0x2] =	wrdreg s5  }
0xab: {  	[dreg:$0x3] =	wrdreg s7  }
0xac: {  	[dreg:$0x4] =	wrdreg $0xC0  }
0xad: {  	_ =	task [dreg:s9], $0x5FFFF  }
0xae: {  	[dreg:$0x1] =	wrdreg $0xFFFFFFFF  }
0xaf: {  	[dreg:$0x0] =	wrdreg $0x60  }
0xb0: {  	[dreg:$0x2] =	wrdreg s2  }
0xb1: {  	[dreg:$0x3] =	wrdreg s18  }
0xb2: {  	[dreg:$0x4] =	wrdreg s4  }
0xb3: {  	[dreg:$0x5] =	wrdreg s24  }
0xb4: {  	[dreg:$0x6] =	wrdreg $0x9  }
0xb5: {  	_ =	task.clear_ibuf [dreg:s9], $0x7FFFF;
	_ =	strace $0x90000046  }
0xb6: {  	s29 =	simm.s32 $0x9;
	_ =	strace $0x80000048  }
0xb7: {  	_ =	swait.ge [sflag:s29], $0x1  }
0xb8: {  	[sflag:s29] =	ssyncadd.s32 $0xFFFFFFFF  }
0xb9: {  	_ =	strace $0x90000048  }
0xba: {  	_ =	sfence  }
0xbb: {  	s30 =	sld [smem:$0x0];
	_ =	sdelay $0x2  }
0xbc: {  	s31 =	sshll.u32 s1, $0xD;
	s1 =	sshrl.u32 s1, $0x2  }
0xbd: {  	s3 =	sand.u32 $0x4000, s31;
	s1 =	sadd.s32 s1, s30  }
0xbe: {  	s0 =	sor.u32 s3, s0;
	s1 =	sshll.u32 s1, $0x11  }
0xbf: {  	s0 =	sor.u32 s1, s0  }
0xc0: {  	s0 =	sadd.s32 $0x8F2B, s0  }
0xc1: {  	[sflag:s0] =	ssyncadd.remote.s32 $0x1  }
0xc2: {  	_ =	sfence.sel $0xFFFF  }
0xc3: {  	[dreg:$0x0] =	wrdreg $0xFFFFFFFF;
	(pc) =	sbr.abs _section_cstart, $3  }
0xc4: {  	[dreg:$0x1] =	wrdreg $0xFFFFFFFF  }
0xc5: {  	_ =	task.clear_ibuf [dreg:s9], $0x2FFFF;
	_ =	strace $0x9FFFFFFF  }
0xc6: {  	(tm) =	ssettm $0x7FFFFFFF  }
0xc7: {  	_ =	shalt  }
tec
execute0_lowered:
.L_overlay_start_1:
0x0: {  	(tag) =	ssettag $0x1  }
0x1: {  	s0 =	rddreg [dreg:$0x0]  }
0x2: {  	s1 =	rddreg [dreg:$0x1]  }
0x3: {  	s20 =	rddreg [dreg:$0x2]  }
0x4: {  	s3 =	rddreg [dreg:$0x3]  }
0x5: {  	s4 =	srdreg.scid;
	s5 =	stileid.u32;
	s2 =	simm.s32 $0x0  }
0x6: {  	s24 =	simm.s32 $0x200;
	s25 =	simm.s32 $0x8A00;
	s26 =	simm.s32 $0x1  }
0x7: {  	s28 =	simm.s32 $0x13680;
	s29 =	simm.s32 $0x2;
	s30 =	simm.s32 $0x0  }
0x8: {  	s4 =	sand.u32 $0x1, s4;
	s5 =	sshll.u32 s5, $0x1;
	[smem:$0x7FF] =	sst s2  }
0x9: {  	s12 =	sadd.s32 $0x216C0, s0;
	s13 =	sadd.s32 $0x216C0, s1;
	s14 =	sadd.s32 $0x216D0, s0  }
0xa: {  	s15 =	sadd.s32 $0x216D0, s1;
	s16 =	sadd.s32 $0x216E0, s0;
	s17 =	sadd.s32 $0x216E0, s1  }
0xb: {  	s18 =	sadd.s32 $0x216F0, s0;
	s19 =	sadd.s32 $0x216F0, s1;
	s23 =	sor.u32 s4, s5  }
0xc: {  	s4 =	ssub.s32 $0x2, s4;
	_ =	strace $0x80000047;
	s8 =	smul.u32 $0x1140, s23  }
0xd: {  	s5 =	sshll.u32 s23, $0x4;
	s6 =	sshrl.u32 s4, $0x1;
	s11 =	smul.u32 $0x450, s23  }
0xe: {  	p0 =	seq.s32 s23, $0x1F;
	s23 =	simm.s32 $0x80;
	s21 =	sadd.s32 s5, s3  }
0xf: {  	s22 =	ssub.s32 s4, s6;
	s3 =	sadd.s32 s0, s8;
	s4 =	sadd.s32 s1, s8  }
.Ltmp0:
0x10: {  	s31 =	sor.u32 $0x10, s8;
	s9 =	sor.u32 $0x20, s8;
	(pc) =	sbr.rel .LBB2_1-.Ltmp0, $4  }
0x11: {  	s10 =	sor.u32 $0x30, s8;
	s11 =	sadd.s32 s20, s11;
	s20 =	sadd.s32 $0x85B0, s20  }
0x12: {  	s21 =	sadd.s32 $0x400, s21;
	s22 =	smax.u32 s22, $0x1;
	s5 =	sadd.s32 s0, s31  }
0x13: {  	s6 =	sadd.s32 s1, s31;
	s7 =	sadd.s32 s0, s9;
	s8 =	sadd.s32 s1, s9  }
0x14: {  	s9 =	sadd.s32 s0, s10;
	s10 =	sadd.s32 s1, s10;
	s1 =	simm.s32 $0x11400  }
.LBB2_7:
0x15: {  	v0 =	vmul.f32 $5.000000000e-01, v1  }
0x16: {  	v2 =	vand.u32 $0x7FFFFFFF, v1  }
0x17: {  	v3 =	vmul.f32 $5.000000000e-01, v63;
	v0 =	vmul.f32 v0, v1;
	v1 =	vadd.f32 $-5.000000000e-01, v2  }
0x18: {  	v5 =	vand.u32 $0x7FFFFFFF, v17;
	vm8 =	vlt.f32 v2, $1.000000000e+00;
	v2 =	vand.u32 $0x7FFFFFFF, v63  }
0x19: {  	vm14 =	vlt.f32 v2, $1.000000000e+00;
	v0 =	vsel vm8, v0, v1;
	v1 =	vmul.f32 v3, v63  }
0x1a: {  	v3 =	vadd.f32 $-5.000000000e-01, v2;
	v2 =	vmul.f32 $5.000000000e-01, v20;
	v0 =	vnsel vm7, $0x0, v0  }
0x1b: {  	v4 =	vmul.f32 $5.000000000e-01, v17;
	vm12 =	vlt.f32 v5, $1.000000000e+00;
	v0 =	vadd.f32 v0, v8  }
0x1c: {  	v1 =	vsel vm14, v1, v3;
	v3 =	vand.u32 $0x7FFFFFFF, v20;
	v2 =	vmul.f32 v2, v20  }
0x1d: {  	vm15 =	vlt.f32 v3, $1.000000000e+00;
	v3 =	vadd.f32 $-5.000000000e-01, v3;
	v1 =	vnsel vm7, $0x0, v1  }
0x1e: {  	v8 =	vadd.f32 $-5.000000000e-01, v5;
	v0 =	vadd.f32 v1, v0;
	v1 =	vmul.f32 v4, v17  }
0x1f: {  	v63 =	vmul.f32 $5.000000000e-01, v59;
	v2 =	vsel vm15, v2, v3;
	v3 =	vmul.f32 $5.000000000e-01, v11  }
0x20: {  	v17 =	vmul.f32 $5.000000000e-01, v14;
	v1 =	vsel vm12, v1, v8;
	v2 =	vnsel vm7, $0x0, v2  }
0x21: {  	v0 =	vadd.f32 v2, v0;
	v2 =	vmul.f32 v3, v11;
	v3 =	vand.u32 $0x7FFFFFFF, v11  }
0x22: {  	v8 =	vand.u32 $0x7FFFFFFF, v59;
	v1 =	vnsel vm7, $0x0, v1;
	v20 =	vadd.f32 $-5.000000000e-01, v3  }
0x23: {  	vm13 =	vlt.f32 v3, $1.000000000e+00;
	v0 =	vadd.f32 v1, v0;
	v1 =	vand.u32 $0x7FFFFFFF, v14  }
0x24: {  	v3 =	vmul.f32 v17, v14;
	v2 =	vsel vm13, v2, v20;
	v39 =	vadd.f32 $-5.000000000e-01, v1  }
0x25: {  	vm14 =	vlt.f32 v1, $1.000000000e+00;
	v1 =	vnsel vm6, $0x0, v2;
	v2 =	vmul.f32 $5.000000000e-01, v60  }
0x26: {  	v0 =	vadd.f32 v1, v0;
	v1 =	vsel vm14, v3, v39;
	v3 =	vand.u32 $0x7FFFFFFF, v60  }
0x27: {  	v2 =	vmul.f32 v2, v60;
	vm15 =	vlt.f32 v3, $1.000000000e+00;
	v3 =	vadd.f32 $-5.000000000e-01, v3  }
0x28: {  	v11 =	vadd.f32 $-5.000000000e-01, v8;
	vm9 =	vlt.f32 v8, $1.000000000e+00;
	v1 =	vnsel vm6, $0x0, v1  }
0x29: {  	v0 =	vadd.f32 v1, v0;
	v1 =	vmul.f32 v63, v59;
	v2 =	vsel vm15, v2, v3  }
0x2a: {  	v14 =	vmul.f32 $5.000000000e-01, v56;
	v3 =	vmul.f32 $5.000000000e-01, v58;
	v2 =	vnsel vm6, $0x0, v2  }
0x2b: {  	v1 =	vsel vm9, v1, v11;
	v0 =	vadd.f32 v2, v0;
	v2 =	vand.u32 $0x7FFFFFFF, v58  }
0x2c: {  	v3 =	vmul.f32 v3, v58;
	v1 =	vnsel vm6, $0x0, v1;
	v17 =	vadd.f32 $-5.000000000e-01, v2  }
0x2d: {  	vm10 =	vlt.f32 v2, $1.000000000e+00;
	v0 =	vadd.f32 v1, v0;
	v1 =	vand.u32 $0x7FFFFFFF, v56  }
0x2e: {  	v2 =	vsel vm10, v3, v17;
	v3 =	vmul.f32 v14, v56;
	v20 =	vadd.f32 $-5.000000000e-01, v1  }
0x2f: {  	vm11 =	vlt.f32 v1, $1.000000000e+00;
	v1 =	vmul.f32 $5.000000000e-01, v52;
	v2 =	vnsel vm5, $0x0, v2  }
0x30: {  	v39 =	vand.u32 $0x7FFFFFFF, v49;
	v0 =	vadd.f32 v2, v0  }
0x31: {  	v2 =	vand.u32 $0x7FFFFFFF, v52;
	v3 =	vsel vm11, v3, v20;
	v1 =	vmul.f32 v1, v52  }
0x32: {  	v52 =	vmul.f32 $5.000000000e-01, v49;
	vm12 =	vlt.f32 v2, $1.000000000e+00;
	v2 =	vadd.f32 $-5.000000000e-01, v2  }
0x33: {  	vm13 =	vlt.f32 v39, $1.000000000e+00;
	v56 =	vadd.f32 $-5.000000000e-01, v39;
	v3 =	vnsel vm5, $0x0, v3  }
0x34: {  	v0 =	vadd.f32 v3, v0;
	v3 =	vmul.f32 v52, v49;
	v1 =	vsel vm12, v1, v2  }
0x35: {  	v58 =	vmul.f32 $5.000000000e-01, v43;
	v2 =	vmul.f32 $5.000000000e-01, v36;
	v1 =	vnsel vm5, $0x0, v1  }
0x36: {  	v3 =	vsel vm13, v3, v56;
	v0 =	vadd.f32 v1, v0;
	v1 =	vand.u32 $0x7FFFFFFF, v36  }
0x37: {  	v2 =	vmul.f32 v2, v36;
	v3 =	vnsel vm5, $0x0, v3;
	v59 =	vadd.f32 $-5.000000000e-01, v1  }
0x38: {  	vm14 =	vlt.f32 v1, $1.000000000e+00;
	v1 =	vand.u32 $0x7FFFFFFF, v43;
	v0 =	vadd.f32 v3, v0  }
0x39: {  	v3 =	vmul.f32 v58, v43;
	v60 =	vadd.f32 $-5.000000000e-01, v1;
	v2 =	vsel vm14, v2, v59  }
0x3a: {  	vm15 =	vlt.f32 v1, $1.000000000e+00;
	v1 =	vmul.f32 $5.000000000e-01, v30;
	v2 =	vnsel vm4, $0x0, v2  }
0x3b: {  	v0 =	vadd.f32 v2, v0;
	v2 =	vand.u32 $0x7FFFFFFF, v30  }
0x3c: {  	v3 =	vsel vm15, v3, v60;
	v1 =	vmul.f32 v1, v30;
	v63 =	vadd.f32 $-5.000000000e-01, v2  }
0x3d: {  	v3 =	vnsel vm4, $0x0, v3;
	vm8 =	vlt.f32 v2, $1.000000000e+00  }
0x3e: {  	v0 =	vadd.f32 v3, v0;
	v1 =	vsel vm8, v1, v63  }
0x3f: {  	v2 =	vmul.f32 v57, v37;
	v3 =	vadd.f32 $-5.000000000e-01, v55;
	v1 =	vnsel vm4, $0x0, v1  }
0x40: {  	vm9 =	vlt.f32 v55, $1.000000000e+00;
	v0 =	vadd.f32 v1, v0  }
0x41: {  	v1 =	vsel vm9, v2, v3;
	v2 =	vmul.f32 v54, v33;
	v3 =	vadd.f32 $-5.000000000e-01, v51  }
0x42: {  	vm10 =	vlt.f32 v51, $1.000000000e+00;
	v1 =	vnsel vm4, $0x0, v1  }
0x43: {  	v0 =	vadd.f32 v1, v0;
	v1 =	vsel vm10, v2, v3  }
0x44: {  	v2 =	vmul.f32 v25, v44;
	v3 =	vadd.f32 $-5.000000000e-01, v48;
	v1 =	vnsel vm3, $0x0, v1  }
0x45: {  	vm11 =	vlt.f32 v48, $1.000000000e+00;
	v0 =	vadd.f32 v1, v0  }
0x46: {  	v1 =	vsel vm11, v2, v3;
	v2 =	vmul.f32 v32, v27;
	v3 =	vadd.f32 $-5.000000000e-01, v46  }
0x47: {  	vm12 =	vlt.f32 v46, $1.000000000e+00;
	v1 =	vnsel vm3, $0x0, v1  }
0x48: {  	v0 =	vadd.f32 v1, v0;
	v1 =	vsel vm12, v2, v3;
	v2 =	vld [tilespmem:$0x1FD10];
	_ =	sdelay $0x4  }
0x49: {  	v3 =	vadd.f32 $-5.000000000e-01, v45;
	v2 =	vmul.f32 v31, v2  }
0x4a: {  	vm13 =	vlt.f32 v45, $1.000000000e+00;
	v1 =	vnsel vm3, $0x0, v1  }
0x4b: {  	v0 =	vadd.f32 v1, v0;
	v1 =	vsel vm13, v2, v3;
	v2 =	vld [tilespmem:$0x1FD00];
	_ =	sdelay $0x4  }
0x4c: {  	v3 =	vadd.f32 $-5.000000000e-01, v40;
	v1 =	vnsel vm3, $0x0, v1;
	v2 =	vmul.f32 v42, v2  }
0x4d: {  	vm14 =	vlt.f32 v40, $1.000000000e+00;
	v0 =	vadd.f32 v1, v0  }
0x4e: {  	v1 =	vsel vm14, v2, v3;
	v2 =	vmul.f32 v41, v53;
	v3 =	vadd.f32 $-5.000000000e-01, v50  }
0x4f: {  	vm15 =	vlt.f32 v50, $1.000000000e+00;
	v1 =	vnsel vm2, $0x0, v1  }
0x50: {  	v0 =	vadd.f32 v1, v0;
	v1 =	vsel vm15, v2, v3;
	v2 =	vld [tilespmem:$0x1FCF0];
	_ =	sdelay $0x4  }
0x51: {  	v3 =	vadd.f32 $-5.000000000e-01, v34;
	v2 =	vmul.f32 v38, v2  }
0x52: {  	vm6 =	vlt.f32 v34, $1.000000000e+00;
	v1 =	vnsel vm2, $0x0, v1  }
0x53: {  	v0 =	vadd.f32 v1, v0;
	v1 =	vsel vm6, v2, v3;
	v2 =	vld [tilespmem:$0x1FCE0];
	_ =	sdelay $0x4  }
0x54: {  	v3 =	vadd.f32 $-5.000000000e-01, v47;
	v2 =	vmul.f32 v16, v2  }
0x55: {  	vm7 =	vlt.f32 v47, $1.000000000e+00;
	v1 =	vnsel vm2, $0x0, v1  }
0x56: {  	v0 =	vadd.f32 v1, v0;
	v1 =	vsel vm7, v2, v3;
	v2 =	vld [tilespmem:$0x1FCD0];
	_ =	sdelay $0x4  }
0x57: {  	v3 =	vadd.f32 $-5.000000000e-01, v19;
	v1 =	vnsel vm2, $0x0, v1;
	v2 =	vmul.f32 v35, v2  }
0x58: {  	vm8 =	vlt.f32 v19, $1.000000000e+00;
	v0 =	vadd.f32 v1, v0  }
0x59: {  	v1 =	vsel vm8, v2, v3;
	v2 =	vmul.f32 v13, v21;
	v3 =	vadd.f32 $-5.000000000e-01, v29  }
0x5a: {  	vm9 =	vlt.f32 v29, $1.000000000e+00;
	v1 =	vnsel vm1, $0x0, v1  }
0x5b: {  	v0 =	vadd.f32 v1, v0;
	v1 =	vsel vm9, v2, v3;
	v2 =	vld [tilespmem:$0x1FCC0];
	_ =	sdelay $0x4  }
0x5c: {  	v3 =	vadd.f32 $-5.000000000e-01, v26;
	v2 =	vmul.f32 v28, v2  }
0x5d: {  	vm10 =	vlt.f32 v26, $1.000000000e+00;
	v1 =	vnsel vm1, $0x0, v1  }
0x5e: {  	v0 =	vadd.f32 v1, v0;
	v1 =	vsel vm10, v2, v3;
	v2 =	vld [tilespmem:$0x1FCA0];
	_ =	sdelay $0x4  }
0x5f: {  	v3 =	vadd.f32 $-5.000000000e-01, v23;
	v2 =	vmul.f32 v24, v2  }
0x60: {  	vm11 =	vlt.f32 v23, $1.000000000e+00;
	v1 =	vnsel vm1, $0x0, v1  }
0x61: {  	v0 =	vadd.f32 v1, v0;
	v1 =	vsel vm11, v2, v3;
	v2 =	vld [tilespmem:$0x1FCB0];
	_ =	sdelay $0x4  }
0x62: {  	v3 =	vadd.f32 $-5.000000000e-01, v22;
	v2 =	vmul.f32 v7, v2  }
0x63: {  	vm12 =	vlt.f32 v22, $1.000000000e+00;
	v1 =	vnsel vm1, $0x0, v1  }
0x64: {  	v0 =	vadd.f32 v1, v0;
	v1 =	vsel vm12, v2, v3;
	v2 =	vld [tilespmem:$0x1FC90];
	_ =	sdelay $0x4  }
0x65: {  	v3 =	vadd.f32 $-5.000000000e-01, v15;
	v2 =	vmul.f32 v18, v2  }
0x66: {  	vm13 =	vlt.f32 v15, $1.000000000e+00;
	v1 =	vnsel vm0, $0x0, v1  }
0x67: {  	v0 =	vadd.f32 v1, v0;
	v1 =	vsel vm13, v2, v3  }
0x68: {  	v2 =	vmul.f32 v12, v62;
	v3 =	vadd.f32 $-5.000000000e-01, v10;
	v1 =	vnsel vm0, $0x0, v1  }
0x69: {  	vm14 =	vlt.f32 v10, $1.000000000e+00;
	v0 =	vadd.f32 v1, v0  }
0x6a: {  	v1 =	vsel vm14, v2, v3;
	v2 =	vmul.f32 v9, v61;
	v3 =	vadd.f32 $-5.000000000e-01, v6  }
0x6b: {  	vm15 =	vlt.f32 v6, $1.000000000e+00;
	v1 =	vnsel vm0, $0x0, v1  }
0x6c: {  	v0 =	vadd.f32 v1, v0;
	v1 =	vsel vm15, v2, v3  }
0x6d: {  	v1 =	vnsel vm0, $0x0, v1  }
0x6e: {  	v0 =	vadd.f32 v1, v0  }
.LBB2_8:
0x6f: {  	s30 =	sadd.s32 $0x1, s30  }
0x70: {  	p1 =	sne.s32 s30, s22  }
.Ltmp1:
0x71: {  	[tilespmem:$0x13680] =	vst v0;
	(pc) =	sbr.rel @!p1 .LBB2_9-.Ltmp1, $4  }
0x72: {  	[hbm4b:s21+s2] =	stream.linear.scatter [tilespmem:s28], [sflag:$0x2], $0x80, $0x38;
	[tilespmem:$0x13700] =	vst v63  }
0x73: {  	_ =	swait.ge [sflag:s29], $0x80  }
0x74: {  	[sflag:s29] =	ssyncset.done $0x0  }
0x75: {  	[sflag:s29] =	ssyncadd.s32 $0xFFFFFF80  }
.LBB2_1:
.Ltmp2:
0x76: {  	(pc) =	sbr.rel @!p0 .LBB2_2-.Ltmp2, $2  }
0x77: {  	_ =	sdelay $0x2  }
0x78: {  	s0 =	simm.s32 $0x0  }
0x79: {  	[tilespmem:s0], [sflag:$0x1] =	stream.strided.gather [hbm4b:s12+s23], $0x1600, s24, s23, $0x38;
	[tilespmem:$0x13700] =	vst v63  }
0x7a: {  	_ = 	snop  }
0x7b: {  	[tilespmem:s25], [sflag:$0x1] =	stream.strided.gather [hbm4b:s13+s23], $0x1600, s24, s23, $0x38;
	[tilespmem:$0x13700] =	vst v63  }
0x7c: {  	s31 =	simm.s32 $0x1600  }
0x7d: {  	[tilespmem:s31], [sflag:$0x1] =	stream.strided.gather [hbm4b:s14+s23], $0x1600, s24, s23, $0x38;
	[tilespmem:$0x13700] =	vst v63  }
0x7e: {  	s31 =	simm.s32 $0xA000  }
0x7f: {  	[tilespmem:s31], [sflag:$0x1] =	stream.strided.gather [hbm4b:s15+s23], $0x1600, s24, s23, $0x38;
	[tilespmem:$0x13700] =	vst v63  }
0x80: {  	s31 =	simm.s32 $0x2C00  }
0x81: {  	[tilespmem:s31], [sflag:$0x1] =	stream.strided.gather [hbm4b:s16+s23], $0x1600, s24, s23, $0x38;
	[tilespmem:$0x13700] =	vst v63  }
0x82: {  	s31 =	simm.s32 $0xB600  }
0x83: {  	[tilespmem:s31], [sflag:$0x1] =	stream.strided.gather [hbm4b:s17+s23], $0x1600, s24, s23, $0x38;
	[tilespmem:$0x13700] =	vst v63  }
0x84: {  	s31 =	simm.s32 $0x4200  }
0x85: {  	[tilespmem:s31], [sflag:$0x1] =	stream.strided.gather [hbm4b:s18+s23], $0x1600, s24, s23, $0x38;
	[tilespmem:$0x13700] =	vst v63  }
0x86: {  	s31 =	simm.s32 $0xCC00  }
0x87: {  	[tilespmem:s31], [sflag:$0x1] =	stream.strided.gather [hbm4b:s19+s23], $0x1600, s24, s23, $0x38;
	[tilespmem:$0x13700] =	vst v63  }
0x88: {  	_ = 	snop  }
0x89: {  	[tilespmem:s1], [sflag:$0x1] =	stream.linear.gather [hbm4b:s20+s0], $0x1600, $0x38;
	[tilespmem:$0x13700] =	vst v63  }
0x8a: {  	_ =	swait.ge [sflag:s26], $0x1600  }
0x8b: {  	[sflag:s26] =	ssyncset.done $0x0  }
0x8c: {  	[sflag:s26] =	ssyncadd.s32 $0xFFFFEA00  }
0x8d: {  	_ =	swait.ge [sflag:s26], $0x1600  }
0x8e: {  	[sflag:s26] =	ssyncset.done $0x0  }
0x8f: {  	[sflag:s26] =	ssyncadd.s32 $0xFFFFEA00  }
0x90: {  	_ =	swait.ge [sflag:s26], $0x1600  }
0x91: {  	[sflag:s26] =	ssyncset.done $0x0  }
0x92: {  	[sflag:s26] =	ssyncadd.s32 $0xFFFFEA00  }
0x93: {  	_ =	swait.ge [sflag:s26], $0x1600  }
0x94: {  	[sflag:s26] =	ssyncset.done $0x0  }
0x95: {  	[sflag:s26] =	ssyncadd.s32 $0xFFFFEA00  }
0x96: {  	_ =	swait.ge [sflag:s26], $0x1600  }
0x97: {  	[sflag:s26] =	ssyncset.done $0x0  }
0x98: {  	[sflag:s26] =	ssyncadd.s32 $0xFFFFEA00  }
0x99: {  	_ =	swait.ge [sflag:s26], $0x1600  }
0x9a: {  	[sflag:s26] =	ssyncset.done $0x0  }
0x9b: {  	[sflag:s26] =	ssyncadd.s32 $0xFFFFEA00  }
0x9c: {  	_ =	swait.ge [sflag:s26], $0x1600  }
0x9d: {  	[sflag:s26] =	ssyncset.done $0x0  }
0x9e: {  	[sflag:s26] =	ssyncadd.s32 $0xFFFFEA00  }
0x9f: {  	_ =	swait.ge [sflag:s26], $0x1600  }
0xa0: {  	[sflag:s26] =	ssyncset.done $0x0  }
0xa1: {  	[sflag:s26] =	ssyncadd.s32 $0xFFFFEA00  }
0xa2: {  	_ =	swait.ge [sflag:s26], $0x1600  }
0xa3: {  	[sflag:s26] =	ssyncset.done $0x0  }
0xa4: {  	s0 =	simm.s32 $0x0;
	[sflag:s26] =	ssyncadd.s32 $0xFFFFEA00  }
0xa5: {  	v36 =	vld [tilespmem:s0+$0x11470]  }
0xa6: {  	v1 =	vld [tilespmem:s0+$0x4270]  }
0xa7: {  	v2 =	vld [tilespmem:s0+$0xCC70]  }
0xa8: {  	v3 =	vld [tilespmem:s0+$0x2C70]  }
0xa9: {  	v4 =	vld [tilespmem:s0+$0xB670]  }
0xaa: {  	v5 =	vld [tilespmem:s0+$0x1670]  }
0xab: {  	v6 =	vld [tilespmem:s0+$0xA070]  }
0xac: {  	v7 =	vld [tilespmem:s0+$0x70]  }
0xad: {  	v8 =	vld [tilespmem:s0+$0x8A70]  }
0xae: {  	v52 =	vld [tilespmem:s0+$0x11460]  }
0xaf: {  	v10 =	vld [tilespmem:s0+$0x4260]  }
0xb0: {  	v11 =	vld [tilespmem:s0+$0xCC60]  }
0xb1: {  	v12 =	vld [tilespmem:s0+$0x2C60]  }
0xb2: {  	v13 =	vld [tilespmem:s0+$0xB660]  }
0xb3: {  	v14 =	vld [tilespmem:s0+$0x1660]  }
0xb4: {  	v15 =	vld [tilespmem:s0+$0xA060]  }
0xb5: {  	v16 =	vld [tilespmem:s0+$0x60]  }
0xb6: {  	v17 =	vld [tilespmem:s0+$0x8A60]  }
0xb7: {  	v18 =	vld [tilespmem:s0+$0x11450]  }
0xb8: {  	v19 =	vld [tilespmem:s0+$0x4250]  }
0xb9: {  	v20 =	vld [tilespmem:s0+$0xCC50]  }
0xba: {  	v21 =	vld [tilespmem:s0+$0x2C50]  }
0xbb: {  	v22 =	vld [tilespmem:s0+$0xB650]  }
0xbc: {  	v23 =	vld [tilespmem:s0+$0x1650]  }
0xbd: {  	v24 =	vld [tilespmem:s0+$0xA050]  }
0xbe: {  	v25 =	vld [tilespmem:s0+$0x50]  }
0xbf: {  	v26 =	vld [tilespmem:s0+$0x8A50]  }
0xc0: {  	v28 =	vld [tilespmem:s0+$0x11440]  }
0xc1: {  	v29 =	vld [tilespmem:s0+$0x4240]  }
0xc2: {  	v30 =	vld [tilespmem:s0+$0xCC40]  }
0xc3: {  	v27 =	vld [tilespmem:s0+$0x2C40]  }
0xc4: {  	v31 =	vld [tilespmem:s0+$0xB640]  }
0xc5: {  	v42 =	vld [tilespmem:s0+$0x1640]  }
0xc6: {  	v34 =	vld [tilespmem:s0+$0xA040]  }
0xc7: {  	v33 =	vld [tilespmem:s0+$0x40]  }
0xc8: {  	v35 =	vld [tilespmem:s0+$0x8A40]  }
0xc9: {  	v50 =	vld [tilespmem:s0+$0x11430]  }
0xca: {  	v37 =	vld [tilespmem:s0+$0x4230]  }
0xcb: {  	v38 =	vld [tilespmem:s0+$0xCC30]  }
0xcc: {  	v39 =	vld [tilespmem:s0+$0x2C30]  }
0xcd: {  	v40 =	vld [tilespmem:s0+$0xB630]  }
0xce: {  	v41 =	vld [tilespmem:s0+$0x1630]  }
0xcf: {  	v58 =	vld [tilespmem:s0+$0xA030]  }
0xd0: {  	v43 =	vld [tilespmem:s0+$0x30]  }
0xd1: {  	v44 =	vld [tilespmem:s0+$0x8A30]  }
0xd2: {  	v46 =	vld [tilespmem:s0+$0x11420]  }
0xd3: {  	v47 =	vld [tilespmem:s0+$0x4220]  }
0xd4: {  	v48 =	vld [tilespmem:s0+$0xCC20]  }
0xd5: {  	v49 =	vld [tilespmem:s0+$0x2C20]  }
0xd6: {  	v56 =	vld [tilespmem:s0+$0xB620]  }
0xd7: {  	v51 =	vld [tilespmem:s0+$0x1620]  }
0xd8: {  	v53 =	vld [tilespmem:s0+$0xA020]  }
0xd9: {  	v54 =	vld [tilespmem:s0+$0x20];
	v2 =	vsub.f32 v1, v2  }
0xda: {  	v55 =	vld [tilespmem:s0+$0x8A20];
	v5 =	vsub.f32 v5, v6;
	v3 =	vsub.f32 v3, v4  }
0xdb: {  	v57 =	vld [tilespmem:s0+$0x11410];
	v4 =	vsub.f32 v7, v8;
	v8 =	vsub.f32 v12, v13  }
0xdc: {  	v59 =	vld [tilespmem:s0+$0x4210];
	v7 =	vsub.f32 v10, v11;
	v13 =	vsub.f32 v16, v17  }
0xdd: {  	v61 =	vld [tilespmem:s0+$0xCC10];
	v10 =	vsub.f32 v14, v15;
	v45 =	vsub.f32 v21, v22  }
0xde: {  	v60 =	vld [tilespmem:s0+$0x2C10];
	v16 =	vsub.f32 v19, v20;
	v25 =	vsub.f32 v25, v26  }
0xdf: {  	v62 =	vld [tilespmem:s0+$0xB610];
	v32 =	vsub.f32 v27, v31;
	v31 =	vsub.f32 v29, v30  }
0xe0: {  	v63 =	vld [tilespmem:s0+$0x1610];
	v33 =	vsub.f32 v33, v35;
	v11 =	vsub.f32 v42, v34  }
0xe1: {  	v0 =	vld [tilespmem:s0+$0xA010];
	vm0 =	vgt.s32 v36, $0x0;
	v30 =	vsub.f32 v39, v40;
	v37 =	vsub.f32 v37, v38  }
0xe2: {  	v9 =	vld [tilespmem:s0+$0x11400];
	vm1 =	vgt.s32 v52, $0x0;
	v36 =	vsub.f32 v43, v44;
	v43 =	vsub.f32 v41, v58  }
0xe3: {  	vm2 =	vgt.s32 v18, $0x0;
	v52 =	vsub.f32 v49, v56;
	v49 =	vsub.f32 v47, v48  }
0xe4: {  	v1 =	vld [tilespmem:s0+$0x10];
	vm3 =	vgt.s32 v28, $0x0;
	v58 =	vsub.f32 v54, v55;
	v56 =	vsub.f32 v51, v53  }
0xe5: {  	v6 =	vld [tilespmem:s0+$0x8A10];
	vm4 =	vgt.s32 v50, $0x0;
	v60 =	vsub.f32 v60, v62;
	v59 =	vsub.f32 v59, v61  }
0xe6: {  	v12 =	vld [tilespmem:s0+$0x4200];
	vm5 =	vgt.s32 v46, $0x0;
	vm6 =	vgt.s32 v57, $0x0;
	v14 =	vsub.f32 v63, v0  }
0xe7: {  	v15 =	vld [tilespmem:s0+$0xCC00];
	vm7 =	vgt.s32 v9, $0x0;
	v21 =	vmovc v10;
	v19 =	vmovc v8;
	v10 =	vsub.f32 v23, v24;
	v8 =	vimm.f32 $0.0e+00  }
0xe8: {  	v17 =	vld [tilespmem:s0+$0x2C00];
	v9 =	vmul.f32 $5.000000000e-01, v2;
	v35 =	vmul.f32 $5.000000000e-01, v13;
	v34 =	vand.u32 $0x7FFFFFFF, v45  }
0xe9: {  	v20 =	vld [tilespmem:s0+$0xB600];
	v47 =	vand.u32 $0x7FFFFFFF, v16;
	[tilespmem:$0x1FCE0] =	vst v16;
	v16 =	vmul.f32 $5.000000000e-01, v16;
	v38 =	vmul.f32 $5.000000000e-01, v45  }
0xea: {  	v22 =	vld [tilespmem:s0+$0x1600];
	[tilespmem:$0x1FCF0] =	vst v45;
	v45 =	vand.u32 $0x7FFFFFFF, v31;
	v40 =	vand.u32 $0x7FFFFFFF, v25;
	v42 =	vmul.f32 $5.000000000e-01, v25  }
0xeb: {  	v18 =	vld [tilespmem:s0+$0x8A00];
	v46 =	vand.u32 $0x7FFFFFFF, v32;
	v27 =	vmovc v32;
	v32 =	vmul.f32 $5.000000000e-01, v32;
	[tilespmem:$0x1FD10] =	vst v31;
	v31 =	vmul.f32 $5.000000000e-01, v31  }
0xec: {  	v23 =	vld [tilespmem:s0+$0xA000];
	v51 =	vand.u32 $0x7FFFFFFF, v33;
	v55 =	vand.u32 $0x7FFFFFFF, v37;
	v57 =	vmul.f32 $5.000000000e-01, v37  }
0xed: {  	v24 =	vld [tilespmem:s0+$0x0];
	[tilespmem:$0x1FCD0] =	vst v13;
	v54 =	vmul.f32 $5.000000000e-01, v33;
	v29 =	vand.u32 $0x7FFFFFFF, v21;
	v26 =	vand.u32 $0x7FFFFFFF, v19  }
0xee: {  	v44 =	vmovc v11;
	[tilespmem:$0x1FCC0] =	vst v19;
	v28 =	vmul.f32 $5.000000000e-01, v19;
	v19 =	vand.u32 $0x7FFFFFFF, v13;
	v13 =	vmul.f32 $5.000000000e-01, v21  }
0xef: {  	[tilespmem:$0x1FD00] =	vst v25;
	v48 =	vand.u32 $0x7FFFFFFF, v44;
	v25 =	vmul.f32 $5.000000000e-01, v44;
	v11 =	vsub.f32 v1, v6  }
0xf0: {  	v53 =	vmovc v10;
	v10 =	vand.u32 $0x7FFFFFFF, v3;
	v20 =	vsub.f32 v17, v20;
	v17 =	vsub.f32 v12, v15  }
0xf1: {  	v6 =	vand.u32 $0x7FFFFFFF, v2;
	v12 =	vmul.f32 $5.000000000e-01, v3;
	v15 =	vand.u32 $0x7FFFFFFF, v5  }
0xf2: {  	[tilespmem:$0x1FC90] =	vst v5;
	v50 =	vand.u32 $0x7FFFFFFF, v53;
	v1 =	vsub.f32 v24, v18;
	v63 =	vsub.f32 v22, v23  }
0xf3: {  	[tilespmem:$0x1FCA0] =	vst v7;
	v23 =	vand.u32 $0x7FFFFFFF, v7;
	v24 =	vmul.f32 $5.000000000e-01, v7;
	v7 =	vmul.f32 $5.000000000e-01, v4  }
0xf4: {  	s31 =	simm.s32 $0x200;
	v62 =	vmovc v3;
	v61 =	vmovc v2;
	[tilespmem:$0x1FCB0] =	vst v4;
	v41 =	vmul.f32 $5.000000000e-01, v53;
	v22 =	vand.u32 $0x7FFFFFFF, v4;
	v18 =	vmul.f32 $5.000000000e-01, v5  }
.LBB2_6:
0xf5: {  	[tilespmem:$0x1FB20] =	vst v7;
	v7 =	vmul.f32 $5.000000000e-01, v1  }
0xf6: {  	[tilespmem:$0x1FAE0] =	vst v28;
	v28 =	vand.u32 $0x7FFFFFFF, v1  }
0xf7: {  	[tilespmem:$0x1FAA0] =	vst v16;
	v16 =	vmul.f32 $5.000000000e-01, v63;
	v1 =	vmul.f32 v7, v1;
	v7 =	vadd.f32 $-5.000000000e-01, v28  }
0xf8: {  	[tilespmem:$0x1FA50] =	vst v31;
	vm8 =	vlt.f32 v28, $1.000000000e+00;
	v28 =	vand.u32 $0x7FFFFFFF, v63  }
0xf9: {  	[tilespmem:$0x1FA60] =	vst v42;
	v1 =	vsel vm8, v1, v7;
	v7 =	vmul.f32 v16, v63;
	v16 =	vadd.f32 $-5.000000000e-01, v28  }
0xfa: {  	[tilespmem:$0x1FA80] =	vst v41;
	v41 =	vand.u32 $0x7FFFFFFF, v17;
	s0 =	sshra.s32 s31, $0x2;
	vm8 =	vlt.f32 v28, $1.000000000e+00  }
0xfb: {  	[tilespmem:$0x1FB50] =	vst v10;
	v10 =	vmul.f32 $5.000000000e-01, v11;
	v31 =	vmul.f32 $5.000000000e-01, v20;
	v7 =	vsel vm8, v7, v16;
	v16 =	vld [tilespmem:s0+$0x4270]  }
0xfc: {  	[tilespmem:$0x1FAC0] =	vst v13;
	v13 =	vand.u32 $0x7FFFFFFF, v20;
	v42 =	vmovc v44;
	v44 =	vmul.f32 $5.000000000e-01, v17;
	v1 =	vnsel vm7, $0x0, v1  }
0xfd: {  	v28 =	vadd.f32 $-5.000000000e-01, v13;
	v1 =	vadd.f32 v1, v8;
	v8 =	vmul.f32 v31, v20  }
0xfe: {  	vm8 =	vlt.f32 v13, $1.000000000e+00;
	v13 =	vadd.f32 $-5.000000000e-01, v41;
	v7 =	vnsel vm7, $0x0, v7  }
0xff: {  	v1 =	vadd.f32 v7, v1;
	v7 =	vsel vm8, v8, v28;
	v8 =	vmul.f32 v44, v17  }
0x100: {  	vm8 =	vlt.f32 v41, $1.000000000e+00;
	v7 =	vnsel vm7, $0x0, v7;
	[tilespmem:$0x1FBB0] =	vst v16;
	v16 =	vld [tilespmem:s0+$0xCC70]  }
0x101: {  	[tilespmem:$0x1FA40] =	vst v32;
	v1 =	vadd.f32 v7, v1;
	v7 =	vsel vm8, v8, v13;
	v8 =	vmul.f32 v10, v11;
	v10 =	vld [tilespmem:s0+$0x1670]  }
0x102: {  	[tilespmem:$0x1FA70] =	vst v53  }
0x103: {  	[tilespmem:$0x1FB00] =	vst v24  }
0x104: {  	[tilespmem:$0x1FAD0] =	vst v26  }
0x105: {  	[tilespmem:$0x1FBC0] =	vst v16;
	v16 =	vld [tilespmem:s0+$0x2C70]  }
0x106: {  	[tilespmem:$0x1FBD0] =	vst v10;
	v10 =	vld [tilespmem:s0+$0xA070]  }
0x107: {  	[tilespmem:$0x1FB10] =	vst v22  }
0x108: {  	[tilespmem:$0x1FAF0] =	vst v23;
	v53 =	vand.u32 $0x7FFFFFFF, v43  }
0x109: {  	[tilespmem:$0x1FB30] =	vst v15;
	v23 =	vand.u32 $0x7FFFFFFF, v30;
	v5 =	vand.u32 $0x7FFFFFFF, v11;
	v24 =	vmul.f32 $5.000000000e-01, v14  }
0x10a: {  	v22 =	vand.u32 $0x7FFFFFFF, v14;
	v7 =	vnsel vm7, $0x0, v7;
	[tilespmem:$0x1FBF0] =	vst v16;
	v16 =	vadd.f32 $-5.000000000e-01, v5  }
0x10b: {  	vm7 =	vlt.f32 v5, $1.000000000e+00;
	[tilespmem:$0x1FBE0] =	vst v10;
	v10 =	vmul.f32 v24, v14;
	v5 =	vadd.f32 $-5.000000000e-01, v22  }
0x10c: {  	[tilespmem:$0x1FB60] =	vst v62;
	v1 =	vadd.f32 v7, v1;
	v7 =	vsel vm7, v8, v16;
	vm7 =	vlt.f32 v22, $1.000000000e+00  }
0x10d: {  	[tilespmem:$0x1FB80] =	vst v6;
	v6 =	vmul.f32 $5.000000000e-01, v30;
	v62 =	vand.u32 $0x7FFFFFFF, v36;
	v5 =	vsel vm7, v10, v5;
	v10 =	vld [tilespmem:s0+$0x4260]  }
0x10e: {  	[tilespmem:$0x1FB90] =	vst v61;
	v26 =	vmul.f32 $5.000000000e-01, v36;
	v61 =	vmul.f32 $5.000000000e-01, v43;
	v39 =	vmovc v19;
	v19 =	vmovc v29;
	v29 =	vand.u32 $0x7FFFFFFF, v52  }
0x10f: {  	[tilespmem:$0x1FBA0] =	vst v9;
	v0 =	vand.u32 $0x7FFFFFFF, v49;
	v9 =	vmul.f32 $5.000000000e-01, v49;
	v7 =	vnsel vm6, $0x0, v7  }
0x110: {  	[tilespmem:$0x1FB70] =	vst v12;
	v12 =	vand.u32 $0x7FFFFFFF, v56;
	v4 =	vmul.f32 $5.000000000e-01, v60;
	v1 =	vadd.f32 v7, v1;
	v7 =	vld [tilespmem:s0+$0x11460]  }
0x111: {  	[tilespmem:$0x1FB40] =	vst v18;
	v2 =	vmul.f32 $5.000000000e-01, v56;
	v32 =	vmul.f32 $5.000000000e-01, v52;
	v18 =	vand.u32 $0x7FFFFFFF, v60  }
0x112: {  	v15 =	vand.u32 $0x7FFFFFFF, v59;
	v4 =	vmul.f32 v4, v60;
	v11 =	vadd.f32 $-5.000000000e-01, v18;
	[tilespmem:$0x1FC40] =	vst v10;
	v10 =	vld [tilespmem:s0+$0xCC60]  }
0x113: {  	[tilespmem:$0x1FA90] =	vst v38;
	v38 =	vmul.f32 $5.000000000e-01, v59;
	vm7 =	vlt.f32 v18, $1.000000000e+00;
	v5 =	vnsel vm6, $0x0, v5  }
0x114: {  	[tilespmem:$0x1FAB0] =	vst v35;
	v35 =	vmul.f32 $5.000000000e-01, v58;
	v4 =	vsel vm7, v4, v11;
	v1 =	vadd.f32 v5, v1  }
0x115: {  	v4 =	vnsel vm6, $0x0, v4;
	v5 =	vmul.f32 v38, v59;
	[tilespmem:$0x1FC70] =	vst v7;
	v7 =	vadd.f32 $-5.000000000e-01, v15  }
0x116: {  	v3 =	vand.u32 $0x7FFFFFFF, v58;
	vm7 =	vlt.f32 v15, $1.000000000e+00;
	v1 =	vadd.f32 v4, v1  }
0x117: {  	v4 =	vsel vm7, v5, v7;
	v5 =	vmul.f32 v35, v58;
	[tilespmem:$0x1FC50] =	vst v10;
	v10 =	vadd.f32 $-5.000000000e-01, v3  }
0x118: {  	v2 =	vmul.f32 v2, v56;
	v4 =	vnsel vm6, $0x0, v4;
	vm6 =	vlt.f32 v3, $1.000000000e+00  }
0x119: {  	v3 =	vadd.f32 $-5.000000000e-01, v12;
	v1 =	vadd.f32 v4, v1;
	v4 =	vsel vm6, v5, v10  }
0x11a: {  	vm6 =	vlt.f32 v12, $1.000000000e+00;
	v5 =	vadd.f32 $-5.000000000e-01, v29;
	v4 =	vnsel vm5, $0x0, v4  }
0x11b: {  	v2 =	vsel vm6, v2, v3;
	v3 =	vmul.f32 v32, v52;
	v1 =	vadd.f32 v4, v1  }
0x11c: {  	vm6 =	vlt.f32 v29, $1.000000000e+00;
	v2 =	vnsel vm5, $0x0, v2;
	v4 =	vadd.f32 $-5.000000000e-01, v0  }
0x11d: {  	v1 =	vadd.f32 v2, v1;
	v2 =	vsel vm6, v3, v5;
	v3 =	vmul.f32 v9, v49  }
0x11e: {  	vm6 =	vlt.f32 v0, $1.000000000e+00;
	v0 =	vadd.f32 $-5.000000000e-01, v62;
	v2 =	vnsel vm5, $0x0, v2  }
0x11f: {  	v1 =	vadd.f32 v2, v1;
	v2 =	vsel vm6, v3, v4;
	v3 =	vmul.f32 v26, v36  }
0x120: {  	v4 =	vadd.f32 $-5.000000000e-01, v53;
	v2 =	vnsel vm5, $0x0, v2;
	vm5 =	vlt.f32 v62, $1.000000000e+00  }
0x121: {  	v1 =	vadd.f32 v2, v1;
	v0 =	vsel vm5, v3, v0;
	v2 =	vmul.f32 v61, v43  }
0x122: {  	vm5 =	vlt.f32 v53, $1.000000000e+00;
	v3 =	vadd.f32 $-5.000000000e-01, v23;
	v0 =	vnsel vm4, $0x0, v0  }
0x123: {  	v0 =	vadd.f32 v0, v1;
	v1 =	vsel vm5, v2, v4;
	v2 =	vmul.f32 v6, v30  }
0x124: {  	vm5 =	vlt.f32 v23, $1.000000000e+00;
	v4 =	vadd.f32 $-5.000000000e-01, v55;
	v1 =	vnsel vm4, $0x0, v1  }
0x125: {  	v0 =	vadd.f32 v1, v0;
	v1 =	vsel vm5, v2, v3;
	v2 =	vmul.f32 v57, v37  }
0x126: {  	vm5 =	vlt.f32 v55, $1.000000000e+00;
	v3 =	vadd.f32 $-5.000000000e-01, v51;
	v1 =	vnsel vm4, $0x0, v1  }
0x127: {  	v0 =	vadd.f32 v1, v0;
	v1 =	vsel vm5, v2, v4;
	v2 =	vmul.f32 v54, v33  }
0x128: {  	v4 =	vadd.f32 $-5.000000000e-01, v48;
	v1 =	vnsel vm4, $0x0, v1;
	vm4 =	vlt.f32 v51, $1.000000000e+00  }
0x129: {  	v0 =	vadd.f32 v1, v0;
	v1 =	vsel vm4, v2, v3;
	v2 =	vmul.f32 v25, v42  }
0x12a: {  	vm4 =	vlt.f32 v48, $1.000000000e+00;
	v1 =	vnsel vm3, $0x0, v1  }
0x12b: {  	v0 =	vadd.f32 v1, v0;
	v1 =	vsel vm4, v2, v4;
	v2 =	vld [tilespmem:$0x1FA40];
	_ =	sdelay $0x4  }
0x12c: {  	v3 =	vadd.f32 $-5.000000000e-01, v46;
	v2 =	vmul.f32 v2, v27  }
0x12d: {  	vm4 =	vlt.f32 v46, $1.000000000e+00;
	v1 =	vnsel vm3, $0x0, v1  }
0x12e: {  	v0 =	vadd.f32 v1, v0;
	v1 =	vsel vm4, v2, v3;
	v2 =	vld [tilespmem:$0x1FD10]  }
0x12f: {  	v3 =	vld [tilespmem:$0x1FA50];
	_ =	sdelay $0x4  }
0x130: {  	v4 =	vadd.f32 $-5.000000000e-01, v45;
	v2 =	vmul.f32 v3, v2  }
0x131: {  	vm4 =	vlt.f32 v45, $1.000000000e+00;
	v1 =	vnsel vm3, $0x0, v1  }
0x132: {  	v0 =	vadd.f32 v1, v0;
	v1 =	vsel vm4, v2, v4;
	v2 =	vld [tilespmem:$0x1FD00]  }
0x133: {  	v4 =	vld [tilespmem:$0x1FA60];
	_ =	sdelay $0x4  }
0x134: {  	v3 =	vadd.f32 $-5.000000000e-01, v40;
	v2 =	vmul.f32 v4, v2  }
0x135: {  	v1 =	vnsel vm3, $0x0, v1;
	vm3 =	vlt.f32 v40, $1.000000000e+00  }
0x136: {  	v0 =	vadd.f32 v1, v0;
	v1 =	vsel vm3, v2, v3;
	v2 =	vld [tilespmem:$0x1FA70]  }
0x137: {  	v3 =	vld [tilespmem:$0x1FA80];
	_ =	sdelay $0x4  }
0x138: {  	v4 =	vadd.f32 $-5.000000000e-01, v50;
	v1 =	vnsel vm2, $0x0, v1;
	v2 =	vmul.f32 v3, v2  }
0x139: {  	vm3 =	vlt.f32 v50, $1.000000000e+00;
	v1 =	vadd.f32 v1, v0;
	v0 =	vld [tilespmem:$0x1FCF0]  }
0x13a: {  	v2 =	vsel vm3, v2, v4;
	v4 =	vld [tilespmem:$0x1FA90];
	_ =	sdelay $0x4  }
0x13b: {  	v3 =	vadd.f32 $-5.000000000e-01, v34;
	v4 =	vmul.f32 v4, v0  }
0x13c: {  	vm3 =	vlt.f32 v34, $1.000000000e+00;
	v2 =	vnsel vm2, $0x0, v2  }
0x13d: {  	v1 =	vadd.f32 v2, v1;
	v2 =	vsel vm3, v4, v3;
	v3 =	vld [tilespmem:$0x1FCE0]  }
0x13e: {  	v4 =	vld [tilespmem:$0x1FAA0];
	_ =	sdelay $0x1  }
0x13f: {  	v60 =	vld [tilespmem:s0+$0x1660]  }
0x140: {  	v56 =	vld [tilespmem:s0+$0xCC50]  }
0x141: {  	v63 =	vld [tilespmem:s0+$0x11470]  }
0x142: {  	v20 =	vld [tilespmem:s0+$0xB650];
	v5 =	vadd.f32 $-5.000000000e-01, v47;
	v3 =	vmul.f32 v4, v3  }
0x143: {  	v31 =	vld [tilespmem:s0+$0x2C10];
	vm3 =	vlt.f32 v47, $1.000000000e+00;
	v2 =	vnsel vm2, $0x0, v2  }
0x144: {  	v1 =	vadd.f32 v2, v1;
	v2 =	vsel vm3, v3, v5;
	v3 =	vld [tilespmem:$0x1FCD0]  }
0x145: {  	v5 =	vld [tilespmem:$0x1FAB0]  }
0x146: {  	v17 =	vld [tilespmem:s0+$0xB670]  }
0x147: {  	v44 =	vld [tilespmem:s0+$0x8A40]  }
0x148: {  	v41 =	vld [tilespmem:s0+$0x4230]  }
0x149: {  	v28 =	vld [tilespmem:s0+$0xCC10]  }
0x14a: {  	[tilespmem:$0x1FC60] =	vst v63;
	v63 =	vld [tilespmem:s0+$0x8A60];
	v4 =	vadd.f32 $-5.000000000e-01, v39;
	v3 =	vmul.f32 v5, v3  }
0x14b: {  	v13 =	vld [tilespmem:s0+$0x2C20];
	v2 =	vnsel vm2, $0x0, v2;
	vm2 =	vlt.f32 v39, $1.000000000e+00  }
0x14c: {  	v1 =	vadd.f32 v2, v1;
	v2 =	vsel vm2, v3, v4;
	v3 =	vld [tilespmem:$0x1FAC0]  }
0x14d: {  	[tilespmem:$0x1FC00] =	vst v17;
	v17 =	vld [tilespmem:s0+$0x60]  }
0x14e: {  	v14 =	vld [tilespmem:s0+$0x11430]  }
0x14f: {  	v24 =	vld [tilespmem:s0+$0x11410]  }
0x150: {  	v8 =	vld [tilespmem:s0+$0x70]  }
0x151: {  	v16 =	vld [tilespmem:s0+$0x1620];
	v5 =	vadd.f32 $-5.000000000e-01, v19;
	v3 =	vmul.f32 v3, v21  }
0x152: {  	v15 =	vld [tilespmem:$0x1FAD0];
	vm2 =	vlt.f32 v19, $1.000000000e+00;
	v2 =	vnsel vm1, $0x0, v2  }
0x153: {  	v1 =	vadd.f32 v2, v1;
	v2 =	vsel vm2, v3, v5;
	v3 =	vld [tilespmem:$0x1FCC0]  }
0x154: {  	v5 =	vld [tilespmem:$0x1FAE0]  }
0x155: {  	v22 =	vld [tilespmem:s0+$0x20]  }
0x156: {  	v18 =	vld [tilespmem:$0x1FAF0]  }
0x157: {  	v11 =	vld [tilespmem:s0+$0x2C60]  }
0x158: {  	v59 =	vld [tilespmem:s0+$0xA060]  }
0x159: {  	v38 =	vld [tilespmem:s0+$0x2C30];
	v12 =	vadd.f32 $-5.000000000e-01, v15;
	v3 =	vmul.f32 v5, v3  }
0x15a: {  	[tilespmem:$0x1FC10] =	vst v8;
	v8 =	vld [tilespmem:s0+$0x8A70];
	vm2 =	vlt.f32 v15, $1.000000000e+00;
	v2 =	vnsel vm1, $0x0, v2  }
0x15b: {  	v1 =	vadd.f32 v2, v1;
	v2 =	vsel vm2, v3, v12;
	v3 =	vld [tilespmem:$0x1FCA0]  }
0x15c: {  	v12 =	vld [tilespmem:$0x1FB00]  }
0x15d: {  	[tilespmem:$0x1FC20] =	vst v11;
	v11 =	vld [tilespmem:s0+$0xB640]  }
0x15e: {  	v7 =	vld [tilespmem:s0+$0xB660]  }
0x15f: {  	v58 =	vld [tilespmem:s0+$0x4250]  }
0x160: {  	v35 =	vld [tilespmem:s0+$0x1610]  }
0x161: {  	v10 =	vld [tilespmem:s0+$0x4220];
	v15 =	vadd.f32 $-5.000000000e-01, v18;
	v3 =	vmul.f32 v12, v3  }
0x162: {  	v19 =	vld [tilespmem:$0x1FB10];
	vm2 =	vlt.f32 v18, $1.000000000e+00;
	v2 =	vnsel vm1, $0x0, v2  }
0x163: {  	v1 =	vadd.f32 v2, v1;
	v2 =	vsel vm2, v3, v15;
	v3 =	vld [tilespmem:$0x1FCB0]  }
0x164: {  	v15 =	vld [tilespmem:$0x1FB20]  }
0x165: {  	[tilespmem:$0x1FC30] =	vst v7;
	v7 =	vld [tilespmem:s0+$0x11450]  }
0x166: {  	v52 =	vld [tilespmem:s0+$0x2C50]  }
0x167: {  	v32 =	vld [tilespmem:s0+$0x30]  }
0x168: {  	v29 =	vld [tilespmem:s0+$0x11420]  }
0x169: {  	v49 =	vld [tilespmem:s0+$0x1650];
	v18 =	vadd.f32 $-5.000000000e-01, v19;
	v3 =	vmul.f32 v15, v3  }
0x16a: {  	v21 =	vld [tilespmem:$0x1FB30];
	v2 =	vnsel vm1, $0x0, v2;
	vm1 =	vlt.f32 v19, $1.000000000e+00  }
0x16b: {  	v1 =	vadd.f32 v2, v1;
	v2 =	vsel vm1, v3, v18;
	v3 =	vld [tilespmem:$0x1FC90]  }
0x16c: {  	v18 =	vld [tilespmem:$0x1FB40]  }
0x16d: {  	v9 =	vld [tilespmem:s0+$0xA030]  }
0x16e: {  	v26 =	vld [tilespmem:s0+$0xCC30]  }
0x16f: {  	v36 =	vld [tilespmem:s0+$0xB630]  }
0x170: {  	[tilespmem:$0x1FC80] =	vst v7;
	v7 =	vld [tilespmem:s0+$0x8A30]  }
0x171: {  	v53 =	vld [tilespmem:s0+$0xA050];
	v19 =	vadd.f32 $-5.000000000e-01, v21;
	v3 =	vmul.f32 v18, v3  }
0x172: {  	v25 =	vld [tilespmem:$0x1FB50];
	vm1 =	vlt.f32 v21, $1.000000000e+00;
	v2 =	vnsel vm0, $0x0, v2  }
0x173: {  	v1 =	vadd.f32 v2, v1;
	v2 =	vsel vm1, v3, v19;
	v3 =	vld [tilespmem:$0x1FB60]  }
0x174: {  	v19 =	vld [tilespmem:$0x1FB70]  }
0x175: {  	v43 =	vld [tilespmem:s0+$0x50]  }
0x176: {  	v23 =	vld [tilespmem:s0+$0x8A50]  }
0x177: {  	v30 =	vld [tilespmem:s0+$0x1640]  }
0x178: {  	v6 =	vld [tilespmem:s0+$0xA040]  }
0x179: {  	v57 =	vld [tilespmem:s0+$0x11440];
	v21 =	vadd.f32 $-5.000000000e-01, v25;
	v3 =	vmul.f32 v19, v3  }
0x17a: {  	vm1 =	vlt.f32 v25, $1.000000000e+00;
	v25 =	vld [tilespmem:$0x1FB80];
	v2 =	vnsel vm0, $0x0, v2  }
0x17b: {  	v1 =	vadd.f32 v2, v1;
	v2 =	vsel vm1, v3, v21;
	v3 =	vld [tilespmem:$0x1FB90]  }
0x17c: {  	v21 =	vld [tilespmem:$0x1FBA0]  }
0x17d: {  	v37 =	vld [tilespmem:s0+$0x4240]  }
0x17e: {  	v33 =	vld [tilespmem:s0+$0xCC40]  }
0x17f: {  	v51 =	vld [tilespmem:s0+$0x2C40]  }
0x180: {  	v19 =	vadd.f32 $-5.000000000e-01, v25;
	vm1 =	vlt.f32 v25, $1.000000000e+00;
	v25 =	vld [tilespmem:$0x1FBC0]  }
0x181: {  	v3 =	vmul.f32 v21, v3;
	v21 =	vld [tilespmem:$0x1FBB0]  }
0x182: {  	v42 =	vsub.f32 v43, v23;
	v23 =	vld [tilespmem:s0+$0xB600]  }
0x183: {  	v48 =	vld [tilespmem:s0+$0x1600]  }
0x184: {  	v46 =	vld [tilespmem:s0+$0x40];
	v2 =	vnsel vm0, $0x0, v2  }
0x185: {  	v1 =	vadd.f32 v2, v1;
	v2 =	vsel vm1, v3, v19;
	v19 =	vld [tilespmem:$0x1FBD0]  }
0x186: {  	v61 =	vsub.f32 v21, v25;
	v21 =	vld [tilespmem:$0x1FBE0]  }
0x187: {  	v0 =	vld [tilespmem:s0+$0x1630]  }
0x188: {  	v45 =	vsub.f32 v52, v20;
	v20 =	vld [tilespmem:s0+$0x2C00]  }
0x189: {  	v40 =	vld [tilespmem:s0+$0xA010]  }
0x18a: {  	v47 =	vld [tilespmem:s0+$0x8A10]  }
0x18b: {  	v54 =	vsub.f32 v19, v21;
	v19 =	vld [tilespmem:$0x1FBF0]  }
0x18c: {  	v43 =	vsub.f32 v0, v9;
	v21 =	vld [tilespmem:$0x1FC00]  }
0x18d: {  	v0 =	vld [tilespmem:$0x1FC80];
	v39 =	vsub.f32 v51, v11;
	v51 =	vsub.f32 v37, v33  }
0x18e: {  	v33 =	vsub.f32 v46, v44;
	v44 =	vsub.f32 v30, v6;
	v6 =	vld [tilespmem:$0x1FC60]  }
0x18f: {  	v11 =	vld [tilespmem:$0x1FC70]  }
0x190: {  	v4 =	vld [tilespmem:s0+$0xCC20]  }
0x191: {  	v62 =	vsub.f32 v19, v21;
	v19 =	vld [tilespmem:$0x1FC10]  }
0x192: {  	vm6 =	vgt.s32 v24, $0x0;
	v53 =	vsub.f32 v49, v53;
	vm5 =	vgt.s32 v29, $0x0;
	v5 =	vld [tilespmem:s0+$0xB620]  }
0x193: {  	v27 =	vsub.f32 v58, v56;
	v20 =	vsub.f32 v20, v23;
	vm4 =	vgt.s32 v14, $0x0;
	v12 =	vld [tilespmem:s0+$0xA020]  }
0x194: {  	v14 =	vsub.f32 v35, v40;
	v40 =	vand.u32 $0x7FFFFFFF, v42;
	v50 =	vsub.f32 v17, v63;
	v15 =	vld [tilespmem:s0+$0x8A20]  }
0x195: {  	[tilespmem:$0x1FD00] =	vst v42;
	v42 =	vmul.f32 $5.000000000e-01, v42;
	v30 =	vsub.f32 v38, v36;
	v3 =	vld [tilespmem:s0+$0x10];
	v2 =	vnsel vm0, $0x0, v2  }
0x196: {  	v35 =	vmul.f32 $5.000000000e-01, v50;
	v55 =	vsub.f32 v19, v8;
	v8 =	vadd.f32 v2, v1;
	v2 =	vld [tilespmem:$0x1FC20]  }
0x197: {  	vm3 =	vgt.s32 v57, $0x0;
	v37 =	vsub.f32 v41, v26;
	v36 =	vsub.f32 v32, v7;
	v19 =	vld [tilespmem:$0x1FC30]  }
0x198: {  	v41 =	vmul.f32 $5.000000000e-01, v53;
	v38 =	vmul.f32 $5.000000000e-01, v45;
	vm0 =	vgt.s32 v6, $0x0;
	v6 =	vld [tilespmem:s0+$0xA000]  }
0x199: {  	v34 =	vld [tilespmem:s0+$0xB610];
	v46 =	vand.u32 $0x7FFFFFFF, v39;
	v32 =	vmul.f32 $5.000000000e-01, v39;
	v57 =	vmul.f32 $5.000000000e-01, v37  }
0x19a: {  	v49 =	vsub.f32 v10, v4;
	v52 =	vsub.f32 v13, v5;
	vm2 =	vgt.s32 v0, $0x0;
	v18 =	vld [tilespmem:s0+$0x4210]  }
0x19b: {  	v56 =	vsub.f32 v16, v12;
	v16 =	vmul.f32 $5.000000000e-01, v27;
	v58 =	vsub.f32 v22, v15  }
0x19c: {  	vm1 =	vgt.s32 v11, $0x0;
	v11 =	vsub.f32 v3, v47;
	v25 =	vsub.f32 v2, v19;
	v2 =	vld [tilespmem:$0x1FC40]  }
0x19d: {  	v9 =	vmul.f32 $5.000000000e-01, v61;
	v47 =	vand.u32 $0x7FFFFFFF, v27;
	v63 =	vsub.f32 v48, v6;
	v19 =	vld [tilespmem:$0x1FC50]  }
0x19e: {  	v26 =	vld [tilespmem:s0+$0x0];
	v6 =	vand.u32 $0x7FFFFFFF, v61;
	v48 =	vand.u32 $0x7FFFFFFF, v44;
	v21 =	vsub.f32 v60, v59  }
0x19f: {  	[tilespmem:$0x1FCF0] =	vst v45;
	v15 =	vand.u32 $0x7FFFFFFF, v54;
	v60 =	vsub.f32 v31, v34;
	v59 =	vsub.f32 v18, v28;
	v1 =	vld [tilespmem:s0+$0x11400]  }
0x1a0: {  	[tilespmem:$0x1FD10] =	vst v51;
	v0 =	vld [tilespmem:s0+$0x8A00];
	v18 =	vmul.f32 $5.000000000e-01, v54;
	v34 =	vand.u32 $0x7FFFFFFF, v45;
	v45 =	vand.u32 $0x7FFFFFFF, v51  }
0x1a1: {  	v17 =	vld [tilespmem:s0+$0xCC00];
	[tilespmem:$0x1FC90] =	vst v54;
	v31 =	vmul.f32 $5.000000000e-01, v51;
	v51 =	vand.u32 $0x7FFFFFFF, v33;
	v54 =	vmul.f32 $5.000000000e-01, v33  }
0x1a2: {  	p1 =	sne.s32 s31, $0x5600;
	v10 =	vand.u32 $0x7FFFFFFF, v62;
	v12 =	vmul.f32 $5.000000000e-01, v62;
	v19 =	vsub.f32 v2, v19;
	v2 =	vld [tilespmem:s0+$0x4200]  }
.Ltmp3:
0x1a3: {  	[tilespmem:$0x1FCE0] =	vst v27;
	v29 =	vand.u32 $0x7FFFFFFF, v21;
	v13 =	vmul.f32 $5.000000000e-01, v21;
	v22 =	vand.u32 $0x7FFFFFFF, v55;
	(pc) =	sbr.rel @p1 .LBB2_6-.Ltmp3, $4  }
0x1a4: {  	[tilespmem:$0x1FCB0] =	vst v55;
	v7 =	vmul.f32 $5.000000000e-01, v55;
	v55 =	vand.u32 $0x7FFFFFFF, v37;
	vm7 =	vgt.s32 v1, $0x0  }
0x1a5: {  	[tilespmem:$0x1FCD0] =	vst v50;
	v1 =	vsub.f32 v26, v0;
	v26 =	vand.u32 $0x7FFFFFFF, v25;
	v28 =	vmul.f32 $5.000000000e-01, v25  }
0x1a6: {  	[tilespmem:$0x1FCC0] =	vst v25;
	v25 =	vmul.f32 $5.000000000e-01, v44;
	v23 =	vand.u32 $0x7FFFFFFF, v19;
	v24 =	vmul.f32 $5.000000000e-01, v19  }
0x1a7: {  	s31 =	sadd.s32 $0x200, s31;
	v27 =	vmovc v39;
	[tilespmem:$0x1FCA0] =	vst v19;
	v19 =	vand.u32 $0x7FFFFFFF, v50;
	v50 =	vand.u32 $0x7FFFFFFF, v53;
	v17 =	vsub.f32 v2, v17  }
.Ltmp4:
0x1a8: {  	_ = 	snop;
	(pc) =	sbr.rel .LBB2_7-.Ltmp4, $1  }
0x1a9: {  	_ =	sdelay $0x3  }
.LBB2_2:
0x1aa: {  	[tilespmem:s0], [sflag:$0x1] =	stream.strided.gather [hbm4b:s3+s23], $0x2280, s24, s23, $0x38;
	[tilespmem:$0x13700] =	vst v63  }
0x1ab: {  	_ = 	snop  }
0x1ac: {  	[tilespmem:s25], [sflag:$0x1] =	stream.strided.gather [hbm4b:s4+s23], $0x2280, s24, s23, $0x38;
	[tilespmem:$0x13700] =	vst v63  }
0x1ad: {  	s31 =	simm.s32 $0x2280  }
0x1ae: {  	[tilespmem:s31], [sflag:$0x1] =	stream.strided.gather [hbm4b:s5+s23], $0x2280, s24, s23, $0x38;
	[tilespmem:$0x13700] =	vst v63  }
0x1af: {  	s31 =	simm.s32 $0xAC80  }
0x1b0: {  	[tilespmem:s31], [sflag:$0x1] =	stream.strided.gather [hbm4b:s6+s23], $0x2280, s24, s23, $0x38;
	[tilespmem:$0x13700] =	vst v63  }
0x1b1: {  	s31 =	simm.s32 $0x4500  }
0x1b2: {  	[tilespmem:s31], [sflag:$0x1] =	stream.strided.gather [hbm4b:s7+s23], $0x2280, s24, s23, $0x38;
	[tilespmem:$0x13700] =	vst v63  }
0x1b3: {  	s31 =	simm.s32 $0xCF00  }
0x1b4: {  	[tilespmem:s31], [sflag:$0x1] =	stream.strided.gather [hbm4b:s8+s23], $0x2280, s24, s23, $0x38;
	[tilespmem:$0x13700] =	vst v63  }
0x1b5: {  	s31 =	simm.s32 $0x6780  }
0x1b6: {  	[tilespmem:s31], [sflag:$0x1] =	stream.strided.gather [hbm4b:s9+s23], $0x2280, s24, s23, $0x38;
	[tilespmem:$0x13700] =	vst v63  }
0x1b7: {  	s31 =	simm.s32 $0xF180  }
0x1b8: {  	[tilespmem:s31], [sflag:$0x1] =	stream.strided.gather [hbm4b:s10+s23], $0x2280, s24, s23, $0x38;
	[tilespmem:$0x13700] =	vst v63  }
0x1b9: {  	_ = 	snop  }
0x1ba: {  	[tilespmem:s1], [sflag:$0x1] =	stream.linear.gather [hbm4b:s11+s0], $0x2280, $0x38;
	[tilespmem:$0x13700] =	vst v63  }
0x1bb: {  	_ =	swait.ge [sflag:s26], $0x2280  }
0x1bc: {  	[sflag:s26] =	ssyncset.done $0x0  }
0x1bd: {  	[sflag:s26] =	ssyncadd.s32 $0xFFFFDD80  }
0x1be: {  	_ =	swait.ge [sflag:s26], $0x2280  }
0x1bf: {  	[sflag:s26] =	ssyncset.done $0x0  }
0x1c0: {  	[sflag:s26] =	ssyncadd.s32 $0xFFFFDD80  }
0x1c1: {  	_ =	swait.ge [sflag:s26], $0x2280  }
0x1c2: {  	[sflag:s26] =	ssyncset.done $0x0  }
0x1c3: {  	[sflag:s26] =	ssyncadd.s32 $0xFFFFDD80  }
0x1c4: {  	_ =	swait.ge [sflag:s26], $0x2280  }
0x1c5: {  	[sflag:s26] =	ssyncset.done $0x0  }
0x1c6: {  	[sflag:s26] =	ssyncadd.s32 $0xFFFFDD80  }
0x1c7: {  	_ =	swait.ge [sflag:s26], $0x2280  }
0x1c8: {  	[sflag:s26] =	ssyncset.done $0x0  }
0x1c9: {  	[sflag:s26] =	ssyncadd.s32 $0xFFFFDD80  }
0x1ca: {  	_ =	swait.ge [sflag:s26], $0x2280  }
0x1cb: {  	[sflag:s26] =	ssyncset.done $0x0  }
0x1cc: {  	[sflag:s26] =	ssyncadd.s32 $0xFFFFDD80  }
0x1cd: {  	_ =	swait.ge [sflag:s26], $0x2280  }
0x1ce: {  	[sflag:s26] =	ssyncset.done $0x0  }
0x1cf: {  	[sflag:s26] =	ssyncadd.s32 $0xFFFFDD80  }
0x1d0: {  	_ =	swait.ge [sflag:s26], $0x2280  }
0x1d1: {  	[sflag:s26] =	ssyncset.done $0x0  }
0x1d2: {  	[sflag:s26] =	ssyncadd.s32 $0xFFFFDD80  }
0x1d3: {  	_ =	swait.ge [sflag:s26], $0x2280  }
0x1d4: {  	[sflag:s26] =	ssyncset.done $0x0  }
0x1d5: {  	s0 =	simm.s32 $0x0;
	[sflag:s26] =	ssyncadd.s32 $0xFFFFDD80  }
0x1d6: {  	v36 =	vld [tilespmem:s0+$0x11470]  }
0x1d7: {  	v1 =	vld [tilespmem:s0+$0x67F0]  }
0x1d8: {  	v2 =	vld [tilespmem:s0+$0xF1F0]  }
0x1d9: {  	v3 =	vld [tilespmem:s0+$0x4570]  }
0x1da: {  	v4 =	vld [tilespmem:s0+$0xCF70]  }
0x1db: {  	v5 =	vld [tilespmem:s0+$0x22F0]  }
0x1dc: {  	v6 =	vld [tilespmem:s0+$0xACF0]  }
0x1dd: {  	v7 =	vld [tilespmem:s0+$0x70]  }
0x1de: {  	v8 =	vld [tilespmem:s0+$0x8A70]  }
0x1df: {  	v52 =	vld [tilespmem:s0+$0x11460]  }
0x1e0: {  	v10 =	vld [tilespmem:s0+$0x67E0]  }
0x1e1: {  	v11 =	vld [tilespmem:s0+$0xF1E0]  }
0x1e2: {  	v12 =	vld [tilespmem:s0+$0x4560]  }
0x1e3: {  	v13 =	vld [tilespmem:s0+$0xCF60]  }
0x1e4: {  	v14 =	vld [tilespmem:s0+$0x22E0]  }
0x1e5: {  	v15 =	vld [tilespmem:s0+$0xACE0]  }
0x1e6: {  	v16 =	vld [tilespmem:s0+$0x60]  }
0x1e7: {  	v17 =	vld [tilespmem:s0+$0x8A60]  }
0x1e8: {  	v18 =	vld [tilespmem:s0+$0x11450]  }
0x1e9: {  	v19 =	vld [tilespmem:s0+$0x67D0]  }
0x1ea: {  	v20 =	vld [tilespmem:s0+$0xF1D0]  }
0x1eb: {  	v21 =	vld [tilespmem:s0+$0x4550]  }
0x1ec: {  	v22 =	vld [tilespmem:s0+$0xCF50]  }
0x1ed: {  	v23 =	vld [tilespmem:s0+$0x22D0]  }
0x1ee: {  	v24 =	vld [tilespmem:s0+$0xACD0]  }
0x1ef: {  	v25 =	vld [tilespmem:s0+$0x50]  }
0x1f0: {  	v26 =	vld [tilespmem:s0+$0x8A50]  }
0x1f1: {  	v28 =	vld [tilespmem:s0+$0x11440]  }
0x1f2: {  	v29 =	vld [tilespmem:s0+$0x67C0]  }
0x1f3: {  	v30 =	vld [tilespmem:s0+$0xF1C0]  }
0x1f4: {  	v27 =	vld [tilespmem:s0+$0x4540]  }
0x1f5: {  	v31 =	vld [tilespmem:s0+$0xCF40]  }
0x1f6: {  	v42 =	vld [tilespmem:s0+$0x22C0]  }
0x1f7: {  	v34 =	vld [tilespmem:s0+$0xACC0]  }
0x1f8: {  	v33 =	vld [tilespmem:s0+$0x40]  }
0x1f9: {  	v35 =	vld [tilespmem:s0+$0x8A40]  }
0x1fa: {  	v50 =	vld [tilespmem:s0+$0x11430]  }
0x1fb: {  	v37 =	vld [tilespmem:s0+$0x67B0]  }
0x1fc: {  	v38 =	vld [tilespmem:s0+$0xF1B0]  }
0x1fd: {  	v39 =	vld [tilespmem:s0+$0x4530]  }
0x1fe: {  	v40 =	vld [tilespmem:s0+$0xCF30]  }
0x1ff: {  	v41 =	vld [tilespmem:s0+$0x22B0]  }
0x200: {  	v58 =	vld [tilespmem:s0+$0xACB0]  }
0x201: {  	v43 =	vld [tilespmem:s0+$0x30]  }
0x202: {  	v44 =	vld [tilespmem:s0+$0x8A30]  }
0x203: {  	v46 =	vld [tilespmem:s0+$0x11420]  }
0x204: {  	v47 =	vld [tilespmem:s0+$0x67A0]  }
0x205: {  	v48 =	vld [tilespmem:s0+$0xF1A0]  }
0x206: {  	v49 =	vld [tilespmem:s0+$0x4520]  }
0x207: {  	v56 =	vld [tilespmem:s0+$0xCF20]  }
0x208: {  	v51 =	vld [tilespmem:s0+$0x22A0]  }
0x209: {  	v53 =	vld [tilespmem:s0+$0xACA0]  }
0x20a: {  	v54 =	vld [tilespmem:s0+$0x20];
	v2 =	vsub.f32 v1, v2  }
0x20b: {  	v55 =	vld [tilespmem:s0+$0x8A20];
	v5 =	vsub.f32 v5, v6;
	v3 =	vsub.f32 v3, v4  }
0x20c: {  	v57 =	vld [tilespmem:s0+$0x11410];
	v4 =	vsub.f32 v7, v8;
	v8 =	vsub.f32 v12, v13  }
0x20d: {  	v59 =	vld [tilespmem:s0+$0x6790];
	v7 =	vsub.f32 v10, v11;
	v13 =	vsub.f32 v16, v17  }
0x20e: {  	v61 =	vld [tilespmem:s0+$0xF190];
	v10 =	vsub.f32 v14, v15;
	v45 =	vsub.f32 v21, v22  }
0x20f: {  	v60 =	vld [tilespmem:s0+$0x4510];
	v16 =	vsub.f32 v19, v20;
	v25 =	vsub.f32 v25, v26  }
0x210: {  	v62 =	vld [tilespmem:s0+$0xCF10];
	v32 =	vsub.f32 v27, v31;
	v31 =	vsub.f32 v29, v30  }
0x211: {  	v63 =	vld [tilespmem:s0+$0x2290];
	v33 =	vsub.f32 v33, v35;
	v11 =	vsub.f32 v42, v34  }
0x212: {  	v0 =	vld [tilespmem:s0+$0xAC90];
	vm0 =	vgt.s32 v36, $0x0;
	v30 =	vsub.f32 v39, v40;
	v37 =	vsub.f32 v37, v38  }
0x213: {  	v9 =	vld [tilespmem:s0+$0x11400];
	vm1 =	vgt.s32 v52, $0x0;
	v36 =	vsub.f32 v43, v44;
	v43 =	vsub.f32 v41, v58  }
0x214: {  	vm2 =	vgt.s32 v18, $0x0;
	v52 =	vsub.f32 v49, v56;
	v49 =	vsub.f32 v47, v48  }
0x215: {  	v1 =	vld [tilespmem:s0+$0x10];
	vm3 =	vgt.s32 v28, $0x0;
	v58 =	vsub.f32 v54, v55;
	v56 =	vsub.f32 v51, v53  }
0x216: {  	v6 =	vld [tilespmem:s0+$0x8A10];
	vm4 =	vgt.s32 v50, $0x0;
	v60 =	vsub.f32 v60, v62;
	v59 =	vsub.f32 v59, v61  }
0x217: {  	v12 =	vld [tilespmem:s0+$0x6780];
	vm5 =	vgt.s32 v46, $0x0;
	vm6 =	vgt.s32 v57, $0x0;
	v14 =	vsub.f32 v63, v0  }
0x218: {  	v15 =	vld [tilespmem:s0+$0xF180];
	vm7 =	vgt.s32 v9, $0x0;
	v21 =	vmovc v10;
	v19 =	vmovc v8;
	v10 =	vsub.f32 v23, v24;
	v8 =	vimm.f32 $0.0e+00  }
0x219: {  	v17 =	vld [tilespmem:s0+$0x4500];
	v9 =	vmul.f32 $5.000000000e-01, v2;
	v35 =	vmul.f32 $5.000000000e-01, v13;
	v34 =	vand.u32 $0x7FFFFFFF, v45  }
0x21a: {  	v20 =	vld [tilespmem:s0+$0xCF00];
	v47 =	vand.u32 $0x7FFFFFFF, v16;
	[tilespmem:$0x1FFC0] =	vst v16;
	v16 =	vmul.f32 $5.000000000e-01, v16;
	v38 =	vmul.f32 $5.000000000e-01, v45  }
0x21b: {  	v22 =	vld [tilespmem:s0+$0x2280];
	[tilespmem:$0x1FFD0] =	vst v45;
	v45 =	vand.u32 $0x7FFFFFFF, v31;
	v40 =	vand.u32 $0x7FFFFFFF, v25;
	v42 =	vmul.f32 $5.000000000e-01, v25  }
0x21c: {  	v18 =	vld [tilespmem:s0+$0x8A00];
	v46 =	vand.u32 $0x7FFFFFFF, v32;
	v27 =	vmovc v32;
	v32 =	vmul.f32 $5.000000000e-01, v32;
	[tilespmem:$0x1FFF0] =	vst v31;
	v31 =	vmul.f32 $5.000000000e-01, v31  }
0x21d: {  	v23 =	vld [tilespmem:s0+$0xAC80];
	v51 =	vand.u32 $0x7FFFFFFF, v33;
	v55 =	vand.u32 $0x7FFFFFFF, v37;
	v57 =	vmul.f32 $5.000000000e-01, v37  }
0x21e: {  	v24 =	vld [tilespmem:s0+$0x0];
	[tilespmem:$0x1FFB0] =	vst v13;
	v54 =	vmul.f32 $5.000000000e-01, v33;
	v29 =	vand.u32 $0x7FFFFFFF, v21;
	v26 =	vand.u32 $0x7FFFFFFF, v19  }
0x21f: {  	v44 =	vmovc v11;
	[tilespmem:$0x1FFA0] =	vst v19;
	v28 =	vmul.f32 $5.000000000e-01, v19;
	v19 =	vand.u32 $0x7FFFFFFF, v13;
	v13 =	vmul.f32 $5.000000000e-01, v21  }
0x220: {  	[tilespmem:$0x1FFE0] =	vst v25;
	v48 =	vand.u32 $0x7FFFFFFF, v44;
	v25 =	vmul.f32 $5.000000000e-01, v44;
	v11 =	vsub.f32 v1, v6  }
0x221: {  	v53 =	vmovc v10;
	v10 =	vand.u32 $0x7FFFFFFF, v3;
	v20 =	vsub.f32 v17, v20;
	v17 =	vsub.f32 v12, v15  }
0x222: {  	v6 =	vand.u32 $0x7FFFFFFF, v2;
	v12 =	vmul.f32 $5.000000000e-01, v3;
	v15 =	vand.u32 $0x7FFFFFFF, v5  }
0x223: {  	[tilespmem:$0x1FF70] =	vst v5;
	v50 =	vand.u32 $0x7FFFFFFF, v53;
	v1 =	vsub.f32 v24, v18;
	v63 =	vsub.f32 v22, v23  }
0x224: {  	[tilespmem:$0x1FF80] =	vst v7;
	v23 =	vand.u32 $0x7FFFFFFF, v7;
	v24 =	vmul.f32 $5.000000000e-01, v7;
	v7 =	vmul.f32 $5.000000000e-01, v4  }
0x225: {  	s31 =	simm.s32 $0x200;
	v62 =	vmovc v3;
	v61 =	vmovc v2;
	[tilespmem:$0x1FF90] =	vst v4;
	v41 =	vmul.f32 $5.000000000e-01, v53;
	v22 =	vand.u32 $0x7FFFFFFF, v4;
	v18 =	vmul.f32 $5.000000000e-01, v5  }
.LBB2_3:
0x226: {  	[tilespmem:$0x1FE00] =	vst v7;
	v7 =	vmul.f32 $5.000000000e-01, v1  }
0x227: {  	[tilespmem:$0x1FDC0] =	vst v28;
	v28 =	vand.u32 $0x7FFFFFFF, v1  }
0x228: {  	[tilespmem:$0x1FD80] =	vst v16;
	v16 =	vmul.f32 $5.000000000e-01, v63;
	v1 =	vmul.f32 v7, v1;
	v7 =	vadd.f32 $-5.000000000e-01, v28  }
0x229: {  	[tilespmem:$0x1FE30] =	vst v10;
	vm8 =	vlt.f32 v28, $1.000000000e+00;
	v28 =	vand.u32 $0x7FFFFFFF, v63  }
0x22a: {  	[tilespmem:$0x1FD30] =	vst v31;
	v1 =	vsel vm8, v1, v7;
	v7 =	vmul.f32 v16, v63;
	v16 =	vadd.f32 $-5.000000000e-01, v28  }
0x22b: {  	s0 =	sshra.s32 s31, $0x2;
	[tilespmem:$0x1FD60] =	vst v41;
	v41 =	vand.u32 $0x7FFFFFFF, v17;
	vm8 =	vlt.f32 v28, $1.000000000e+00  }
0x22c: {  	[tilespmem:$0x1FD40] =	vst v42;
	v10 =	vmul.f32 $5.000000000e-01, v11;
	v31 =	vmul.f32 $5.000000000e-01, v20;
	v7 =	vsel vm8, v7, v16;
	v16 =	vld [tilespmem:s0+$0x67F0]  }
0x22d: {  	[tilespmem:$0x1FDA0] =	vst v13;
	v13 =	vand.u32 $0x7FFFFFFF, v20;
	v42 =	vmovc v44;
	v44 =	vmul.f32 $5.000000000e-01, v17;
	v1 =	vnsel vm7, $0x0, v1  }
0x22e: {  	v28 =	vadd.f32 $-5.000000000e-01, v13;
	v1 =	vadd.f32 v1, v8;
	v8 =	vmul.f32 v31, v20  }
0x22f: {  	vm8 =	vlt.f32 v13, $1.000000000e+00;
	v13 =	vadd.f32 $-5.000000000e-01, v41;
	v7 =	vnsel vm7, $0x0, v7  }
0x230: {  	v1 =	vadd.f32 v7, v1;
	v7 =	vsel vm8, v8, v28;
	v8 =	vmul.f32 v44, v17  }
0x231: {  	vm8 =	vlt.f32 v41, $1.000000000e+00;
	v7 =	vnsel vm7, $0x0, v7;
	[tilespmem:$0x1FE90] =	vst v16;
	v16 =	vld [tilespmem:s0+$0xF1F0]  }
0x232: {  	[tilespmem:$0x1FD50] =	vst v53;
	v1 =	vadd.f32 v7, v1;
	v7 =	vsel vm8, v8, v13;
	v8 =	vmul.f32 v10, v11;
	v10 =	vld [tilespmem:s0+$0x22F0]  }
0x233: {  	[tilespmem:$0x1FDB0] =	vst v26  }
0x234: {  	[tilespmem:$0x1FDF0] =	vst v22  }
0x235: {  	[tilespmem:$0x1FDD0] =	vst v23  }
0x236: {  	[tilespmem:$0x1FEA0] =	vst v16;
	v16 =	vld [tilespmem:s0+$0x4570]  }
0x237: {  	[tilespmem:$0x1FEB0] =	vst v10;
	v10 =	vld [tilespmem:s0+$0xACF0]  }
0x238: {  	[tilespmem:$0x1FE10] =	vst v15  }
0x239: {  	[tilespmem:$0x1FE70] =	vst v61;
	v53 =	vand.u32 $0x7FFFFFFF, v43  }
0x23a: {  	v61 =	vmul.f32 $5.000000000e-01, v43;
	[tilespmem:$0x1FDE0] =	vst v24;
	v5 =	vand.u32 $0x7FFFFFFF, v11;
	v24 =	vmul.f32 $5.000000000e-01, v14  }
0x23b: {  	v22 =	vand.u32 $0x7FFFFFFF, v14;
	v7 =	vnsel vm7, $0x0, v7;
	[tilespmem:$0x1FED0] =	vst v16;
	v16 =	vadd.f32 $-5.000000000e-01, v5  }
0x23c: {  	vm7 =	vlt.f32 v5, $1.000000000e+00;
	[tilespmem:$0x1FEC0] =	vst v10;
	v10 =	vmul.f32 v24, v14;
	v5 =	vadd.f32 $-5.000000000e-01, v22  }
0x23d: {  	[tilespmem:$0x1FE40] =	vst v62;
	v1 =	vadd.f32 v7, v1;
	v7 =	vsel vm7, v8, v16;
	vm7 =	vlt.f32 v22, $1.000000000e+00  }
0x23e: {  	[tilespmem:$0x1FE60] =	vst v6;
	v23 =	vand.u32 $0x7FFFFFFF, v30;
	v6 =	vmul.f32 $5.000000000e-01, v30;
	v5 =	vsel vm7, v10, v5;
	v10 =	vld [tilespmem:s0+$0x67E0]  }
0x23f: {  	v39 =	vmovc v19;
	v19 =	vmovc v29;
	[tilespmem:$0x1FD20] =	vst v32;
	v62 =	vand.u32 $0x7FFFFFFF, v36;
	v26 =	vmul.f32 $5.000000000e-01, v36;
	v29 =	vand.u32 $0x7FFFFFFF, v52  }
0x240: {  	[tilespmem:$0x1FE80] =	vst v9;
	v0 =	vand.u32 $0x7FFFFFFF, v49;
	v9 =	vmul.f32 $5.000000000e-01, v49;
	v7 =	vnsel vm6, $0x0, v7  }
0x241: {  	[tilespmem:$0x1FE50] =	vst v12;
	v12 =	vand.u32 $0x7FFFFFFF, v56;
	v4 =	vmul.f32 $5.000000000e-01, v60;
	v1 =	vadd.f32 v7, v1;
	v7 =	vld [tilespmem:s0+$0x11460]  }
0x242: {  	[tilespmem:$0x1FE20] =	vst v18;
	v2 =	vmul.f32 $5.000000000e-01, v56;
	v32 =	vmul.f32 $5.000000000e-01, v52;
	v18 =	vand.u32 $0x7FFFFFFF, v60  }
0x243: {  	v15 =	vand.u32 $0x7FFFFFFF, v59;
	v4 =	vmul.f32 v4, v60;
	v11 =	vadd.f32 $-5.000000000e-01, v18;
	[tilespmem:$0x1FF20] =	vst v10;
	v10 =	vld [tilespmem:s0+$0xF1E0]  }
0x244: {  	[tilespmem:$0x1FD70] =	vst v38;
	v38 =	vmul.f32 $5.000000000e-01, v59;
	vm7 =	vlt.f32 v18, $1.000000000e+00;
	v5 =	vnsel vm6, $0x0, v5  }
0x245: {  	[tilespmem:$0x1FD90] =	vst v35;
	v35 =	vmul.f32 $5.000000000e-01, v58;
	v4 =	vsel vm7, v4, v11;
	v1 =	vadd.f32 v5, v1  }
0x246: {  	v4 =	vnsel vm6, $0x0, v4;
	v5 =	vmul.f32 v38, v59;
	[tilespmem:$0x1FF50] =	vst v7;
	v7 =	vadd.f32 $-5.000000000e-01, v15  }
0x247: {  	v3 =	vand.u32 $0x7FFFFFFF, v58;
	vm7 =	vlt.f32 v15, $1.000000000e+00;
	v1 =	vadd.f32 v4, v1  }
0x248: {  	v4 =	vsel vm7, v5, v7;
	v5 =	vmul.f32 v35, v58;
	[tilespmem:$0x1FF30] =	vst v10;
	v10 =	vadd.f32 $-5.000000000e-01, v3  }
0x249: {  	v2 =	vmul.f32 v2, v56;
	v4 =	vnsel vm6, $0x0, v4;
	vm6 =	vlt.f32 v3, $1.000000000e+00  }
0x24a: {  	v3 =	vadd.f32 $-5.000000000e-01, v12;
	v1 =	vadd.f32 v4, v1;
	v4 =	vsel vm6, v5, v10  }
0x24b: {  	vm6 =	vlt.f32 v12, $1.000000000e+00;
	v5 =	vadd.f32 $-5.000000000e-01, v29;
	v4 =	vnsel vm5, $0x0, v4  }
0x24c: {  	v2 =	vsel vm6, v2, v3;
	v3 =	vmul.f32 v32, v52;
	v1 =	vadd.f32 v4, v1  }
0x24d: {  	vm6 =	vlt.f32 v29, $1.000000000e+00;
	v2 =	vnsel vm5, $0x0, v2;
	v4 =	vadd.f32 $-5.000000000e-01, v0  }
0x24e: {  	v1 =	vadd.f32 v2, v1;
	v2 =	vsel vm6, v3, v5;
	v3 =	vmul.f32 v9, v49  }
0x24f: {  	vm6 =	vlt.f32 v0, $1.000000000e+00;
	v0 =	vadd.f32 $-5.000000000e-01, v62;
	v2 =	vnsel vm5, $0x0, v2  }
0x250: {  	v1 =	vadd.f32 v2, v1;
	v2 =	vsel vm6, v3, v4;
	v3 =	vmul.f32 v26, v36  }
0x251: {  	v4 =	vadd.f32 $-5.000000000e-01, v53;
	v2 =	vnsel vm5, $0x0, v2;
	vm5 =	vlt.f32 v62, $1.000000000e+00  }
0x252: {  	v1 =	vadd.f32 v2, v1;
	v0 =	vsel vm5, v3, v0;
	v2 =	vmul.f32 v61, v43  }
0x253: {  	vm5 =	vlt.f32 v53, $1.000000000e+00;
	v3 =	vadd.f32 $-5.000000000e-01, v23;
	v0 =	vnsel vm4, $0x0, v0  }
0x254: {  	v0 =	vadd.f32 v0, v1;
	v1 =	vsel vm5, v2, v4;
	v2 =	vmul.f32 v6, v30  }
0x255: {  	vm5 =	vlt.f32 v23, $1.000000000e+00;
	v4 =	vadd.f32 $-5.000000000e-01, v55;
	v1 =	vnsel vm4, $0x0, v1  }
0x256: {  	v0 =	vadd.f32 v1, v0;
	v1 =	vsel vm5, v2, v3;
	v2 =	vmul.f32 v57, v37  }
0x257: {  	vm5 =	vlt.f32 v55, $1.000000000e+00;
	v3 =	vadd.f32 $-5.000000000e-01, v51;
	v1 =	vnsel vm4, $0x0, v1  }
0x258: {  	v0 =	vadd.f32 v1, v0;
	v1 =	vsel vm5, v2, v4;
	v2 =	vmul.f32 v54, v33  }
0x259: {  	v4 =	vadd.f32 $-5.000000000e-01, v48;
	v1 =	vnsel vm4, $0x0, v1;
	vm4 =	vlt.f32 v51, $1.000000000e+00  }
0x25a: {  	v0 =	vadd.f32 v1, v0;
	v1 =	vsel vm4, v2, v3;
	v2 =	vmul.f32 v25, v42  }
0x25b: {  	vm4 =	vlt.f32 v48, $1.000000000e+00;
	v1 =	vnsel vm3, $0x0, v1  }
0x25c: {  	v0 =	vadd.f32 v1, v0;
	v1 =	vsel vm4, v2, v4;
	v2 =	vld [tilespmem:$0x1FD20];
	_ =	sdelay $0x4  }
0x25d: {  	v3 =	vadd.f32 $-5.000000000e-01, v46;
	v2 =	vmul.f32 v2, v27  }
0x25e: {  	vm4 =	vlt.f32 v46, $1.000000000e+00;
	v1 =	vnsel vm3, $0x0, v1  }
0x25f: {  	v0 =	vadd.f32 v1, v0;
	v1 =	vsel vm4, v2, v3;
	v2 =	vld [tilespmem:$0x1FFF0]  }
0x260: {  	v3 =	vld [tilespmem:$0x1FD30];
	_ =	sdelay $0x4  }
0x261: {  	v4 =	vadd.f32 $-5.000000000e-01, v45;
	v2 =	vmul.f32 v3, v2  }
0x262: {  	vm4 =	vlt.f32 v45, $1.000000000e+00;
	v1 =	vnsel vm3, $0x0, v1  }
0x263: {  	v0 =	vadd.f32 v1, v0;
	v1 =	vsel vm4, v2, v4;
	v2 =	vld [tilespmem:$0x1FFE0]  }
0x264: {  	v4 =	vld [tilespmem:$0x1FD40];
	_ =	sdelay $0x4  }
0x265: {  	v3 =	vadd.f32 $-5.000000000e-01, v40;
	v2 =	vmul.f32 v4, v2  }
0x266: {  	v1 =	vnsel vm3, $0x0, v1;
	vm3 =	vlt.f32 v40, $1.000000000e+00  }
0x267: {  	v0 =	vadd.f32 v1, v0;
	v1 =	vsel vm3, v2, v3;
	v2 =	vld [tilespmem:$0x1FD50]  }
0x268: {  	v3 =	vld [tilespmem:$0x1FD60];
	_ =	sdelay $0x4  }
0x269: {  	v4 =	vadd.f32 $-5.000000000e-01, v50;
	v1 =	vnsel vm2, $0x0, v1;
	v2 =	vmul.f32 v3, v2  }
0x26a: {  	vm3 =	vlt.f32 v50, $1.000000000e+00;
	v1 =	vadd.f32 v1, v0;
	v0 =	vld [tilespmem:$0x1FFD0]  }
0x26b: {  	v2 =	vsel vm3, v2, v4;
	v4 =	vld [tilespmem:$0x1FD70];
	_ =	sdelay $0x4  }
0x26c: {  	v3 =	vadd.f32 $-5.000000000e-01, v34;
	v4 =	vmul.f32 v4, v0  }
0x26d: {  	vm3 =	vlt.f32 v34, $1.000000000e+00;
	v2 =	vnsel vm2, $0x0, v2  }
0x26e: {  	v1 =	vadd.f32 v2, v1;
	v2 =	vsel vm3, v4, v3;
	v3 =	vld [tilespmem:$0x1FFC0]  }
0x26f: {  	v4 =	vld [tilespmem:$0x1FD80];
	_ =	sdelay $0x1  }
0x270: {  	v60 =	vld [tilespmem:s0+$0x22E0]  }
0x271: {  	v56 =	vld [tilespmem:s0+$0xF1D0]  }
0x272: {  	v63 =	vld [tilespmem:s0+$0x11470]  }
0x273: {  	v20 =	vld [tilespmem:s0+$0xCF50];
	v5 =	vadd.f32 $-5.000000000e-01, v47;
	v3 =	vmul.f32 v4, v3  }
0x274: {  	v31 =	vld [tilespmem:s0+$0x4510];
	vm3 =	vlt.f32 v47, $1.000000000e+00;
	v2 =	vnsel vm2, $0x0, v2  }
0x275: {  	v1 =	vadd.f32 v2, v1;
	v2 =	vsel vm3, v3, v5;
	v3 =	vld [tilespmem:$0x1FFB0]  }
0x276: {  	v5 =	vld [tilespmem:$0x1FD90]  }
0x277: {  	v17 =	vld [tilespmem:s0+$0xCF70]  }
0x278: {  	v44 =	vld [tilespmem:s0+$0x8A40]  }
0x279: {  	v41 =	vld [tilespmem:s0+$0x67B0]  }
0x27a: {  	v28 =	vld [tilespmem:s0+$0xF190]  }
0x27b: {  	[tilespmem:$0x1FF40] =	vst v63;
	v63 =	vld [tilespmem:s0+$0x8A60];
	v4 =	vadd.f32 $-5.000000000e-01, v39;
	v3 =	vmul.f32 v5, v3  }
0x27c: {  	v13 =	vld [tilespmem:s0+$0x4520];
	v2 =	vnsel vm2, $0x0, v2;
	vm2 =	vlt.f32 v39, $1.000000000e+00  }
0x27d: {  	v1 =	vadd.f32 v2, v1;
	v2 =	vsel vm2, v3, v4;
	v3 =	vld [tilespmem:$0x1FDA0]  }
0x27e: {  	[tilespmem:$0x1FEE0] =	vst v17;
	v17 =	vld [tilespmem:s0+$0x60]  }
0x27f: {  	v14 =	vld [tilespmem:s0+$0x11430]  }
0x280: {  	v24 =	vld [tilespmem:s0+$0x11410]  }
0x281: {  	v8 =	vld [tilespmem:s0+$0x70]  }
0x282: {  	v16 =	vld [tilespmem:s0+$0x22A0];
	v5 =	vadd.f32 $-5.000000000e-01, v19;
	v3 =	vmul.f32 v3, v21  }
0x283: {  	v15 =	vld [tilespmem:$0x1FDB0];
	vm2 =	vlt.f32 v19, $1.000000000e+00;
	v2 =	vnsel vm1, $0x0, v2  }
0x284: {  	v1 =	vadd.f32 v2, v1;
	v2 =	vsel vm2, v3, v5;
	v3 =	vld [tilespmem:$0x1FFA0]  }
0x285: {  	v5 =	vld [tilespmem:$0x1FDC0]  }
0x286: {  	v22 =	vld [tilespmem:s0+$0x20]  }
0x287: {  	v18 =	vld [tilespmem:$0x1FDD0]  }
0x288: {  	v11 =	vld [tilespmem:s0+$0x4560]  }
0x289: {  	v59 =	vld [tilespmem:s0+$0xACE0]  }
0x28a: {  	v38 =	vld [tilespmem:s0+$0x4530];
	v12 =	vadd.f32 $-5.000000000e-01, v15;
	v3 =	vmul.f32 v5, v3  }
0x28b: {  	[tilespmem:$0x1FEF0] =	vst v8;
	v8 =	vld [tilespmem:s0+$0x8A70];
	vm2 =	vlt.f32 v15, $1.000000000e+00;
	v2 =	vnsel vm1, $0x0, v2  }
0x28c: {  	v1 =	vadd.f32 v2, v1;
	v2 =	vsel vm2, v3, v12;
	v3 =	vld [tilespmem:$0x1FF80]  }
0x28d: {  	v12 =	vld [tilespmem:$0x1FDE0]  }
0x28e: {  	[tilespmem:$0x1FF00] =	vst v11;
	v11 =	vld [tilespmem:s0+$0xCF40]  }
0x28f: {  	v7 =	vld [tilespmem:s0+$0xCF60]  }
0x290: {  	v58 =	vld [tilespmem:s0+$0x67D0]  }
0x291: {  	v35 =	vld [tilespmem:s0+$0x2290]  }
0x292: {  	v10 =	vld [tilespmem:s0+$0x67A0];
	v15 =	vadd.f32 $-5.000000000e-01, v18;
	v3 =	vmul.f32 v12, v3  }
0x293: {  	v19 =	vld [tilespmem:$0x1FDF0];
	vm2 =	vlt.f32 v18, $1.000000000e+00;
	v2 =	vnsel vm1, $0x0, v2  }
0x294: {  	v1 =	vadd.f32 v2, v1;
	v2 =	vsel vm2, v3, v15;
	v3 =	vld [tilespmem:$0x1FF90]  }
0x295: {  	v15 =	vld [tilespmem:$0x1FE00]  }
0x296: {  	[tilespmem:$0x1FF10] =	vst v7;
	v7 =	vld [tilespmem:s0+$0x11450]  }
0x297: {  	v52 =	vld [tilespmem:s0+$0x4550]  }
0x298: {  	v32 =	vld [tilespmem:s0+$0x30]  }
0x299: {  	v29 =	vld [tilespmem:s0+$0x11420]  }
0x29a: {  	v49 =	vld [tilespmem:s0+$0x22D0];
	v18 =	vadd.f32 $-5.000000000e-01, v19;
	v3 =	vmul.f32 v15, v3  }
0x29b: {  	v21 =	vld [tilespmem:$0x1FE10];
	v2 =	vnsel vm1, $0x0, v2;
	vm1 =	vlt.f32 v19, $1.000000000e+00  }
0x29c: {  	v1 =	vadd.f32 v2, v1;
	v2 =	vsel vm1, v3, v18;
	v3 =	vld [tilespmem:$0x1FF70]  }
0x29d: {  	v18 =	vld [tilespmem:$0x1FE20]  }
0x29e: {  	v9 =	vld [tilespmem:s0+$0xACB0]  }
0x29f: {  	v26 =	vld [tilespmem:s0+$0xF1B0]  }
0x2a0: {  	v36 =	vld [tilespmem:s0+$0xCF30]  }
0x2a1: {  	[tilespmem:$0x1FF60] =	vst v7;
	v7 =	vld [tilespmem:s0+$0x8A30]  }
0x2a2: {  	v53 =	vld [tilespmem:s0+$0xACD0];
	v19 =	vadd.f32 $-5.000000000e-01, v21;
	v3 =	vmul.f32 v18, v3  }
0x2a3: {  	v25 =	vld [tilespmem:$0x1FE30];
	vm1 =	vlt.f32 v21, $1.000000000e+00;
	v2 =	vnsel vm0, $0x0, v2  }
0x2a4: {  	v1 =	vadd.f32 v2, v1;
	v2 =	vsel vm1, v3, v19;
	v3 =	vld [tilespmem:$0x1FE40]  }
0x2a5: {  	v19 =	vld [tilespmem:$0x1FE50]  }
0x2a6: {  	v43 =	vld [tilespmem:s0+$0x50]  }
0x2a7: {  	v23 =	vld [tilespmem:s0+$0x8A50]  }
0x2a8: {  	v30 =	vld [tilespmem:s0+$0x22C0]  }
0x2a9: {  	v6 =	vld [tilespmem:s0+$0xACC0]  }
0x2aa: {  	v57 =	vld [tilespmem:s0+$0x11440];
	v21 =	vadd.f32 $-5.000000000e-01, v25;
	v3 =	vmul.f32 v19, v3  }
0x2ab: {  	vm1 =	vlt.f32 v25, $1.000000000e+00;
	v25 =	vld [tilespmem:$0x1FE60];
	v2 =	vnsel vm0, $0x0, v2  }
0x2ac: {  	v1 =	vadd.f32 v2, v1;
	v2 =	vsel vm1, v3, v21;
	v3 =	vld [tilespmem:$0x1FE70]  }
0x2ad: {  	v21 =	vld [tilespmem:$0x1FE80]  }
0x2ae: {  	v37 =	vld [tilespmem:s0+$0x67C0]  }
0x2af: {  	v33 =	vld [tilespmem:s0+$0xF1C0]  }
0x2b0: {  	v51 =	vld [tilespmem:s0+$0x4540]  }
0x2b1: {  	v19 =	vadd.f32 $-5.000000000e-01, v25;
	vm1 =	vlt.f32 v25, $1.000000000e+00;
	v25 =	vld [tilespmem:$0x1FEA0]  }
0x2b2: {  	v3 =	vmul.f32 v21, v3;
	v21 =	vld [tilespmem:$0x1FE90]  }
0x2b3: {  	v42 =	vsub.f32 v43, v23;
	v23 =	vld [tilespmem:s0+$0xCF00]  }
0x2b4: {  	v48 =	vld [tilespmem:s0+$0x2280]  }
0x2b5: {  	v46 =	vld [tilespmem:s0+$0x40];
	v2 =	vnsel vm0, $0x0, v2  }
0x2b6: {  	v1 =	vadd.f32 v2, v1;
	v2 =	vsel vm1, v3, v19;
	v19 =	vld [tilespmem:$0x1FEB0]  }
0x2b7: {  	v61 =	vsub.f32 v21, v25;
	v21 =	vld [tilespmem:$0x1FEC0]  }
0x2b8: {  	v0 =	vld [tilespmem:s0+$0x22B0]  }
0x2b9: {  	v45 =	vsub.f32 v52, v20;
	v20 =	vld [tilespmem:s0+$0x4500]  }
0x2ba: {  	v40 =	vld [tilespmem:s0+$0xAC90]  }
0x2bb: {  	v47 =	vld [tilespmem:s0+$0x8A10]  }
0x2bc: {  	v54 =	vsub.f32 v19, v21;
	v19 =	vld [tilespmem:$0x1FED0]  }
0x2bd: {  	v43 =	vsub.f32 v0, v9;
	v21 =	vld [tilespmem:$0x1FEE0]  }
0x2be: {  	v0 =	vld [tilespmem:$0x1FF60];
	v39 =	vsub.f32 v51, v11;
	v51 =	vsub.f32 v37, v33  }
0x2bf: {  	v33 =	vsub.f32 v46, v44;
	v44 =	vsub.f32 v30, v6;
	v6 =	vld [tilespmem:$0x1FF40]  }
0x2c0: {  	v11 =	vld [tilespmem:$0x1FF50]  }
0x2c1: {  	v4 =	vld [tilespmem:s0+$0xF1A0]  }
0x2c2: {  	v62 =	vsub.f32 v19, v21;
	v19 =	vld [tilespmem:$0x1FEF0]  }
0x2c3: {  	vm6 =	vgt.s32 v24, $0x0;
	v53 =	vsub.f32 v49, v53;
	vm5 =	vgt.s32 v29, $0x0;
	v5 =	vld [tilespmem:s0+$0xCF20]  }
0x2c4: {  	v27 =	vsub.f32 v58, v56;
	v20 =	vsub.f32 v20, v23;
	vm4 =	vgt.s32 v14, $0x0;
	v12 =	vld [tilespmem:s0+$0xACA0]  }
0x2c5: {  	v14 =	vsub.f32 v35, v40;
	v40 =	vand.u32 $0x7FFFFFFF, v42;
	v50 =	vsub.f32 v17, v63;
	v15 =	vld [tilespmem:s0+$0x8A20]  }
0x2c6: {  	[tilespmem:$0x1FFE0] =	vst v42;
	v42 =	vmul.f32 $5.000000000e-01, v42;
	v30 =	vsub.f32 v38, v36;
	v3 =	vld [tilespmem:s0+$0x10];
	v2 =	vnsel vm0, $0x0, v2  }
0x2c7: {  	v35 =	vmul.f32 $5.000000000e-01, v50;
	v55 =	vsub.f32 v19, v8;
	v8 =	vadd.f32 v2, v1;
	v2 =	vld [tilespmem:$0x1FF00]  }
0x2c8: {  	vm3 =	vgt.s32 v57, $0x0;
	v37 =	vsub.f32 v41, v26;
	v36 =	vsub.f32 v32, v7;
	v19 =	vld [tilespmem:$0x1FF10]  }
0x2c9: {  	v41 =	vmul.f32 $5.000000000e-01, v53;
	v38 =	vmul.f32 $5.000000000e-01, v45;
	vm0 =	vgt.s32 v6, $0x0;
	v6 =	vld [tilespmem:s0+$0xAC80]  }
0x2ca: {  	v34 =	vld [tilespmem:s0+$0xCF10];
	v46 =	vand.u32 $0x7FFFFFFF, v39;
	v32 =	vmul.f32 $5.000000000e-01, v39;
	v57 =	vmul.f32 $5.000000000e-01, v37  }
0x2cb: {  	v49 =	vsub.f32 v10, v4;
	v52 =	vsub.f32 v13, v5;
	vm2 =	vgt.s32 v0, $0x0;
	v18 =	vld [tilespmem:s0+$0x6790]  }
0x2cc: {  	v56 =	vsub.f32 v16, v12;
	v16 =	vmul.f32 $5.000000000e-01, v27;
	v58 =	vsub.f32 v22, v15  }
0x2cd: {  	vm1 =	vgt.s32 v11, $0x0;
	v11 =	vsub.f32 v3, v47;
	v25 =	vsub.f32 v2, v19;
	v2 =	vld [tilespmem:$0x1FF20]  }
0x2ce: {  	v9 =	vmul.f32 $5.000000000e-01, v61;
	v47 =	vand.u32 $0x7FFFFFFF, v27;
	v63 =	vsub.f32 v48, v6;
	v19 =	vld [tilespmem:$0x1FF30]  }
0x2cf: {  	v26 =	vld [tilespmem:s0+$0x0];
	v6 =	vand.u32 $0x7FFFFFFF, v61;
	v48 =	vand.u32 $0x7FFFFFFF, v44;
	v21 =	vsub.f32 v60, v59  }
0x2d0: {  	[tilespmem:$0x1FFD0] =	vst v45;
	v15 =	vand.u32 $0x7FFFFFFF, v54;
	v60 =	vsub.f32 v31, v34;
	v59 =	vsub.f32 v18, v28;
	v1 =	vld [tilespmem:s0+$0x11400]  }
0x2d1: {  	[tilespmem:$0x1FFF0] =	vst v51;
	v0 =	vld [tilespmem:s0+$0x8A00];
	v18 =	vmul.f32 $5.000000000e-01, v54;
	v34 =	vand.u32 $0x7FFFFFFF, v45;
	v45 =	vand.u32 $0x7FFFFFFF, v51  }
0x2d2: {  	v17 =	vld [tilespmem:s0+$0xF180];
	[tilespmem:$0x1FF70] =	vst v54;
	v31 =	vmul.f32 $5.000000000e-01, v51;
	v51 =	vand.u32 $0x7FFFFFFF, v33;
	v54 =	vmul.f32 $5.000000000e-01, v33  }
0x2d3: {  	p1 =	seq.s32 s31, $0x8800;
	v10 =	vand.u32 $0x7FFFFFFF, v62;
	v12 =	vmul.f32 $5.000000000e-01, v62;
	v19 =	vsub.f32 v2, v19;
	v2 =	vld [tilespmem:s0+$0x6780]  }
.Ltmp5:
0x2d4: {  	[tilespmem:$0x1FFC0] =	vst v27;
	v29 =	vand.u32 $0x7FFFFFFF, v21;
	v13 =	vmul.f32 $5.000000000e-01, v21;
	v22 =	vand.u32 $0x7FFFFFFF, v55;
	(pc) =	sbr.rel @!p1 .LBB2_3-.Ltmp5, $4  }
0x2d5: {  	[tilespmem:$0x1FF90] =	vst v55;
	v7 =	vmul.f32 $5.000000000e-01, v55;
	v55 =	vand.u32 $0x7FFFFFFF, v37;
	vm7 =	vgt.s32 v1, $0x0  }
0x2d6: {  	[tilespmem:$0x1FFB0] =	vst v50;
	v1 =	vsub.f32 v26, v0;
	v26 =	vand.u32 $0x7FFFFFFF, v25;
	v28 =	vmul.f32 $5.000000000e-01, v25  }
0x2d7: {  	[tilespmem:$0x1FFA0] =	vst v25;
	v25 =	vmul.f32 $5.000000000e-01, v44;
	v23 =	vand.u32 $0x7FFFFFFF, v19;
	v24 =	vmul.f32 $5.000000000e-01, v19  }
0x2d8: {  	s31 =	sadd.s32 $0x200, s31;
	v27 =	vmovc v39;
	[tilespmem:$0x1FF80] =	vst v19;
	v19 =	vand.u32 $0x7FFFFFFF, v50;
	v50 =	vand.u32 $0x7FFFFFFF, v53;
	v17 =	vsub.f32 v2, v17  }
0x2d9: {  	v0 =	vmul.f32 $5.000000000e-01, v1  }
0x2da: {  	v2 =	vand.u32 $0x7FFFFFFF, v1  }
0x2db: {  	v3 =	vmul.f32 $5.000000000e-01, v63;
	v0 =	vmul.f32 v0, v1;
	v1 =	vadd.f32 $-5.000000000e-01, v2  }
0x2dc: {  	vm8 =	vlt.f32 v2, $1.000000000e+00;
	v5 =	vand.u32 $0x7FFFFFFF, v17;
	v2 =	vand.u32 $0x7FFFFFFF, v63  }
0x2dd: {  	vm14 =	vlt.f32 v2, $1.000000000e+00;
	v0 =	vsel vm8, v0, v1;
	v1 =	vmul.f32 v3, v63  }
0x2de: {  	v3 =	vadd.f32 $-5.000000000e-01, v2;
	v2 =	vmul.f32 $5.000000000e-01, v20;
	v0 =	vnsel vm7, $0x0, v0  }
0x2df: {  	v4 =	vmul.f32 $5.000000000e-01, v17;
	vm12 =	vlt.f32 v5, $1.000000000e+00;
	v0 =	vadd.f32 v0, v8  }
0x2e0: {  	v1 =	vsel vm14, v1, v3;
	v3 =	vand.u32 $0x7FFFFFFF, v20;
	v2 =	vmul.f32 v2, v20  }
0x2e1: {  	vm15 =	vlt.f32 v3, $1.000000000e+00;
	v3 =	vadd.f32 $-5.000000000e-01, v3;
	v1 =	vnsel vm7, $0x0, v1  }
0x2e2: {  	v8 =	vadd.f32 $-5.000000000e-01, v5;
	v0 =	vadd.f32 v1, v0;
	v1 =	vmul.f32 v4, v17  }
0x2e3: {  	v63 =	vmul.f32 $5.000000000e-01, v59;
	v2 =	vsel vm15, v2, v3;
	v3 =	vmul.f32 $5.000000000e-01, v11  }
0x2e4: {  	v17 =	vmul.f32 $5.000000000e-01, v14;
	v1 =	vsel vm12, v1, v8;
	v2 =	vnsel vm7, $0x0, v2  }
0x2e5: {  	v0 =	vadd.f32 v2, v0;
	v2 =	vmul.f32 v3, v11;
	v3 =	vand.u32 $0x7FFFFFFF, v11  }
0x2e6: {  	v8 =	vand.u32 $0x7FFFFFFF, v59;
	v1 =	vnsel vm7, $0x0, v1;
	v20 =	vadd.f32 $-5.000000000e-01, v3  }
0x2e7: {  	vm13 =	vlt.f32 v3, $1.000000000e+00;
	v0 =	vadd.f32 v1, v0;
	v1 =	vand.u32 $0x7FFFFFFF, v14  }
0x2e8: {  	v3 =	vmul.f32 v17, v14;
	v2 =	vsel vm13, v2, v20;
	v39 =	vadd.f32 $-5.000000000e-01, v1  }
0x2e9: {  	vm14 =	vlt.f32 v1, $1.000000000e+00;
	v1 =	vnsel vm6, $0x0, v2;
	v2 =	vmul.f32 $5.000000000e-01, v60  }
0x2ea: {  	v0 =	vadd.f32 v1, v0;
	v1 =	vsel vm14, v3, v39;
	v3 =	vand.u32 $0x7FFFFFFF, v60  }
0x2eb: {  	v2 =	vmul.f32 v2, v60;
	vm15 =	vlt.f32 v3, $1.000000000e+00;
	v3 =	vadd.f32 $-5.000000000e-01, v3  }
0x2ec: {  	v11 =	vadd.f32 $-5.000000000e-01, v8;
	vm9 =	vlt.f32 v8, $1.000000000e+00;
	v1 =	vnsel vm6, $0x0, v1  }
0x2ed: {  	v0 =	vadd.f32 v1, v0;
	v1 =	vmul.f32 v63, v59;
	v2 =	vsel vm15, v2, v3  }
0x2ee: {  	v14 =	vmul.f32 $5.000000000e-01, v56;
	v3 =	vmul.f32 $5.000000000e-01, v58;
	v2 =	vnsel vm6, $0x0, v2  }
0x2ef: {  	v1 =	vsel vm9, v1, v11;
	v0 =	vadd.f32 v2, v0;
	v2 =	vand.u32 $0x7FFFFFFF, v58  }
0x2f0: {  	v3 =	vmul.f32 v3, v58;
	v1 =	vnsel vm6, $0x0, v1;
	v17 =	vadd.f32 $-5.000000000e-01, v2  }
0x2f1: {  	vm10 =	vlt.f32 v2, $1.000000000e+00;
	v0 =	vadd.f32 v1, v0;
	v1 =	vand.u32 $0x7FFFFFFF, v56  }
0x2f2: {  	v2 =	vsel vm10, v3, v17;
	v3 =	vmul.f32 v14, v56;
	v20 =	vadd.f32 $-5.000000000e-01, v1  }
0x2f3: {  	vm11 =	vlt.f32 v1, $1.000000000e+00;
	v1 =	vmul.f32 $5.000000000e-01, v52;
	v2 =	vnsel vm5, $0x0, v2  }
0x2f4: {  	v39 =	vand.u32 $0x7FFFFFFF, v49;
	v0 =	vadd.f32 v2, v0  }
0x2f5: {  	v2 =	vand.u32 $0x7FFFFFFF, v52;
	v3 =	vsel vm11, v3, v20;
	v1 =	vmul.f32 v1, v52  }
0x2f6: {  	v52 =	vmul.f32 $5.000000000e-01, v49;
	vm12 =	vlt.f32 v2, $1.000000000e+00;
	v2 =	vadd.f32 $-5.000000000e-01, v2  }
0x2f7: {  	vm13 =	vlt.f32 v39, $1.000000000e+00;
	v56 =	vadd.f32 $-5.000000000e-01, v39;
	v3 =	vnsel vm5, $0x0, v3  }
0x2f8: {  	v0 =	vadd.f32 v3, v0;
	v3 =	vmul.f32 v52, v49;
	v1 =	vsel vm12, v1, v2  }
0x2f9: {  	v58 =	vmul.f32 $5.000000000e-01, v43;
	v2 =	vmul.f32 $5.000000000e-01, v36;
	v1 =	vnsel vm5, $0x0, v1  }
0x2fa: {  	v3 =	vsel vm13, v3, v56;
	v0 =	vadd.f32 v1, v0;
	v1 =	vand.u32 $0x7FFFFFFF, v36  }
0x2fb: {  	v2 =	vmul.f32 v2, v36;
	v3 =	vnsel vm5, $0x0, v3;
	v59 =	vadd.f32 $-5.000000000e-01, v1  }
0x2fc: {  	vm14 =	vlt.f32 v1, $1.000000000e+00;
	v1 =	vand.u32 $0x7FFFFFFF, v43;
	v0 =	vadd.f32 v3, v0  }
0x2fd: {  	v3 =	vmul.f32 v58, v43;
	v60 =	vadd.f32 $-5.000000000e-01, v1;
	v2 =	vsel vm14, v2, v59  }
0x2fe: {  	vm15 =	vlt.f32 v1, $1.000000000e+00;
	v1 =	vmul.f32 $5.000000000e-01, v30;
	v2 =	vnsel vm4, $0x0, v2  }
0x2ff: {  	v0 =	vadd.f32 v2, v0;
	v2 =	vand.u32 $0x7FFFFFFF, v30  }
0x300: {  	v3 =	vsel vm15, v3, v60;
	v1 =	vmul.f32 v1, v30;
	v63 =	vadd.f32 $-5.000000000e-01, v2  }
0x301: {  	v3 =	vnsel vm4, $0x0, v3;
	vm8 =	vlt.f32 v2, $1.000000000e+00  }
0x302: {  	v0 =	vadd.f32 v3, v0;
	v1 =	vsel vm8, v1, v63  }
0x303: {  	v2 =	vmul.f32 v57, v37;
	v3 =	vadd.f32 $-5.000000000e-01, v55;
	v1 =	vnsel vm4, $0x0, v1  }
0x304: {  	vm9 =	vlt.f32 v55, $1.000000000e+00;
	v0 =	vadd.f32 v1, v0  }
0x305: {  	v1 =	vsel vm9, v2, v3;
	v2 =	vmul.f32 v54, v33;
	v3 =	vadd.f32 $-5.000000000e-01, v51  }
0x306: {  	vm10 =	vlt.f32 v51, $1.000000000e+00;
	v1 =	vnsel vm4, $0x0, v1  }
0x307: {  	v0 =	vadd.f32 v1, v0;
	v1 =	vsel vm10, v2, v3  }
0x308: {  	v2 =	vmul.f32 v25, v44;
	v3 =	vadd.f32 $-5.000000000e-01, v48;
	v1 =	vnsel vm3, $0x0, v1  }
0x309: {  	vm11 =	vlt.f32 v48, $1.000000000e+00;
	v0 =	vadd.f32 v1, v0  }
0x30a: {  	v1 =	vsel vm11, v2, v3;
	v2 =	vmul.f32 v32, v27;
	v3 =	vadd.f32 $-5.000000000e-01, v46  }
0x30b: {  	vm12 =	vlt.f32 v46, $1.000000000e+00;
	v1 =	vnsel vm3, $0x0, v1  }
0x30c: {  	v0 =	vadd.f32 v1, v0;
	v1 =	vsel vm12, v2, v3;
	v2 =	vld [tilespmem:$0x1FFF0];
	_ =	sdelay $0x4  }
0x30d: {  	v3 =	vadd.f32 $-5.000000000e-01, v45;
	v2 =	vmul.f32 v31, v2  }
0x30e: {  	vm13 =	vlt.f32 v45, $1.000000000e+00;
	v1 =	vnsel vm3, $0x0, v1  }
0x30f: {  	v0 =	vadd.f32 v1, v0;
	v1 =	vsel vm13, v2, v3;
	v2 =	vld [tilespmem:$0x1FFE0];
	_ =	sdelay $0x4  }
0x310: {  	v3 =	vadd.f32 $-5.000000000e-01, v40;
	v1 =	vnsel vm3, $0x0, v1;
	v2 =	vmul.f32 v42, v2  }
0x311: {  	vm14 =	vlt.f32 v40, $1.000000000e+00;
	v0 =	vadd.f32 v1, v0  }
0x312: {  	v1 =	vsel vm14, v2, v3;
	v2 =	vmul.f32 v41, v53;
	v3 =	vadd.f32 $-5.000000000e-01, v50  }
0x313: {  	vm15 =	vlt.f32 v50, $1.000000000e+00;
	v1 =	vnsel vm2, $0x0, v1  }
0x314: {  	v0 =	vadd.f32 v1, v0;
	v1 =	vsel vm15, v2, v3;
	v2 =	vld [tilespmem:$0x1FFD0];
	_ =	sdelay $0x4  }
0x315: {  	v3 =	vadd.f32 $-5.000000000e-01, v34;
	v2 =	vmul.f32 v38, v2  }
0x316: {  	vm6 =	vlt.f32 v34, $1.000000000e+00;
	v1 =	vnsel vm2, $0x0, v1  }
0x317: {  	v0 =	vadd.f32 v1, v0;
	v1 =	vsel vm6, v2, v3;
	v2 =	vld [tilespmem:$0x1FFC0];
	_ =	sdelay $0x4  }
0x318: {  	v3 =	vadd.f32 $-5.000000000e-01, v47;
	v2 =	vmul.f32 v16, v2  }
0x319: {  	vm7 =	vlt.f32 v47, $1.000000000e+00;
	v1 =	vnsel vm2, $0x0, v1  }
0x31a: {  	v0 =	vadd.f32 v1, v0;
	v1 =	vsel vm7, v2, v3;
	v2 =	vld [tilespmem:$0x1FFB0];
	_ =	sdelay $0x4  }
0x31b: {  	v3 =	vadd.f32 $-5.000000000e-01, v19;
	v1 =	vnsel vm2, $0x0, v1;
	v2 =	vmul.f32 v35, v2  }
0x31c: {  	vm8 =	vlt.f32 v19, $1.000000000e+00;
	v0 =	vadd.f32 v1, v0  }
0x31d: {  	v1 =	vsel vm8, v2, v3;
	v2 =	vmul.f32 v13, v21;
	v3 =	vadd.f32 $-5.000000000e-01, v29  }
0x31e: {  	vm9 =	vlt.f32 v29, $1.000000000e+00;
	v1 =	vnsel vm1, $0x0, v1  }
0x31f: {  	v0 =	vadd.f32 v1, v0;
	v1 =	vsel vm9, v2, v3;
	v2 =	vld [tilespmem:$0x1FFA0];
	_ =	sdelay $0x4  }
0x320: {  	v3 =	vadd.f32 $-5.000000000e-01, v26;
	v2 =	vmul.f32 v28, v2  }
0x321: {  	vm10 =	vlt.f32 v26, $1.000000000e+00;
	v1 =	vnsel vm1, $0x0, v1  }
0x322: {  	v0 =	vadd.f32 v1, v0;
	v1 =	vsel vm10, v2, v3;
	v2 =	vld [tilespmem:$0x1FF80];
	_ =	sdelay $0x4  }
0x323: {  	v3 =	vadd.f32 $-5.000000000e-01, v23;
	v2 =	vmul.f32 v24, v2  }
0x324: {  	vm11 =	vlt.f32 v23, $1.000000000e+00;
	v1 =	vnsel vm1, $0x0, v1  }
0x325: {  	v0 =	vadd.f32 v1, v0;
	v1 =	vsel vm11, v2, v3;
	v2 =	vld [tilespmem:$0x1FF90];
	_ =	sdelay $0x4  }
0x326: {  	v3 =	vadd.f32 $-5.000000000e-01, v22;
	v2 =	vmul.f32 v7, v2  }
0x327: {  	vm12 =	vlt.f32 v22, $1.000000000e+00;
	v1 =	vnsel vm1, $0x0, v1  }
0x328: {  	v0 =	vadd.f32 v1, v0;
	v1 =	vsel vm12, v2, v3;
	v2 =	vld [tilespmem:$0x1FF70];
	_ =	sdelay $0x4  }
0x329: {  	v3 =	vadd.f32 $-5.000000000e-01, v15;
	v2 =	vmul.f32 v18, v2  }
0x32a: {  	vm13 =	vlt.f32 v15, $1.000000000e+00;
	v1 =	vnsel vm0, $0x0, v1  }
0x32b: {  	v0 =	vadd.f32 v1, v0;
	v1 =	vsel vm13, v2, v3  }
0x32c: {  	v2 =	vmul.f32 v12, v62;
	v3 =	vadd.f32 $-5.000000000e-01, v10;
	v1 =	vnsel vm0, $0x0, v1  }
0x32d: {  	vm14 =	vlt.f32 v10, $1.000000000e+00;
	v0 =	vadd.f32 v1, v0  }
.Ltmp6:
0x32e: {  	v1 =	vsel vm14, v2, v3;
	v2 =	vmul.f32 v9, v61;
	v3 =	vadd.f32 $-5.000000000e-01, v6;
	(pc) =	sbr.rel .LBB2_8-.Ltmp6, $4  }
0x32f: {  	vm15 =	vlt.f32 v6, $1.000000000e+00;
	v1 =	vnsel vm0, $0x0, v1  }
0x330: {  	v0 =	vadd.f32 v1, v0;
	v1 =	vsel vm15, v2, v3  }
0x331: {  	v1 =	vnsel vm0, $0x0, v1  }
0x332: {  	v0 =	vadd.f32 v1, v0  }
.LBB2_9:
0x333: {  	_ =	sfence.sel $0x180000  }
0x334: {  	[bflag:$0x0] =	sbarrier.arrive $0xFFFF  }
0x335: {  	_ =	strace $0x90000047  }
0x336: {  	s0 =	stileid.u32;
	[bflag:$0x2] =	sbarrier.arrive $0xFFFF  }
0x337: {  	p0 =	sne.s32 s0, $0x0;
	s0 =	rddreg [dreg:$0x4]  }
0x338: {  	s0 =	sadd.s32 @!p0 $0x100000, s0  }
0x339: {  	[sflag:s0] =	ssyncadd.tile.s32 @!p0 $0x1;
	_ =	shalt  }
.Lfunc_end2:
_tile_overlayer_lowered:
.L_overlay_start_2:
0x33a: {  	(tag) =	ssettag $0x2  }
0x33b: {  	s0 =	rddreg [dreg:$0x0];
	s2 =	stileid.u32  }
0x33c: {  	s1 =	rddreg [dreg:$0x1];
	p0 =	sne.s32 s2, $0x0  }
0x33d: {  	s3 =	rddreg [dreg:$0x2];
	[bflag:$0x3] =	sbarrier.arrive $0xFFFF;
	s2 =	simm.s32 @!p0 $0x1C02  }
0x33e: {  	[timem:s3], [sflag:s2] =	dma.local @!p0 [hbm:s0], s1  }
0x33f: {  	s0 =	simm.s32 @!p0 $0x2  }
0x340: {  	_ =	swait.ge @!p0 [sflag:s0], s1  }
0x341: {  	s1 =	ssub.s32 @!p0 $0x0, s1;
	[sflag:s0] =	ssyncset.done @!p0 $0x0  }
0x342: {  	[sflag:s0] =	ssyncadd.s32 @!p0 s1  }
0x343: {  	[bflag:$0x3] =	sbarrier.arrive $0xFFFF  }
0x344: {  	_ =	shalt  }

</sc_bundles>
